<compile_context>
chip_gen: v7x
topology: tpu7x:2x2x1
jax: 0.10.2.dev20260603
libtpu: 0.0.44.dev20260713+nightly
codegen_flags: <defaults>
</compile_context>

<pallas_src>
import functools

import jax
import jax.numpy as jnp
from jax import lax
from jax.experimental import pallas as pl
from jax.experimental.pallas import tpu as pltpu
from jax.experimental.pallas import tpu_sc as plsc

_N = 10000
_R = 1000
_NBLK = _N // _R
_PALLAS_FROM = 2

_NP = 10240
_E = 160000
_F = 128
_NSC = 2
_NTILES = 16
_C = 4
_CPS = _C // _NSC
_ROWS_PER_TILE = _NP // _NTILES
_K = 125
_EBATCH = _E // _K
_BPT = _EBATCH // _NTILES


def _sc_agg_body(hc_hbm, src_hbm, dst_hbm, u_hbm, acc,
                 dsts, srcv0, rows0, sem0, srcv1, rows1, sem1):
    c = lax.axis_index("c")
    s = lax.axis_index("s")
    row0 = s * _ROWS_PER_TILE
    bufs = ((srcv0, rows0, sem0), (srcv1, rows1, sem1))

    pltpu.sync_copy(dst_hbm.at[pl.ds(s * _BPT, _BPT)], dsts)

    for cc in range(_CPS):
        chunk = c * _CPS + cc
        pltpu.sync_copy(hc_hbm.at[chunk, pl.ds(row0, _ROWS_PER_TILE)],
                        acc.at[pl.ds(row0, _ROWS_PER_TILE)])
        plsc.subcore_barrier()

        def fire(k, buf):
            srcv, rows, sem = buf
            pltpu.sync_copy(src_hbm.at[s * _BPT + k], srcv)
            pltpu.async_copy(hc_hbm.at[chunk].at[srcv],
                             rows.at[pl.ds(0, _K)], sem)

        fire(0, bufs[0])
        fire(1, bufs[1])

        def pair(p, _):
            for b in range(2):
                srcv, rows, sem = bufs[b]
                k = 2 * p + b
                pltpu.make_async_copy(
                    hc_hbm.at[chunk].at[srcv],
                    rows.at[pl.ds(0, _K)], sem).wait()
                pltpu.sync_copy(rows.at[pl.ds(0, _K)],
                                acc.at[dsts.at[k]], add=True)

                @pl.when(k + 2 < _BPT)
                def _():
                    fire(k + 2, bufs[b])
            return ()

        lax.fori_loop(0, _BPT // 2, pair, ())

        plsc.subcore_barrier()
        pltpu.sync_copy(acc.at[pl.ds(row0, _ROWS_PER_TILE)],
                        u_hbm.at[chunk, pl.ds(row0, _ROWS_PER_TILE)])
        if cc + 1 < _CPS:
            plsc.subcore_barrier()


def _sc_aggregate(h_c, src, dst):
    mesh = plsc.VectorSubcoreMesh(core_axis_name="c", subcore_axis_name="s")
    return pl.kernel(
        _sc_agg_body,
        out_type=jax.ShapeDtypeStruct((_C, _NP, _F), jnp.float32),
        mesh=mesh,
        scratch_types=[
            pltpu.VMEM_SHARED((_NP, _F), jnp.float32),
            pltpu.VMEM((_BPT, _K), jnp.int32),
            pltpu.VMEM((_K,), jnp.int32),
            pltpu.VMEM((128, _F), jnp.float32),
            pltpu.SemaphoreType.DMA,
            pltpu.VMEM((_K,), jnp.int32),
            pltpu.VMEM((128, _F), jnp.float32),
            pltpu.SemaphoreType.DMA,
        ],
    )(h_c.reshape(_C, _NP, _F), src.reshape(_EBATCH, _K),
      dst.reshape(_EBATCH, _K))


def _p1c_body(u_ref, w_ref, b_ref, t_ref):
    u = jnp.concatenate([u_ref[cc] for cc in range(_C)], axis=1)
    t = jnp.dot(u.astype(jnp.bfloat16), w_ref[...].astype(jnp.bfloat16),
                preferred_element_type=jnp.float32)
    t_ref[...] = t + b_ref[...]


def _p1c(u_c, w1, b1):
    din, dout = w1.shape
    return pl.pallas_call(
        _p1c_body,
        grid=(_NBLK,),
        in_specs=[
            pl.BlockSpec((_C, _R, _F), lambda i: (0, i, 0)),
            pl.BlockSpec((din, dout), lambda i: (0, 0)),
            pl.BlockSpec((1, dout), lambda i: (0, 0)),
        ],
        out_specs=pl.BlockSpec((_R, dout), lambda i: (i, 0)),
        out_shape=jax.ShapeDtypeStruct((_N, dout), jnp.float32),
    )(u_c, w1, b1.reshape(1, -1))


def _p2_body(t_ref, mu_ref, d_ref, g_ref, be_ref, w_ref, b_ref, o_ref):
    a = (t_ref[...] - mu_ref[...]) / d_ref[...] * g_ref[...] + be_ref[...]
    a = jnp.maximum(a, 0.0)
    t = jnp.dot(a.astype(jnp.bfloat16), w_ref[...].astype(jnp.bfloat16),
                preferred_element_type=jnp.float32)
    o_ref[...] = t + b_ref[...]


def _p2(t1, mu, d, g, be, w2, b2):
    din, dout = w2.shape
    row = lambda v: v.reshape(1, -1)
    return pl.pallas_call(
        _p2_body,
        grid=(_NBLK,),
        in_specs=[pl.BlockSpec((_R, din), lambda i: (i, 0))]
        + [pl.BlockSpec((1, din), lambda i: (0, 0))] * 4
        + [pl.BlockSpec((din, dout), lambda i: (0, 0)),
           pl.BlockSpec((1, dout), lambda i: (0, 0))],
        out_specs=pl.BlockSpec((_R, dout), lambda i: (i, 0)),
        out_shape=jax.ShapeDtypeStruct((_N, dout), jnp.float32),
    )(t1, row(mu), row(d), row(g), row(be), w2, row(b2))


def _p3_body(relu, t_ref, mu_ref, d_ref, g_ref, be_ref, o_ref):
    y = (t_ref[...] - mu_ref[...]) / d_ref[...] * g_ref[...] + be_ref[...]
    if relu:
        y = jnp.maximum(y, 0.0)
    o_ref[...] = y


def _p3(t2, mu, d, g, be, relu):
    din = t2.shape[1]
    row = lambda v: v.reshape(1, -1)
    return pl.pallas_call(
        functools.partial(_p3_body, relu),
        grid=(_NBLK,),
        in_specs=[pl.BlockSpec((_R, din), lambda i: (i, 0))]
        + [pl.BlockSpec((1, din), lambda i: (0, 0))] * 4,
        out_specs=pl.BlockSpec((_R, din), lambda i: (i, 0)),
        out_shape=jax.ShapeDtypeStruct((_N, din), jnp.float32),
    )(t2, row(mu), row(d), row(g), row(be))


def _p3c_body(t_ref, mu_ref, d_ref, g_ref, be_ref, o_ref):
    y = (t_ref[...] - mu_ref[...]) / d_ref[...] * g_ref[...] + be_ref[...]
    y = jnp.maximum(y, 0.0)
    for cc in range(_C):
        o_ref[cc] = y[:, cc * _F:(cc + 1) * _F]


def _p3c(t2, mu, d, g, be):
    din = t2.shape[1]
    row = lambda v: v.reshape(1, -1)
    return pl.pallas_call(
        _p3c_body,
        grid=(_NBLK,),
        in_specs=[pl.BlockSpec((_R, din), lambda i: (i, 0))]
        + [pl.BlockSpec((1, din), lambda i: (0, 0))] * 4,
        out_specs=pl.BlockSpec((_C, _R, _F), lambda i: (0, i, 0)),
        out_shape=jax.ShapeDtypeStruct((_C, _NP, _F), jnp.float32),
    )(t2, row(mu), row(d), row(g), row(be))


def _bn_ref(h, g, b):
    mu = jnp.mean(h, axis=0)
    var = jnp.var(h, axis=0)
    return (h - mu) / jnp.sqrt(var + 1e-5) * g + b


def kernel(x, edge_index, batch, params):
    del batch
    src = edge_index[0]
    dst = edge_index[1]
    n = len(params)

    h = x
    h_c = None
    for i, p in enumerate(params):
        w1, b1, g1, be1, w2, b2, g2, be2 = p
        if i < _PALLAS_FROM:
            agg = jax.ops.segment_sum(h[src], dst, num_segments=h.shape[0])
            t = (h + agg) @ w1 + b1
            t = _bn_ref(t, g1, be1)
            t = jax.nn.relu(t)
            t = t @ w2 + b2
            t = _bn_ref(t, g2, be2)
            if i != n - 1:
                t = jax.nn.relu(t)
            h = t
        else:
            if h_c is None:
                hp = jnp.pad(h, ((0, _NP - _N), (0, 0)))
                h_c = jnp.transpose(hp.reshape(_NP, _C, _F), (1, 0, 2))
            u_c = _sc_aggregate(h_c, src, dst)
            t1 = _p1c(u_c, w1, b1)
            mu1 = jnp.mean(t1, axis=0)
            d1 = jnp.sqrt(jnp.var(t1, axis=0) + 1e-5)
            t2 = _p2(t1, mu1, d1, g1, be1, w2, b2)
            mu2 = jnp.mean(t2, axis=0)
            d2 = jnp.sqrt(jnp.var(t2, axis=0) + 1e-5)
            if i != n - 1:
                h_c = _p3c(t2, mu2, d2, g2, be2)
            else:
                return _p3(t2, mu2, d2, g2, be2, relu=False)

# --- scband reference (transcript-rebuilt; emitter-appended) ---
"""Pipeline reference for scband-ginencoder-9251359555638 (READ-ONLY COPY).

The authoritative reference and input builder live on the scoring server;
editing this copy changes nothing except your own understanding.
"""

import jax, jax.numpy as jnp
import numpy as np

NUM_LAYER = 5
IN_DIM = 256
EMB = 512
N = 10000
E = 160000


def _init_params():
    ks = jax.random.split(jax.random.key(42), NUM_LAYER * 2)
    params = []
    for i in range(NUM_LAYER):
        ind = IN_DIM if i == 0 else EMB
        k1, k2 = ks[2 * i], ks[2 * i + 1]
        W1 = jax.random.normal(k1, (ind, 2 * EMB), dtype=jnp.float32) / np.sqrt(ind)
        b1 = jnp.zeros((2 * EMB,), jnp.float32)
        g_in = jnp.ones((2 * EMB,), jnp.float32)
        be_in = jnp.zeros((2 * EMB,), jnp.float32)
        W2 = jax.random.normal(k2, (2 * EMB, EMB), dtype=jnp.float32) / np.sqrt(2 * EMB)
        b2 = jnp.zeros((EMB,), jnp.float32)
        g_out = jnp.ones((EMB,), jnp.float32)
        be_out = jnp.zeros((EMB,), jnp.float32)
        params.append((W1, b1, g_in, be_in, W2, b2, g_out, be_out))
    return tuple(params)


def setup_inputs(seed: int = 0) -> dict:
    key = jax.random.key(seed)
    kx, ke, kb = jax.random.split(key, 3)
    x = jax.random.normal(kx, (N, IN_DIM), dtype=jnp.float32)
    edge_index = jax.random.randint(ke, (2, E), 0, N, dtype=jnp.int32)
    batch = jnp.sort(jax.random.randint(kb, (N,), 0, 64, dtype=jnp.int32))
    return {"x": x, "edge_index": edge_index, "batch": batch, "params": _init_params()}


def _bn(h, g, b):
    # BatchNorm1d training-mode math (batch statistics, biased variance)
    mu = jnp.mean(h, axis=0)
    var = jnp.var(h, axis=0)
    return (h - mu) / jnp.sqrt(var + 1e-5) * g + b


def reference(x, edge_index, batch, params):
    # GINEncoder forward. GINConv: out = MLP((1+eps)*x + sum_{j in N(i)} x_j), eps=0.
    # Dropout is identity (deterministic eval); batch tensor is unused by the math.
    src = edge_index[0]
    dst = edge_index[1]
    h = x
    for i, p in enumerate(params):
        W1, b1, g1, be1, W2, b2, g2, be2 = p
        agg = jax.ops.segment_sum(h[src], dst, num_segments=h.shape[0])
        t = h + agg
        t = t @ W1 + b1
        t = _bn(t, g1, be1)
        t = jax.nn.relu(t)
        t = t @ W2 + b2
        t = _bn(t, g2, be2)
        if i != NUM_LAYER - 1:
            t = jax.nn.relu(t)
        h = t
    return h

if __name__ == "__main__":
    import jax
    _d = setup_inputs()
    print(jax.jit(kernel)(*tuple(_d.values())))

</pallas_src>

<mosaic_0001>
#map = affine_map<(d0, d1) -> (0, 0, 0)>
#map1 = affine_map<(d0, d1) -> (0, 0)>
module attributes {stable_mosaic.version = 14 : i64} {
  func.func @_sc_agg_body(%arg0: i32, %arg1: i32, %arg2: memref<4x10240x128xf32, #tpu.memory_space<hbm>>, %arg3: memref<1280x125xi32, #tpu.memory_space<hbm>>, %arg4: memref<1280x125xi32, #tpu.memory_space<hbm>>, %arg5: memref<4x10240x128xf32, #tpu.memory_space<hbm>>, %arg6: memref<10240x128xf32, #tpu.memory_space<vmem_shared>>, %arg7: memref<80x125xi32, #tpu.memory_space<vmem>>, %arg8: memref<125xi32, #tpu.memory_space<vmem>>, %arg9: memref<128x128xf32, #tpu.memory_space<vmem>>, %arg10: memref<!tpu.dma_semaphore, #tpu.memory_space<semaphore_mem>>, %arg11: memref<125xi32, #tpu.memory_space<vmem>>, %arg12: memref<128x128xf32, #tpu.memory_space<vmem>>, %arg13: memref<!tpu.dma_semaphore, #tpu.memory_space<semaphore_mem>>) attributes {dimension_semantics = [#tpu.dimension_semantics<core_parallel>, #tpu.dimension_semantics<subcore_parallel>], iteration_bounds = array<i64: 2, 16>, scalar_prefetch = 0 : i64, scratch_operands = 8 : i64, tpu.core_type = #tpu.core_type<sc_vector_subcore>, window_params = [{transform_indices = #map}, {transform_indices = #map1}, {transform_indices = #map1}, {transform_indices = #map}]} {
    %mul3A = arith.constant 640 : i32
    %mul3A_0 = arith.muli %arg1, %mul3A : i32
    %mul3A_1 = arith.constant 80 : i32
    %mul3A_2 = arith.muli %arg1, %mul3A_1 : i32
    "tpu.region"() ({
      %run_scoped3A = tpu.sem_alloc : memref<!tpu.dma_semaphore, #tpu.memory_space<semaphore_mem>>
      %dma_start3A_78 = arith.constant 0 : i32
      %dma_start3A_79 = tpu.memref_slice %arg4[%mul3A_2, %dma_start3A_78] : memref<1280x125xi32, #tpu.memory_space<hbm>> -> memref<80x125xi32, #tpu.memory_space<hbm>>
      %dma_start3A_80 = arith.constant 0 : i32
      %dma_start3A_81 = tpu.memref_slice %arg4[%mul3A_2, %dma_start3A_80] : memref<1280x125xi32, #tpu.memory_space<hbm>> -> memref<80x125xi32, #tpu.memory_space<hbm>>
      tpu.enqueue_dma source(%dma_start3A_81 : memref<80x125xi32, #tpu.memory_space<hbm>>) target(%arg7 : memref<80x125xi32, #tpu.memory_space<vmem>>) target_semaphore(%run_scoped3A : memref<!tpu.dma_semaphore, #tpu.memory_space<semaphore_mem>>)
      %dma_wait3A = arith.constant 0 : i32
      %dma_wait3A_82 = tpu.memref_slice %arg4[%mul3A_2, %dma_wait3A] : memref<1280x125xi32, #tpu.memory_space<hbm>> -> memref<80x125xi32, #tpu.memory_space<hbm>>
      %dma_wait3A_83 = arith.constant 0 : i32
      %dma_wait3A_84 = tpu.memref_slice %arg4[%mul3A_2, %dma_wait3A_83] : memref<1280x125xi32, #tpu.memory_space<hbm>> -> memref<80x125xi32, #tpu.memory_space<hbm>>
      tpu.wait_dma2 semaphore(%run_scoped3A : memref<!tpu.dma_semaphore, #tpu.memory_space<semaphore_mem>>) src(%dma_wait3A_84 : memref<80x125xi32, #tpu.memory_space<hbm>>) dst(%arg7 : memref<80x125xi32, #tpu.memory_space<vmem>>)
      tpu.yield
    }) : () -> ()
    %mul3A_3 = arith.constant 2 : i32
    %mul3A_4 = arith.muli %arg0, %mul3A_3 : i32
    %add3A = arith.constant 0 : i32
    %add3A_5 = arith.addi %mul3A_4, %add3A : i32
    "tpu.region"() ({
      %run_scoped3A = tpu.sem_alloc : memref<!tpu.dma_semaphore, #tpu.memory_space<semaphore_mem>>
      %dma_start3A_78 = arith.constant 0 : i32
      %dma_start3A_79 = tpu.memref_slice %arg6[%mul3A_0, %dma_start3A_78] : memref<10240x128xf32, #tpu.memory_space<vmem_shared>> -> memref<640x128xf32, #tpu.memory_space<vmem_shared>>
      %dma_start3A_80 = arith.constant 0 : i32
      %dma_start3A_81 = tpu.memref_slice %arg2[%add3A_5, %mul3A_0, %dma_start3A_80] : memref<4x10240x128xf32, #tpu.memory_space<hbm>> -> memref<1x640x128xf32, #tpu.memory_space<hbm>>
      %dma_start3A_82 = tpu.memref_squeeze %dma_start3A_81 : memref<1x640x128xf32, #tpu.memory_space<hbm>> -> memref<640x128xf32, #tpu.memory_space<hbm>>
      tpu.enqueue_dma source(%dma_start3A_82 : memref<640x128xf32, #tpu.memory_space<hbm>>) target(%dma_start3A_79 : memref<640x128xf32, #tpu.memory_space<vmem_shared>>) target_semaphore(%run_scoped3A : memref<!tpu.dma_semaphore, #tpu.memory_space<semaphore_mem>>)
      %dma_wait3A = arith.constant 0 : i32
      %dma_wait3A_83 = tpu.memref_slice %arg6[%mul3A_0, %dma_wait3A] : memref<10240x128xf32, #tpu.memory_space<vmem_shared>> -> memref<640x128xf32, #tpu.memory_space<vmem_shared>>
      %dma_wait3A_84 = arith.constant 0 : i32
      %dma_wait3A_85 = tpu.memref_slice %arg2[%add3A_5, %mul3A_0, %dma_wait3A_84] : memref<4x10240x128xf32, #tpu.memory_space<hbm>> -> memref<1x640x128xf32, #tpu.memory_space<hbm>>
      %dma_wait3A_86 = tpu.memref_squeeze %dma_wait3A_85 : memref<1x640x128xf32, #tpu.memory_space<hbm>> -> memref<640x128xf32, #tpu.memory_space<hbm>>
      tpu.wait_dma2 semaphore(%run_scoped3A : memref<!tpu.dma_semaphore, #tpu.memory_space<semaphore_mem>>) src(%dma_wait3A_86 : memref<640x128xf32, #tpu.memory_space<hbm>>) dst(%dma_wait3A_83 : memref<640x128xf32, #tpu.memory_space<vmem_shared>>)
      tpu.yield
    }) : () -> ()
    %barrier3A = arith.constant 0 : index
    tpu.barrier barrier_id(%barrier3A)
    %mul3A_6 = arith.constant 80 : i32
    %mul3A_7 = arith.muli %arg1, %mul3A_6 : i32
    %add3A_8 = arith.constant 0 : i32
    %add3A_9 = arith.addi %mul3A_7, %add3A_8 : i32
    "tpu.region"() ({
      %run_scoped3A = tpu.sem_alloc : memref<!tpu.dma_semaphore, #tpu.memory_space<semaphore_mem>>
      %dma_start3A_78 = arith.constant 0 : i32
      %dma_start3A_79 = tpu.memref_slice %arg3[%add3A_9, %dma_start3A_78] : memref<1280x125xi32, #tpu.memory_space<hbm>> -> memref<1x125xi32, #tpu.memory_space<hbm>>
      %dma_start3A_80 = tpu.memref_squeeze %dma_start3A_79 : memref<1x125xi32, #tpu.memory_space<hbm>> -> memref<125xi32, #tpu.memory_space<hbm>>
      %dma_start3A_81 = arith.constant 0 : i32
      %dma_start3A_82 = tpu.memref_slice %arg3[%add3A_9, %dma_start3A_81] : memref<1280x125xi32, #tpu.memory_space<hbm>> -> memref<1x125xi32, #tpu.memory_space<hbm>>
      %dma_start3A_83 = tpu.memref_squeeze %dma_start3A_82 : memref<1x125xi32, #tpu.memory_space<hbm>> -> memref<125xi32, #tpu.memory_space<hbm>>
      tpu.enqueue_dma source(%dma_start3A_83 : memref<125xi32, #tpu.memory_space<hbm>>) target(%arg8 : memref<125xi32, #tpu.memory_space<vmem>>) target_semaphore(%run_scoped3A : memref<!tpu.dma_semaphore, #tpu.memory_space<semaphore_mem>>)
      %dma_wait3A = arith.constant 0 : i32
      %dma_wait3A_84 = tpu.memref_slice %arg3[%add3A_9, %dma_wait3A] : memref<1280x125xi32, #tpu.memory_space<hbm>> -> memref<1x125xi32, #tpu.memory_space<hbm>>
      %dma_wait3A_85 = tpu.memref_squeeze %dma_wait3A_84 : memref<1x125xi32, #tpu.memory_space<hbm>> -> memref<125xi32, #tpu.memory_space<hbm>>
      %dma_wait3A_86 = arith.constant 0 : i32
      %dma_wait3A_87 = tpu.memref_slice %arg3[%add3A_9, %dma_wait3A_86] : memref<1280x125xi32, #tpu.memory_space<hbm>> -> memref<1x125xi32, #tpu.memory_space<hbm>>
      %dma_wait3A_88 = tpu.memref_squeeze %dma_wait3A_87 : memref<1x125xi32, #tpu.memory_space<hbm>> -> memref<125xi32, #tpu.memory_space<hbm>>
      tpu.wait_dma2 semaphore(%run_scoped3A : memref<!tpu.dma_semaphore, #tpu.memory_space<semaphore_mem>>) src(%dma_wait3A_88 : memref<125xi32, #tpu.memory_space<hbm>>) dst(%arg8 : memref<125xi32, #tpu.memory_space<vmem>>)
      tpu.yield
    }) : () -> ()
    %dma_start3A = arith.constant 0 : i32
    %dma_start3A_10 = arith.constant 0 : i32
    %dma_start3A_11 = tpu.memref_slice %arg9[%dma_start3A, %dma_start3A_10] : memref<128x128xf32, #tpu.memory_space<vmem>> -> memref<125x128xf32, #tpu.memory_space<vmem>>
    %dma_start3A_12 = arith.constant 0 : i32
    %dma_start3A_13 = arith.constant 0 : i32
    %dma_start3A_14 = tpu.memref_slice %arg2[%add3A_5, %dma_start3A_12, %dma_start3A_13] : memref<4x10240x128xf32, #tpu.memory_space<hbm>> -> memref<1x10240x128xf32, #tpu.memory_space<hbm>>
    %dma_start3A_15 = tpu.memref_squeeze %dma_start3A_14 : memref<1x10240x128xf32, #tpu.memory_space<hbm>> -> memref<10240x128xf32, #tpu.memory_space<hbm>>
    %dma_start3A_16 = arith.constant 0 : i32
    %dma_start3A_17 = arith.constant 0 : i32
    %dma_start3A_18 = tpu.memref_slice %dma_start3A_15[%dma_start3A_16, %dma_start3A_17] : memref<10240x128xf32, #tpu.memory_space<hbm>> -> memref<10240x128xf32, #tpu.memory_space<hbm>>
    tpu.enqueue_indirect_dma source(%dma_start3A_18 : memref<10240x128xf32, #tpu.memory_space<hbm>>) target(%dma_start3A_11 : memref<125x128xf32, #tpu.memory_space<vmem>>) offsets(%arg8 : memref<125xi32, #tpu.memory_space<vmem>>) semaphore(%arg10 : memref<!tpu.dma_semaphore, #tpu.memory_space<semaphore_mem>>)
    %mul3A_19 = arith.constant 80 : i32
    %mul3A_20 = arith.muli %arg1, %mul3A_19 : i32
    %add3A_21 = arith.constant 1 : i32
    %add3A_22 = arith.addi %mul3A_20, %add3A_21 : i32
    "tpu.region"() ({
      %run_scoped3A = tpu.sem_alloc : memref<!tpu.dma_semaphore, #tpu.memory_space<semaphore_mem>>
      %dma_start3A_78 = arith.constant 0 : i32
      %dma_start3A_79 = tpu.memref_slice %arg3[%add3A_22, %dma_start3A_78] : memref<1280x125xi32, #tpu.memory_space<hbm>> -> memref<1x125xi32, #tpu.memory_space<hbm>>
      %dma_start3A_80 = tpu.memref_squeeze %dma_start3A_79 : memref<1x125xi32, #tpu.memory_space<hbm>> -> memref<125xi32, #tpu.memory_space<hbm>>
      %dma_start3A_81 = arith.constant 0 : i32
      %dma_start3A_82 = tpu.memref_slice %arg3[%add3A_22, %dma_start3A_81] : memref<1280x125xi32, #tpu.memory_space<hbm>> -> memref<1x125xi32, #tpu.memory_space<hbm>>
      %dma_start3A_83 = tpu.memref_squeeze %dma_start3A_82 : memref<1x125xi32, #tpu.memory_space<hbm>> -> memref<125xi32, #tpu.memory_space<hbm>>
      tpu.enqueue_dma source(%dma_start3A_83 : memref<125xi32, #tpu.memory_space<hbm>>) target(%arg11 : memref<125xi32, #tpu.memory_space<vmem>>) target_semaphore(%run_scoped3A : memref<!tpu.dma_semaphore, #tpu.memory_space<semaphore_mem>>)
      %dma_wait3A = arith.constant 0 : i32
      %dma_wait3A_84 = tpu.memref_slice %arg3[%add3A_22, %dma_wait3A] : memref<1280x125xi32, #tpu.memory_space<hbm>> -> memref<1x125xi32, #tpu.memory_space<hbm>>
      %dma_wait3A_85 = tpu.memref_squeeze %dma_wait3A_84 : memref<1x125xi32, #tpu.memory_space<hbm>> -> memref<125xi32, #tpu.memory_space<hbm>>
      %dma_wait3A_86 = arith.constant 0 : i32
      %dma_wait3A_87 = tpu.memref_slice %arg3[%add3A_22, %dma_wait3A_86] : memref<1280x125xi32, #tpu.memory_space<hbm>> -> memref<1x125xi32, #tpu.memory_space<hbm>>
      %dma_wait3A_88 = tpu.memref_squeeze %dma_wait3A_87 : memref<1x125xi32, #tpu.memory_space<hbm>> -> memref<125xi32, #tpu.memory_space<hbm>>
      tpu.wait_dma2 semaphore(%run_scoped3A : memref<!tpu.dma_semaphore, #tpu.memory_space<semaphore_mem>>) src(%dma_wait3A_88 : memref<125xi32, #tpu.memory_space<hbm>>) dst(%arg11 : memref<125xi32, #tpu.memory_space<vmem>>)
      tpu.yield
    }) : () -> ()
    %dma_start3A_23 = arith.constant 0 : i32
    %dma_start3A_24 = arith.constant 0 : i32
    %dma_start3A_25 = tpu.memref_slice %arg12[%dma_start3A_23, %dma_start3A_24] : memref<128x128xf32, #tpu.memory_space<vmem>> -> memref<125x128xf32, #tpu.memory_space<vmem>>
    %dma_start3A_26 = arith.constant 0 : i32
    %dma_start3A_27 = arith.constant 0 : i32
    %dma_start3A_28 = tpu.memref_slice %arg2[%add3A_5, %dma_start3A_26, %dma_start3A_27] : memref<4x10240x128xf32, #tpu.memory_space<hbm>> -> memref<1x10240x128xf32, #tpu.memory_space<hbm>>
    %dma_start3A_29 = tpu.memref_squeeze %dma_start3A_28 : memref<1x10240x128xf32, #tpu.memory_space<hbm>> -> memref<10240x128xf32, #tpu.memory_space<hbm>>
    %dma_start3A_30 = arith.constant 0 : i32
    %dma_start3A_31 = arith.constant 0 : i32
    %dma_start3A_32 = tpu.memref_slice %dma_start3A_29[%dma_start3A_30, %dma_start3A_31] : memref<10240x128xf32, #tpu.memory_space<hbm>> -> memref<10240x128xf32, #tpu.memory_space<hbm>>
    tpu.enqueue_indirect_dma source(%dma_start3A_32 : memref<10240x128xf32, #tpu.memory_space<hbm>>) target(%dma_start3A_25 : memref<125x128xf32, #tpu.memory_space<vmem>>) offsets(%arg11 : memref<125xi32, #tpu.memory_space<vmem>>) semaphore(%arg13 : memref<!tpu.dma_semaphore, #tpu.memory_space<semaphore_mem>>)
    %scan3A = arith.constant 0 : i32
    %scan3A_33 = arith.constant 40 : i32
    %scan3A_34 = arith.addi %scan3A, %scan3A_33 : i32
    %scan3A_35 = arith.constant 1 : i32
    scf.for %scan3A_78 = %scan3A to %scan3A_34 step %scan3A_35  : i32 {
      %mul3A_79 = arith.constant 2 : i32
      %mul3A_80 = arith.muli %mul3A_79, %scan3A_78 : i32
      %add3A_81 = arith.constant 0 : i32
      %add3A_82 = arith.addi %mul3A_80, %add3A_81 : i32
      %dma_wait3A = arith.constant 0 : i32
      %dma_wait3A_83 = arith.constant 0 : i32
      %dma_wait3A_84 = tpu.memref_slice %arg9[%dma_wait3A, %dma_wait3A_83] : memref<128x128xf32, #tpu.memory_space<vmem>> -> memref<125x128xf32, #tpu.memory_space<vmem>>
      %dma_wait3A_85 = arith.constant 0 : i32
      %dma_wait3A_86 = arith.constant 0 : i32
      %dma_wait3A_87 = tpu.memref_slice %arg2[%add3A_5, %dma_wait3A_85, %dma_wait3A_86] : memref<4x10240x128xf32, #tpu.memory_space<hbm>> -> memref<1x10240x128xf32, #tpu.memory_space<hbm>>
      %dma_wait3A_88 = tpu.memref_squeeze %dma_wait3A_87 : memref<1x10240x128xf32, #tpu.memory_space<hbm>> -> memref<10240x128xf32, #tpu.memory_space<hbm>>
      %dma_wait3A_89 = arith.constant 0 : i32
      %dma_wait3A_90 = arith.constant 0 : i32
      %dma_wait3A_91 = tpu.memref_slice %dma_wait3A_88[%dma_wait3A_89, %dma_wait3A_90] : memref<10240x128xf32, #tpu.memory_space<hbm>> -> memref<10240x128xf32, #tpu.memory_space<hbm>>
      tpu.wait_indirect_dma semaphore(%arg10 : memref<!tpu.dma_semaphore, #tpu.memory_space<semaphore_mem>>) src(%dma_wait3A_91 : memref<10240x128xf32, #tpu.memory_space<hbm>>) dst(%dma_wait3A_84 : memref<125x128xf32, #tpu.memory_space<vmem>>)
      "tpu.region"() ({
        %run_scoped3A = tpu.sem_alloc : memref<!tpu.dma_semaphore, #tpu.memory_space<semaphore_mem>>
        %dma_start3A_117 = arith.constant 0 : i32
        %dma_start3A_118 = arith.constant 0 : i32
        %dma_start3A_119 = tpu.memref_slice %arg9[%dma_start3A_117, %dma_start3A_118] : memref<128x128xf32, #tpu.memory_space<vmem>> -> memref<125x128xf32, #tpu.memory_space<vmem>>
        %dma_start3A_120 = arith.constant 0 : i32
        %dma_start3A_121 = tpu.memref_slice %arg7[%add3A_82, %dma_start3A_120] : memref<80x125xi32, #tpu.memory_space<vmem>> -> memref<1x125xi32, #tpu.memory_space<vmem>>
        %dma_start3A_122 = tpu.memref_squeeze %dma_start3A_121 : memref<1x125xi32, #tpu.memory_space<vmem>> -> memref<125xi32, #tpu.memory_space<vmem>>
        %dma_start3A_123 = arith.constant 0 : i32
        %dma_start3A_124 = arith.constant 0 : i32
        %dma_start3A_125 = tpu.memref_slice %arg6[%dma_start3A_123, %dma_start3A_124] : memref<10240x128xf32, #tpu.memory_space<vmem_shared>> -> memref<10240x128xf32, #tpu.memory_space<vmem_shared>>
        tpu.enqueue_indirect_dma source(%dma_start3A_119 : memref<125x128xf32, #tpu.memory_space<vmem>>) target(%dma_start3A_125 : memref<10240x128xf32, #tpu.memory_space<vmem_shared>>) offsets(%dma_start3A_122 : memref<125xi32, #tpu.memory_space<vmem>>) semaphore(%run_scoped3A : memref<!tpu.dma_semaphore, #tpu.memory_space<semaphore_mem>>) {add = true}
        %dma_wait3A_126 = arith.constant 0 : i32
        %dma_wait3A_127 = arith.constant 0 : i32
        %dma_wait3A_128 = tpu.memref_slice %arg9[%dma_wait3A_126, %dma_wait3A_127] : memref<128x128xf32, #tpu.memory_space<vmem>> -> memref<125x128xf32, #tpu.memory_space<vmem>>
        %dma_wait3A_129 = arith.constant 0 : i32
        %dma_wait3A_130 = tpu.memref_slice %arg7[%add3A_82, %dma_wait3A_129] : memref<80x125xi32, #tpu.memory_space<vmem>> -> memref<1x125xi32, #tpu.memory_space<vmem>>
        %dma_wait3A_131 = tpu.memref_squeeze %dma_wait3A_130 : memref<1x125xi32, #tpu.memory_space<vmem>> -> memref<125xi32, #tpu.memory_space<vmem>>
        %dma_wait3A_132 = arith.constant 0 : i32
        %dma_wait3A_133 = arith.constant 0 : i32
        %dma_wait3A_134 = tpu.memref_slice %arg6[%dma_wait3A_132, %dma_wait3A_133] : memref<10240x128xf32, #tpu.memory_space<vmem_shared>> -> memref<10240x128xf32, #tpu.memory_space<vmem_shared>>
        tpu.wait_indirect_dma semaphore(%run_scoped3A : memref<!tpu.dma_semaphore, #tpu.memory_space<semaphore_mem>>) src(%dma_wait3A_128 : memref<125x128xf32, #tpu.memory_space<vmem>>) dst(%dma_wait3A_134 : memref<10240x128xf32, #tpu.memory_space<vmem_shared>>)
        tpu.yield
      }) : () -> ()
      %add3A_92 = arith.constant 2 : i32
      %add3A_93 = arith.addi %add3A_82, %add3A_92 : i32
      %lt3A = arith.constant 80 : i32
      %lt3A_94 = arith.cmpi slt, %add3A_93, %lt3A : i32
      %convert_element_type3A = arith.extui %lt3A_94 : i1 to i32
      %cond3A = arith.constant 0 : i32
      %cond3A_95 = arith.cmpi ne, %convert_element_type3A, %cond3A : i32
      scf.if %cond3A_95 {
        %add3A_117 = arith.constant 2 : i32
        %add3A_118 = arith.addi %add3A_82, %add3A_117 : i32
        %mul3A_119 = arith.constant 80 : i32
        %mul3A_120 = arith.muli %arg1, %mul3A_119 : i32
        %add3A_121 = arith.addi %mul3A_120, %add3A_118 : i32
        "tpu.region"() ({
          %run_scoped3A = tpu.sem_alloc : memref<!tpu.dma_semaphore, #tpu.memory_space<semaphore_mem>>
          %dma_start3A_132 = arith.constant 0 : i32
          %dma_start3A_133 = tpu.memref_slice %arg3[%add3A_121, %dma_start3A_132] : memref<1280x125xi32, #tpu.memory_space<hbm>> -> memref<1x125xi32, #tpu.memory_space<hbm>>
          %dma_start3A_134 = tpu.memref_squeeze %dma_start3A_133 : memref<1x125xi32, #tpu.memory_space<hbm>> -> memref<125xi32, #tpu.memory_space<hbm>>
          %dma_start3A_135 = arith.constant 0 : i32
          %dma_start3A_136 = tpu.memref_slice %arg3[%add3A_121, %dma_start3A_135] : memref<1280x125xi32, #tpu.memory_space<hbm>> -> memref<1x125xi32, #tpu.memory_space<hbm>>
          %dma_start3A_137 = tpu.memref_squeeze %dma_start3A_136 : memref<1x125xi32, #tpu.memory_space<hbm>> -> memref<125xi32, #tpu.memory_space<hbm>>
          tpu.enqueue_dma source(%dma_start3A_137 : memref<125xi32, #tpu.memory_space<hbm>>) target(%arg8 : memref<125xi32, #tpu.memory_space<vmem>>) target_semaphore(%run_scoped3A : memref<!tpu.dma_semaphore, #tpu.memory_space<semaphore_mem>>)
          %dma_wait3A_138 = arith.constant 0 : i32
          %dma_wait3A_139 = tpu.memref_slice %arg3[%add3A_121, %dma_wait3A_138] : memref<1280x125xi32, #tpu.memory_space<hbm>> -> memref<1x125xi32, #tpu.memory_space<hbm>>
          %dma_wait3A_140 = tpu.memref_squeeze %dma_wait3A_139 : memref<1x125xi32, #tpu.memory_space<hbm>> -> memref<125xi32, #tpu.memory_space<hbm>>
          %dma_wait3A_141 = arith.constant 0 : i32
          %dma_wait3A_142 = tpu.memref_slice %arg3[%add3A_121, %dma_wait3A_141] : memref<1280x125xi32, #tpu.memory_space<hbm>> -> memref<1x125xi32, #tpu.memory_space<hbm>>
          %dma_wait3A_143 = tpu.memref_squeeze %dma_wait3A_142 : memref<1x125xi32, #tpu.memory_space<hbm>> -> memref<125xi32, #tpu.memory_space<hbm>>
          tpu.wait_dma2 semaphore(%run_scoped3A : memref<!tpu.dma_semaphore, #tpu.memory_space<semaphore_mem>>) src(%dma_wait3A_143 : memref<125xi32, #tpu.memory_space<hbm>>) dst(%arg8 : memref<125xi32, #tpu.memory_space<vmem>>)
          tpu.yield
        }) : () -> ()
        %dma_start3A_122 = arith.constant 0 : i32
        %dma_start3A_123 = arith.constant 0 : i32
        %dma_start3A_124 = tpu.memref_slice %arg9[%dma_start3A_122, %dma_start3A_123] : memref<128x128xf32, #tpu.memory_space<vmem>> -> memref<125x128xf32, #tpu.memory_space<vmem>>
        %dma_start3A_125 = arith.constant 0 : i32
        %dma_start3A_126 = arith.constant 0 : i32
        %dma_start3A_127 = tpu.memref_slice %arg2[%add3A_5, %dma_start3A_125, %dma_start3A_126] : memref<4x10240x128xf32, #tpu.memory_space<hbm>> -> memref<1x10240x128xf32, #tpu.memory_space<hbm>>
        %dma_start3A_128 = tpu.memref_squeeze %dma_start3A_127 : memref<1x10240x128xf32, #tpu.memory_space<hbm>> -> memref<10240x128xf32, #tpu.memory_space<hbm>>
        %dma_start3A_129 = arith.constant 0 : i32
        %dma_start3A_130 = arith.constant 0 : i32
        %dma_start3A_131 = tpu.memref_slice %dma_start3A_128[%dma_start3A_129, %dma_start3A_130] : memref<10240x128xf32, #tpu.memory_space<hbm>> -> memref<10240x128xf32, #tpu.memory_space<hbm>>
        tpu.enqueue_indirect_dma source(%dma_start3A_131 : memref<10240x128xf32, #tpu.memory_space<hbm>>) target(%dma_start3A_124 : memref<125x128xf32, #tpu.memory_space<vmem>>) offsets(%arg8 : memref<125xi32, #tpu.memory_space<vmem>>) semaphore(%arg10 : memref<!tpu.dma_semaphore, #tpu.memory_space<semaphore_mem>>)
      } else {
      }
      %mul3A_96 = arith.constant 2 : i32
      %mul3A_97 = arith.muli %mul3A_96, %scan3A_78 : i32
      %add3A_98 = arith.constant 1 : i32
      %add3A_99 = arith.addi %mul3A_97, %add3A_98 : i32
      %dma_wait3A_100 = arith.constant 0 : i32
      %dma_wait3A_101 = arith.constant 0 : i32
      %dma_wait3A_102 = tpu.memref_slice %arg12[%dma_wait3A_100, %dma_wait3A_101] : memref<128x128xf32, #tpu.memory_space<vmem>> -> memref<125x128xf32, #tpu.memory_space<vmem>>
      %dma_wait3A_103 = arith.constant 0 : i32
      %dma_wait3A_104 = arith.constant 0 : i32
      %dma_wait3A_105 = tpu.memref_slice %arg2[%add3A_5, %dma_wait3A_103, %dma_wait3A_104] : memref<4x10240x128xf32, #tpu.memory_space<hbm>> -> memref<1x10240x128xf32, #tpu.memory_space<hbm>>
      %dma_wait3A_106 = tpu.memref_squeeze %dma_wait3A_105 : memref<1x10240x128xf32, #tpu.memory_space<hbm>> -> memref<10240x128xf32, #tpu.memory_space<hbm>>
      %dma_wait3A_107 = arith.constant 0 : i32
      %dma_wait3A_108 = arith.constant 0 : i32
      %dma_wait3A_109 = tpu.memref_slice %dma_wait3A_106[%dma_wait3A_107, %dma_wait3A_108] : memref<10240x128xf32, #tpu.memory_space<hbm>> -> memref<10240x128xf32, #tpu.memory_space<hbm>>
      tpu.wait_indirect_dma semaphore(%arg13 : memref<!tpu.dma_semaphore, #tpu.memory_space<semaphore_mem>>) src(%dma_wait3A_109 : memref<10240x128xf32, #tpu.memory_space<hbm>>) dst(%dma_wait3A_102 : memref<125x128xf32, #tpu.memory_space<vmem>>)
      "tpu.region"() ({
        %run_scoped3A = tpu.sem_alloc : memref<!tpu.dma_semaphore, #tpu.memory_space<semaphore_mem>>
        %dma_start3A_117 = arith.constant 0 : i32
        %dma_start3A_118 = arith.constant 0 : i32
        %dma_start3A_119 = tpu.memref_slice %arg12[%dma_start3A_117, %dma_start3A_118] : memref<128x128xf32, #tpu.memory_space<vmem>> -> memref<125x128xf32, #tpu.memory_space<vmem>>
        %dma_start3A_120 = arith.constant 0 : i32
        %dma_start3A_121 = tpu.memref_slice %arg7[%add3A_99, %dma_start3A_120] : memref<80x125xi32, #tpu.memory_space<vmem>> -> memref<1x125xi32, #tpu.memory_space<vmem>>
        %dma_start3A_122 = tpu.memref_squeeze %dma_start3A_121 : memref<1x125xi32, #tpu.memory_space<vmem>> -> memref<125xi32, #tpu.memory_space<vmem>>
        %dma_start3A_123 = arith.constant 0 : i32
        %dma_start3A_124 = arith.constant 0 : i32
        %dma_start3A_125 = tpu.memref_slice %arg6[%dma_start3A_123, %dma_start3A_124] : memref<10240x128xf32, #tpu.memory_space<vmem_shared>> -> memref<10240x128xf32, #tpu.memory_space<vmem_shared>>
        tpu.enqueue_indirect_dma source(%dma_start3A_119 : memref<125x128xf32, #tpu.memory_space<vmem>>) target(%dma_start3A_125 : memref<10240x128xf32, #tpu.memory_space<vmem_shared>>) offsets(%dma_start3A_122 : memref<125xi32, #tpu.memory_space<vmem>>) semaphore(%run_scoped3A : memref<!tpu.dma_semaphore, #tpu.memory_space<semaphore_mem>>) {add = true}
        %dma_wait3A_126 = arith.constant 0 : i32
        %dma_wait3A_127 = arith.constant 0 : i32
        %dma_wait3A_128 = tpu.memref_slice %arg12[%dma_wait3A_126, %dma_wait3A_127] : memref<128x128xf32, #tpu.memory_space<vmem>> -> memref<125x128xf32, #tpu.memory_space<vmem>>
        %dma_wait3A_129 = arith.constant 0 : i32
        %dma_wait3A_130 = tpu.memref_slice %arg7[%add3A_99, %dma_wait3A_129] : memref<80x125xi32, #tpu.memory_space<vmem>> -> memref<1x125xi32, #tpu.memory_space<vmem>>
        %dma_wait3A_131 = tpu.memref_squeeze %dma_wait3A_130 : memref<1x125xi32, #tpu.memory_space<vmem>> -> memref<125xi32, #tpu.memory_space<vmem>>
        %dma_wait3A_132 = arith.constant 0 : i32
        %dma_wait3A_133 = arith.constant 0 : i32
        %dma_wait3A_134 = tpu.memref_slice %arg6[%dma_wait3A_132, %dma_wait3A_133] : memref<10240x128xf32, #tpu.memory_space<vmem_shared>> -> memref<10240x128xf32, #tpu.memory_space<vmem_shared>>
        tpu.wait_indirect_dma semaphore(%run_scoped3A : memref<!tpu.dma_semaphore, #tpu.memory_space<semaphore_mem>>) src(%dma_wait3A_128 : memref<125x128xf32, #tpu.memory_space<vmem>>) dst(%dma_wait3A_134 : memref<10240x128xf32, #tpu.memory_space<vmem_shared>>)
        tpu.yield
      }) : () -> ()
      %add3A_110 = arith.constant 2 : i32
      %add3A_111 = arith.addi %add3A_99, %add3A_110 : i32
      %lt3A_112 = arith.constant 80 : i32
      %lt3A_113 = arith.cmpi slt, %add3A_111, %lt3A_112 : i32
      %convert_element_type3A_114 = arith.extui %lt3A_113 : i1 to i32
      %cond3A_115 = arith.constant 0 : i32
      %cond3A_116 = arith.cmpi ne, %convert_element_type3A_114, %cond3A_115 : i32
      scf.if %cond3A_116 {
        %add3A_117 = arith.constant 2 : i32
        %add3A_118 = arith.addi %add3A_99, %add3A_117 : i32
        %mul3A_119 = arith.constant 80 : i32
        %mul3A_120 = arith.muli %arg1, %mul3A_119 : i32
        %add3A_121 = arith.addi %mul3A_120, %add3A_118 : i32
        "tpu.region"() ({
          %run_scoped3A = tpu.sem_alloc : memref<!tpu.dma_semaphore, #tpu.memory_space<semaphore_mem>>
          %dma_start3A_132 = arith.constant 0 : i32
          %dma_start3A_133 = tpu.memref_slice %arg3[%add3A_121, %dma_start3A_132] : memref<1280x125xi32, #tpu.memory_space<hbm>> -> memref<1x125xi32, #tpu.memory_space<hbm>>
          %dma_start3A_134 = tpu.memref_squeeze %dma_start3A_133 : memref<1x125xi32, #tpu.memory_space<hbm>> -> memref<125xi32, #tpu.memory_space<hbm>>
          %dma_start3A_135 = arith.constant 0 : i32
          %dma_start3A_136 = tpu.memref_slice %arg3[%add3A_121, %dma_start3A_135] : memref<1280x125xi32, #tpu.memory_space<hbm>> -> memref<1x125xi32, #tpu.memory_space<hbm>>
          %dma_start3A_137 = tpu.memref_squeeze %dma_start3A_136 : memref<1x125xi32, #tpu.memory_space<hbm>> -> memref<125xi32, #tpu.memory_space<hbm>>
          tpu.enqueue_dma source(%dma_start3A_137 : memref<125xi32, #tpu.memory_space<hbm>>) target(%arg11 : memref<125xi32, #tpu.memory_space<vmem>>) target_semaphore(%run_scoped3A : memref<!tpu.dma_semaphore, #tpu.memory_space<semaphore_mem>>)
          %dma_wait3A_138 = arith.constant 0 : i32
          %dma_wait3A_139 = tpu.memref_slice %arg3[%add3A_121, %dma_wait3A_138] : memref<1280x125xi32, #tpu.memory_space<hbm>> -> memref<1x125xi32, #tpu.memory_space<hbm>>
          %dma_wait3A_140 = tpu.memref_squeeze %dma_wait3A_139 : memref<1x125xi32, #tpu.memory_space<hbm>> -> memref<125xi32, #tpu.memory_space<hbm>>
          %dma_wait3A_141 = arith.constant 0 : i32
          %dma_wait3A_142 = tpu.memref_slice %arg3[%add3A_121, %dma_wait3A_141] : memref<1280x125xi32, #tpu.memory_space<hbm>> -> memref<1x125xi32, #tpu.memory_space<hbm>>
          %dma_wait3A_143 = tpu.memref_squeeze %dma_wait3A_142 : memref<1x125xi32, #tpu.memory_space<hbm>> -> memref<125xi32, #tpu.memory_space<hbm>>
          tpu.wait_dma2 semaphore(%run_scoped3A : memref<!tpu.dma_semaphore, #tpu.memory_space<semaphore_mem>>) src(%dma_wait3A_143 : memref<125xi32, #tpu.memory_space<hbm>>) dst(%arg11 : memref<125xi32, #tpu.memory_space<vmem>>)
          tpu.yield
        }) : () -> ()
        %dma_start3A_122 = arith.constant 0 : i32
        %dma_start3A_123 = arith.constant 0 : i32
        %dma_start3A_124 = tpu.memref_slice %arg12[%dma_start3A_122, %dma_start3A_123] : memref<128x128xf32, #tpu.memory_space<vmem>> -> memref<125x128xf32, #tpu.memory_space<vmem>>
        %dma_start3A_125 = arith.constant 0 : i32
        %dma_start3A_126 = arith.constant 0 : i32
        %dma_start3A_127 = tpu.memref_slice %arg2[%add3A_5, %dma_start3A_125, %dma_start3A_126] : memref<4x10240x128xf32, #tpu.memory_space<hbm>> -> memref<1x10240x128xf32, #tpu.memory_space<hbm>>
        %dma_start3A_128 = tpu.memref_squeeze %dma_start3A_127 : memref<1x10240x128xf32, #tpu.memory_space<hbm>> -> memref<10240x128xf32, #tpu.memory_space<hbm>>
        %dma_start3A_129 = arith.constant 0 : i32
        %dma_start3A_130 = arith.constant 0 : i32
        %dma_start3A_131 = tpu.memref_slice %dma_start3A_128[%dma_start3A_129, %dma_start3A_130] : memref<10240x128xf32, #tpu.memory_space<hbm>> -> memref<10240x128xf32, #tpu.memory_space<hbm>>
        tpu.enqueue_indirect_dma source(%dma_start3A_131 : memref<10240x128xf32, #tpu.memory_space<hbm>>) target(%dma_start3A_124 : memref<125x128xf32, #tpu.memory_space<vmem>>) offsets(%arg11 : memref<125xi32, #tpu.memory_space<vmem>>) semaphore(%arg13 : memref<!tpu.dma_semaphore, #tpu.memory_space<semaphore_mem>>)
      } else {
      }
    }
    %scan3A_36 = arith.constant 40 : i32
    %barrier3A_37 = arith.constant 0 : index
    tpu.barrier barrier_id(%barrier3A_37)
    "tpu.region"() ({
      %run_scoped3A = tpu.sem_alloc : memref<!tpu.dma_semaphore, #tpu.memory_space<semaphore_mem>>
      %dma_start3A_78 = arith.constant 0 : i32
      %dma_start3A_79 = tpu.memref_slice %arg5[%add3A_5, %mul3A_0, %dma_start3A_78] : memref<4x10240x128xf32, #tpu.memory_space<hbm>> -> memref<1x640x128xf32, #tpu.memory_space<hbm>>
      %dma_start3A_80 = tpu.memref_squeeze %dma_start3A_79 : memref<1x640x128xf32, #tpu.memory_space<hbm>> -> memref<640x128xf32, #tpu.memory_space<hbm>>
      %dma_start3A_81 = arith.constant 0 : i32
      %dma_start3A_82 = tpu.memref_slice %arg6[%mul3A_0, %dma_start3A_81] : memref<10240x128xf32, #tpu.memory_space<vmem_shared>> -> memref<640x128xf32, #tpu.memory_space<vmem_shared>>
      tpu.enqueue_dma source(%dma_start3A_82 : memref<640x128xf32, #tpu.memory_space<vmem_shared>>) target(%dma_start3A_80 : memref<640x128xf32, #tpu.memory_space<hbm>>) target_semaphore(%run_scoped3A : memref<!tpu.dma_semaphore, #tpu.memory_space<semaphore_mem>>)
      %dma_wait3A = arith.constant 0 : i32
      %dma_wait3A_83 = tpu.memref_slice %arg5[%add3A_5, %mul3A_0, %dma_wait3A] : memref<4x10240x128xf32, #tpu.memory_space<hbm>> -> memref<1x640x128xf32, #tpu.memory_space<hbm>>
      %dma_wait3A_84 = tpu.memref_squeeze %dma_wait3A_83 : memref<1x640x128xf32, #tpu.memory_space<hbm>> -> memref<640x128xf32, #tpu.memory_space<hbm>>
      %dma_wait3A_85 = arith.constant 0 : i32
      %dma_wait3A_86 = tpu.memref_slice %arg6[%mul3A_0, %dma_wait3A_85] : memref<10240x128xf32, #tpu.memory_space<vmem_shared>> -> memref<640x128xf32, #tpu.memory_space<vmem_shared>>
      tpu.wait_dma2 semaphore(%run_scoped3A : memref<!tpu.dma_semaphore, #tpu.memory_space<semaphore_mem>>) src(%dma_wait3A_86 : memref<640x128xf32, #tpu.memory_space<vmem_shared>>) dst(%dma_wait3A_84 : memref<640x128xf32, #tpu.memory_space<hbm>>)
      tpu.yield
    }) : () -> ()
    %barrier3A_38 = arith.constant 0 : index
    tpu.barrier barrier_id(%barrier3A_38)
    %mul3A_39 = arith.constant 2 : i32
    %mul3A_40 = arith.muli %arg0, %mul3A_39 : i32
    %add3A_41 = arith.constant 1 : i32
    %add3A_42 = arith.addi %mul3A_40, %add3A_41 : i32
    "tpu.region"() ({
      %run_scoped3A = tpu.sem_alloc : memref<!tpu.dma_semaphore, #tpu.memory_space<semaphore_mem>>
      %dma_start3A_78 = arith.constant 0 : i32
      %dma_start3A_79 = tpu.memref_slice %arg6[%mul3A_0, %dma_start3A_78] : memref<10240x128xf32, #tpu.memory_space<vmem_shared>> -> memref<640x128xf32, #tpu.memory_space<vmem_shared>>
      %dma_start3A_80 = arith.constant 0 : i32
      %dma_start3A_81 = tpu.memref_slice %arg2[%add3A_42, %mul3A_0, %dma_start3A_80] : memref<4x10240x128xf32, #tpu.memory_space<hbm>> -> memref<1x640x128xf32, #tpu.memory_space<hbm>>
      %dma_start3A_82 = tpu.memref_squeeze %dma_start3A_81 : memref<1x640x128xf32, #tpu.memory_space<hbm>> -> memref<640x128xf32, #tpu.memory_space<hbm>>
      tpu.enqueue_dma source(%dma_start3A_82 : memref<640x128xf32, #tpu.memory_space<hbm>>) target(%dma_start3A_79 : memref<640x128xf32, #tpu.memory_space<vmem_shared>>) target_semaphore(%run_scoped3A : memref<!tpu.dma_semaphore, #tpu.memory_space<semaphore_mem>>)
      %dma_wait3A = arith.constant 0 : i32
      %dma_wait3A_83 = tpu.memref_slice %arg6[%mul3A_0, %dma_wait3A] : memref<10240x128xf32, #tpu.memory_space<vmem_shared>> -> memref<640x128xf32, #tpu.memory_space<vmem_shared>>
      %dma_wait3A_84 = arith.constant 0 : i32
      %dma_wait3A_85 = tpu.memref_slice %arg2[%add3A_42, %mul3A_0, %dma_wait3A_84] : memref<4x10240x128xf32, #tpu.memory_space<hbm>> -> memref<1x640x128xf32, #tpu.memory_space<hbm>>
      %dma_wait3A_86 = tpu.memref_squeeze %dma_wait3A_85 : memref<1x640x128xf32, #tpu.memory_space<hbm>> -> memref<640x128xf32, #tpu.memory_space<hbm>>
      tpu.wait_dma2 semaphore(%run_scoped3A : memref<!tpu.dma_semaphore, #tpu.memory_space<semaphore_mem>>) src(%dma_wait3A_86 : memref<640x128xf32, #tpu.memory_space<hbm>>) dst(%dma_wait3A_83 : memref<640x128xf32, #tpu.memory_space<vmem_shared>>)
      tpu.yield
    }) : () -> ()
    %barrier3A_43 = arith.constant 0 : index
    tpu.barrier barrier_id(%barrier3A_43)
    %mul3A_44 = arith.constant 80 : i32
    %mul3A_45 = arith.muli %arg1, %mul3A_44 : i32
    %add3A_46 = arith.constant 0 : i32
    %add3A_47 = arith.addi %mul3A_45, %add3A_46 : i32
    "tpu.region"() ({
      %run_scoped3A = tpu.sem_alloc : memref<!tpu.dma_semaphore, #tpu.memory_space<semaphore_mem>>
      %dma_start3A_78 = arith.constant 0 : i32
      %dma_start3A_79 = tpu.memref_slice %arg3[%add3A_47, %dma_start3A_78] : memref<1280x125xi32, #tpu.memory_space<hbm>> -> memref<1x125xi32, #tpu.memory_space<hbm>>
      %dma_start3A_80 = tpu.memref_squeeze %dma_start3A_79 : memref<1x125xi32, #tpu.memory_space<hbm>> -> memref<125xi32, #tpu.memory_space<hbm>>
      %dma_start3A_81 = arith.constant 0 : i32
      %dma_start3A_82 = tpu.memref_slice %arg3[%add3A_47, %dma_start3A_81] : memref<1280x125xi32, #tpu.memory_space<hbm>> -> memref<1x125xi32, #tpu.memory_space<hbm>>
      %dma_start3A_83 = tpu.memref_squeeze %dma_start3A_82 : memref<1x125xi32, #tpu.memory_space<hbm>> -> memref<125xi32, #tpu.memory_space<hbm>>
      tpu.enqueue_dma source(%dma_start3A_83 : memref<125xi32, #tpu.memory_space<hbm>>) target(%arg8 : memref<125xi32, #tpu.memory_space<vmem>>) target_semaphore(%run_scoped3A : memref<!tpu.dma_semaphore, #tpu.memory_space<semaphore_mem>>)
      %dma_wait3A = arith.constant 0 : i32
      %dma_wait3A_84 = tpu.memref_slice %arg3[%add3A_47, %dma_wait3A] : memref<1280x125xi32, #tpu.memory_space<hbm>> -> memref<1x125xi32, #tpu.memory_space<hbm>>
      %dma_wait3A_85 = tpu.memref_squeeze %dma_wait3A_84 : memref<1x125xi32, #tpu.memory_space<hbm>> -> memref<125xi32, #tpu.memory_space<hbm>>
      %dma_wait3A_86 = arith.constant 0 : i32
      %dma_wait3A_87 = tpu.memref_slice %arg3[%add3A_47, %dma_wait3A_86] : memref<1280x125xi32, #tpu.memory_space<hbm>> -> memref<1x125xi32, #tpu.memory_space<hbm>>
      %dma_wait3A_88 = tpu.memref_squeeze %dma_wait3A_87 : memref<1x125xi32, #tpu.memory_space<hbm>> -> memref<125xi32, #tpu.memory_space<hbm>>
      tpu.wait_dma2 semaphore(%run_scoped3A : memref<!tpu.dma_semaphore, #tpu.memory_space<semaphore_mem>>) src(%dma_wait3A_88 : memref<125xi32, #tpu.memory_space<hbm>>) dst(%arg8 : memref<125xi32, #tpu.memory_space<vmem>>)
      tpu.yield
    }) : () -> ()
    %dma_start3A_48 = arith.constant 0 : i32
    %dma_start3A_49 = arith.constant 0 : i32
    %dma_start3A_50 = tpu.memref_slice %arg9[%dma_start3A_48, %dma_start3A_49] : memref<128x128xf32, #tpu.memory_space<vmem>> -> memref<125x128xf32, #tpu.memory_space<vmem>>
    %dma_start3A_51 = arith.constant 0 : i32
    %dma_start3A_52 = arith.constant 0 : i32
    %dma_start3A_53 = tpu.memref_slice %arg2[%add3A_42, %dma_start3A_51, %dma_start3A_52] : memref<4x10240x128xf32, #tpu.memory_space<hbm>> -> memref<1x10240x128xf32, #tpu.memory_space<hbm>>
    %dma_start3A_54 = tpu.memref_squeeze %dma_start3A_53 : memref<1x10240x128xf32, #tpu.memory_space<hbm>> -> memref<10240x128xf32, #tpu.memory_space<hbm>>
    %dma_start3A_55 = arith.constant 0 : i32
    %dma_start3A_56 = arith.constant 0 : i32
    %dma_start3A_57 = tpu.memref_slice %dma_start3A_54[%dma_start3A_55, %dma_start3A_56] : memref<10240x128xf32, #tpu.memory_space<hbm>> -> memref<10240x128xf32, #tpu.memory_space<hbm>>
    tpu.enqueue_indirect_dma source(%dma_start3A_57 : memref<10240x128xf32, #tpu.memory_space<hbm>>) target(%dma_start3A_50 : memref<125x128xf32, #tpu.memory_space<vmem>>) offsets(%arg8 : memref<125xi32, #tpu.memory_space<vmem>>) semaphore(%arg10 : memref<!tpu.dma_semaphore, #tpu.memory_space<semaphore_mem>>)
    %mul3A_58 = arith.constant 80 : i32
    %mul3A_59 = arith.muli %arg1, %mul3A_58 : i32
    %add3A_60 = arith.constant 1 : i32
    %add3A_61 = arith.addi %mul3A_59, %add3A_60 : i32
    "tpu.region"() ({
      %run_scoped3A = tpu.sem_alloc : memref<!tpu.dma_semaphore, #tpu.memory_space<semaphore_mem>>
      %dma_start3A_78 = arith.constant 0 : i32
      %dma_start3A_79 = tpu.memref_slice %arg3[%add3A_61, %dma_start3A_78] : memref<1280x125xi32, #tpu.memory_space<hbm>> -> memref<1x125xi32, #tpu.memory_space<hbm>>
      %dma_start3A_80 = tpu.memref_squeeze %dma_start3A_79 : memref<1x125xi32, #tpu.memory_space<hbm>> -> memref<125xi32, #tpu.memory_space<hbm>>
      %dma_start3A_81 = arith.constant 0 : i32
      %dma_start3A_82 = tpu.memref_slice %arg3[%add3A_61, %dma_start3A_81] : memref<1280x125xi32, #tpu.memory_space<hbm>> -> memref<1x125xi32, #tpu.memory_space<hbm>>
      %dma_start3A_83 = tpu.memref_squeeze %dma_start3A_82 : memref<1x125xi32, #tpu.memory_space<hbm>> -> memref<125xi32, #tpu.memory_space<hbm>>
      tpu.enqueue_dma source(%dma_start3A_83 : memref<125xi32, #tpu.memory_space<hbm>>) target(%arg11 : memref<125xi32, #tpu.memory_space<vmem>>) target_semaphore(%run_scoped3A : memref<!tpu.dma_semaphore, #tpu.memory_space<semaphore_mem>>)
      %dma_wait3A = arith.constant 0 : i32
      %dma_wait3A_84 = tpu.memref_slice %arg3[%add3A_61, %dma_wait3A] : memref<1280x125xi32, #tpu.memory_space<hbm>> -> memref<1x125xi32, #tpu.memory_space<hbm>>
      %dma_wait3A_85 = tpu.memref_squeeze %dma_wait3A_84 : memref<1x125xi32, #tpu.memory_space<hbm>> -> memref<125xi32, #tpu.memory_space<hbm>>
      %dma_wait3A_86 = arith.constant 0 : i32
      %dma_wait3A_87 = tpu.memref_slice %arg3[%add3A_61, %dma_wait3A_86] : memref<1280x125xi32, #tpu.memory_space<hbm>> -> memref<1x125xi32, #tpu.memory_space<hbm>>
      %dma_wait3A_88 = tpu.memref_squeeze %dma_wait3A_87 : memref<1x125xi32, #tpu.memory_space<hbm>> -> memref<125xi32, #tpu.memory_space<hbm>>
      tpu.wait_dma2 semaphore(%run_scoped3A : memref<!tpu.dma_semaphore, #tpu.memory_space<semaphore_mem>>) src(%dma_wait3A_88 : memref<125xi32, #tpu.memory_space<hbm>>) dst(%arg11 : memref<125xi32, #tpu.memory_space<vmem>>)
      tpu.yield
    }) : () -> ()
    %dma_start3A_62 = arith.constant 0 : i32
    %dma_start3A_63 = arith.constant 0 : i32
    %dma_start3A_64 = tpu.memref_slice %arg12[%dma_start3A_62, %dma_start3A_63] : memref<128x128xf32, #tpu.memory_space<vmem>> -> memref<125x128xf32, #tpu.memory_space<vmem>>
    %dma_start3A_65 = arith.constant 0 : i32
    %dma_start3A_66 = arith.constant 0 : i32
    %dma_start3A_67 = tpu.memref_slice %arg2[%add3A_42, %dma_start3A_65, %dma_start3A_66] : memref<4x10240x128xf32, #tpu.memory_space<hbm>> -> memref<1x10240x128xf32, #tpu.memory_space<hbm>>
    %dma_start3A_68 = tpu.memref_squeeze %dma_start3A_67 : memref<1x10240x128xf32, #tpu.memory_space<hbm>> -> memref<10240x128xf32, #tpu.memory_space<hbm>>
    %dma_start3A_69 = arith.constant 0 : i32
    %dma_start3A_70 = arith.constant 0 : i32
    %dma_start3A_71 = tpu.memref_slice %dma_start3A_68[%dma_start3A_69, %dma_start3A_70] : memref<10240x128xf32, #tpu.memory_space<hbm>> -> memref<10240x128xf32, #tpu.memory_space<hbm>>
    tpu.enqueue_indirect_dma source(%dma_start3A_71 : memref<10240x128xf32, #tpu.memory_space<hbm>>) target(%dma_start3A_64 : memref<125x128xf32, #tpu.memory_space<vmem>>) offsets(%arg11 : memref<125xi32, #tpu.memory_space<vmem>>) semaphore(%arg13 : memref<!tpu.dma_semaphore, #tpu.memory_space<semaphore_mem>>)
    %scan3A_72 = arith.constant 0 : i32
    %scan3A_73 = arith.constant 40 : i32
    %scan3A_74 = arith.addi %scan3A_72, %scan3A_73 : i32
    %scan3A_75 = arith.constant 1 : i32
    scf.for %scan3A_78 = %scan3A_72 to %scan3A_74 step %scan3A_75  : i32 {
      %mul3A_79 = arith.constant 2 : i32
      %mul3A_80 = arith.muli %mul3A_79, %scan3A_78 : i32
      %add3A_81 = arith.constant 0 : i32
      %add3A_82 = arith.addi %mul3A_80, %add3A_81 : i32
      %dma_wait3A = arith.constant 0 : i32
      %dma_wait3A_83 = arith.constant 0 : i32
      %dma_wait3A_84 = tpu.memref_slice %arg9[%dma_wait3A, %dma_wait3A_83] : memref<128x128xf32, #tpu.memory_space<vmem>> -> memref<125x128xf32, #tpu.memory_space<vmem>>
      %dma_wait3A_85 = arith.constant 0 : i32
      %dma_wait3A_86 = arith.constant 0 : i32
      %dma_wait3A_87 = tpu.memref_slice %arg2[%add3A_42, %dma_wait3A_85, %dma_wait3A_86] : memref<4x10240x128xf32, #tpu.memory_space<hbm>> -> memref<1x10240x128xf32, #tpu.memory_space<hbm>>
      %dma_wait3A_88 = tpu.memref_squeeze %dma_wait3A_87 : memref<1x10240x128xf32, #tpu.memory_space<hbm>> -> memref<10240x128xf32, #tpu.memory_space<hbm>>
      %dma_wait3A_89 = arith.constant 0 : i32
      %dma_wait3A_90 = arith.constant 0 : i32
      %dma_wait3A_91 = tpu.memref_slice %dma_wait3A_88[%dma_wait3A_89, %dma_wait3A_90] : memref<10240x128xf32, #tpu.memory_space<hbm>> -> memref<10240x128xf32, #tpu.memory_space<hbm>>
      tpu.wait_indirect_dma semaphore(%arg10 : memref<!tpu.dma_semaphore, #tpu.memory_space<semaphore_mem>>) src(%dma_wait3A_91 : memref<10240x128xf32, #tpu.memory_space<hbm>>) dst(%dma_wait3A_84 : memref<125x128xf32, #tpu.memory_space<vmem>>)
      "tpu.region"() ({
        %run_scoped3A = tpu.sem_alloc : memref<!tpu.dma_semaphore, #tpu.memory_space<semaphore_mem>>
        %dma_start3A_117 = arith.constant 0 : i32
        %dma_start3A_118 = arith.constant 0 : i32
        %dma_start3A_119 = tpu.memref_slice %arg9[%dma_start3A_117, %dma_start3A_118] : memref<128x128xf32, #tpu.memory_space<vmem>> -> memref<125x128xf32, #tpu.memory_space<vmem>>
        %dma_start3A_120 = arith.constant 0 : i32
        %dma_start3A_121 = tpu.memref_slice %arg7[%add3A_82, %dma_start3A_120] : memref<80x125xi32, #tpu.memory_space<vmem>> -> memref<1x125xi32, #tpu.memory_space<vmem>>
        %dma_start3A_122 = tpu.memref_squeeze %dma_start3A_121 : memref<1x125xi32, #tpu.memory_space<vmem>> -> memref<125xi32, #tpu.memory_space<vmem>>
        %dma_start3A_123 = arith.constant 0 : i32
        %dma_start3A_124 = arith.constant 0 : i32
        %dma_start3A_125 = tpu.memref_slice %arg6[%dma_start3A_123, %dma_start3A_124] : memref<10240x128xf32, #tpu.memory_space<vmem_shared>> -> memref<10240x128xf32, #tpu.memory_space<vmem_shared>>
        tpu.enqueue_indirect_dma source(%dma_start3A_119 : memref<125x128xf32, #tpu.memory_space<vmem>>) target(%dma_start3A_125 : memref<10240x128xf32, #tpu.memory_space<vmem_shared>>) offsets(%dma_start3A_122 : memref<125xi32, #tpu.memory_space<vmem>>) semaphore(%run_scoped3A : memref<!tpu.dma_semaphore, #tpu.memory_space<semaphore_mem>>) {add = true}
        %dma_wait3A_126 = arith.constant 0 : i32
        %dma_wait3A_127 = arith.constant 0 : i32
        %dma_wait3A_128 = tpu.memref_slice %arg9[%dma_wait3A_126, %dma_wait3A_127] : memref<128x128xf32, #tpu.memory_space<vmem>> -> memref<125x128xf32, #tpu.memory_space<vmem>>
        %dma_wait3A_129 = arith.constant 0 : i32
        %dma_wait3A_130 = tpu.memref_slice %arg7[%add3A_82, %dma_wait3A_129] : memref<80x125xi32, #tpu.memory_space<vmem>> -> memref<1x125xi32, #tpu.memory_space<vmem>>
        %dma_wait3A_131 = tpu.memref_squeeze %dma_wait3A_130 : memref<1x125xi32, #tpu.memory_space<vmem>> -> memref<125xi32, #tpu.memory_space<vmem>>
        %dma_wait3A_132 = arith.constant 0 : i32
        %dma_wait3A_133 = arith.constant 0 : i32
        %dma_wait3A_134 = tpu.memref_slice %arg6[%dma_wait3A_132, %dma_wait3A_133] : memref<10240x128xf32, #tpu.memory_space<vmem_shared>> -> memref<10240x128xf32, #tpu.memory_space<vmem_shared>>
        tpu.wait_indirect_dma semaphore(%run_scoped3A : memref<!tpu.dma_semaphore, #tpu.memory_space<semaphore_mem>>) src(%dma_wait3A_128 : memref<125x128xf32, #tpu.memory_space<vmem>>) dst(%dma_wait3A_134 : memref<10240x128xf32, #tpu.memory_space<vmem_shared>>)
        tpu.yield
      }) : () -> ()
      %add3A_92 = arith.constant 2 : i32
      %add3A_93 = arith.addi %add3A_82, %add3A_92 : i32
      %lt3A = arith.constant 80 : i32
      %lt3A_94 = arith.cmpi slt, %add3A_93, %lt3A : i32
      %convert_element_type3A = arith.extui %lt3A_94 : i1 to i32
      %cond3A = arith.constant 0 : i32
      %cond3A_95 = arith.cmpi ne, %convert_element_type3A, %cond3A : i32
      scf.if %cond3A_95 {
        %add3A_117 = arith.constant 2 : i32
        %add3A_118 = arith.addi %add3A_82, %add3A_117 : i32
        %mul3A_119 = arith.constant 80 : i32
        %mul3A_120 = arith.muli %arg1, %mul3A_119 : i32
        %add3A_121 = arith.addi %mul3A_120, %add3A_118 : i32
        "tpu.region"() ({
          %run_scoped3A = tpu.sem_alloc : memref<!tpu.dma_semaphore, #tpu.memory_space<semaphore_mem>>
          %dma_start3A_132 = arith.constant 0 : i32
          %dma_start3A_133 = tpu.memref_slice %arg3[%add3A_121, %dma_start3A_132] : memref<1280x125xi32, #tpu.memory_space<hbm>> -> memref<1x125xi32, #tpu.memory_space<hbm>>
          %dma_start3A_134 = tpu.memref_squeeze %dma_start3A_133 : memref<1x125xi32, #tpu.memory_space<hbm>> -> memref<125xi32, #tpu.memory_space<hbm>>
          %dma_start3A_135 = arith.constant 0 : i32
          %dma_start3A_136 = tpu.memref_slice %arg3[%add3A_121, %dma_start3A_135] : memref<1280x125xi32, #tpu.memory_space<hbm>> -> memref<1x125xi32, #tpu.memory_space<hbm>>
          %dma_start3A_137 = tpu.memref_squeeze %dma_start3A_136 : memref<1x125xi32, #tpu.memory_space<hbm>> -> memref<125xi32, #tpu.memory_space<hbm>>
          tpu.enqueue_dma source(%dma_start3A_137 : memref<125xi32, #tpu.memory_space<hbm>>) target(%arg8 : memref<125xi32, #tpu.memory_space<vmem>>) target_semaphore(%run_scoped3A : memref<!tpu.dma_semaphore, #tpu.memory_space<semaphore_mem>>)
          %dma_wait3A_138 = arith.constant 0 : i32
          %dma_wait3A_139 = tpu.memref_slice %arg3[%add3A_121, %dma_wait3A_138] : memref<1280x125xi32, #tpu.memory_space<hbm>> -> memref<1x125xi32, #tpu.memory_space<hbm>>
          %dma_wait3A_140 = tpu.memref_squeeze %dma_wait3A_139 : memref<1x125xi32, #tpu.memory_space<hbm>> -> memref<125xi32, #tpu.memory_space<hbm>>
          %dma_wait3A_141 = arith.constant 0 : i32
          %dma_wait3A_142 = tpu.memref_slice %arg3[%add3A_121, %dma_wait3A_141] : memref<1280x125xi32, #tpu.memory_space<hbm>> -> memref<1x125xi32, #tpu.memory_space<hbm>>
          %dma_wait3A_143 = tpu.memref_squeeze %dma_wait3A_142 : memref<1x125xi32, #tpu.memory_space<hbm>> -> memref<125xi32, #tpu.memory_space<hbm>>
          tpu.wait_dma2 semaphore(%run_scoped3A : memref<!tpu.dma_semaphore, #tpu.memory_space<semaphore_mem>>) src(%dma_wait3A_143 : memref<125xi32, #tpu.memory_space<hbm>>) dst(%arg8 : memref<125xi32, #tpu.memory_space<vmem>>)
          tpu.yield
        }) : () -> ()
        %dma_start3A_122 = arith.constant 0 : i32
        %dma_start3A_123 = arith.constant 0 : i32
        %dma_start3A_124 = tpu.memref_slice %arg9[%dma_start3A_122, %dma_start3A_123] : memref<128x128xf32, #tpu.memory_space<vmem>> -> memref<125x128xf32, #tpu.memory_space<vmem>>
        %dma_start3A_125 = arith.constant 0 : i32
        %dma_start3A_126 = arith.constant 0 : i32
        %dma_start3A_127 = tpu.memref_slice %arg2[%add3A_42, %dma_start3A_125, %dma_start3A_126] : memref<4x10240x128xf32, #tpu.memory_space<hbm>> -> memref<1x10240x128xf32, #tpu.memory_space<hbm>>
        %dma_start3A_128 = tpu.memref_squeeze %dma_start3A_127 : memref<1x10240x128xf32, #tpu.memory_space<hbm>> -> memref<10240x128xf32, #tpu.memory_space<hbm>>
        %dma_start3A_129 = arith.constant 0 : i32
        %dma_start3A_130 = arith.constant 0 : i32
        %dma_start3A_131 = tpu.memref_slice %dma_start3A_128[%dma_start3A_129, %dma_start3A_130] : memref<10240x128xf32, #tpu.memory_space<hbm>> -> memref<10240x128xf32, #tpu.memory_space<hbm>>
        tpu.enqueue_indirect_dma source(%dma_start3A_131 : memref<10240x128xf32, #tpu.memory_space<hbm>>) target(%dma_start3A_124 : memref<125x128xf32, #tpu.memory_space<vmem>>) offsets(%arg8 : memref<125xi32, #tpu.memory_space<vmem>>) semaphore(%arg10 : memref<!tpu.dma_semaphore, #tpu.memory_space<semaphore_mem>>)
      } else {
      }
      %mul3A_96 = arith.constant 2 : i32
      %mul3A_97 = arith.muli %mul3A_96, %scan3A_78 : i32
      %add3A_98 = arith.constant 1 : i32
      %add3A_99 = arith.addi %mul3A_97, %add3A_98 : i32
      %dma_wait3A_100 = arith.constant 0 : i32
      %dma_wait3A_101 = arith.constant 0 : i32
      %dma_wait3A_102 = tpu.memref_slice %arg12[%dma_wait3A_100, %dma_wait3A_101] : memref<128x128xf32, #tpu.memory_space<vmem>> -> memref<125x128xf32, #tpu.memory_space<vmem>>
      %dma_wait3A_103 = arith.constant 0 : i32
      %dma_wait3A_104 = arith.constant 0 : i32
      %dma_wait3A_105 = tpu.memref_slice %arg2[%add3A_42, %dma_wait3A_103, %dma_wait3A_104] : memref<4x10240x128xf32, #tpu.memory_space<hbm>> -> memref<1x10240x128xf32, #tpu.memory_space<hbm>>
      %dma_wait3A_106 = tpu.memref_squeeze %dma_wait3A_105 : memref<1x10240x128xf32, #tpu.memory_space<hbm>> -> memref<10240x128xf32, #tpu.memory_space<hbm>>
      %dma_wait3A_107 = arith.constant 0 : i32
      %dma_wait3A_108 = arith.constant 0 : i32
      %dma_wait3A_109 = tpu.memref_slice %dma_wait3A_106[%dma_wait3A_107, %dma_wait3A_108] : memref<10240x128xf32, #tpu.memory_space<hbm>> -> memref<10240x128xf32, #tpu.memory_space<hbm>>
      tpu.wait_indirect_dma semaphore(%arg13 : memref<!tpu.dma_semaphore, #tpu.memory_space<semaphore_mem>>) src(%dma_wait3A_109 : memref<10240x128xf32, #tpu.memory_space<hbm>>) dst(%dma_wait3A_102 : memref<125x128xf32, #tpu.memory_space<vmem>>)
      "tpu.region"() ({
        %run_scoped3A = tpu.sem_alloc : memref<!tpu.dma_semaphore, #tpu.memory_space<semaphore_mem>>
        %dma_start3A_117 = arith.constant 0 : i32
        %dma_start3A_118 = arith.constant 0 : i32
        %dma_start3A_119 = tpu.memref_slice %arg12[%dma_start3A_117, %dma_start3A_118] : memref<128x128xf32, #tpu.memory_space<vmem>> -> memref<125x128xf32, #tpu.memory_space<vmem>>
        %dma_start3A_120 = arith.constant 0 : i32
        %dma_start3A_121 = tpu.memref_slice %arg7[%add3A_99, %dma_start3A_120] : memref<80x125xi32, #tpu.memory_space<vmem>> -> memref<1x125xi32, #tpu.memory_space<vmem>>
        %dma_start3A_122 = tpu.memref_squeeze %dma_start3A_121 : memref<1x125xi32, #tpu.memory_space<vmem>> -> memref<125xi32, #tpu.memory_space<vmem>>
        %dma_start3A_123 = arith.constant 0 : i32
        %dma_start3A_124 = arith.constant 0 : i32
        %dma_start3A_125 = tpu.memref_slice %arg6[%dma_start3A_123, %dma_start3A_124] : memref<10240x128xf32, #tpu.memory_space<vmem_shared>> -> memref<10240x128xf32, #tpu.memory_space<vmem_shared>>
        tpu.enqueue_indirect_dma source(%dma_start3A_119 : memref<125x128xf32, #tpu.memory_space<vmem>>) target(%dma_start3A_125 : memref<10240x128xf32, #tpu.memory_space<vmem_shared>>) offsets(%dma_start3A_122 : memref<125xi32, #tpu.memory_space<vmem>>) semaphore(%run_scoped3A : memref<!tpu.dma_semaphore, #tpu.memory_space<semaphore_mem>>) {add = true}
        %dma_wait3A_126 = arith.constant 0 : i32
        %dma_wait3A_127 = arith.constant 0 : i32
        %dma_wait3A_128 = tpu.memref_slice %arg12[%dma_wait3A_126, %dma_wait3A_127] : memref<128x128xf32, #tpu.memory_space<vmem>> -> memref<125x128xf32, #tpu.memory_space<vmem>>
        %dma_wait3A_129 = arith.constant 0 : i32
        %dma_wait3A_130 = tpu.memref_slice %arg7[%add3A_99, %dma_wait3A_129] : memref<80x125xi32, #tpu.memory_space<vmem>> -> memref<1x125xi32, #tpu.memory_space<vmem>>
        %dma_wait3A_131 = tpu.memref_squeeze %dma_wait3A_130 : memref<1x125xi32, #tpu.memory_space<vmem>> -> memref<125xi32, #tpu.memory_space<vmem>>
        %dma_wait3A_132 = arith.constant 0 : i32
        %dma_wait3A_133 = arith.constant 0 : i32
        %dma_wait3A_134 = tpu.memref_slice %arg6[%dma_wait3A_132, %dma_wait3A_133] : memref<10240x128xf32, #tpu.memory_space<vmem_shared>> -> memref<10240x128xf32, #tpu.memory_space<vmem_shared>>
        tpu.wait_indirect_dma semaphore(%run_scoped3A : memref<!tpu.dma_semaphore, #tpu.memory_space<semaphore_mem>>) src(%dma_wait3A_128 : memref<125x128xf32, #tpu.memory_space<vmem>>) dst(%dma_wait3A_134 : memref<10240x128xf32, #tpu.memory_space<vmem_shared>>)
        tpu.yield
      }) : () -> ()
      %add3A_110 = arith.constant 2 : i32
      %add3A_111 = arith.addi %add3A_99, %add3A_110 : i32
      %lt3A_112 = arith.constant 80 : i32
      %lt3A_113 = arith.cmpi slt, %add3A_111, %lt3A_112 : i32
      %convert_element_type3A_114 = arith.extui %lt3A_113 : i1 to i32
      %cond3A_115 = arith.constant 0 : i32
      %cond3A_116 = arith.cmpi ne, %convert_element_type3A_114, %cond3A_115 : i32
      scf.if %cond3A_116 {
        %add3A_117 = arith.constant 2 : i32
        %add3A_118 = arith.addi %add3A_99, %add3A_117 : i32
        %mul3A_119 = arith.constant 80 : i32
        %mul3A_120 = arith.muli %arg1, %mul3A_119 : i32
        %add3A_121 = arith.addi %mul3A_120, %add3A_118 : i32
        "tpu.region"() ({
          %run_scoped3A = tpu.sem_alloc : memref<!tpu.dma_semaphore, #tpu.memory_space<semaphore_mem>>
          %dma_start3A_132 = arith.constant 0 : i32
          %dma_start3A_133 = tpu.memref_slice %arg3[%add3A_121, %dma_start3A_132] : memref<1280x125xi32, #tpu.memory_space<hbm>> -> memref<1x125xi32, #tpu.memory_space<hbm>>
          %dma_start3A_134 = tpu.memref_squeeze %dma_start3A_133 : memref<1x125xi32, #tpu.memory_space<hbm>> -> memref<125xi32, #tpu.memory_space<hbm>>
          %dma_start3A_135 = arith.constant 0 : i32
          %dma_start3A_136 = tpu.memref_slice %arg3[%add3A_121, %dma_start3A_135] : memref<1280x125xi32, #tpu.memory_space<hbm>> -> memref<1x125xi32, #tpu.memory_space<hbm>>
          %dma_start3A_137 = tpu.memref_squeeze %dma_start3A_136 : memref<1x125xi32, #tpu.memory_space<hbm>> -> memref<125xi32, #tpu.memory_space<hbm>>
          tpu.enqueue_dma source(%dma_start3A_137 : memref<125xi32, #tpu.memory_space<hbm>>) target(%arg11 : memref<125xi32, #tpu.memory_space<vmem>>) target_semaphore(%run_scoped3A : memref<!tpu.dma_semaphore, #tpu.memory_space<semaphore_mem>>)
          %dma_wait3A_138 = arith.constant 0 : i32
          %dma_wait3A_139 = tpu.memref_slice %arg3[%add3A_121, %dma_wait3A_138] : memref<1280x125xi32, #tpu.memory_space<hbm>> -> memref<1x125xi32, #tpu.memory_space<hbm>>
          %dma_wait3A_140 = tpu.memref_squeeze %dma_wait3A_139 : memref<1x125xi32, #tpu.memory_space<hbm>> -> memref<125xi32, #tpu.memory_space<hbm>>
          %dma_wait3A_141 = arith.constant 0 : i32
          %dma_wait3A_142 = tpu.memref_slice %arg3[%add3A_121, %dma_wait3A_141] : memref<1280x125xi32, #tpu.memory_space<hbm>> -> memref<1x125xi32, #tpu.memory_space<hbm>>
          %dma_wait3A_143 = tpu.memref_squeeze %dma_wait3A_142 : memref<1x125xi32, #tpu.memory_space<hbm>> -> memref<125xi32, #tpu.memory_space<hbm>>
          tpu.wait_dma2 semaphore(%run_scoped3A : memref<!tpu.dma_semaphore, #tpu.memory_space<semaphore_mem>>) src(%dma_wait3A_143 : memref<125xi32, #tpu.memory_space<hbm>>) dst(%arg11 : memref<125xi32, #tpu.memory_space<vmem>>)
          tpu.yield
        }) : () -> ()
        %dma_start3A_122 = arith.constant 0 : i32
        %dma_start3A_123 = arith.constant 0 : i32
        %dma_start3A_124 = tpu.memref_slice %arg12[%dma_start3A_122, %dma_start3A_123] : memref<128x128xf32, #tpu.memory_space<vmem>> -> memref<125x128xf32, #tpu.memory_space<vmem>>
        %dma_start3A_125 = arith.constant 0 : i32
        %dma_start3A_126 = arith.constant 0 : i32
        %dma_start3A_127 = tpu.memref_slice %arg2[%add3A_42, %dma_start3A_125, %dma_start3A_126] : memref<4x10240x128xf32, #tpu.memory_space<hbm>> -> memref<1x10240x128xf32, #tpu.memory_space<hbm>>
        %dma_start3A_128 = tpu.memref_squeeze %dma_start3A_127 : memref<1x10240x128xf32, #tpu.memory_space<hbm>> -> memref<10240x128xf32, #tpu.memory_space<hbm>>
        %dma_start3A_129 = arith.constant 0 : i32
        %dma_start3A_130 = arith.constant 0 : i32
        %dma_start3A_131 = tpu.memref_slice %dma_start3A_128[%dma_start3A_129, %dma_start3A_130] : memref<10240x128xf32, #tpu.memory_space<hbm>> -> memref<10240x128xf32, #tpu.memory_space<hbm>>
        tpu.enqueue_indirect_dma source(%dma_start3A_131 : memref<10240x128xf32, #tpu.memory_space<hbm>>) target(%dma_start3A_124 : memref<125x128xf32, #tpu.memory_space<vmem>>) offsets(%arg11 : memref<125xi32, #tpu.memory_space<vmem>>) semaphore(%arg13 : memref<!tpu.dma_semaphore, #tpu.memory_space<semaphore_mem>>)
      } else {
      }
    }
    %scan3A_76 = arith.constant 40 : i32
    %barrier3A_77 = arith.constant 0 : index
    tpu.barrier barrier_id(%barrier3A_77)
    "tpu.region"() ({
      %run_scoped3A = tpu.sem_alloc : memref<!tpu.dma_semaphore, #tpu.memory_space<semaphore_mem>>
      %dma_start3A_78 = arith.constant 0 : i32
      %dma_start3A_79 = tpu.memref_slice %arg5[%add3A_42, %mul3A_0, %dma_start3A_78] : memref<4x10240x128xf32, #tpu.memory_space<hbm>> -> memref<1x640x128xf32, #tpu.memory_space<hbm>>
      %dma_start3A_80 = tpu.memref_squeeze %dma_start3A_79 : memref<1x640x128xf32, #tpu.memory_space<hbm>> -> memref<640x128xf32, #tpu.memory_space<hbm>>
      %dma_start3A_81 = arith.constant 0 : i32
      %dma_start3A_82 = tpu.memref_slice %arg6[%mul3A_0, %dma_start3A_81] : memref<10240x128xf32, #tpu.memory_space<vmem_shared>> -> memref<640x128xf32, #tpu.memory_space<vmem_shared>>
      tpu.enqueue_dma source(%dma_start3A_82 : memref<640x128xf32, #tpu.memory_space<vmem_shared>>) target(%dma_start3A_80 : memref<640x128xf32, #tpu.memory_space<hbm>>) target_semaphore(%run_scoped3A : memref<!tpu.dma_semaphore, #tpu.memory_space<semaphore_mem>>)
      %dma_wait3A = arith.constant 0 : i32
      %dma_wait3A_83 = tpu.memref_slice %arg5[%add3A_42, %mul3A_0, %dma_wait3A] : memref<4x10240x128xf32, #tpu.memory_space<hbm>> -> memref<1x640x128xf32, #tpu.memory_space<hbm>>
      %dma_wait3A_84 = tpu.memref_squeeze %dma_wait3A_83 : memref<1x640x128xf32, #tpu.memory_space<hbm>> -> memref<640x128xf32, #tpu.memory_space<hbm>>
      %dma_wait3A_85 = arith.constant 0 : i32
      %dma_wait3A_86 = tpu.memref_slice %arg6[%mul3A_0, %dma_wait3A_85] : memref<10240x128xf32, #tpu.memory_space<vmem_shared>> -> memref<640x128xf32, #tpu.memory_space<vmem_shared>>
      tpu.wait_dma2 semaphore(%run_scoped3A : memref<!tpu.dma_semaphore, #tpu.memory_space<semaphore_mem>>) src(%dma_wait3A_86 : memref<640x128xf32, #tpu.memory_space<vmem_shared>>) dst(%dma_wait3A_84 : memref<640x128xf32, #tpu.memory_space<hbm>>)
      tpu.yield
    }) : () -> ()
    return
  }
}

#map = affine_map<(d0, d1) -> (0, 0, 0)>
#map1 = affine_map<(d0, d1) -> (0, 0)>
module attributes {stable_mosaic.version = 14 : i64} {
  func.func @_sc_agg_body(%arg0: i32, %arg1: i32, %arg2: memref<4x10240x128xf32, #tpu.memory_space<hbm>>, %arg3: memref<1280x125xi32, #tpu.memory_space<hbm>>, %arg4: memref<1280x125xi32, #tpu.memory_space<hbm>>, %arg5: memref<4x10240x128xf32, #tpu.memory_space<hbm>>, %arg6: memref<10240x128xf32, #tpu.memory_space<vmem_shared>>, %arg7: memref<80x125xi32, #tpu.memory_space<vmem>>, %arg8: memref<125xi32, #tpu.memory_space<vmem>>, %arg9: memref<128x128xf32, #tpu.memory_space<vmem>>, %arg10: memref<!tpu.dma_semaphore, #tpu.memory_space<semaphore_mem>>, %arg11: memref<125xi32, #tpu.memory_space<vmem>>, %arg12: memref<128x128xf32, #tpu.memory_space<vmem>>, %arg13: memref<!tpu.dma_semaphore, #tpu.memory_space<semaphore_mem>>) attributes {dimension_semantics = [#tpu.dimension_semantics<core_parallel>, #tpu.dimension_semantics<subcore_parallel>], iteration_bounds = array<i64: 2, 16>, scalar_prefetch = 0 : i64, scratch_operands = 8 : i64, tpu.core_type = #tpu.core_type<sc_vector_subcore>, window_params = [{transform_indices = #map}, {transform_indices = #map1}, {transform_indices = #map1}, {transform_indices = #map}]} {
    %mul3A = arith.constant 640 : i32
    %mul3A_0 = arith.muli %arg1, %mul3A : i32
    %mul3A_1 = arith.constant 80 : i32
    %mul3A_2 = arith.muli %arg1, %mul3A_1 : i32
    "tpu.region"() ({
      %run_scoped3A = tpu.sem_alloc : memref<!tpu.dma_semaphore, #tpu.memory_space<semaphore_mem>>
      %dma_start3A_78 = arith.constant 0 : i32
      %dma_start3A_79 = tpu.memref_slice %arg4[%mul3A_2, %dma_start3A_78] : memref<1280x125xi32, #tpu.memory_space<hbm>> -> memref<80x125xi32, #tpu.memory_space<hbm>>
      %dma_start3A_80 = arith.constant 0 : i32
      %dma_start3A_81 = tpu.memref_slice %arg4[%mul3A_2, %dma_start3A_80] : memref<1280x125xi32, #tpu.memory_space<hbm>> -> memref<80x125xi32, #tpu.memory_space<hbm>>
      tpu.enqueue_dma source(%dma_start3A_81 : memref<80x125xi32, #tpu.memory_space<hbm>>) target(%arg7 : memref<80x125xi32, #tpu.memory_space<vmem>>) target_semaphore(%run_scoped3A : memref<!tpu.dma_semaphore, #tpu.memory_space<semaphore_mem>>)
      %dma_wait3A = arith.constant 0 : i32
      %dma_wait3A_82 = tpu.memref_slice %arg4[%mul3A_2, %dma_wait3A] : memref<1280x125xi32, #tpu.memory_space<hbm>> -> memref<80x125xi32, #tpu.memory_space<hbm>>
      %dma_wait3A_83 = arith.constant 0 : i32
      %dma_wait3A_84 = tpu.memref_slice %arg4[%mul3A_2, %dma_wait3A_83] : memref<1280x125xi32, #tpu.memory_space<hbm>> -> memref<80x125xi32, #tpu.memory_space<hbm>>
      tpu.wait_dma2 semaphore(%run_scoped3A : memref<!tpu.dma_semaphore, #tpu.memory_space<semaphore_mem>>) src(%dma_wait3A_84 : memref<80x125xi32, #tpu.memory_space<hbm>>) dst(%arg7 : memref<80x125xi32, #tpu.memory_space<vmem>>)
      tpu.yield
    }) : () -> ()
    %mul3A_3 = arith.constant 2 : i32
    %mul3A_4 = arith.muli %arg0, %mul3A_3 : i32
    %add3A = arith.constant 0 : i32
    %add3A_5 = arith.addi %mul3A_4, %add3A : i32
    "tpu.region"() ({
      %run_scoped3A = tpu.sem_alloc : memref<!tpu.dma_semaphore, #tpu.memory_space<semaphore_mem>>
      %dma_start3A_78 = arith.constant 0 : i32
      %dma_start3A_79 = tpu.memref_slice %arg6[%mul3A_0, %dma_start3A_78] : memref<10240x128xf32, #tpu.memory_space<vmem_shared>> -> memref<640x128xf32, #tpu.memory_space<vmem_shared>>
      %dma_start3A_80 = arith.constant 0 : i32
      %dma_start3A_81 = tpu.memref_slice %arg2[%add3A_5, %mul3A_0, %dma_start3A_80] : memref<4x10240x128xf32, #tpu.memory_space<hbm>> -> memref<1x640x128xf32, #tpu.memory_space<hbm>>
      %dma_start3A_82 = tpu.memref_squeeze %dma_start3A_81 : memref<1x640x128xf32, #tpu.memory_space<hbm>> -> memref<640x128xf32, #tpu.memory_space<hbm>>
      tpu.enqueue_dma source(%dma_start3A_82 : memref<640x128xf32, #tpu.memory_space<hbm>>) target(%dma_start3A_79 : memref<640x128xf32, #tpu.memory_space<vmem_shared>>) target_semaphore(%run_scoped3A : memref<!tpu.dma_semaphore, #tpu.memory_space<semaphore_mem>>)
      %dma_wait3A = arith.constant 0 : i32
      %dma_wait3A_83 = tpu.memref_slice %arg6[%mul3A_0, %dma_wait3A] : memref<10240x128xf32, #tpu.memory_space<vmem_shared>> -> memref<640x128xf32, #tpu.memory_space<vmem_shared>>
      %dma_wait3A_84 = arith.constant 0 : i32
      %dma_wait3A_85 = tpu.memref_slice %arg2[%add3A_5, %mul3A_0, %dma_wait3A_84] : memref<4x10240x128xf32, #tpu.memory_space<hbm>> -> memref<1x640x128xf32, #tpu.memory_space<hbm>>
      %dma_wait3A_86 = tpu.memref_squeeze %dma_wait3A_85 : memref<1x640x128xf32, #tpu.memory_space<hbm>> -> memref<640x128xf32, #tpu.memory_space<hbm>>
      tpu.wait_dma2 semaphore(%run_scoped3A : memref<!tpu.dma_semaphore, #tpu.memory_space<semaphore_mem>>) src(%dma_wait3A_86 : memref<640x128xf32, #tpu.memory_space<hbm>>) dst(%dma_wait3A_83 : memref<640x128xf32, #tpu.memory_space<vmem_shared>>)
      tpu.yield
    }) : () -> ()
    %barrier3A = arith.constant 0 : index
    tpu.barrier barrier_id(%barrier3A)
    %mul3A_6 = arith.constant 80 : i32
    %mul3A_7 = arith.muli %arg1, %mul3A_6 : i32
    %add3A_8 = arith.constant 0 : i32
    %add3A_9 = arith.addi %mul3A_7, %add3A_8 : i32
    "tpu.region"() ({
      %run_scoped3A = tpu.sem_alloc : memref<!tpu.dma_semaphore, #tpu.memory_space<semaphore_mem>>
      %dma_start3A_78 = arith.constant 0 : i32
      %dma_start3A_79 = tpu.memref_slice %arg3[%add3A_9, %dma_start3A_78] : memref<1280x125xi32, #tpu.memory_space<hbm>> -> memref<1x125xi32, #tpu.memory_space<hbm>>
      %dma_start3A_80 = tpu.memref_squeeze %dma_start3A_79 : memref<1x125xi32, #tpu.memory_space<hbm>> -> memref<125xi32, #tpu.memory_space<hbm>>
      %dma_start3A_81 = arith.constant 0 : i32
      %dma_start3A_82 = tpu.memref_slice %arg3[%add3A_9, %dma_start3A_81] : memref<1280x125xi32, #tpu.memory_space<hbm>> -> memref<1x125xi32, #tpu.memory_space<hbm>>
      %dma_start3A_83 = tpu.memref_squeeze %dma_start3A_82 : memref<1x125xi32, #tpu.memory_space<hbm>> -> memref<125xi32, #tpu.memory_space<hbm>>
      tpu.enqueue_dma source(%dma_start3A_83 : memref<125xi32, #tpu.memory_space<hbm>>) target(%arg8 : memref<125xi32, #tpu.memory_space<vmem>>) target_semaphore(%run_scoped3A : memref<!tpu.dma_semaphore, #tpu.memory_space<semaphore_mem>>)
      %dma_wait3A = arith.constant 0 : i32
      %dma_wait3A_84 = tpu.memref_slice %arg3[%add3A_9, %dma_wait3A] : memref<1280x125xi32, #tpu.memory_space<hbm>> -> memref<1x125xi32, #tpu.memory_space<hbm>>
      %dma_wait3A_85 = tpu.memref_squeeze %dma_wait3A_84 : memref<1x125xi32, #tpu.memory_space<hbm>> -> memref<125xi32, #tpu.memory_space<hbm>>
      %dma_wait3A_86 = arith.constant 0 : i32
      %dma_wait3A_87 = tpu.memref_slice %arg3[%add3A_9, %dma_wait3A_86] : memref<1280x125xi32, #tpu.memory_space<hbm>> -> memref<1x125xi32, #tpu.memory_space<hbm>>
      %dma_wait3A_88 = tpu.memref_squeeze %dma_wait3A_87 : memref<1x125xi32, #tpu.memory_space<hbm>> -> memref<125xi32, #tpu.memory_space<hbm>>
      tpu.wait_dma2 semaphore(%run_scoped3A : memref<!tpu.dma_semaphore, #tpu.memory_space<semaphore_mem>>) src(%dma_wait3A_88 : memref<125xi32, #tpu.memory_space<hbm>>) dst(%arg8 : memref<125xi32, #tpu.memory_space<vmem>>)
      tpu.yield
    }) : () -> ()
    %dma_start3A = arith.constant 0 : i32
    %dma_start3A_10 = arith.constant 0 : i32
    %dma_start3A_11 = tpu.memref_slice %arg9[%dma_start3A, %dma_start3A_10] : memref<128x128xf32, #tpu.memory_space<vmem>> -> memref<125x128xf32, #tpu.memory_space<vmem>>
    %dma_start3A_12 = arith.constant 0 : i32
    %dma_start3A_13 = arith.constant 0 : i32
    %dma_start3A_14 = tpu.memref_slice %arg2[%add3A_5, %dma_start3A_12, %dma_start3A_13] : memref<4x10240x128xf32, #tpu.memory_space<hbm>> -> memref<1x10240x128xf32, #tpu.memory_space<hbm>>
    %dma_start3A_15 = tpu.memref_squeeze %dma_start3A_14 : memref<1x10240x128xf32, #tpu.memory_space<hbm>> -> memref<10240x128xf32, #tpu.memory_space<hbm>>
    %dma_start3A_16 = arith.constant 0 : i32
    %dma_start3A_17 = arith.constant 0 : i32
    %dma_start3A_18 = tpu.memref_slice %dma_start3A_15[%dma_start3A_16, %dma_start3A_17] : memref<10240x128xf32, #tpu.memory_space<hbm>> -> memref<10240x128xf32, #tpu.memory_space<hbm>>
    tpu.enqueue_indirect_dma source(%dma_start3A_18 : memref<10240x128xf32, #tpu.memory_space<hbm>>) target(%dma_start3A_11 : memref<125x128xf32, #tpu.memory_space<vmem>>) offsets(%arg8 : memref<125xi32, #tpu.memory_space<vmem>>) semaphore(%arg10 : memref<!tpu.dma_semaphore, #tpu.memory_space<semaphore_mem>>)
    %mul3A_19 = arith.constant 80 : i32
    %mul3A_20 = arith.muli %arg1, %mul3A_19 : i32
    %add3A_21 = arith.constant 1 : i32
    %add3A_22 = arith.addi %mul3A_20, %add3A_21 : i32
    "tpu.region"() ({
      %run_scoped3A = tpu.sem_alloc : memref<!tpu.dma_semaphore, #tpu.memory_space<semaphore_mem>>
      %dma_start3A_78 = arith.constant 0 : i32
      %dma_start3A_79 = tpu.memref_slice %arg3[%add3A_22, %dma_start3A_78] : memref<1280x125xi32, #tpu.memory_space<hbm>> -> memref<1x125xi32, #tpu.memory_space<hbm>>
      %dma_start3A_80 = tpu.memref_squeeze %dma_start3A_79 : memref<1x125xi32, #tpu.memory_space<hbm>> -> memref<125xi32, #tpu.memory_space<hbm>>
      %dma_start3A_81 = arith.constant 0 : i32
      %dma_start3A_82 = tpu.memref_slice %arg3[%add3A_22, %dma_start3A_81] : memref<1280x125xi32, #tpu.memory_space<hbm>> -> memref<1x125xi32, #tpu.memory_space<hbm>>
      %dma_start3A_83 = tpu.memref_squeeze %dma_start3A_82 : memref<1x125xi32, #tpu.memory_space<hbm>> -> memref<125xi32, #tpu.memory_space<hbm>>
      tpu.enqueue_dma source(%dma_start3A_83 : memref<125xi32, #tpu.memory_space<hbm>>) target(%arg11 : memref<125xi32, #tpu.memory_space<vmem>>) target_semaphore(%run_scoped3A : memref<!tpu.dma_semaphore, #tpu.memory_space<semaphore_mem>>)
      %dma_wait3A = arith.constant 0 : i32
      %dma_wait3A_84 = tpu.memref_slice %arg3[%add3A_22, %dma_wait3A] : memref<1280x125xi32, #tpu.memory_space<hbm>> -> memref<1x125xi32, #tpu.memory_space<hbm>>
      %dma_wait3A_85 = tpu.memref_squeeze %dma_wait3A_84 : memref<1x125xi32, #tpu.memory_space<hbm>> -> memref<125xi32, #tpu.memory_space<hbm>>
      %dma_wait3A_86 = arith.constant 0 : i32
      %dma_wait3A_87 = tpu.memref_slice %arg3[%add3A_22, %dma_wait3A_86] : memref<1280x125xi32, #tpu.memory_space<hbm>> -> memref<1x125xi32, #tpu.memory_space<hbm>>
      %dma_wait3A_88 = tpu.memref_squeeze %dma_wait3A_87 : memref<1x125xi32, #tpu.memory_space<hbm>> -> memref<125xi32, #tpu.memory_space<hbm>>
      tpu.wait_dma2 semaphore(%run_scoped3A : memref<!tpu.dma_semaphore, #tpu.memory_space<semaphore_mem>>) src(%dma_wait3A_88 : memref<125xi32, #tpu.memory_space<hbm>>) dst(%arg11 : memref<125xi32, #tpu.memory_space<vmem>>)
      tpu.yield
    }) : () -> ()
    %dma_start3A_23 = arith.constant 0 : i32
    %dma_start3A_24 = arith.constant 0 : i32
    %dma_start3A_25 = tpu.memref_slice %arg12[%dma_start3A_23, %dma_start3A_24] : memref<128x128xf32, #tpu.memory_space<vmem>> -> memref<125x128xf32, #tpu.memory_space<vmem>>
    %dma_start3A_26 = arith.constant 0 : i32
    %dma_start3A_27 = arith.constant 0 : i32
    %dma_start3A_28 = tpu.memref_slice %arg2[%add3A_5, %dma_start3A_26, %dma_start3A_27] : memref<4x10240x128xf32, #tpu.memory_space<hbm>> -> memref<1x10240x128xf32, #tpu.memory_space<hbm>>
    %dma_start3A_29 = tpu.memref_squeeze %dma_start3A_28 : memref<1x10240x128xf32, #tpu.memory_space<hbm>> -> memref<10240x128xf32, #tpu.memory_space<hbm>>
    %dma_start3A_30 = arith.constant 0 : i32
    %dma_start3A_31 = arith.constant 0 : i32
    %dma_start3A_32 = tpu.memref_slice %dma_start3A_29[%dma_start3A_30, %dma_start3A_31] : memref<10240x128xf32, #tpu.memory_space<hbm>> -> memref<10240x128xf32, #tpu.memory_space<hbm>>
    tpu.enqueue_indirect_dma source(%dma_start3A_32 : memref<10240x128xf32, #tpu.memory_space<hbm>>) target(%dma_start3A_25 : memref<125x128xf32, #tpu.memory_space<vmem>>) offsets(%arg11 : memref<125xi32, #tpu.memory_space<vmem>>) semaphore(%arg13 : memref<!tpu.dma_semaphore, #tpu.memory_space<semaphore_mem>>)
    %scan3A = arith.constant 0 : i32
    %scan3A_33 = arith.constant 40 : i32
    %scan3A_34 = arith.addi %scan3A, %scan3A_33 : i32
    %scan3A_35 = arith.constant 1 : i32
    scf.for %scan3A_78 = %scan3A to %scan3A_34 step %scan3A_35  : i32 {
      %mul3A_79 = arith.constant 2 : i32
      %mul3A_80 = arith.muli %mul3A_79, %scan3A_78 : i32
      %add3A_81 = arith.constant 0 : i32
      %add3A_82 = arith.addi %mul3A_80, %add3A_81 : i32
      %dma_wait3A = arith.constant 0 : i32
      %dma_wait3A_83 = arith.constant 0 : i32
      %dma_wait3A_84 = tpu.memref_slice %arg9[%dma_wait3A, %dma_wait3A_83] : memref<128x128xf32, #tpu.memory_space<vmem>> -> memref<125x128xf32, #tpu.memory_space<vmem>>
      %dma_wait3A_85 = arith.constant 0 : i32
      %dma_wait3A_86 = arith.constant 0 : i32
      %dma_wait3A_87 = tpu.memref_slice %arg2[%add3A_5, %dma_wait3A_85, %dma_wait3A_86] : memref<4x10240x128xf32, #tpu.memory_space<hbm>> -> memref<1x10240x128xf32, #tpu.memory_space<hbm>>
      %dma_wait3A_88 = tpu.memref_squeeze %dma_wait3A_87 : memref<1x10240x128xf32, #tpu.memory_space<hbm>> -> memref<10240x128xf32, #tpu.memory_space<hbm>>
      %dma_wait3A_89 = arith.constant 0 : i32
      %dma_wait3A_90 = arith.constant 0 : i32
      %dma_wait3A_91 = tpu.memref_slice %dma_wait3A_88[%dma_wait3A_89, %dma_wait3A_90] : memref<10240x128xf32, #tpu.memory_space<hbm>> -> memref<10240x128xf32, #tpu.memory_space<hbm>>
      tpu.wait_indirect_dma semaphore(%arg10 : memref<!tpu.dma_semaphore, #tpu.memory_space<semaphore_mem>>) src(%dma_wait3A_91 : memref<10240x128xf32, #tpu.memory_space<hbm>>) dst(%dma_wait3A_84 : memref<125x128xf32, #tpu.memory_space<vmem>>)
      "tpu.region"() ({
        %run_scoped3A = tpu.sem_alloc : memref<!tpu.dma_semaphore, #tpu.memory_space<semaphore_mem>>
        %dma_start3A_117 = arith.constant 0 : i32
        %dma_start3A_118 = arith.constant 0 : i32
        %dma_start3A_119 = tpu.memref_slice %arg9[%dma_start3A_117, %dma_start3A_118] : memref<128x128xf32, #tpu.memory_space<vmem>> -> memref<125x128xf32, #tpu.memory_space<vmem>>
        %dma_start3A_120 = arith.constant 0 : i32
        %dma_start3A_121 = tpu.memref_slice %arg7[%add3A_82, %dma_start3A_120] : memref<80x125xi32, #tpu.memory_space<vmem>> -> memref<1x125xi32, #tpu.memory_space<vmem>>
        %dma_start3A_122 = tpu.memref_squeeze %dma_start3A_121 : memref<1x125xi32, #tpu.memory_space<vmem>> -> memref<125xi32, #tpu.memory_space<vmem>>
        %dma_start3A_123 = arith.constant 0 : i32
        %dma_start3A_124 = arith.constant 0 : i32
        %dma_start3A_125 = tpu.memref_slice %arg6[%dma_start3A_123, %dma_start3A_124] : memref<10240x128xf32, #tpu.memory_space<vmem_shared>> -> memref<10240x128xf32, #tpu.memory_space<vmem_shared>>
        tpu.enqueue_indirect_dma source(%dma_start3A_119 : memref<125x128xf32, #tpu.memory_space<vmem>>) target(%dma_start3A_125 : memref<10240x128xf32, #tpu.memory_space<vmem_shared>>) offsets(%dma_start3A_122 : memref<125xi32, #tpu.memory_space<vmem>>) semaphore(%run_scoped3A : memref<!tpu.dma_semaphore, #tpu.memory_space<semaphore_mem>>) {add = true}
        %dma_wait3A_126 = arith.constant 0 : i32
        %dma_wait3A_127 = arith.constant 0 : i32
        %dma_wait3A_128 = tpu.memref_slice %arg9[%dma_wait3A_126, %dma_wait3A_127] : memref<128x128xf32, #tpu.memory_space<vmem>> -> memref<125x128xf32, #tpu.memory_space<vmem>>
        %dma_wait3A_129 = arith.constant 0 : i32
        %dma_wait3A_130 = tpu.memref_slice %arg7[%add3A_82, %dma_wait3A_129] : memref<80x125xi32, #tpu.memory_space<vmem>> -> memref<1x125xi32, #tpu.memory_space<vmem>>
        %dma_wait3A_131 = tpu.memref_squeeze %dma_wait3A_130 : memref<1x125xi32, #tpu.memory_space<vmem>> -> memref<125xi32, #tpu.memory_space<vmem>>
        %dma_wait3A_132 = arith.constant 0 : i32
        %dma_wait3A_133 = arith.constant 0 : i32
        %dma_wait3A_134 = tpu.memref_slice %arg6[%dma_wait3A_132, %dma_wait3A_133] : memref<10240x128xf32, #tpu.memory_space<vmem_shared>> -> memref<10240x128xf32, #tpu.memory_space<vmem_shared>>
        tpu.wait_indirect_dma semaphore(%run_scoped3A : memref<!tpu.dma_semaphore, #tpu.memory_space<semaphore_mem>>) src(%dma_wait3A_128 : memref<125x128xf32, #tpu.memory_space<vmem>>) dst(%dma_wait3A_134 : memref<10240x128xf32, #tpu.memory_space<vmem_shared>>)
        tpu.yield
      }) : () -> ()
      %add3A_92 = arith.constant 2 : i32
      %add3A_93 = arith.addi %add3A_82, %add3A_92 : i32
      %lt3A = arith.constant 80 : i32
      %lt3A_94 = arith.cmpi slt, %add3A_93, %lt3A : i32
      %convert_element_type3A = arith.extui %lt3A_94 : i1 to i32
      %cond3A = arith.constant 0 : i32
      %cond3A_95 = arith.cmpi ne, %convert_element_type3A, %cond3A : i32
      scf.if %cond3A_95 {
        %add3A_117 = arith.constant 2 : i32
        %add3A_118 = arith.addi %add3A_82, %add3A_117 : i32
        %mul3A_119 = arith.constant 80 : i32
        %mul3A_120 = arith.muli %arg1, %mul3A_119 : i32
        %add3A_121 = arith.addi %mul3A_120, %add3A_118 : i32
        "tpu.region"() ({
          %run_scoped3A = tpu.sem_alloc : memref<!tpu.dma_semaphore, #tpu.memory_space<semaphore_mem>>
          %dma_start3A_132 = arith.constant 0 : i32
          %dma_start3A_133 = tpu.memref_slice %arg3[%add3A_121, %dma_start3A_132] : memref<1280x125xi32, #tpu.memory_space<hbm>> -> memref<1x125xi32, #tpu.memory_space<hbm>>
          %dma_start3A_134 = tpu.memref_squeeze %dma_start3A_133 : memref<1x125xi32, #tpu.memory_space<hbm>> -> memref<125xi32, #tpu.memory_space<hbm>>
          %dma_start3A_135 = arith.constant 0 : i32
          %dma_start3A_136 = tpu.memref_slice %arg3[%add3A_121, %dma_start3A_135] : memref<1280x125xi32, #tpu.memory_space<hbm>> -> memref<1x125xi32, #tpu.memory_space<hbm>>
          %dma_start3A_137 = tpu.memref_squeeze %dma_start3A_136 : memref<1x125xi32, #tpu.memory_space<hbm>> -> memref<125xi32, #tpu.memory_space<hbm>>
          tpu.enqueue_dma source(%dma_start3A_137 : memref<125xi32, #tpu.memory_space<hbm>>) target(%arg8 : memref<125xi32, #tpu.memory_space<vmem>>) target_semaphore(%run_scoped3A : memref<!tpu.dma_semaphore, #tpu.memory_space<semaphore_mem>>)
          %dma_wait3A_138 = arith.constant 0 : i32
          %dma_wait3A_139 = tpu.memref_slice %arg3[%add3A_121, %dma_wait3A_138] : memref<1280x125xi32, #tpu.memory_space<hbm>> -> memref<1x125xi32, #tpu.memory_space<hbm>>
          %dma_wait3A_140 = tpu.memref_squeeze %dma_wait3A_139 : memref<1x125xi32, #tpu.memory_space<hbm>> -> memref<125xi32, #tpu.memory_space<hbm>>
          %dma_wait3A_141 = arith.constant 0 : i32
          %dma_wait3A_142 = tpu.memref_slice %arg3[%add3A_121, %dma_wait3A_141] : memref<1280x125xi32, #tpu.memory_space<hbm>> -> memref<1x125xi32, #tpu.memory_space<hbm>>
          %dma_wait3A_143 = tpu.memref_squeeze %dma_wait3A_142 : memref<1x125xi32, #tpu.memory_space<hbm>> -> memref<125xi32, #tpu.memory_space<hbm>>
          tpu.wait_dma2 semaphore(%run_scoped3A : memref<!tpu.dma_semaphore, #tpu.memory_space<semaphore_mem>>) src(%dma_wait3A_143 : memref<125xi32, #tpu.memory_space<hbm>>) dst(%arg8 : memref<125xi32, #tpu.memory_space<vmem>>)
          tpu.yield
        }) : () -> ()
        %dma_start3A_122 = arith.constant 0 : i32
        %dma_start3A_123 = arith.constant 0 : i32
        %dma_start3A_124 = tpu.memref_slice %arg9[%dma_start3A_122, %dma_start3A_123] : memref<128x128xf32, #tpu.memory_space<vmem>> -> memref<125x128xf32, #tpu.memory_space<vmem>>
        %dma_start3A_125 = arith.constant 0 : i32
        %dma_start3A_126 = arith.constant 0 : i32
        %dma_start3A_127 = tpu.memref_slice %arg2[%add3A_5, %dma_start3A_125, %dma_start3A_126] : memref<4x10240x128xf32, #tpu.memory_space<hbm>> -> memref<1x10240x128xf32, #tpu.memory_space<hbm>>
        %dma_start3A_128 = tpu.memref_squeeze %dma_start3A_127 : memref<1x10240x128xf32, #tpu.memory_space<hbm>> -> memref<10240x128xf32, #tpu.memory_space<hbm>>
        %dma_start3A_129 = arith.constant 0 : i32
        %dma_start3A_130 = arith.constant 0 : i32
        %dma_start3A_131 = tpu.memref_slice %dma_start3A_128[%dma_start3A_129, %dma_start3A_130] : memref<10240x128xf32, #tpu.memory_space<hbm>> -> memref<10240x128xf32, #tpu.memory_space<hbm>>
        tpu.enqueue_indirect_dma source(%dma_start3A_131 : memref<10240x128xf32, #tpu.memory_space<hbm>>) target(%dma_start3A_124 : memref<125x128xf32, #tpu.memory_space<vmem>>) offsets(%arg8 : memref<125xi32, #tpu.memory_space<vmem>>) semaphore(%arg10 : memref<!tpu.dma_semaphore, #tpu.memory_space<semaphore_mem>>)
      } else {
      }
      %mul3A_96 = arith.constant 2 : i32
      %mul3A_97 = arith.muli %mul3A_96, %scan3A_78 : i32
      %add3A_98 = arith.constant 1 : i32
      %add3A_99 = arith.addi %mul3A_97, %add3A_98 : i32
      %dma_wait3A_100 = arith.constant 0 : i32
      %dma_wait3A_101 = arith.constant 0 : i32
      %dma_wait3A_102 = tpu.memref_slice %arg12[%dma_wait3A_100, %dma_wait3A_101] : memref<128x128xf32, #tpu.memory_space<vmem>> -> memref<125x128xf32, #tpu.memory_space<vmem>>
      %dma_wait3A_103 = arith.constant 0 : i32
      %dma_wait3A_104 = arith.constant 0 : i32
      %dma_wait3A_105 = tpu.memref_slice %arg2[%add3A_5, %dma_wait3A_103, %dma_wait3A_104] : memref<4x10240x128xf32, #tpu.memory_space<hbm>> -> memref<1x10240x128xf32, #tpu.memory_space<hbm>>
      %dma_wait3A_106 = tpu.memref_squeeze %dma_wait3A_105 : memref<1x10240x128xf32, #tpu.memory_space<hbm>> -> memref<10240x128xf32, #tpu.memory_space<hbm>>
      %dma_wait3A_107 = arith.constant 0 : i32
      %dma_wait3A_108 = arith.constant 0 : i32
      %dma_wait3A_109 = tpu.memref_slice %dma_wait3A_106[%dma_wait3A_107, %dma_wait3A_108] : memref<10240x128xf32, #tpu.memory_space<hbm>> -> memref<10240x128xf32, #tpu.memory_space<hbm>>
      tpu.wait_indirect_dma semaphore(%arg13 : memref<!tpu.dma_semaphore, #tpu.memory_space<semaphore_mem>>) src(%dma_wait3A_109 : memref<10240x128xf32, #tpu.memory_space<hbm>>) dst(%dma_wait3A_102 : memref<125x128xf32, #tpu.memory_space<vmem>>)
      "tpu.region"() ({
        %run_scoped3A = tpu.sem_alloc : memref<!tpu.dma_semaphore, #tpu.memory_space<semaphore_mem>>
        %dma_start3A_117 = arith.constant 0 : i32
        %dma_start3A_118 = arith.constant 0 : i32
        %dma_start3A_119 = tpu.memref_slice %arg12[%dma_start3A_117, %dma_start3A_118] : memref<128x128xf32, #tpu.memory_space<vmem>> -> memref<125x128xf32, #tpu.memory_space<vmem>>
        %dma_start3A_120 = arith.constant 0 : i32
        %dma_start3A_121 = tpu.memref_slice %arg7[%add3A_99, %dma_start3A_120] : memref<80x125xi32, #tpu.memory_space<vmem>> -> memref<1x125xi32, #tpu.memory_space<vmem>>
        %dma_start3A_122 = tpu.memref_squeeze %dma_start3A_121 : memref<1x125xi32, #tpu.memory_space<vmem>> -> memref<125xi32, #tpu.memory_space<vmem>>
        %dma_start3A_123 = arith.constant 0 : i32
        %dma_start3A_124 = arith.constant 0 : i32
        %dma_start3A_125 = tpu.memref_slice %arg6[%dma_start3A_123, %dma_start3A_124] : memref<10240x128xf32, #tpu.memory_space<vmem_shared>> -> memref<10240x128xf32, #tpu.memory_space<vmem_shared>>
        tpu.enqueue_indirect_dma source(%dma_start3A_119 : memref<125x128xf32, #tpu.memory_space<vmem>>) target(%dma_start3A_125 : memref<10240x128xf32, #tpu.memory_space<vmem_shared>>) offsets(%dma_start3A_122 : memref<125xi32, #tpu.memory_space<vmem>>) semaphore(%run_scoped3A : memref<!tpu.dma_semaphore, #tpu.memory_space<semaphore_mem>>) {add = true}
        %dma_wait3A_126 = arith.constant 0 : i32
        %dma_wait3A_127 = arith.constant 0 : i32
        %dma_wait3A_128 = tpu.memref_slice %arg12[%dma_wait3A_126, %dma_wait3A_127] : memref<128x128xf32, #tpu.memory_space<vmem>> -> memref<125x128xf32, #tpu.memory_space<vmem>>
        %dma_wait3A_129 = arith.constant 0 : i32
        %dma_wait3A_130 = tpu.memref_slice %arg7[%add3A_99, %dma_wait3A_129] : memref<80x125xi32, #tpu.memory_space<vmem>> -> memref<1x125xi32, #tpu.memory_space<vmem>>
        %dma_wait3A_131 = tpu.memref_squeeze %dma_wait3A_130 : memref<1x125xi32, #tpu.memory_space<vmem>> -> memref<125xi32, #tpu.memory_space<vmem>>
        %dma_wait3A_132 = arith.constant 0 : i32
        %dma_wait3A_133 = arith.constant 0 : i32
        %dma_wait3A_134 = tpu.memref_slice %arg6[%dma_wait3A_132, %dma_wait3A_133] : memref<10240x128xf32, #tpu.memory_space<vmem_shared>> -> memref<10240x128xf32, #tpu.memory_space<vmem_shared>>
        tpu.wait_indirect_dma semaphore(%run_scoped3A : memref<!tpu.dma_semaphore, #tpu.memory_space<semaphore_mem>>) src(%dma_wait3A_128 : memref<125x128xf32, #tpu.memory_space<vmem>>) dst(%dma_wait3A_134 : memref<10240x128xf32, #tpu.memory_space<vmem_shared>>)
        tpu.yield
      }) : () -> ()
      %add3A_110 = arith.constant 2 : i32
      %add3A_111 = arith.addi %add3A_99, %add3A_110 : i32
      %lt3A_112 = arith.constant 80 : i32
      %lt3A_113 = arith.cmpi slt, %add3A_111, %lt3A_112 : i32
      %convert_element_type3A_114 = arith.extui %lt3A_113 : i1 to i32
      %cond3A_115 = arith.constant 0 : i32
      %cond3A_116 = arith.cmpi ne, %convert_element_type3A_114, %cond3A_115 : i32
      scf.if %cond3A_116 {
        %add3A_117 = arith.constant 2 : i32
        %add3A_118 = arith.addi %add3A_99, %add3A_117 : i32
        %mul3A_119 = arith.constant 80 : i32
        %mul3A_120 = arith.muli %arg1, %mul3A_119 : i32
        %add3A_121 = arith.addi %mul3A_120, %add3A_118 : i32
        "tpu.region"() ({
          %run_scoped3A = tpu.sem_alloc : memref<!tpu.dma_semaphore, #tpu.memory_space<semaphore_mem>>
          %dma_start3A_132 = arith.constant 0 : i32
          %dma_start3A_133 = tpu.memref_slice %arg3[%add3A_121, %dma_start3A_132] : memref<1280x125xi32, #tpu.memory_space<hbm>> -> memref<1x125xi32, #tpu.memory_space<hbm>>
          %dma_start3A_134 = tpu.memref_squeeze %dma_start3A_133 : memref<1x125xi32, #tpu.memory_space<hbm>> -> memref<125xi32, #tpu.memory_space<hbm>>
          %dma_start3A_135 = arith.constant 0 : i32
          %dma_start3A_136 = tpu.memref_slice %arg3[%add3A_121, %dma_start3A_135] : memref<1280x125xi32, #tpu.memory_space<hbm>> -> memref<1x125xi32, #tpu.memory_space<hbm>>
          %dma_start3A_137 = tpu.memref_squeeze %dma_start3A_136 : memref<1x125xi32, #tpu.memory_space<hbm>> -> memref<125xi32, #tpu.memory_space<hbm>>
          tpu.enqueue_dma source(%dma_start3A_137 : memref<125xi32, #tpu.memory_space<hbm>>) target(%arg11 : memref<125xi32, #tpu.memory_space<vmem>>) target_semaphore(%run_scoped3A : memref<!tpu.dma_semaphore, #tpu.memory_space<semaphore_mem>>)
          %dma_wait3A_138 = arith.constant 0 : i32
          %dma_wait3A_139 = tpu.memref_slice %arg3[%add3A_121, %dma_wait3A_138] : memref<1280x125xi32, #tpu.memory_space<hbm>> -> memref<1x125xi32, #tpu.memory_space<hbm>>
          %dma_wait3A_140 = tpu.memref_squeeze %dma_wait3A_139 : memref<1x125xi32, #tpu.memory_space<hbm>> -> memref<125xi32, #tpu.memory_space<hbm>>
          %dma_wait3A_141 = arith.constant 0 : i32
          %dma_wait3A_142 = tpu.memref_slice %arg3[%add3A_121, %dma_wait3A_141] : memref<1280x125xi32, #tpu.memory_space<hbm>> -> memref<1x125xi32, #tpu.memory_space<hbm>>
          %dma_wait3A_143 = tpu.memref_squeeze %dma_wait3A_142 : memref<1x125xi32, #tpu.memory_space<hbm>> -> memref<125xi32, #tpu.memory_space<hbm>>
          tpu.wait_dma2 semaphore(%run_scoped3A : memref<!tpu.dma_semaphore, #tpu.memory_space<semaphore_mem>>) src(%dma_wait3A_143 : memref<125xi32, #tpu.memory_space<hbm>>) dst(%arg11 : memref<125xi32, #tpu.memory_space<vmem>>)
          tpu.yield
        }) : () -> ()
        %dma_start3A_122 = arith.constant 0 : i32
        %dma_start3A_123 = arith.constant 0 : i32
        %dma_start3A_124 = tpu.memref_slice %arg12[%dma_start3A_122, %dma_start3A_123] : memref<128x128xf32, #tpu.memory_space<vmem>> -> memref<125x128xf32, #tpu.memory_space<vmem>>
        %dma_start3A_125 = arith.constant 0 : i32
        %dma_start3A_126 = arith.constant 0 : i32
        %dma_start3A_127 = tpu.memref_slice %arg2[%add3A_5, %dma_start3A_125, %dma_start3A_126] : memref<4x10240x128xf32, #tpu.memory_space<hbm>> -> memref<1x10240x128xf32, #tpu.memory_space<hbm>>
        %dma_start3A_128 = tpu.memref_squeeze %dma_start3A_127 : memref<1x10240x128xf32, #tpu.memory_space<hbm>> -> memref<10240x128xf32, #tpu.memory_space<hbm>>
        %dma_start3A_129 = arith.constant 0 : i32
        %dma_start3A_130 = arith.constant 0 : i32
        %dma_start3A_131 = tpu.memref_slice %dma_start3A_128[%dma_start3A_129, %dma_start3A_130] : memref<10240x128xf32, #tpu.memory_space<hbm>> -> memref<10240x128xf32, #tpu.memory_space<hbm>>
        tpu.enqueue_indirect_dma source(%dma_start3A_131 : memref<10240x128xf32, #tpu.memory_space<hbm>>) target(%dma_start3A_124 : memref<125x128xf32, #tpu.memory_space<vmem>>) offsets(%arg11 : memref<125xi32, #tpu.memory_space<vmem>>) semaphore(%arg13 : memref<!tpu.dma_semaphore, #tpu.memory_space<semaphore_mem>>)
      } else {
      }
    }
    %scan3A_36 = arith.constant 40 : i32
    %barrier3A_37 = arith.constant 0 : index
    tpu.barrier barrier_id(%barrier3A_37)
    "tpu.region"() ({
      %run_scoped3A = tpu.sem_alloc : memref<!tpu.dma_semaphore, #tpu.memory_space<semaphore_mem>>
      %dma_start3A_78 = arith.constant 0 : i32
      %dma_start3A_79 = tpu.memref_slice %arg5[%add3A_5, %mul3A_0, %dma_start3A_78] : memref<4x10240x128xf32, #tpu.memory_space<hbm>> -> memref<1x640x128xf32, #tpu.memory_space<hbm>>
      %dma_start3A_80 = tpu.memref_squeeze %dma_start3A_79 : memref<1x640x128xf32, #tpu.memory_space<hbm>> -> memref<640x128xf32, #tpu.memory_space<hbm>>
      %dma_start3A_81 = arith.constant 0 : i32
      %dma_start3A_82 = tpu.memref_slice %arg6[%mul3A_0, %dma_start3A_81] : memref<10240x128xf32, #tpu.memory_space<vmem_shared>> -> memref<640x128xf32, #tpu.memory_space<vmem_shared>>
      tpu.enqueue_dma source(%dma_start3A_82 : memref<640x128xf32, #tpu.memory_space<vmem_shared>>) target(%dma_start3A_80 : memref<640x128xf32, #tpu.memory_space<hbm>>) target_semaphore(%run_scoped3A : memref<!tpu.dma_semaphore, #tpu.memory_space<semaphore_mem>>)
      %dma_wait3A = arith.constant 0 : i32
      %dma_wait3A_83 = tpu.memref_slice %arg5[%add3A_5, %mul3A_0, %dma_wait3A] : memref<4x10240x128xf32, #tpu.memory_space<hbm>> -> memref<1x640x128xf32, #tpu.memory_space<hbm>>
      %dma_wait3A_84 = tpu.memref_squeeze %dma_wait3A_83 : memref<1x640x128xf32, #tpu.memory_space<hbm>> -> memref<640x128xf32, #tpu.memory_space<hbm>>
      %dma_wait3A_85 = arith.constant 0 : i32
      %dma_wait3A_86 = tpu.memref_slice %arg6[%mul3A_0, %dma_wait3A_85] : memref<10240x128xf32, #tpu.memory_space<vmem_shared>> -> memref<640x128xf32, #tpu.memory_space<vmem_shared>>
      tpu.wait_dma2 semaphore(%run_scoped3A : memref<!tpu.dma_semaphore, #tpu.memory_space<semaphore_mem>>) src(%dma_wait3A_86 : memref<640x128xf32, #tpu.memory_space<vmem_shared>>) dst(%dma_wait3A_84 : memref<640x128xf32, #tpu.memory_space<hbm>>)
      tpu.yield
    }) : () -> ()
    %barrier3A_38 = arith.constant 0 : index
    tpu.barrier barrier_id(%barrier3A_38)
    %mul3A_39 = arith.constant 2 : i32
    %mul3A_40 = arith.muli %arg0, %mul3A_39 : i32
    %add3A_41 = arith.constant 1 : i32
    %add3A_42 = arith.addi %mul3A_40, %add3A_41 : i32
    "tpu.region"() ({
      %run_scoped3A = tpu.sem_alloc : memref<!tpu.dma_semaphore, #tpu.memory_space<semaphore_mem>>
      %dma_start3A_78 = arith.constant 0 : i32
      %dma_start3A_79 = tpu.memref_slice %arg6[%mul3A_0, %dma_start3A_78] : memref<10240x128xf32, #tpu.memory_space<vmem_shared>> -> memref<640x128xf32, #tpu.memory_space<vmem_shared>>
      %dma_start3A_80 = arith.constant 0 : i32
      %dma_start3A_81 = tpu.memref_slice %arg2[%add3A_42, %mul3A_0, %dma_start3A_80] : memref<4x10240x128xf32, #tpu.memory_space<hbm>> -> memref<1x640x128xf32, #tpu.memory_space<hbm>>
      %dma_start3A_82 = tpu.memref_squeeze %dma_start3A_81 : memref<1x640x128xf32, #tpu.memory_space<hbm>> -> memref<640x128xf32, #tpu.memory_space<hbm>>
      tpu.enqueue_dma source(%dma_start3A_82 : memref<640x128xf32, #tpu.memory_space<hbm>>) target(%dma_start3A_79 : memref<640x128xf32, #tpu.memory_space<vmem_shared>>) target_semaphore(%run_scoped3A : memref<!tpu.dma_semaphore, #tpu.memory_space<semaphore_mem>>)
      %dma_wait3A = arith.constant 0 : i32
      %dma_wait3A_83 = tpu.memref_slice %arg6[%mul3A_0, %dma_wait3A] : memref<10240x128xf32, #tpu.memory_space<vmem_shared>> -> memref<640x128xf32, #tpu.memory_space<vmem_shared>>
      %dma_wait3A_84 = arith.constant 0 : i32
      %dma_wait3A_85 = tpu.memref_slice %arg2[%add3A_42, %mul3A_0, %dma_wait3A_84] : memref<4x10240x128xf32, #tpu.memory_space<hbm>> -> memref<1x640x128xf32, #tpu.memory_space<hbm>>
      %dma_wait3A_86 = tpu.memref_squeeze %dma_wait3A_85 : memref<1x640x128xf32, #tpu.memory_space<hbm>> -> memref<640x128xf32, #tpu.memory_space<hbm>>
      tpu.wait_dma2 semaphore(%run_scoped3A : memref<!tpu.dma_semaphore, #tpu.memory_space<semaphore_mem>>) src(%dma_wait3A_86 : memref<640x128xf32, #tpu.memory_space<hbm>>) dst(%dma_wait3A_83 : memref<640x128xf32, #tpu.memory_space<vmem_shared>>)
      tpu.yield
    }) : () -> ()
    %barrier3A_43 = arith.constant 0 : index
    tpu.barrier barrier_id(%barrier3A_43)
    %mul3A_44 = arith.constant 80 : i32
    %mul3A_45 = arith.muli %arg1, %mul3A_44 : i32
    %add3A_46 = arith.constant 0 : i32
    %add3A_47 = arith.addi %mul3A_45, %add3A_46 : i32
    "tpu.region"() ({
      %run_scoped3A = tpu.sem_alloc : memref<!tpu.dma_semaphore, #tpu.memory_space<semaphore_mem>>
      %dma_start3A_78 = arith.constant 0 : i32
      %dma_start3A_79 = tpu.memref_slice %arg3[%add3A_47, %dma_start3A_78] : memref<1280x125xi32, #tpu.memory_space<hbm>> -> memref<1x125xi32, #tpu.memory_space<hbm>>
      %dma_start3A_80 = tpu.memref_squeeze %dma_start3A_79 : memref<1x125xi32, #tpu.memory_space<hbm>> -> memref<125xi32, #tpu.memory_space<hbm>>
      %dma_start3A_81 = arith.constant 0 : i32
      %dma_start3A_82 = tpu.memref_slice %arg3[%add3A_47, %dma_start3A_81] : memref<1280x125xi32, #tpu.memory_space<hbm>> -> memref<1x125xi32, #tpu.memory_space<hbm>>
      %dma_start3A_83 = tpu.memref_squeeze %dma_start3A_82 : memref<1x125xi32, #tpu.memory_space<hbm>> -> memref<125xi32, #tpu.memory_space<hbm>>
      tpu.enqueue_dma source(%dma_start3A_83 : memref<125xi32, #tpu.memory_space<hbm>>) target(%arg8 : memref<125xi32, #tpu.memory_space<vmem>>) target_semaphore(%run_scoped3A : memref<!tpu.dma_semaphore, #tpu.memory_space<semaphore_mem>>)
      %dma_wait3A = arith.constant 0 : i32
      %dma_wait3A_84 = tpu.memref_slice %arg3[%add3A_47, %dma_wait3A] : memref<1280x125xi32, #tpu.memory_space<hbm>> -> memref<1x125xi32, #tpu.memory_space<hbm>>
      %dma_wait3A_85 = tpu.memref_squeeze %dma_wait3A_84 : memref<1x125xi32, #tpu.memory_space<hbm>> -> memref<125xi32, #tpu.memory_space<hbm>>
      %dma_wait3A_86 = arith.constant 0 : i32
      %dma_wait3A_87 = tpu.memref_slice %arg3[%add3A_47, %dma_wait3A_86] : memref<1280x125xi32, #tpu.memory_space<hbm>> -> memref<1x125xi32, #tpu.memory_space<hbm>>
      %dma_wait3A_88 = tpu.memref_squeeze %dma_wait3A_87 : memref<1x125xi32, #tpu.memory_space<hbm>> -> memref<125xi32, #tpu.memory_space<hbm>>
      tpu.wait_dma2 semaphore(%run_scoped3A : memref<!tpu.dma_semaphore, #tpu.memory_space<semaphore_mem>>) src(%dma_wait3A_88 : memref<125xi32, #tpu.memory_space<hbm>>) dst(%arg8 : memref<125xi32, #tpu.memory_space<vmem>>)
      tpu.yield
    }) : () -> ()
    %dma_start3A_48 = arith.constant 0 : i32
    %dma_start3A_49 = arith.constant 0 : i32
    %dma_start3A_50 = tpu.memref_slice %arg9[%dma_start3A_48, %dma_start3A_49] : memref<128x128xf32, #tpu.memory_space<vmem>> -> memref<125x128xf32, #tpu.memory_space<vmem>>
    %dma_start3A_51 = arith.constant 0 : i32
    %dma_start3A_52 = arith.constant 0 : i32
    %dma_start3A_53 = tpu.memref_slice %arg2[%add3A_42, %dma_start3A_51, %dma_start3A_52] : memref<4x10240x128xf32, #tpu.memory_space<hbm>> -> memref<1x10240x128xf32, #tpu.memory_space<hbm>>
    %dma_start3A_54 = tpu.memref_squeeze %dma_start3A_53 : memref<1x10240x128xf32, #tpu.memory_space<hbm>> -> memref<10240x128xf32, #tpu.memory_space<hbm>>
    %dma_start3A_55 = arith.constant 0 : i32
    %dma_start3A_56 = arith.constant 0 : i32
    %dma_start3A_57 = tpu.memref_slice %dma_start3A_54[%dma_start3A_55, %dma_start3A_56] : memref<10240x128xf32, #tpu.memory_space<hbm>> -> memref<10240x128xf32, #tpu.memory_space<hbm>>
    tpu.enqueue_indirect_dma source(%dma_start3A_57 : memref<10240x128xf32, #tpu.memory_space<hbm>>) target(%dma_start3A_50 : memref<125x128xf32, #tpu.memory_space<vmem>>) offsets(%arg8 : memref<125xi32, #tpu.memory_space<vmem>>) semaphore(%arg10 : memref<!tpu.dma_semaphore, #tpu.memory_space<semaphore_mem>>)
    %mul3A_58 = arith.constant 80 : i32
    %mul3A_59 = arith.muli %arg1, %mul3A_58 : i32
    %add3A_60 = arith.constant 1 : i32
    %add3A_61 = arith.addi %mul3A_59, %add3A_60 : i32
    "tpu.region"() ({
      %run_scoped3A = tpu.sem_alloc : memref<!tpu.dma_semaphore, #tpu.memory_space<semaphore_mem>>
      %dma_start3A_78 = arith.constant 0 : i32
      %dma_start3A_79 = tpu.memref_slice %arg3[%add3A_61, %dma_start3A_78] : memref<1280x125xi32, #tpu.memory_space<hbm>> -> memref<1x125xi32, #tpu.memory_space<hbm>>
      %dma_start3A_80 = tpu.memref_squeeze %dma_start3A_79 : memref<1x125xi32, #tpu.memory_space<hbm>> -> memref<125xi32, #tpu.memory_space<hbm>>
      %dma_start3A_81 = arith.constant 0 : i32
      %dma_start3A_82 = tpu.memref_slice %arg3[%add3A_61, %dma_start3A_81] : memref<1280x125xi32, #tpu.memory_space<hbm>> -> memref<1x125xi32, #tpu.memory_space<hbm>>
      %dma_start3A_83 = tpu.memref_squeeze %dma_start3A_82 : memref<1x125xi32, #tpu.memory_space<hbm>> -> memref<125xi32, #tpu.memory_space<hbm>>
      tpu.enqueue_dma source(%dma_start3A_83 : memref<125xi32, #tpu.memory_space<hbm>>) target(%arg11 : memref<125xi32, #tpu.memory_space<vmem>>) target_semaphore(%run_scoped3A : memref<!tpu.dma_semaphore, #tpu.memory_space<semaphore_mem>>)
      %dma_wait3A = arith.constant 0 : i32
      %dma_wait3A_84 = tpu.memref_slice %arg3[%add3A_61, %dma_wait3A] : memref<1280x125xi32, #tpu.memory_space<hbm>> -> memref<1x125xi32, #tpu.memory_space<hbm>>
      %dma_wait3A_85 = tpu.memref_squeeze %dma_wait3A_84 : memref<1x125xi32, #tpu.memory_space<hbm>> -> memref<125xi32, #tpu.memory_space<hbm>>
      %dma_wait3A_86 = arith.constant 0 : i32
      %dma_wait3A_87 = tpu.memref_slice %arg3[%add3A_61, %dma_wait3A_86] : memref<1280x125xi32, #tpu.memory_space<hbm>> -> memref<1x125xi32, #tpu.memory_space<hbm>>
      %dma_wait3A_88 = tpu.memref_squeeze %dma_wait3A_87 : memref<1x125xi32, #tpu.memory_space<hbm>> -> memref<125xi32, #tpu.memory_space<hbm>>
      tpu.wait_dma2 semaphore(%run_scoped3A : memref<!tpu.dma_semaphore, #tpu.memory_space<semaphore_mem>>) src(%dma_wait3A_88 : memref<125xi32, #tpu.memory_space<hbm>>) dst(%arg11 : memref<125xi32, #tpu.memory_space<vmem>>)
      tpu.yield
    }) : () -> ()
    %dma_start3A_62 = arith.constant 0 : i32
    %dma_start3A_63 = arith.constant 0 : i32
    %dma_start3A_64 = tpu.memref_slice %arg12[%dma_start3A_62, %dma_start3A_63] : memref<128x128xf32, #tpu.memory_space<vmem>> -> memref<125x128xf32, #tpu.memory_space<vmem>>
    %dma_start3A_65 = arith.constant 0 : i32
    %dma_start3A_66 = arith.constant 0 : i32
    %dma_start3A_67 = tpu.memref_slice %arg2[%add3A_42, %dma_start3A_65, %dma_start3A_66] : memref<4x10240x128xf32, #tpu.memory_space<hbm>> -> memref<1x10240x128xf32, #tpu.memory_space<hbm>>
    %dma_start3A_68 = tpu.memref_squeeze %dma_start3A_67 : memref<1x10240x128xf32, #tpu.memory_space<hbm>> -> memref<10240x128xf32, #tpu.memory_space<hbm>>
    %dma_start3A_69 = arith.constant 0 : i32
    %dma_start3A_70 = arith.constant 0 : i32
    %dma_start3A_71 = tpu.memref_slice %dma_start3A_68[%dma_start3A_69, %dma_start3A_70] : memref<10240x128xf32, #tpu.memory_space<hbm>> -> memref<10240x128xf32, #tpu.memory_space<hbm>>
    tpu.enqueue_indirect_dma source(%dma_start3A_71 : memref<10240x128xf32, #tpu.memory_space<hbm>>) target(%dma_start3A_64 : memref<125x128xf32, #tpu.memory_space<vmem>>) offsets(%arg11 : memref<125xi32, #tpu.memory_space<vmem>>) semaphore(%arg13 : memref<!tpu.dma_semaphore, #tpu.memory_space<semaphore_mem>>)
    %scan3A_72 = arith.constant 0 : i32
    %scan3A_73 = arith.constant 40 : i32
    %scan3A_74 = arith.addi %scan3A_72, %scan3A_73 : i32
    %scan3A_75 = arith.constant 1 : i32
    scf.for %scan3A_78 = %scan3A_72 to %scan3A_74 step %scan3A_75  : i32 {
      %mul3A_79 = arith.constant 2 : i32
      %mul3A_80 = arith.muli %mul3A_79, %scan3A_78 : i32
      %add3A_81 = arith.constant 0 : i32
      %add3A_82 = arith.addi %mul3A_80, %add3A_81 : i32
      %dma_wait3A = arith.constant 0 : i32
      %dma_wait3A_83 = arith.constant 0 : i32
      %dma_wait3A_84 = tpu.memref_slice %arg9[%dma_wait3A, %dma_wait3A_83] : memref<128x128xf32, #tpu.memory_space<vmem>> -> memref<125x128xf32, #tpu.memory_space<vmem>>
      %dma_wait3A_85 = arith.constant 0 : i32
      %dma_wait3A_86 = arith.constant 0 : i32
      %dma_wait3A_87 = tpu.memref_slice %arg2[%add3A_42, %dma_wait3A_85, %dma_wait3A_86] : memref<4x10240x128xf32, #tpu.memory_space<hbm>> -> memref<1x10240x128xf32, #tpu.memory_space<hbm>>
      %dma_wait3A_88 = tpu.memref_squeeze %dma_wait3A_87 : memref<1x10240x128xf32, #tpu.memory_space<hbm>> -> memref<10240x128xf32, #tpu.memory_space<hbm>>
      %dma_wait3A_89 = arith.constant 0 : i32
      %dma_wait3A_90 = arith.constant 0 : i32
      %dma_wait3A_91 = tpu.memref_slice %dma_wait3A_88[%dma_wait3A_89, %dma_wait3A_90] : memref<10240x128xf32, #tpu.memory_space<hbm>> -> memref<10240x128xf32, #tpu.memory_space<hbm>>
      tpu.wait_indirect_dma semaphore(%arg10 : memref<!tpu.dma_semaphore, #tpu.memory_space<semaphore_mem>>) src(%dma_wait3A_91 : memref<10240x128xf32, #tpu.memory_space<hbm>>) dst(%dma_wait3A_84 : memref<125x128xf32, #tpu.memory_space<vmem>>)
      "tpu.region"() ({
        %run_scoped3A = tpu.sem_alloc : memref<!tpu.dma_semaphore, #tpu.memory_space<semaphore_mem>>
        %dma_start3A_117 = arith.constant 0 : i32
        %dma_start3A_118 = arith.constant 0 : i32
        %dma_start3A_119 = tpu.memref_slice %arg9[%dma_start3A_117, %dma_start3A_118] : memref<128x128xf32, #tpu.memory_space<vmem>> -> memref<125x128xf32, #tpu.memory_space<vmem>>
        %dma_start3A_120 = arith.constant 0 : i32
        %dma_start3A_121 = tpu.memref_slice %arg7[%add3A_82, %dma_start3A_120] : memref<80x125xi32, #tpu.memory_space<vmem>> -> memref<1x125xi32, #tpu.memory_space<vmem>>
        %dma_start3A_122 = tpu.memref_squeeze %dma_start3A_121 : memref<1x125xi32, #tpu.memory_space<vmem>> -> memref<125xi32, #tpu.memory_space<vmem>>
        %dma_start3A_123 = arith.constant 0 : i32
        %dma_start3A_124 = arith.constant 0 : i32
        %dma_start3A_125 = tpu.memref_slice %arg6[%dma_start3A_123, %dma_start3A_124] : memref<10240x128xf32, #tpu.memory_space<vmem_shared>> -> memref<10240x128xf32, #tpu.memory_space<vmem_shared>>
        tpu.enqueue_indirect_dma source(%dma_start3A_119 : memref<125x128xf32, #tpu.memory_space<vmem>>) target(%dma_start3A_125 : memref<10240x128xf32, #tpu.memory_space<vmem_shared>>) offsets(%dma_start3A_122 : memref<125xi32, #tpu.memory_space<vmem>>) semaphore(%run_scoped3A : memref<!tpu.dma_semaphore, #tpu.memory_space<semaphore_mem>>) {add = true}
        %dma_wait3A_126 = arith.constant 0 : i32
        %dma_wait3A_127 = arith.constant 0 : i32
        %dma_wait3A_128 = tpu.memref_slice %arg9[%dma_wait3A_126, %dma_wait3A_127] : memref<128x128xf32, #tpu.memory_space<vmem>> -> memref<125x128xf32, #tpu.memory_space<vmem>>
        %dma_wait3A_129 = arith.constant 0 : i32
        %dma_wait3A_130 = tpu.memref_slice %arg7[%add3A_82, %dma_wait3A_129] : memref<80x125xi32, #tpu.memory_space<vmem>> -> memref<1x125xi32, #tpu.memory_space<vmem>>
        %dma_wait3A_131 = tpu.memref_squeeze %dma_wait3A_130 : memref<1x125xi32, #tpu.memory_space<vmem>> -> memref<125xi32, #tpu.memory_space<vmem>>
        %dma_wait3A_132 = arith.constant 0 : i32
        %dma_wait3A_133 = arith.constant 0 : i32
        %dma_wait3A_134 = tpu.memref_slice %arg6[%dma_wait3A_132, %dma_wait3A_133] : memref<10240x128xf32, #tpu.memory_space<vmem_shared>> -> memref<10240x128xf32, #tpu.memory_space<vmem_shared>>
        tpu.wait_indirect_dma semaphore(%run_scoped3A : memref<!tpu.dma_semaphore, #tpu.memory_space<semaphore_mem>>) src(%dma_wait3A_128 : memref<125x128xf32, #tpu.memory_space<vmem>>) dst(%dma_wait3A_134 : memref<10240x128xf32, #tpu.memory_space<vmem_shared>>)
        tpu.yield
      }) : () -> ()
      %add3A_92 = arith.constant 2 : i32
      %add3A_93 = arith.addi %add3A_82, %add3A_92 : i32
      %lt3A = arith.constant 80 : i32
      %lt3A_94 = arith.cmpi slt, %add3A_93, %lt3A : i32
      %convert_element_type3A = arith.extui %lt3A_94 : i1 to i32
      %cond3A = arith.constant 0 : i32
      %cond3A_95 = arith.cmpi ne, %convert_element_type3A, %cond3A : i32
      scf.if %cond3A_95 {
        %add3A_117 = arith.constant 2 : i32
        %add3A_118 = arith.addi %add3A_82, %add3A_117 : i32
        %mul3A_119 = arith.constant 80 : i32
        %mul3A_120 = arith.muli %arg1, %mul3A_119 : i32
        %add3A_121 = arith.addi %mul3A_120, %add3A_118 : i32
        "tpu.region"() ({
          %run_scoped3A = tpu.sem_alloc : memref<!tpu.dma_semaphore, #tpu.memory_space<semaphore_mem>>
          %dma_start3A_132 = arith.constant 0 : i32
          %dma_start3A_133 = tpu.memref_slice %arg3[%add3A_121, %dma_start3A_132] : memref<1280x125xi32, #tpu.memory_space<hbm>> -> memref<1x125xi32, #tpu.memory_space<hbm>>
          %dma_start3A_134 = tpu.memref_squeeze %dma_start3A_133 : memref<1x125xi32, #tpu.memory_space<hbm>> -> memref<125xi32, #tpu.memory_space<hbm>>
          %dma_start3A_135 = arith.constant 0 : i32
          %dma_start3A_136 = tpu.memref_slice %arg3[%add3A_121, %dma_start3A_135] : memref<1280x125xi32, #tpu.memory_space<hbm>> -> memref<1x125xi32, #tpu.memory_space<hbm>>
          %dma_start3A_137 = tpu.memref_squeeze %dma_start3A_136 : memref<1x125xi32, #tpu.memory_space<hbm>> -> memref<125xi32, #tpu.memory_space<hbm>>
          tpu.enqueue_dma source(%dma_start3A_137 : memref<125xi32, #tpu.memory_space<hbm>>) target(%arg8 : memref<125xi32, #tpu.memory_space<vmem>>) target_semaphore(%run_scoped3A : memref<!tpu.dma_semaphore, #tpu.memory_space<semaphore_mem>>)
          %dma_wait3A_138 = arith.constant 0 : i32
          %dma_wait3A_139 = tpu.memref_slice %arg3[%add3A_121, %dma_wait3A_138] : memref<1280x125xi32, #tpu.memory_space<hbm>> -> memref<1x125xi32, #tpu.memory_space<hbm>>
          %dma_wait3A_140 = tpu.memref_squeeze %dma_wait3A_139 : memref<1x125xi32, #tpu.memory_space<hbm>> -> memref<125xi32, #tpu.memory_space<hbm>>
          %dma_wait3A_141 = arith.constant 0 : i32
          %dma_wait3A_142 = tpu.memref_slice %arg3[%add3A_121, %dma_wait3A_141] : memref<1280x125xi32, #tpu.memory_space<hbm>> -> memref<1x125xi32, #tpu.memory_space<hbm>>
          %dma_wait3A_143 = tpu.memref_squeeze %dma_wait3A_142 : memref<1x125xi32, #tpu.memory_space<hbm>> -> memref<125xi32, #tpu.memory_space<hbm>>
          tpu.wait_dma2 semaphore(%run_scoped3A : memref<!tpu.dma_semaphore, #tpu.memory_space<semaphore_mem>>) src(%dma_wait3A_143 : memref<125xi32, #tpu.memory_space<hbm>>) dst(%arg8 : memref<125xi32, #tpu.memory_space<vmem>>)
          tpu.yield
        }) : () -> ()
        %dma_start3A_122 = arith.constant 0 : i32
        %dma_start3A_123 = arith.constant 0 : i32
        %dma_start3A_124 = tpu.memref_slice %arg9[%dma_start3A_122, %dma_start3A_123] : memref<128x128xf32, #tpu.memory_space<vmem>> -> memref<125x128xf32, #tpu.memory_space<vmem>>
        %dma_start3A_125 = arith.constant 0 : i32
        %dma_start3A_126 = arith.constant 0 : i32
        %dma_start3A_127 = tpu.memref_slice %arg2[%add3A_42, %dma_start3A_125, %dma_start3A_126] : memref<4x10240x128xf32, #tpu.memory_space<hbm>> -> memref<1x10240x128xf32, #tpu.memory_space<hbm>>
        %dma_start3A_128 = tpu.memref_squeeze %dma_start3A_127 : memref<1x10240x128xf32, #tpu.memory_space<hbm>> -> memref<10240x128xf32, #tpu.memory_space<hbm>>
        %dma_start3A_129 = arith.constant 0 : i32
        %dma_start3A_130 = arith.constant 0 : i32
        %dma_start3A_131 = tpu.memref_slice %dma_start3A_128[%dma_start3A_129, %dma_start3A_130] : memref<10240x128xf32, #tpu.memory_space<hbm>> -> memref<10240x128xf32, #tpu.memory_space<hbm>>
        tpu.enqueue_indirect_dma source(%dma_start3A_131 : memref<10240x128xf32, #tpu.memory_space<hbm>>) target(%dma_start3A_124 : memref<125x128xf32, #tpu.memory_space<vmem>>) offsets(%arg8 : memref<125xi32, #tpu.memory_space<vmem>>) semaphore(%arg10 : memref<!tpu.dma_semaphore, #tpu.memory_space<semaphore_mem>>)
      } else {
      }
      %mul3A_96 = arith.constant 2 : i32
      %mul3A_97 = arith.muli %mul3A_96, %scan3A_78 : i32
      %add3A_98 = arith.constant 1 : i32
      %add3A_99 = arith.addi %mul3A_97, %add3A_98 : i32
      %dma_wait3A_100 = arith.constant 0 : i32
      %dma_wait3A_101 = arith.constant 0 : i32
      %dma_wait3A_102 = tpu.memref_slice %arg12[%dma_wait3A_100, %dma_wait3A_101] : memref<128x128xf32, #tpu.memory_space<vmem>> -> memref<125x128xf32, #tpu.memory_space<vmem>>
      %dma_wait3A_103 = arith.constant 0 : i32
      %dma_wait3A_104 = arith.constant 0 : i32
      %dma_wait3A_105 = tpu.memref_slice %arg2[%add3A_42, %dma_wait3A_103, %dma_wait3A_104] : memref<4x10240x128xf32, #tpu.memory_space<hbm>> -> memref<1x10240x128xf32, #tpu.memory_space<hbm>>
      %dma_wait3A_106 = tpu.memref_squeeze %dma_wait3A_105 : memref<1x10240x128xf32, #tpu.memory_space<hbm>> -> memref<10240x128xf32, #tpu.memory_space<hbm>>
      %dma_wait3A_107 = arith.constant 0 : i32
      %dma_wait3A_108 = arith.constant 0 : i32
      %dma_wait3A_109 = tpu.memref_slice %dma_wait3A_106[%dma_wait3A_107, %dma_wait3A_108] : memref<10240x128xf32, #tpu.memory_space<hbm>> -> memref<10240x128xf32, #tpu.memory_space<hbm>>
      tpu.wait_indirect_dma semaphore(%arg13 : memref<!tpu.dma_semaphore, #tpu.memory_space<semaphore_mem>>) src(%dma_wait3A_109 : memref<10240x128xf32, #tpu.memory_space<hbm>>) dst(%dma_wait3A_102 : memref<125x128xf32, #tpu.memory_space<vmem>>)
      "tpu.region"() ({
        %run_scoped3A = tpu.sem_alloc : memref<!tpu.dma_semaphore, #tpu.memory_space<semaphore_mem>>
        %dma_start3A_117 = arith.constant 0 : i32
        %dma_start3A_118 = arith.constant 0 : i32
        %dma_start3A_119 = tpu.memref_slice %arg12[%dma_start3A_117, %dma_start3A_118] : memref<128x128xf32, #tpu.memory_space<vmem>> -> memref<125x128xf32, #tpu.memory_space<vmem>>
        %dma_start3A_120 = arith.constant 0 : i32
        %dma_start3A_121 = tpu.memref_slice %arg7[%add3A_99, %dma_start3A_120] : memref<80x125xi32, #tpu.memory_space<vmem>> -> memref<1x125xi32, #tpu.memory_space<vmem>>
        %dma_start3A_122 = tpu.memref_squeeze %dma_start3A_121 : memref<1x125xi32, #tpu.memory_space<vmem>> -> memref<125xi32, #tpu.memory_space<vmem>>
        %dma_start3A_123 = arith.constant 0 : i32
        %dma_start3A_124 = arith.constant 0 : i32
        %dma_start3A_125 = tpu.memref_slice %arg6[%dma_start3A_123, %dma_start3A_124] : memref<10240x128xf32, #tpu.memory_space<vmem_shared>> -> memref<10240x128xf32, #tpu.memory_space<vmem_shared>>
        tpu.enqueue_indirect_dma source(%dma_start3A_119 : memref<125x128xf32, #tpu.memory_space<vmem>>) target(%dma_start3A_125 : memref<10240x128xf32, #tpu.memory_space<vmem_shared>>) offsets(%dma_start3A_122 : memref<125xi32, #tpu.memory_space<vmem>>) semaphore(%run_scoped3A : memref<!tpu.dma_semaphore, #tpu.memory_space<semaphore_mem>>) {add = true}
        %dma_wait3A_126 = arith.constant 0 : i32
        %dma_wait3A_127 = arith.constant 0 : i32
        %dma_wait3A_128 = tpu.memref_slice %arg12[%dma_wait3A_126, %dma_wait3A_127] : memref<128x128xf32, #tpu.memory_space<vmem>> -> memref<125x128xf32, #tpu.memory_space<vmem>>
        %dma_wait3A_129 = arith.constant 0 : i32
        %dma_wait3A_130 = tpu.memref_slice %arg7[%add3A_99, %dma_wait3A_129] : memref<80x125xi32, #tpu.memory_space<vmem>> -> memref<1x125xi32, #tpu.memory_space<vmem>>
        %dma_wait3A_131 = tpu.memref_squeeze %dma_wait3A_130 : memref<1x125xi32, #tpu.memory_space<vmem>> -> memref<125xi32, #tpu.memory_space<vmem>>
        %dma_wait3A_132 = arith.constant 0 : i32
        %dma_wait3A_133 = arith.constant 0 : i32
        %dma_wait3A_134 = tpu.memref_slice %arg6[%dma_wait3A_132, %dma_wait3A_133] : memref<10240x128xf32, #tpu.memory_space<vmem_shared>> -> memref<10240x128xf32, #tpu.memory_space<vmem_shared>>
        tpu.wait_indirect_dma semaphore(%run_scoped3A : memref<!tpu.dma_semaphore, #tpu.memory_space<semaphore_mem>>) src(%dma_wait3A_128 : memref<125x128xf32, #tpu.memory_space<vmem>>) dst(%dma_wait3A_134 : memref<10240x128xf32, #tpu.memory_space<vmem_shared>>)
        tpu.yield
      }) : () -> ()
      %add3A_110 = arith.constant 2 : i32
      %add3A_111 = arith.addi %add3A_99, %add3A_110 : i32
      %lt3A_112 = arith.constant 80 : i32
      %lt3A_113 = arith.cmpi slt, %add3A_111, %lt3A_112 : i32
      %convert_element_type3A_114 = arith.extui %lt3A_113 : i1 to i32
      %cond3A_115 = arith.constant 0 : i32
      %cond3A_116 = arith.cmpi ne, %convert_element_type3A_114, %cond3A_115 : i32
      scf.if %cond3A_116 {
        %add3A_117 = arith.constant 2 : i32
        %add3A_118 = arith.addi %add3A_99, %add3A_117 : i32
        %mul3A_119 = arith.constant 80 : i32
        %mul3A_120 = arith.muli %arg1, %mul3A_119 : i32
        %add3A_121 = arith.addi %mul3A_120, %add3A_118 : i32
        "tpu.region"() ({
          %run_scoped3A = tpu.sem_alloc : memref<!tpu.dma_semaphore, #tpu.memory_space<semaphore_mem>>
          %dma_start3A_132 = arith.constant 0 : i32
          %dma_start3A_133 = tpu.memref_slice %arg3[%add3A_121, %dma_start3A_132] : memref<1280x125xi32, #tpu.memory_space<hbm>> -> memref<1x125xi32, #tpu.memory_space<hbm>>
          %dma_start3A_134 = tpu.memref_squeeze %dma_start3A_133 : memref<1x125xi32, #tpu.memory_space<hbm>> -> memref<125xi32, #tpu.memory_space<hbm>>
          %dma_start3A_135 = arith.constant 0 : i32
          %dma_start3A_136 = tpu.memref_slice %arg3[%add3A_121, %dma_start3A_135] : memref<1280x125xi32, #tpu.memory_space<hbm>> -> memref<1x125xi32, #tpu.memory_space<hbm>>
          %dma_start3A_137 = tpu.memref_squeeze %dma_start3A_136 : memref<1x125xi32, #tpu.memory_space<hbm>> -> memref<125xi32, #tpu.memory_space<hbm>>
          tpu.enqueue_dma source(%dma_start3A_137 : memref<125xi32, #tpu.memory_space<hbm>>) target(%arg11 : memref<125xi32, #tpu.memory_space<vmem>>) target_semaphore(%run_scoped3A : memref<!tpu.dma_semaphore, #tpu.memory_space<semaphore_mem>>)
          %dma_wait3A_138 = arith.constant 0 : i32
          %dma_wait3A_139 = tpu.memref_slice %arg3[%add3A_121, %dma_wait3A_138] : memref<1280x125xi32, #tpu.memory_space<hbm>> -> memref<1x125xi32, #tpu.memory_space<hbm>>
          %dma_wait3A_140 = tpu.memref_squeeze %dma_wait3A_139 : memref<1x125xi32, #tpu.memory_space<hbm>> -> memref<125xi32, #tpu.memory_space<hbm>>
          %dma_wait3A_141 = arith.constant 0 : i32
          %dma_wait3A_142 = tpu.memref_slice %arg3[%add3A_121, %dma_wait3A_141] : memref<1280x125xi32, #tpu.memory_space<hbm>> -> memref<1x125xi32, #tpu.memory_space<hbm>>
          %dma_wait3A_143 = tpu.memref_squeeze %dma_wait3A_142 : memref<1x125xi32, #tpu.memory_space<hbm>> -> memref<125xi32, #tpu.memory_space<hbm>>
          tpu.wait_dma2 semaphore(%run_scoped3A : memref<!tpu.dma_semaphore, #tpu.memory_space<semaphore_mem>>) src(%dma_wait3A_143 : memref<125xi32, #tpu.memory_space<hbm>>) dst(%arg11 : memref<125xi32, #tpu.memory_space<vmem>>)
          tpu.yield
        }) : () -> ()
        %dma_start3A_122 = arith.constant 0 : i32
        %dma_start3A_123 = arith.constant 0 : i32
        %dma_start3A_124 = tpu.memref_slice %arg12[%dma_start3A_122, %dma_start3A_123] : memref<128x128xf32, #tpu.memory_space<vmem>> -> memref<125x128xf32, #tpu.memory_space<vmem>>
        %dma_start3A_125 = arith.constant 0 : i32
        %dma_start3A_126 = arith.constant 0 : i32
        %dma_start3A_127 = tpu.memref_slice %arg2[%add3A_42, %dma_start3A_125, %dma_start3A_126] : memref<4x10240x128xf32, #tpu.memory_space<hbm>> -> memref<1x10240x128xf32, #tpu.memory_space<hbm>>
        %dma_start3A_128 = tpu.memref_squeeze %dma_start3A_127 : memref<1x10240x128xf32, #tpu.memory_space<hbm>> -> memref<10240x128xf32, #tpu.memory_space<hbm>>
        %dma_start3A_129 = arith.constant 0 : i32
        %dma_start3A_130 = arith.constant 0 : i32
        %dma_start3A_131 = tpu.memref_slice %dma_start3A_128[%dma_start3A_129, %dma_start3A_130] : memref<10240x128xf32, #tpu.memory_space<hbm>> -> memref<10240x128xf32, #tpu.memory_space<hbm>>
        tpu.enqueue_indirect_dma source(%dma_start3A_131 : memref<10240x128xf32, #tpu.memory_space<hbm>>) target(%dma_start3A_124 : memref<125x128xf32, #tpu.memory_space<vmem>>) offsets(%arg11 : memref<125xi32, #tpu.memory_space<vmem>>) semaphore(%arg13 : memref<!tpu.dma_semaphore, #tpu.memory_space<semaphore_mem>>)
      } else {
      }
    }
    %scan3A_76 = arith.constant 40 : i32
    %barrier3A_77 = arith.constant 0 : index
    tpu.barrier barrier_id(%barrier3A_77)
    "tpu.region"() ({
      %run_scoped3A = tpu.sem_alloc : memref<!tpu.dma_semaphore, #tpu.memory_space<semaphore_mem>>
      %dma_start3A_78 = arith.constant 0 : i32
      %dma_start3A_79 = tpu.memref_slice %arg5[%add3A_42, %mul3A_0, %dma_start3A_78] : memref<4x10240x128xf32, #tpu.memory_space<hbm>> -> memref<1x640x128xf32, #tpu.memory_space<hbm>>
      %dma_start3A_80 = tpu.memref_squeeze %dma_start3A_79 : memref<1x640x128xf32, #tpu.memory_space<hbm>> -> memref<640x128xf32, #tpu.memory_space<hbm>>
      %dma_start3A_81 = arith.constant 0 : i32
      %dma_start3A_82 = tpu.memref_slice %arg6[%mul3A_0, %dma_start3A_81] : memref<10240x128xf32, #tpu.memory_space<vmem_shared>> -> memref<640x128xf32, #tpu.memory_space<vmem_shared>>
      tpu.enqueue_dma source(%dma_start3A_82 : memref<640x128xf32, #tpu.memory_space<vmem_shared>>) target(%dma_start3A_80 : memref<640x128xf32, #tpu.memory_space<hbm>>) target_semaphore(%run_scoped3A : memref<!tpu.dma_semaphore, #tpu.memory_space<semaphore_mem>>)
      %dma_wait3A = arith.constant 0 : i32
      %dma_wait3A_83 = tpu.memref_slice %arg5[%add3A_42, %mul3A_0, %dma_wait3A] : memref<4x10240x128xf32, #tpu.memory_space<hbm>> -> memref<1x640x128xf32, #tpu.memory_space<hbm>>
      %dma_wait3A_84 = tpu.memref_squeeze %dma_wait3A_83 : memref<1x640x128xf32, #tpu.memory_space<hbm>> -> memref<640x128xf32, #tpu.memory_space<hbm>>
      %dma_wait3A_85 = arith.constant 0 : i32
      %dma_wait3A_86 = tpu.memref_slice %arg6[%mul3A_0, %dma_wait3A_85] : memref<10240x128xf32, #tpu.memory_space<vmem_shared>> -> memref<640x128xf32, #tpu.memory_space<vmem_shared>>
      tpu.wait_dma2 semaphore(%run_scoped3A : memref<!tpu.dma_semaphore, #tpu.memory_space<semaphore_mem>>) src(%dma_wait3A_86 : memref<640x128xf32, #tpu.memory_space<vmem_shared>>) dst(%dma_wait3A_84 : memref<640x128xf32, #tpu.memory_space<hbm>>)
      tpu.yield
    }) : () -> ()
    return
  }
}

#map = affine_map<(d0, d1) -> (0, 0, 0)>
#map1 = affine_map<(d0, d1) -> (0, 0)>
module attributes {stable_mosaic.version = 14 : i64} {
  func.func @_sc_agg_body(%arg0: i32, %arg1: i32, %arg2: memref<4x10240x128xf32, #tpu.memory_space<hbm>>, %arg3: memref<1280x125xi32, #tpu.memory_space<hbm>>, %arg4: memref<1280x125xi32, #tpu.memory_space<hbm>>, %arg5: memref<4x10240x128xf32, #tpu.memory_space<hbm>>, %arg6: memref<10240x128xf32, #tpu.memory_space<vmem_shared>>, %arg7: memref<80x125xi32, #tpu.memory_space<vmem>>, %arg8: memref<125xi32, #tpu.memory_space<vmem>>, %arg9: memref<128x128xf32, #tpu.memory_space<vmem>>, %arg10: memref<!tpu.dma_semaphore, #tpu.memory_space<semaphore_mem>>, %arg11: memref<125xi32, #tpu.memory_space<vmem>>, %arg12: memref<128x128xf32, #tpu.memory_space<vmem>>, %arg13: memref<!tpu.dma_semaphore, #tpu.memory_space<semaphore_mem>>) attributes {dimension_semantics = [#tpu.dimension_semantics<core_parallel>, #tpu.dimension_semantics<subcore_parallel>], iteration_bounds = array<i64: 2, 16>, scalar_prefetch = 0 : i64, scratch_operands = 8 : i64, tpu.core_type = #tpu.core_type<sc_vector_subcore>, window_params = [{transform_indices = #map}, {transform_indices = #map1}, {transform_indices = #map1}, {transform_indices = #map}]} {
    %mul3A = arith.constant 640 : i32
    %mul3A_0 = arith.muli %arg1, %mul3A : i32
    %mul3A_1 = arith.constant 80 : i32
    %mul3A_2 = arith.muli %arg1, %mul3A_1 : i32
    "tpu.region"() ({
      %run_scoped3A = tpu.sem_alloc : memref<!tpu.dma_semaphore, #tpu.memory_space<semaphore_mem>>
      %dma_start3A_78 = arith.constant 0 : i32
      %dma_start3A_79 = tpu.memref_slice %arg4[%mul3A_2, %dma_start3A_78] : memref<1280x125xi32, #tpu.memory_space<hbm>> -> memref<80x125xi32, #tpu.memory_space<hbm>>
      %dma_start3A_80 = arith.constant 0 : i32
      %dma_start3A_81 = tpu.memref_slice %arg4[%mul3A_2, %dma_start3A_80] : memref<1280x125xi32, #tpu.memory_space<hbm>> -> memref<80x125xi32, #tpu.memory_space<hbm>>
      tpu.enqueue_dma source(%dma_start3A_81 : memref<80x125xi32, #tpu.memory_space<hbm>>) target(%arg7 : memref<80x125xi32, #tpu.memory_space<vmem>>) target_semaphore(%run_scoped3A : memref<!tpu.dma_semaphore, #tpu.memory_space<semaphore_mem>>)
      %dma_wait3A = arith.constant 0 : i32
      %dma_wait3A_82 = tpu.memref_slice %arg4[%mul3A_2, %dma_wait3A] : memref<1280x125xi32, #tpu.memory_space<hbm>> -> memref<80x125xi32, #tpu.memory_space<hbm>>
      %dma_wait3A_83 = arith.constant 0 : i32
      %dma_wait3A_84 = tpu.memref_slice %arg4[%mul3A_2, %dma_wait3A_83] : memref<1280x125xi32, #tpu.memory_space<hbm>> -> memref<80x125xi32, #tpu.memory_space<hbm>>
      tpu.wait_dma2 semaphore(%run_scoped3A : memref<!tpu.dma_semaphore, #tpu.memory_space<semaphore_mem>>) src(%dma_wait3A_84 : memref<80x125xi32, #tpu.memory_space<hbm>>) dst(%arg7 : memref<80x125xi32, #tpu.memory_space<vmem>>)
      tpu.yield
    }) : () -> ()
    %mul3A_3 = arith.constant 2 : i32
    %mul3A_4 = arith.muli %arg0, %mul3A_3 : i32
    %add3A = arith.constant 0 : i32
    %add3A_5 = arith.addi %mul3A_4, %add3A : i32
    "tpu.region"() ({
      %run_scoped3A = tpu.sem_alloc : memref<!tpu.dma_semaphore, #tpu.memory_space<semaphore_mem>>
      %dma_start3A_78 = arith.constant 0 : i32
      %dma_start3A_79 = tpu.memref_slice %arg6[%mul3A_0, %dma_start3A_78] : memref<10240x128xf32, #tpu.memory_space<vmem_shared>> -> memref<640x128xf32, #tpu.memory_space<vmem_shared>>
      %dma_start3A_80 = arith.constant 0 : i32
      %dma_start3A_81 = tpu.memref_slice %arg2[%add3A_5, %mul3A_0, %dma_start3A_80] : memref<4x10240x128xf32, #tpu.memory_space<hbm>> -> memref<1x640x128xf32, #tpu.memory_space<hbm>>
      %dma_start3A_82 = tpu.memref_squeeze %dma_start3A_81 : memref<1x640x128xf32, #tpu.memory_space<hbm>> -> memref<640x128xf32, #tpu.memory_space<hbm>>
      tpu.enqueue_dma source(%dma_start3A_82 : memref<640x128xf32, #tpu.memory_space<hbm>>) target(%dma_start3A_79 : memref<640x128xf32, #tpu.memory_space<vmem_shared>>) target_semaphore(%run_scoped3A : memref<!tpu.dma_semaphore, #tpu.memory_space<semaphore_mem>>)
      %dma_wait3A = arith.constant 0 : i32
      %dma_wait3A_83 = tpu.memref_slice %arg6[%mul3A_0, %dma_wait3A] : memref<10240x128xf32, #tpu.memory_space<vmem_shared>> -> memref<640x128xf32, #tpu.memory_space<vmem_shared>>
      %dma_wait3A_84 = arith.constant 0 : i32
      %dma_wait3A_85 = tpu.memref_slice %arg2[%add3A_5, %mul3A_0, %dma_wait3A_84] : memref<4x10240x128xf32, #tpu.memory_space<hbm>> -> memref<1x640x128xf32, #tpu.memory_space<hbm>>
      %dma_wait3A_86 = tpu.memref_squeeze %dma_wait3A_85 : memref<1x640x128xf32, #tpu.memory_space<hbm>> -> memref<640x128xf32, #tpu.memory_space<hbm>>
      tpu.wait_dma2 semaphore(%run_scoped3A : memref<!tpu.dma_semaphore, #tpu.memory_space<semaphore_mem>>) src(%dma_wait3A_86 : memref<640x128xf32, #tpu.memory_space<hbm>>) dst(%dma_wait3A_83 : memref<640x128xf32, #tpu.memory_space<vmem_shared>>)
      tpu.yield
    }) : () -> ()
    %barrier3A = arith.constant 0 : index
    tpu.barrier barrier_id(%barrier3A)
    %mul3A_6 = arith.constant 80 : i32
    %mul3A_7 = arith.muli %arg1, %mul3A_6 : i32
    %add3A_8 = arith.constant 0 : i32
    %add3A_9 = arith.addi %mul3A_7, %add3A_8 : i32
    "tpu.region"() ({
      %run_scoped3A = tpu.sem_alloc : memref<!tpu.dma_semaphore, #tpu.memory_space<semaphore_mem>>
      %dma_start3A_78 = arith.constant 0 : i32
      %dma_start3A_79 = tpu.memref_slice %arg3[%add3A_9, %dma_start3A_78] : memref<1280x125xi32, #tpu.memory_space<hbm>> -> memref<1x125xi32, #tpu.memory_space<hbm>>
      %dma_start3A_80 = tpu.memref_squeeze %dma_start3A_79 : memref<1x125xi32, #tpu.memory_space<hbm>> -> memref<125xi32, #tpu.memory_space<hbm>>
      %dma_start3A_81 = arith.constant 0 : i32
      %dma_start3A_82 = tpu.memref_slice %arg3[%add3A_9, %dma_start3A_81] : memref<1280x125xi32, #tpu.memory_space<hbm>> -> memref<1x125xi32, #tpu.memory_space<hbm>>
      %dma_start3A_83 = tpu.memref_squeeze %dma_start3A_82 : memref<1x125xi32, #tpu.memory_space<hbm>> -> memref<125xi32, #tpu.memory_space<hbm>>
      tpu.enqueue_dma source(%dma_start3A_83 : memref<125xi32, #tpu.memory_space<hbm>>) target(%arg8 : memref<125xi32, #tpu.memory_space<vmem>>) target_semaphore(%run_scoped3A : memref<!tpu.dma_semaphore, #tpu.memory_space<semaphore_mem>>)
      %dma_wait3A = arith.constant 0 : i32
      %dma_wait3A_84 = tpu.memref_slice %arg3[%add3A_9, %dma_wait3A] : memref<1280x125xi32, #tpu.memory_space<hbm>> -> memref<1x125xi32, #tpu.memory_space<hbm>>
      %dma_wait3A_85 = tpu.memref_squeeze %dma_wait3A_84 : memref<1x125xi32, #tpu.memory_space<hbm>> -> memref<125xi32, #tpu.memory_space<hbm>>
      %dma_wait3A_86 = arith.constant 0 : i32
      %dma_wait3A_87 = tpu.memref_slice %arg3[%add3A_9, %dma_wait3A_86] : memref<1280x125xi32, #tpu.memory_space<hbm>> -> memref<1x125xi32, #tpu.memory_space<hbm>>
      %dma_wait3A_88 = tpu.memref_squeeze %dma_wait3A_87 : memref<1x125xi32, #tpu.memory_space<hbm>> -> memref<125xi32, #tpu.memory_space<hbm>>
      tpu.wait_dma2 semaphore(%run_scoped3A : memref<!tpu.dma_semaphore, #tpu.memory_space<semaphore_mem>>) src(%dma_wait3A_88 : memref<125xi32, #tpu.memory_space<hbm>>) dst(%arg8 : memref<125xi32, #tpu.memory_space<vmem>>)
      tpu.yield
    }) : () -> ()
    %dma_start3A = arith.constant 0 : i32
    %dma_start3A_10 = arith.constant 0 : i32
    %dma_start3A_11 = tpu.memref_slice %arg9[%dma_start3A, %dma_start3A_10] : memref<128x128xf32, #tpu.memory_space<vmem>> -> memref<125x128xf32, #tpu.memory_space<vmem>>
    %dma_start3A_12 = arith.constant 0 : i32
    %dma_start3A_13 = arith.constant 0 : i32
    %dma_start3A_14 = tpu.memref_slice %arg2[%add3A_5, %dma_start3A_12, %dma_start3A_13] : memref<4x10240x128xf32, #tpu.memory_space<hbm>> -> memref<1x10240x128xf32, #tpu.memory_space<hbm>>
    %dma_start3A_15 = tpu.memref_squeeze %dma_start3A_14 : memref<1x10240x128xf32, #tpu.memory_space<hbm>> -> memref<10240x128xf32, #tpu.memory_space<hbm>>
    %dma_start3A_16 = arith.constant 0 : i32
    %dma_start3A_17 = arith.constant 0 : i32
    %dma_start3A_18 = tpu.memref_slice %dma_start3A_15[%dma_start3A_16, %dma_start3A_17] : memref<10240x128xf32, #tpu.memory_space<hbm>> -> memref<10240x128xf32, #tpu.memory_space<hbm>>
    tpu.enqueue_indirect_dma source(%dma_start3A_18 : memref<10240x128xf32, #tpu.memory_space<hbm>>) target(%dma_start3A_11 : memref<125x128xf32, #tpu.memory_space<vmem>>) offsets(%arg8 : memref<125xi32, #tpu.memory_space<vmem>>) semaphore(%arg10 : memref<!tpu.dma_semaphore, #tpu.memory_space<semaphore_mem>>)
    %mul3A_19 = arith.constant 80 : i32
    %mul3A_20 = arith.muli %arg1, %mul3A_19 : i32
    %add3A_21 = arith.constant 1 : i32
    %add3A_22 = arith.addi %mul3A_20, %add3A_21 : i32
    "tpu.region"() ({
      %run_scoped3A = tpu.sem_alloc : memref<!tpu.dma_semaphore, #tpu.memory_space<semaphore_mem>>
      %dma_start3A_78 = arith.constant 0 : i32
      %dma_start3A_79 = tpu.memref_slice %arg3[%add3A_22, %dma_start3A_78] : memref<1280x125xi32, #tpu.memory_space<hbm>> -> memref<1x125xi32, #tpu.memory_space<hbm>>
      %dma_start3A_80 = tpu.memref_squeeze %dma_start3A_79 : memref<1x125xi32, #tpu.memory_space<hbm>> -> memref<125xi32, #tpu.memory_space<hbm>>
      %dma_start3A_81 = arith.constant 0 : i32
      %dma_start3A_82 = tpu.memref_slice %arg3[%add3A_22, %dma_start3A_81] : memref<1280x125xi32, #tpu.memory_space<hbm>> -> memref<1x125xi32, #tpu.memory_space<hbm>>
      %dma_start3A_83 = tpu.memref_squeeze %dma_start3A_82 : memref<1x125xi32, #tpu.memory_space<hbm>> -> memref<125xi32, #tpu.memory_space<hbm>>
      tpu.enqueue_dma source(%dma_start3A_83 : memref<125xi32, #tpu.memory_space<hbm>>) target(%arg11 : memref<125xi32, #tpu.memory_space<vmem>>) target_semaphore(%run_scoped3A : memref<!tpu.dma_semaphore, #tpu.memory_space<semaphore_mem>>)
      %dma_wait3A = arith.constant 0 : i32
      %dma_wait3A_84 = tpu.memref_slice %arg3[%add3A_22, %dma_wait3A] : memref<1280x125xi32, #tpu.memory_space<hbm>> -> memref<1x125xi32, #tpu.memory_space<hbm>>
      %dma_wait3A_85 = tpu.memref_squeeze %dma_wait3A_84 : memref<1x125xi32, #tpu.memory_space<hbm>> -> memref<125xi32, #tpu.memory_space<hbm>>
      %dma_wait3A_86 = arith.constant 0 : i32
      %dma_wait3A_87 = tpu.memref_slice %arg3[%add3A_22, %dma_wait3A_86] : memref<1280x125xi32, #tpu.memory_space<hbm>> -> memref<1x125xi32, #tpu.memory_space<hbm>>
      %dma_wait3A_88 = tpu.memref_squeeze %dma_wait3A_87 : memref<1x125xi32, #tpu.memory_space<hbm>> -> memref<125xi32, #tpu.memory_space<hbm>>
      tpu.wait_dma2 semaphore(%run_scoped3A : memref<!tpu.dma_semaphore, #tpu.memory_space<semaphore_mem>>) src(%dma_wait3A_88 : memref<125xi32, #tpu.memory_space<hbm>>) dst(%arg11 : memref<125xi32, #tpu.memory_space<vmem>>)
      tpu.yield
    }) : () -> ()
    %dma_start3A_23 = arith.constant 0 : i32
    %dma_start3A_24 = arith.constant 0 : i32
    %dma_start3A_25 = tpu.memref_slice %arg12[%dma_start3A_23, %dma_start3A_24] : memref<128x128xf32, #tpu.memory_space<vmem>> -> memref<125x128xf32, #tpu.memory_space<vmem>>
    %dma_start3A_26 = arith.constant 0 : i32
    %dma_start3A_27 = arith.constant 0 : i32
    %dma_start3A_28 = tpu.memref_slice %arg2[%add3A_5, %dma_start3A_26, %dma_start3A_27] : memref<4x10240x128xf32, #tpu.memory_space<hbm>> -> memref<1x10240x128xf32, #tpu.memory_space<hbm>>
    %dma_start3A_29 = tpu.memref_squeeze %dma_start3A_28 : memref<1x10240x128xf32, #tpu.memory_space<hbm>> -> memref<10240x128xf32, #tpu.memory_space<hbm>>
    %dma_start3A_30 = arith.constant 0 : i32
    %dma_start3A_31 = arith.constant 0 : i32
    %dma_start3A_32 = tpu.memref_slice %dma_start3A_29[%dma_start3A_30, %dma_start3A_31] : memref<10240x128xf32, #tpu.memory_space<hbm>> -> memref<10240x128xf32, #tpu.memory_space<hbm>>
    tpu.enqueue_indirect_dma source(%dma_start3A_32 : memref<10240x128xf32, #tpu.memory_space<hbm>>) target(%dma_start3A_25 : memref<125x128xf32, #tpu.memory_space<vmem>>) offsets(%arg11 : memref<125xi32, #tpu.memory_space<vmem>>) semaphore(%arg13 : memref<!tpu.dma_semaphore, #tpu.memory_space<semaphore_mem>>)
    %scan3A = arith.constant 0 : i32
    %scan3A_33 = arith.constant 40 : i32
    %scan3A_34 = arith.addi %scan3A, %scan3A_33 : i32
    %scan3A_35 = arith.constant 1 : i32
    scf.for %scan3A_78 = %scan3A to %scan3A_34 step %scan3A_35  : i32 {
      %mul3A_79 = arith.constant 2 : i32
      %mul3A_80 = arith.muli %mul3A_79, %scan3A_78 : i32
      %add3A_81 = arith.constant 0 : i32
      %add3A_82 = arith.addi %mul3A_80, %add3A_81 : i32
      %dma_wait3A = arith.constant 0 : i32
      %dma_wait3A_83 = arith.constant 0 : i32
      %dma_wait3A_84 = tpu.memref_slice %arg9[%dma_wait3A, %dma_wait3A_83] : memref<128x128xf32, #tpu.memory_space<vmem>> -> memref<125x128xf32, #tpu.memory_space<vmem>>
      %dma_wait3A_85 = arith.constant 0 : i32
      %dma_wait3A_86 = arith.constant 0 : i32
      %dma_wait3A_87 = tpu.memref_slice %arg2[%add3A_5, %dma_wait3A_85, %dma_wait3A_86] : memref<4x10240x128xf32, #tpu.memory_space<hbm>> -> memref<1x10240x128xf32, #tpu.memory_space<hbm>>
      %dma_wait3A_88 = tpu.memref_squeeze %dma_wait3A_87 : memref<1x10240x128xf32, #tpu.memory_space<hbm>> -> memref<10240x128xf32, #tpu.memory_space<hbm>>
      %dma_wait3A_89 = arith.constant 0 : i32
      %dma_wait3A_90 = arith.constant 0 : i32
      %dma_wait3A_91 = tpu.memref_slice %dma_wait3A_88[%dma_wait3A_89, %dma_wait3A_90] : memref<10240x128xf32, #tpu.memory_space<hbm>> -> memref<10240x128xf32, #tpu.memory_space<hbm>>
      tpu.wait_indirect_dma semaphore(%arg10 : memref<!tpu.dma_semaphore, #tpu.memory_space<semaphore_mem>>) src(%dma_wait3A_91 : memref<10240x128xf32, #tpu.memory_space<hbm>>) dst(%dma_wait3A_84 : memref<125x128xf32, #tpu.memory_space<vmem>>)
      "tpu.region"() ({
        %run_scoped3A = tpu.sem_alloc : memref<!tpu.dma_semaphore, #tpu.memory_space<semaphore_mem>>
        %dma_start3A_117 = arith.constant 0 : i32
        %dma_start3A_118 = arith.constant 0 : i32
        %dma_start3A_119 = tpu.memref_slice %arg9[%dma_start3A_117, %dma_start3A_118] : memref<128x128xf32, #tpu.memory_space<vmem>> -> memref<125x128xf32, #tpu.memory_space<vmem>>
        %dma_start3A_120 = arith.constant 0 : i32
        %dma_start3A_121 = tpu.memref_slice %arg7[%add3A_82, %dma_start3A_120] : memref<80x125xi32, #tpu.memory_space<vmem>> -> memref<1x125xi32, #tpu.memory_space<vmem>>
        %dma_start3A_122 = tpu.memref_squeeze %dma_start3A_121 : memref<1x125xi32, #tpu.memory_space<vmem>> -> memref<125xi32, #tpu.memory_space<vmem>>
        %dma_start3A_123 = arith.constant 0 : i32
        %dma_start3A_124 = arith.constant 0 : i32
        %dma_start3A_125 = tpu.memref_slice %arg6[%dma_start3A_123, %dma_start3A_124] : memref<10240x128xf32, #tpu.memory_space<vmem_shared>> -> memref<10240x128xf32, #tpu.memory_space<vmem_shared>>
        tpu.enqueue_indirect_dma source(%dma_start3A_119 : memref<125x128xf32, #tpu.memory_space<vmem>>) target(%dma_start3A_125 : memref<10240x128xf32, #tpu.memory_space<vmem_shared>>) offsets(%dma_start3A_122 : memref<125xi32, #tpu.memory_space<vmem>>) semaphore(%run_scoped3A : memref<!tpu.dma_semaphore, #tpu.memory_space<semaphore_mem>>) {add = true}
        %dma_wait3A_126 = arith.constant 0 : i32
        %dma_wait3A_127 = arith.constant 0 : i32
        %dma_wait3A_128 = tpu.memref_slice %arg9[%dma_wait3A_126, %dma_wait3A_127] : memref<128x128xf32, #tpu.memory_space<vmem>> -> memref<125x128xf32, #tpu.memory_space<vmem>>
        %dma_wait3A_129 = arith.constant 0 : i32
        %dma_wait3A_130 = tpu.memref_slice %arg7[%add3A_82, %dma_wait3A_129] : memref<80x125xi32, #tpu.memory_space<vmem>> -> memref<1x125xi32, #tpu.memory_space<vmem>>
        %dma_wait3A_131 = tpu.memref_squeeze %dma_wait3A_130 : memref<1x125xi32, #tpu.memory_space<vmem>> -> memref<125xi32, #tpu.memory_space<vmem>>
        %dma_wait3A_132 = arith.constant 0 : i32
        %dma_wait3A_133 = arith.constant 0 : i32
        %dma_wait3A_134 = tpu.memref_slice %arg6[%dma_wait3A_132, %dma_wait3A_133] : memref<10240x128xf32, #tpu.memory_space<vmem_shared>> -> memref<10240x128xf32, #tpu.memory_space<vmem_shared>>
        tpu.wait_indirect_dma semaphore(%run_scoped3A : memref<!tpu.dma_semaphore, #tpu.memory_space<semaphore_mem>>) src(%dma_wait3A_128 : memref<125x128xf32, #tpu.memory_space<vmem>>) dst(%dma_wait3A_134 : memref<10240x128xf32, #tpu.memory_space<vmem_shared>>)
        tpu.yield
      }) : () -> ()
      %add3A_92 = arith.constant 2 : i32
      %add3A_93 = arith.addi %add3A_82, %add3A_92 : i32
      %lt3A = arith.constant 80 : i32
      %lt3A_94 = arith.cmpi slt, %add3A_93, %lt3A : i32
      %convert_element_type3A = arith.extui %lt3A_94 : i1 to i32
      %cond3A = arith.constant 0 : i32
      %cond3A_95 = arith.cmpi ne, %convert_element_type3A, %cond3A : i32
      scf.if %cond3A_95 {
        %add3A_117 = arith.constant 2 : i32
        %add3A_118 = arith.addi %add3A_82, %add3A_117 : i32
        %mul3A_119 = arith.constant 80 : i32
        %mul3A_120 = arith.muli %arg1, %mul3A_119 : i32
        %add3A_121 = arith.addi %mul3A_120, %add3A_118 : i32
        "tpu.region"() ({
          %run_scoped3A = tpu.sem_alloc : memref<!tpu.dma_semaphore, #tpu.memory_space<semaphore_mem>>
          %dma_start3A_132 = arith.constant 0 : i32
          %dma_start3A_133 = tpu.memref_slice %arg3[%add3A_121, %dma_start3A_132] : memref<1280x125xi32, #tpu.memory_space<hbm>> -> memref<1x125xi32, #tpu.memory_space<hbm>>
          %dma_start3A_134 = tpu.memref_squeeze %dma_start3A_133 : memref<1x125xi32, #tpu.memory_space<hbm>> -> memref<125xi32, #tpu.memory_space<hbm>>
          %dma_start3A_135 = arith.constant 0 : i32
          %dma_start3A_136 = tpu.memref_slice %arg3[%add3A_121, %dma_start3A_135] : memref<1280x125xi32, #tpu.memory_space<hbm>> -> memref<1x125xi32, #tpu.memory_space<hbm>>
          %dma_start3A_137 = tpu.memref_squeeze %dma_start3A_136 : memref<1x125xi32, #tpu.memory_space<hbm>> -> memref<125xi32, #tpu.memory_space<hbm>>
          tpu.enqueue_dma source(%dma_start3A_137 : memref<125xi32, #tpu.memory_space<hbm>>) target(%arg8 : memref<125xi32, #tpu.memory_space<vmem>>) target_semaphore(%run_scoped3A : memref<!tpu.dma_semaphore, #tpu.memory_space<semaphore_mem>>)
          %dma_wait3A_138 = arith.constant 0 : i32
          %dma_wait3A_139 = tpu.memref_slice %arg3[%add3A_121, %dma_wait3A_138] : memref<1280x125xi32, #tpu.memory_space<hbm>> -> memref<1x125xi32, #tpu.memory_space<hbm>>
          %dma_wait3A_140 = tpu.memref_squeeze %dma_wait3A_139 : memref<1x125xi32, #tpu.memory_space<hbm>> -> memref<125xi32, #tpu.memory_space<hbm>>
          %dma_wait3A_141 = arith.constant 0 : i32
          %dma_wait3A_142 = tpu.memref_slice %arg3[%add3A_121, %dma_wait3A_141] : memref<1280x125xi32, #tpu.memory_space<hbm>> -> memref<1x125xi32, #tpu.memory_space<hbm>>
          %dma_wait3A_143 = tpu.memref_squeeze %dma_wait3A_142 : memref<1x125xi32, #tpu.memory_space<hbm>> -> memref<125xi32, #tpu.memory_space<hbm>>
          tpu.wait_dma2 semaphore(%run_scoped3A : memref<!tpu.dma_semaphore, #tpu.memory_space<semaphore_mem>>) src(%dma_wait3A_143 : memref<125xi32, #tpu.memory_space<hbm>>) dst(%arg8 : memref<125xi32, #tpu.memory_space<vmem>>)
          tpu.yield
        }) : () -> ()
        %dma_start3A_122 = arith.constant 0 : i32
        %dma_start3A_123 = arith.constant 0 : i32
        %dma_start3A_124 = tpu.memref_slice %arg9[%dma_start3A_122, %dma_start3A_123] : memref<128x128xf32, #tpu.memory_space<vmem>> -> memref<125x128xf32, #tpu.memory_space<vmem>>
        %dma_start3A_125 = arith.constant 0 : i32
        %dma_start3A_126 = arith.constant 0 : i32
        %dma_start3A_127 = tpu.memref_slice %arg2[%add3A_5, %dma_start3A_125, %dma_start3A_126] : memref<4x10240x128xf32, #tpu.memory_space<hbm>> -> memref<1x10240x128xf32, #tpu.memory_space<hbm>>
        %dma_start3A_128 = tpu.memref_squeeze %dma_start3A_127 : memref<1x10240x128xf32, #tpu.memory_space<hbm>> -> memref<10240x128xf32, #tpu.memory_space<hbm>>
        %dma_start3A_129 = arith.constant 0 : i32
        %dma_start3A_130 = arith.constant 0 : i32
        %dma_start3A_131 = tpu.memref_slice %dma_start3A_128[%dma_start3A_129, %dma_start3A_130] : memref<10240x128xf32, #tpu.memory_space<hbm>> -> memref<10240x128xf32, #tpu.memory_space<hbm>>
        tpu.enqueue_indirect_dma source(%dma_start3A_131 : memref<10240x128xf32, #tpu.memory_space<hbm>>) target(%dma_start3A_124 : memref<125x128xf32, #tpu.memory_space<vmem>>) offsets(%arg8 : memref<125xi32, #tpu.memory_space<vmem>>) semaphore(%arg10 : memref<!tpu.dma_semaphore, #tpu.memory_space<semaphore_mem>>)
      } else {
      }
      %mul3A_96 = arith.constant 2 : i32
      %mul3A_97 = arith.muli %mul3A_96, %scan3A_78 : i32
      %add3A_98 = arith.constant 1 : i32
      %add3A_99 = arith.addi %mul3A_97, %add3A_98 : i32
      %dma_wait3A_100 = arith.constant 0 : i32
      %dma_wait3A_101 = arith.constant 0 : i32
      %dma_wait3A_102 = tpu.memref_slice %arg12[%dma_wait3A_100, %dma_wait3A_101] : memref<128x128xf32, #tpu.memory_space<vmem>> -> memref<125x128xf32, #tpu.memory_space<vmem>>
      %dma_wait3A_103 = arith.constant 0 : i32
      %dma_wait3A_104 = arith.constant 0 : i32
      %dma_wait3A_105 = tpu.memref_slice %arg2[%add3A_5, %dma_wait3A_103, %dma_wait3A_104] : memref<4x10240x128xf32, #tpu.memory_space<hbm>> -> memref<1x10240x128xf32, #tpu.memory_space<hbm>>
      %dma_wait3A_106 = tpu.memref_squeeze %dma_wait3A_105 : memref<1x10240x128xf32, #tpu.memory_space<hbm>> -> memref<10240x128xf32, #tpu.memory_space<hbm>>
      %dma_wait3A_107 = arith.constant 0 : i32
      %dma_wait3A_108 = arith.constant 0 : i32
      %dma_wait3A_109 = tpu.memref_slice %dma_wait3A_106[%dma_wait3A_107, %dma_wait3A_108] : memref<10240x128xf32, #tpu.memory_space<hbm>> -> memref<10240x128xf32, #tpu.memory_space<hbm>>
      tpu.wait_indirect_dma semaphore(%arg13 : memref<!tpu.dma_semaphore, #tpu.memory_space<semaphore_mem>>) src(%dma_wait3A_109 : memref<10240x128xf32, #tpu.memory_space<hbm>>) dst(%dma_wait3A_102 : memref<125x128xf32, #tpu.memory_space<vmem>>)
      "tpu.region"() ({
        %run_scoped3A = tpu.sem_alloc : memref<!tpu.dma_semaphore, #tpu.memory_space<semaphore_mem>>
        %dma_start3A_117 = arith.constant 0 : i32
        %dma_start3A_118 = arith.constant 0 : i32
        %dma_start3A_119 = tpu.memref_slice %arg12[%dma_start3A_117, %dma_start3A_118] : memref<128x128xf32, #tpu.memory_space<vmem>> -> memref<125x128xf32, #tpu.memory_space<vmem>>
        %dma_start3A_120 = arith.constant 0 : i32
        %dma_start3A_121 = tpu.memref_slice %arg7[%add3A_99, %dma_start3A_120] : memref<80x125xi32, #tpu.memory_space<vmem>> -> memref<1x125xi32, #tpu.memory_space<vmem>>
        %dma_start3A_122 = tpu.memref_squeeze %dma_start3A_121 : memref<1x125xi32, #tpu.memory_space<vmem>> -> memref<125xi32, #tpu.memory_space<vmem>>
        %dma_start3A_123 = arith.constant 0 : i32
        %dma_start3A_124 = arith.constant 0 : i32
        %dma_start3A_125 = tpu.memref_slice %arg6[%dma_start3A_123, %dma_start3A_124] : memref<10240x128xf32, #tpu.memory_space<vmem_shared>> -> memref<10240x128xf32, #tpu.memory_space<vmem_shared>>
        tpu.enqueue_indirect_dma source(%dma_start3A_119 : memref<125x128xf32, #tpu.memory_space<vmem>>) target(%dma_start3A_125 : memref<10240x128xf32, #tpu.memory_space<vmem_shared>>) offsets(%dma_start3A_122 : memref<125xi32, #tpu.memory_space<vmem>>) semaphore(%run_scoped3A : memref<!tpu.dma_semaphore, #tpu.memory_space<semaphore_mem>>) {add = true}
        %dma_wait3A_126 = arith.constant 0 : i32
        %dma_wait3A_127 = arith.constant 0 : i32
        %dma_wait3A_128 = tpu.memref_slice %arg12[%dma_wait3A_126, %dma_wait3A_127] : memref<128x128xf32, #tpu.memory_space<vmem>> -> memref<125x128xf32, #tpu.memory_space<vmem>>
        %dma_wait3A_129 = arith.constant 0 : i32
        %dma_wait3A_130 = tpu.memref_slice %arg7[%add3A_99, %dma_wait3A_129] : memref<80x125xi32, #tpu.memory_space<vmem>> -> memref<1x125xi32, #tpu.memory_space<vmem>>
        %dma_wait3A_131 = tpu.memref_squeeze %dma_wait3A_130 : memref<1x125xi32, #tpu.memory_space<vmem>> -> memref<125xi32, #tpu.memory_space<vmem>>
        %dma_wait3A_132 = arith.constant 0 : i32
        %dma_wait3A_133 = arith.constant 0 : i32
        %dma_wait3A_134 = tpu.memref_slice %arg6[%dma_wait3A_132, %dma_wait3A_133] : memref<10240x128xf32, #tpu.memory_space<vmem_shared>> -> memref<10240x128xf32, #tpu.memory_space<vmem_shared>>
        tpu.wait_indirect_dma semaphore(%run_scoped3A : memref<!tpu.dma_semaphore, #tpu.memory_space<semaphore_mem>>) src(%dma_wait3A_128 : memref<125x128xf32, #tpu.memory_space<vmem>>) dst(%dma_wait3A_134 : memref<10240x128xf32, #tpu.memory_space<vmem_shared>>)
        tpu.yield
      }) : () -> ()
      %add3A_110 = arith.constant 2 : i32
      %add3A_111 = arith.addi %add3A_99, %add3A_110 : i32
      %lt3A_112 = arith.constant 80 : i32
      %lt3A_113 = arith.cmpi slt, %add3A_111, %lt3A_112 : i32
      %convert_element_type3A_114 = arith.extui %lt3A_113 : i1 to i32
      %cond3A_115 = arith.constant 0 : i32
      %cond3A_116 = arith.cmpi ne, %convert_element_type3A_114, %cond3A_115 : i32
      scf.if %cond3A_116 {
        %add3A_117 = arith.constant 2 : i32
        %add3A_118 = arith.addi %add3A_99, %add3A_117 : i32
        %mul3A_119 = arith.constant 80 : i32
        %mul3A_120 = arith.muli %arg1, %mul3A_119 : i32
        %add3A_121 = arith.addi %mul3A_120, %add3A_118 : i32
        "tpu.region"() ({
          %run_scoped3A = tpu.sem_alloc : memref<!tpu.dma_semaphore, #tpu.memory_space<semaphore_mem>>
          %dma_start3A_132 = arith.constant 0 : i32
          %dma_start3A_133 = tpu.memref_slice %arg3[%add3A_121, %dma_start3A_132] : memref<1280x125xi32, #tpu.memory_space<hbm>> -> memref<1x125xi32, #tpu.memory_space<hbm>>
          %dma_start3A_134 = tpu.memref_squeeze %dma_start3A_133 : memref<1x125xi32, #tpu.memory_space<hbm>> -> memref<125xi32, #tpu.memory_space<hbm>>
          %dma_start3A_135 = arith.constant 0 : i32
          %dma_start3A_136 = tpu.memref_slice %arg3[%add3A_121, %dma_start3A_135] : memref<1280x125xi32, #tpu.memory_space<hbm>> -> memref<1x125xi32, #tpu.memory_space<hbm>>
          %dma_start3A_137 = tpu.memref_squeeze %dma_start3A_136 : memref<1x125xi32, #tpu.memory_space<hbm>> -> memref<125xi32, #tpu.memory_space<hbm>>
          tpu.enqueue_dma source(%dma_start3A_137 : memref<125xi32, #tpu.memory_space<hbm>>) target(%arg11 : memref<125xi32, #tpu.memory_space<vmem>>) target_semaphore(%run_scoped3A : memref<!tpu.dma_semaphore, #tpu.memory_space<semaphore_mem>>)
          %dma_wait3A_138 = arith.constant 0 : i32
          %dma_wait3A_139 = tpu.memref_slice %arg3[%add3A_121, %dma_wait3A_138] : memref<1280x125xi32, #tpu.memory_space<hbm>> -> memref<1x125xi32, #tpu.memory_space<hbm>>
          %dma_wait3A_140 = tpu.memref_squeeze %dma_wait3A_139 : memref<1x125xi32, #tpu.memory_space<hbm>> -> memref<125xi32, #tpu.memory_space<hbm>>
          %dma_wait3A_141 = arith.constant 0 : i32
          %dma_wait3A_142 = tpu.memref_slice %arg3[%add3A_121, %dma_wait3A_141] : memref<1280x125xi32, #tpu.memory_space<hbm>> -> memref<1x125xi32, #tpu.memory_space<hbm>>
          %dma_wait3A_143 = tpu.memref_squeeze %dma_wait3A_142 : memref<1x125xi32, #tpu.memory_space<hbm>> -> memref<125xi32, #tpu.memory_space<hbm>>
          tpu.wait_dma2 semaphore(%run_scoped3A : memref<!tpu.dma_semaphore, #tpu.memory_space<semaphore_mem>>) src(%dma_wait3A_143 : memref<125xi32, #tpu.memory_space<hbm>>) dst(%arg11 : memref<125xi32, #tpu.memory_space<vmem>>)
          tpu.yield
        }) : () -> ()
        %dma_start3A_122 = arith.constant 0 : i32
        %dma_start3A_123 = arith.constant 0 : i32
        %dma_start3A_124 = tpu.memref_slice %arg12[%dma_start3A_122, %dma_start3A_123] : memref<128x128xf32, #tpu.memory_space<vmem>> -> memref<125x128xf32, #tpu.memory_space<vmem>>
        %dma_start3A_125 = arith.constant 0 : i32
        %dma_start3A_126 = arith.constant 0 : i32
        %dma_start3A_127 = tpu.memref_slice %arg2[%add3A_5, %dma_start3A_125, %dma_start3A_126] : memref<4x10240x128xf32, #tpu.memory_space<hbm>> -> memref<1x10240x128xf32, #tpu.memory_space<hbm>>
        %dma_start3A_128 = tpu.memref_squeeze %dma_start3A_127 : memref<1x10240x128xf32, #tpu.memory_space<hbm>> -> memref<10240x128xf32, #tpu.memory_space<hbm>>
        %dma_start3A_129 = arith.constant 0 : i32
        %dma_start3A_130 = arith.constant 0 : i32
        %dma_start3A_131 = tpu.memref_slice %dma_start3A_128[%dma_start3A_129, %dma_start3A_130] : memref<10240x128xf32, #tpu.memory_space<hbm>> -> memref<10240x128xf32, #tpu.memory_space<hbm>>
        tpu.enqueue_indirect_dma source(%dma_start3A_131 : memref<10240x128xf32, #tpu.memory_space<hbm>>) target(%dma_start3A_124 : memref<125x128xf32, #tpu.memory_space<vmem>>) offsets(%arg11 : memref<125xi32, #tpu.memory_space<vmem>>) semaphore(%arg13 : memref<!tpu.dma_semaphore, #tpu.memory_space<semaphore_mem>>)
      } else {
      }
    }
    %scan3A_36 = arith.constant 40 : i32
    %barrier3A_37 = arith.constant 0 : index
    tpu.barrier barrier_id(%barrier3A_37)
    "tpu.region"() ({
      %run_scoped3A = tpu.sem_alloc : memref<!tpu.dma_semaphore, #tpu.memory_space<semaphore_mem>>
      %dma_start3A_78 = arith.constant 0 : i32
      %dma_start3A_79 = tpu.memref_slice %arg5[%add3A_5, %mul3A_0, %dma_start3A_78] : memref<4x10240x128xf32, #tpu.memory_space<hbm>> -> memref<1x640x128xf32, #tpu.memory_space<hbm>>
      %dma_start3A_80 = tpu.memref_squeeze %dma_start3A_79 : memref<1x640x128xf32, #tpu.memory_space<hbm>> -> memref<640x128xf32, #tpu.memory_space<hbm>>
      %dma_start3A_81 = arith.constant 0 : i32
      %dma_start3A_82 = tpu.memref_slice %arg6[%mul3A_0, %dma_start3A_81] : memref<10240x128xf32, #tpu.memory_space<vmem_shared>> -> memref<640x128xf32, #tpu.memory_space<vmem_shared>>
      tpu.enqueue_dma source(%dma_start3A_82 : memref<640x128xf32, #tpu.memory_space<vmem_shared>>) target(%dma_start3A_80 : memref<640x128xf32, #tpu.memory_space<hbm>>) target_semaphore(%run_scoped3A : memref<!tpu.dma_semaphore, #tpu.memory_space<semaphore_mem>>)
      %dma_wait3A = arith.constant 0 : i32
      %dma_wait3A_83 = tpu.memref_slice %arg5[%add3A_5, %mul3A_0, %dma_wait3A] : memref<4x10240x128xf32, #tpu.memory_space<hbm>> -> memref<1x640x128xf32, #tpu.memory_space<hbm>>
      %dma_wait3A_84 = tpu.memref_squeeze %dma_wait3A_83 : memref<1x640x128xf32, #tpu.memory_space<hbm>> -> memref<640x128xf32, #tpu.memory_space<hbm>>
      %dma_wait3A_85 = arith.constant 0 : i32
      %dma_wait3A_86 = tpu.memref_slice %arg6[%mul3A_0, %dma_wait3A_85] : memref<10240x128xf32, #tpu.memory_space<vmem_shared>> -> memref<640x128xf32, #tpu.memory_space<vmem_shared>>
      tpu.wait_dma2 semaphore(%run_scoped3A : memref<!tpu.dma_semaphore, #tpu.memory_space<semaphore_mem>>) src(%dma_wait3A_86 : memref<640x128xf32, #tpu.memory_space<vmem_shared>>) dst(%dma_wait3A_84 : memref<640x128xf32, #tpu.memory_space<hbm>>)
      tpu.yield
    }) : () -> ()
    %barrier3A_38 = arith.constant 0 : index
    tpu.barrier barrier_id(%barrier3A_38)
    %mul3A_39 = arith.constant 2 : i32
    %mul3A_40 = arith.muli %arg0, %mul3A_39 : i32
    %add3A_41 = arith.constant 1 : i32
    %add3A_42 = arith.addi %mul3A_40, %add3A_41 : i32
    "tpu.region"() ({
      %run_scoped3A = tpu.sem_alloc : memref<!tpu.dma_semaphore, #tpu.memory_space<semaphore_mem>>
      %dma_start3A_78 = arith.constant 0 : i32
      %dma_start3A_79 = tpu.memref_slice %arg6[%mul3A_0, %dma_start3A_78] : memref<10240x128xf32, #tpu.memory_space<vmem_shared>> -> memref<640x128xf32, #tpu.memory_space<vmem_shared>>
      %dma_start3A_80 = arith.constant 0 : i32
      %dma_start3A_81 = tpu.memref_slice %arg2[%add3A_42, %mul3A_0, %dma_start3A_80] : memref<4x10240x128xf32, #tpu.memory_space<hbm>> -> memref<1x640x128xf32, #tpu.memory_space<hbm>>
      %dma_start3A_82 = tpu.memref_squeeze %dma_start3A_81 : memref<1x640x128xf32, #tpu.memory_space<hbm>> -> memref<640x128xf32, #tpu.memory_space<hbm>>
      tpu.enqueue_dma source(%dma_start3A_82 : memref<640x128xf32, #tpu.memory_space<hbm>>) target(%dma_start3A_79 : memref<640x128xf32, #tpu.memory_space<vmem_shared>>) target_semaphore(%run_scoped3A : memref<!tpu.dma_semaphore, #tpu.memory_space<semaphore_mem>>)
      %dma_wait3A = arith.constant 0 : i32
      %dma_wait3A_83 = tpu.memref_slice %arg6[%mul3A_0, %dma_wait3A] : memref<10240x128xf32, #tpu.memory_space<vmem_shared>> -> memref<640x128xf32, #tpu.memory_space<vmem_shared>>
      %dma_wait3A_84 = arith.constant 0 : i32
      %dma_wait3A_85 = tpu.memref_slice %arg2[%add3A_42, %mul3A_0, %dma_wait3A_84] : memref<4x10240x128xf32, #tpu.memory_space<hbm>> -> memref<1x640x128xf32, #tpu.memory_space<hbm>>
      %dma_wait3A_86 = tpu.memref_squeeze %dma_wait3A_85 : memref<1x640x128xf32, #tpu.memory_space<hbm>> -> memref<640x128xf32, #tpu.memory_space<hbm>>
      tpu.wait_dma2 semaphore(%run_scoped3A : memref<!tpu.dma_semaphore, #tpu.memory_space<semaphore_mem>>) src(%dma_wait3A_86 : memref<640x128xf32, #tpu.memory_space<hbm>>) dst(%dma_wait3A_83 : memref<640x128xf32, #tpu.memory_space<vmem_shared>>)
      tpu.yield
    }) : () -> ()
    %barrier3A_43 = arith.constant 0 : index
    tpu.barrier barrier_id(%barrier3A_43)
    %mul3A_44 = arith.constant 80 : i32
    %mul3A_45 = arith.muli %arg1, %mul3A_44 : i32
    %add3A_46 = arith.constant 0 : i32
    %add3A_47 = arith.addi %mul3A_45, %add3A_46 : i32
    "tpu.region"() ({
      %run_scoped3A = tpu.sem_alloc : memref<!tpu.dma_semaphore, #tpu.memory_space<semaphore_mem>>
      %dma_start3A_78 = arith.constant 0 : i32
      %dma_start3A_79 = tpu.memref_slice %arg3[%add3A_47, %dma_start3A_78] : memref<1280x125xi32, #tpu.memory_space<hbm>> -> memref<1x125xi32, #tpu.memory_space<hbm>>
      %dma_start3A_80 = tpu.memref_squeeze %dma_start3A_79 : memref<1x125xi32, #tpu.memory_space<hbm>> -> memref<125xi32, #tpu.memory_space<hbm>>
      %dma_start3A_81 = arith.constant 0 : i32
      %dma_start3A_82 = tpu.memref_slice %arg3[%add3A_47, %dma_start3A_81] : memref<1280x125xi32, #tpu.memory_space<hbm>> -> memref<1x125xi32, #tpu.memory_space<hbm>>
      %dma_start3A_83 = tpu.memref_squeeze %dma_start3A_82 : memref<1x125xi32, #tpu.memory_space<hbm>> -> memref<125xi32, #tpu.memory_space<hbm>>
      tpu.enqueue_dma source(%dma_start3A_83 : memref<125xi32, #tpu.memory_space<hbm>>) target(%arg8 : memref<125xi32, #tpu.memory_space<vmem>>) target_semaphore(%run_scoped3A : memref<!tpu.dma_semaphore, #tpu.memory_space<semaphore_mem>>)
      %dma_wait3A = arith.constant 0 : i32
      %dma_wait3A_84 = tpu.memref_slice %arg3[%add3A_47, %dma_wait3A] : memref<1280x125xi32, #tpu.memory_space<hbm>> -> memref<1x125xi32, #tpu.memory_space<hbm>>
      %dma_wait3A_85 = tpu.memref_squeeze %dma_wait3A_84 : memref<1x125xi32, #tpu.memory_space<hbm>> -> memref<125xi32, #tpu.memory_space<hbm>>
      %dma_wait3A_86 = arith.constant 0 : i32
      %dma_wait3A_87 = tpu.memref_slice %arg3[%add3A_47, %dma_wait3A_86] : memref<1280x125xi32, #tpu.memory_space<hbm>> -> memref<1x125xi32, #tpu.memory_space<hbm>>
      %dma_wait3A_88 = tpu.memref_squeeze %dma_wait3A_87 : memref<1x125xi32, #tpu.memory_space<hbm>> -> memref<125xi32, #tpu.memory_space<hbm>>
      tpu.wait_dma2 semaphore(%run_scoped3A : memref<!tpu.dma_semaphore, #tpu.memory_space<semaphore_mem>>) src(%dma_wait3A_88 : memref<125xi32, #tpu.memory_space<hbm>>) dst(%arg8 : memref<125xi32, #tpu.memory_space<vmem>>)
      tpu.yield
    }) : () -> ()
    %dma_start3A_48 = arith.constant 0 : i32
    %dma_start3A_49 = arith.constant 0 : i32
    %dma_start3A_50 = tpu.memref_slice %arg9[%dma_start3A_48, %dma_start3A_49] : memref<128x128xf32, #tpu.memory_space<vmem>> -> memref<125x128xf32, #tpu.memory_space<vmem>>
    %dma_start3A_51 = arith.constant 0 : i32
    %dma_start3A_52 = arith.constant 0 : i32
    %dma_start3A_53 = tpu.memref_slice %arg2[%add3A_42, %dma_start3A_51, %dma_start3A_52] : memref<4x10240x128xf32, #tpu.memory_space<hbm>> -> memref<1x10240x128xf32, #tpu.memory_space<hbm>>
    %dma_start3A_54 = tpu.memref_squeeze %dma_start3A_53 : memref<1x10240x128xf32, #tpu.memory_space<hbm>> -> memref<10240x128xf32, #tpu.memory_space<hbm>>
    %dma_start3A_55 = arith.constant 0 : i32
    %dma_start3A_56 = arith.constant 0 : i32
    %dma_start3A_57 = tpu.memref_slice %dma_start3A_54[%dma_start3A_55, %dma_start3A_56] : memref<10240x128xf32, #tpu.memory_space<hbm>> -> memref<10240x128xf32, #tpu.memory_space<hbm>>
    tpu.enqueue_indirect_dma source(%dma_start3A_57 : memref<10240x128xf32, #tpu.memory_space<hbm>>) target(%dma_start3A_50 : memref<125x128xf32, #tpu.memory_space<vmem>>) offsets(%arg8 : memref<125xi32, #tpu.memory_space<vmem>>) semaphore(%arg10 : memref<!tpu.dma_semaphore, #tpu.memory_space<semaphore_mem>>)
    %mul3A_58 = arith.constant 80 : i32
    %mul3A_59 = arith.muli %arg1, %mul3A_58 : i32
    %add3A_60 = arith.constant 1 : i32
    %add3A_61 = arith.addi %mul3A_59, %add3A_60 : i32
    "tpu.region"() ({
      %run_scoped3A = tpu.sem_alloc : memref<!tpu.dma_semaphore, #tpu.memory_space<semaphore_mem>>
      %dma_start3A_78 = arith.constant 0 : i32
      %dma_start3A_79 = tpu.memref_slice %arg3[%add3A_61, %dma_start3A_78] : memref<1280x125xi32, #tpu.memory_space<hbm>> -> memref<1x125xi32, #tpu.memory_space<hbm>>
      %dma_start3A_80 = tpu.memref_squeeze %dma_start3A_79 : memref<1x125xi32, #tpu.memory_space<hbm>> -> memref<125xi32, #tpu.memory_space<hbm>>
      %dma_start3A_81 = arith.constant 0 : i32
      %dma_start3A_82 = tpu.memref_slice %arg3[%add3A_61, %dma_start3A_81] : memref<1280x125xi32, #tpu.memory_space<hbm>> -> memref<1x125xi32, #tpu.memory_space<hbm>>
      %dma_start3A_83 = tpu.memref_squeeze %dma_start3A_82 : memref<1x125xi32, #tpu.memory_space<hbm>> -> memref<125xi32, #tpu.memory_space<hbm>>
      tpu.enqueue_dma source(%dma_start3A_83 : memref<125xi32, #tpu.memory_space<hbm>>) target(%arg11 : memref<125xi32, #tpu.memory_space<vmem>>) target_semaphore(%run_scoped3A : memref<!tpu.dma_semaphore, #tpu.memory_space<semaphore_mem>>)
      %dma_wait3A = arith.constant 0 : i32
      %dma_wait3A_84 = tpu.memref_slice %arg3[%add3A_61, %dma_wait3A] : memref<1280x125xi32, #tpu.memory_space<hbm>> -> memref<1x125xi32, #tpu.memory_space<hbm>>
      %dma_wait3A_85 = tpu.memref_squeeze %dma_wait3A_84 : memref<1x125xi32, #tpu.memory_space<hbm>> -> memref<125xi32, #tpu.memory_space<hbm>>
      %dma_wait3A_86 = arith.constant 0 : i32
      %dma_wait3A_87 = tpu.memref_slice %arg3[%add3A_61, %dma_wait3A_86] : memref<1280x125xi32, #tpu.memory_space<hbm>> -> memref<1x125xi32, #tpu.memory_space<hbm>>
      %dma_wait3A_88 = tpu.memref_squeeze %dma_wait3A_87 : memref<1x125xi32, #tpu.memory_space<hbm>> -> memref<125xi32, #tpu.memory_space<hbm>>
      tpu.wait_dma2 semaphore(%run_scoped3A : memref<!tpu.dma_semaphore, #tpu.memory_space<semaphore_mem>>) src(%dma_wait3A_88 : memref<125xi32, #tpu.memory_space<hbm>>) dst(%arg11 : memref<125xi32, #tpu.memory_space<vmem>>)
      tpu.yield
    }) : () -> ()
    %dma_start3A_62 = arith.constant 0 : i32
    %dma_start3A_63 = arith.constant 0 : i32
    %dma_start3A_64 = tpu.memref_slice %arg12[%dma_start3A_62, %dma_start3A_63] : memref<128x128xf32, #tpu.memory_space<vmem>> -> memref<125x128xf32, #tpu.memory_space<vmem>>
    %dma_start3A_65 = arith.constant 0 : i32
    %dma_start3A_66 = arith.constant 0 : i32
    %dma_start3A_67 = tpu.memref_slice %arg2[%add3A_42, %dma_start3A_65, %dma_start3A_66] : memref<4x10240x128xf32, #tpu.memory_space<hbm>> -> memref<1x10240x128xf32, #tpu.memory_space<hbm>>
    %dma_start3A_68 = tpu.memref_squeeze %dma_start3A_67 : memref<1x10240x128xf32, #tpu.memory_space<hbm>> -> memref<10240x128xf32, #tpu.memory_space<hbm>>
    %dma_start3A_69 = arith.constant 0 : i32
    %dma_start3A_70 = arith.constant 0 : i32
    %dma_start3A_71 = tpu.memref_slice %dma_start3A_68[%dma_start3A_69, %dma_start3A_70] : memref<10240x128xf32, #tpu.memory_space<hbm>> -> memref<10240x128xf32, #tpu.memory_space<hbm>>
    tpu.enqueue_indirect_dma source(%dma_start3A_71 : memref<10240x128xf32, #tpu.memory_space<hbm>>) target(%dma_start3A_64 : memref<125x128xf32, #tpu.memory_space<vmem>>) offsets(%arg11 : memref<125xi32, #tpu.memory_space<vmem>>) semaphore(%arg13 : memref<!tpu.dma_semaphore, #tpu.memory_space<semaphore_mem>>)
    %scan3A_72 = arith.constant 0 : i32
    %scan3A_73 = arith.constant 40 : i32
    %scan3A_74 = arith.addi %scan3A_72, %scan3A_73 : i32
    %scan3A_75 = arith.constant 1 : i32
    scf.for %scan3A_78 = %scan3A_72 to %scan3A_74 step %scan3A_75  : i32 {
      %mul3A_79 = arith.constant 2 : i32
      %mul3A_80 = arith.muli %mul3A_79, %scan3A_78 : i32
      %add3A_81 = arith.constant 0 : i32
      %add3A_82 = arith.addi %mul3A_80, %add3A_81 : i32
      %dma_wait3A = arith.constant 0 : i32
      %dma_wait3A_83 = arith.constant 0 : i32
      %dma_wait3A_84 = tpu.memref_slice %arg9[%dma_wait3A, %dma_wait3A_83] : memref<128x128xf32, #tpu.memory_space<vmem>> -> memref<125x128xf32, #tpu.memory_space<vmem>>
      %dma_wait3A_85 = arith.constant 0 : i32
      %dma_wait3A_86 = arith.constant 0 : i32
      %dma_wait3A_87 = tpu.memref_slice %arg2[%add3A_42, %dma_wait3A_85, %dma_wait3A_86] : memref<4x10240x128xf32, #tpu.memory_space<hbm>> -> memref<1x10240x128xf32, #tpu.memory_space<hbm>>
      %dma_wait3A_88 = tpu.memref_squeeze %dma_wait3A_87 : memref<1x10240x128xf32, #tpu.memory_space<hbm>> -> memref<10240x128xf32, #tpu.memory_space<hbm>>
      %dma_wait3A_89 = arith.constant 0 : i32
      %dma_wait3A_90 = arith.constant 0 : i32
      %dma_wait3A_91 = tpu.memref_slice %dma_wait3A_88[%dma_wait3A_89, %dma_wait3A_90] : memref<10240x128xf32, #tpu.memory_space<hbm>> -> memref<10240x128xf32, #tpu.memory_space<hbm>>
      tpu.wait_indirect_dma semaphore(%arg10 : memref<!tpu.dma_semaphore, #tpu.memory_space<semaphore_mem>>) src(%dma_wait3A_91 : memref<10240x128xf32, #tpu.memory_space<hbm>>) dst(%dma_wait3A_84 : memref<125x128xf32, #tpu.memory_space<vmem>>)
      "tpu.region"() ({
        %run_scoped3A = tpu.sem_alloc : memref<!tpu.dma_semaphore, #tpu.memory_space<semaphore_mem>>
        %dma_start3A_117 = arith.constant 0 : i32
        %dma_start3A_118 = arith.constant 0 : i32
        %dma_start3A_119 = tpu.memref_slice %arg9[%dma_start3A_117, %dma_start3A_118] : memref<128x128xf32, #tpu.memory_space<vmem>> -> memref<125x128xf32, #tpu.memory_space<vmem>>
        %dma_start3A_120 = arith.constant 0 : i32
        %dma_start3A_121 = tpu.memref_slice %arg7[%add3A_82, %dma_start3A_120] : memref<80x125xi32, #tpu.memory_space<vmem>> -> memref<1x125xi32, #tpu.memory_space<vmem>>
        %dma_start3A_122 = tpu.memref_squeeze %dma_start3A_121 : memref<1x125xi32, #tpu.memory_space<vmem>> -> memref<125xi32, #tpu.memory_space<vmem>>
        %dma_start3A_123 = arith.constant 0 : i32
        %dma_start3A_124 = arith.constant 0 : i32
        %dma_start3A_125 = tpu.memref_slice %arg6[%dma_start3A_123, %dma_start3A_124] : memref<10240x128xf32, #tpu.memory_space<vmem_shared>> -> memref<10240x128xf32, #tpu.memory_space<vmem_shared>>
        tpu.enqueue_indirect_dma source(%dma_start3A_119 : memref<125x128xf32, #tpu.memory_space<vmem>>) target(%dma_start3A_125 : memref<10240x128xf32, #tpu.memory_space<vmem_shared>>) offsets(%dma_start3A_122 : memref<125xi32, #tpu.memory_space<vmem>>) semaphore(%run_scoped3A : memref<!tpu.dma_semaphore, #tpu.memory_space<semaphore_mem>>) {add = true}
        %dma_wait3A_126 = arith.constant 0 : i32
        %dma_wait3A_127 = arith.constant 0 : i32
        %dma_wait3A_128 = tpu.memref_slice %arg9[%dma_wait3A_126, %dma_wait3A_127] : memref<128x128xf32, #tpu.memory_space<vmem>> -> memref<125x128xf32, #tpu.memory_space<vmem>>
        %dma_wait3A_129 = arith.constant 0 : i32
        %dma_wait3A_130 = tpu.memref_slice %arg7[%add3A_82, %dma_wait3A_129] : memref<80x125xi32, #tpu.memory_space<vmem>> -> memref<1x125xi32, #tpu.memory_space<vmem>>
        %dma_wait3A_131 = tpu.memref_squeeze %dma_wait3A_130 : memref<1x125xi32, #tpu.memory_space<vmem>> -> memref<125xi32, #tpu.memory_space<vmem>>
        %dma_wait3A_132 = arith.constant 0 : i32
        %dma_wait3A_133 = arith.constant 0 : i32
        %dma_wait3A_134 = tpu.memref_slice %arg6[%dma_wait3A_132, %dma_wait3A_133] : memref<10240x128xf32, #tpu.memory_space<vmem_shared>> -> memref<10240x128xf32, #tpu.memory_space<vmem_shared>>
        tpu.wait_indirect_dma semaphore(%run_scoped3A : memref<!tpu.dma_semaphore, #tpu.memory_space<semaphore_mem>>) src(%dma_wait3A_128 : memref<125x128xf32, #tpu.memory_space<vmem>>) dst(%dma_wait3A_134 : memref<10240x128xf32, #tpu.memory_space<vmem_shared>>)
        tpu.yield
      }) : () -> ()
      %add3A_92 = arith.constant 2 : i32
      %add3A_93 = arith.addi %add3A_82, %add3A_92 : i32
      %lt3A = arith.constant 80 : i32
      %lt3A_94 = arith.cmpi slt, %add3A_93, %lt3A : i32
      %convert_element_type3A = arith.extui %lt3A_94 : i1 to i32
      %cond3A = arith.constant 0 : i32
      %cond3A_95 = arith.cmpi ne, %convert_element_type3A, %cond3A : i32
      scf.if %cond3A_95 {
        %add3A_117 = arith.constant 2 : i32
        %add3A_118 = arith.addi %add3A_82, %add3A_117 : i32
        %mul3A_119 = arith.constant 80 : i32
        %mul3A_120 = arith.muli %arg1, %mul3A_119 : i32
        %add3A_121 = arith.addi %mul3A_120, %add3A_118 : i32
        "tpu.region"() ({
          %run_scoped3A = tpu.sem_alloc : memref<!tpu.dma_semaphore, #tpu.memory_space<semaphore_mem>>
          %dma_start3A_132 = arith.constant 0 : i32
          %dma_start3A_133 = tpu.memref_slice %arg3[%add3A_121, %dma_start3A_132] : memref<1280x125xi32, #tpu.memory_space<hbm>> -> memref<1x125xi32, #tpu.memory_space<hbm>>
          %dma_start3A_134 = tpu.memref_squeeze %dma_start3A_133 : memref<1x125xi32, #tpu.memory_space<hbm>> -> memref<125xi32, #tpu.memory_space<hbm>>
          %dma_start3A_135 = arith.constant 0 : i32
          %dma_start3A_136 = tpu.memref_slice %arg3[%add3A_121, %dma_start3A_135] : memref<1280x125xi32, #tpu.memory_space<hbm>> -> memref<1x125xi32, #tpu.memory_space<hbm>>
          %dma_start3A_137 = tpu.memref_squeeze %dma_start3A_136 : memref<1x125xi32, #tpu.memory_space<hbm>> -> memref<125xi32, #tpu.memory_space<hbm>>
          tpu.enqueue_dma source(%dma_start3A_137 : memref<125xi32, #tpu.memory_space<hbm>>) target(%arg8 : memref<125xi32, #tpu.memory_space<vmem>>) target_semaphore(%run_scoped3A : memref<!tpu.dma_semaphore, #tpu.memory_space<semaphore_mem>>)
          %dma_wait3A_138 = arith.constant 0 : i32
          %dma_wait3A_139 = tpu.memref_slice %arg3[%add3A_121, %dma_wait3A_138] : memref<1280x125xi32, #tpu.memory_space<hbm>> -> memref<1x125xi32, #tpu.memory_space<hbm>>
          %dma_wait3A_140 = tpu.memref_squeeze %dma_wait3A_139 : memref<1x125xi32, #tpu.memory_space<hbm>> -> memref<125xi32, #tpu.memory_space<hbm>>
          %dma_wait3A_141 = arith.constant 0 : i32
          %dma_wait3A_142 = tpu.memref_slice %arg3[%add3A_121, %dma_wait3A_141] : memref<1280x125xi32, #tpu.memory_space<hbm>> -> memref<1x125xi32, #tpu.memory_space<hbm>>
          %dma_wait3A_143 = tpu.memref_squeeze %dma_wait3A_142 : memref<1x125xi32, #tpu.memory_space<hbm>> -> memref<125xi32, #tpu.memory_space<hbm>>
          tpu.wait_dma2 semaphore(%run_scoped3A : memref<!tpu.dma_semaphore, #tpu.memory_space<semaphore_mem>>) src(%dma_wait3A_143 : memref<125xi32, #tpu.memory_space<hbm>>) dst(%arg8 : memref<125xi32, #tpu.memory_space<vmem>>)
          tpu.yield
        }) : () -> ()
        %dma_start3A_122 = arith.constant 0 : i32
        %dma_start3A_123 = arith.constant 0 : i32
        %dma_start3A_124 = tpu.memref_slice %arg9[%dma_start3A_122, %dma_start3A_123] : memref<128x128xf32, #tpu.memory_space<vmem>> -> memref<125x128xf32, #tpu.memory_space<vmem>>
        %dma_start3A_125 = arith.constant 0 : i32
        %dma_start3A_126 = arith.constant 0 : i32
        %dma_start3A_127 = tpu.memref_slice %arg2[%add3A_42, %dma_start3A_125, %dma_start3A_126] : memref<4x10240x128xf32, #tpu.memory_space<hbm>> -> memref<1x10240x128xf32, #tpu.memory_space<hbm>>
        %dma_start3A_128 = tpu.memref_squeeze %dma_start3A_127 : memref<1x10240x128xf32, #tpu.memory_space<hbm>> -> memref<10240x128xf32, #tpu.memory_space<hbm>>
        %dma_start3A_129 = arith.constant 0 : i32
        %dma_start3A_130 = arith.constant 0 : i32
        %dma_start3A_131 = tpu.memref_slice %dma_start3A_128[%dma_start3A_129, %dma_start3A_130] : memref<10240x128xf32, #tpu.memory_space<hbm>> -> memref<10240x128xf32, #tpu.memory_space<hbm>>
        tpu.enqueue_indirect_dma source(%dma_start3A_131 : memref<10240x128xf32, #tpu.memory_space<hbm>>) target(%dma_start3A_124 : memref<125x128xf32, #tpu.memory_space<vmem>>) offsets(%arg8 : memref<125xi32, #tpu.memory_space<vmem>>) semaphore(%arg10 : memref<!tpu.dma_semaphore, #tpu.memory_space<semaphore_mem>>)
      } else {
      }
      %mul3A_96 = arith.constant 2 : i32
      %mul3A_97 = arith.muli %mul3A_96, %scan3A_78 : i32
      %add3A_98 = arith.constant 1 : i32
      %add3A_99 = arith.addi %mul3A_97, %add3A_98 : i32
      %dma_wait3A_100 = arith.constant 0 : i32
      %dma_wait3A_101 = arith.constant 0 : i32
      %dma_wait3A_102 = tpu.memref_slice %arg12[%dma_wait3A_100, %dma_wait3A_101] : memref<128x128xf32, #tpu.memory_space<vmem>> -> memref<125x128xf32, #tpu.memory_space<vmem>>
      %dma_wait3A_103 = arith.constant 0 : i32
      %dma_wait3A_104 = arith.constant 0 : i32
      %dma_wait3A_105 = tpu.memref_slice %arg2[%add3A_42, %dma_wait3A_103, %dma_wait3A_104] : memref<4x10240x128xf32, #tpu.memory_space<hbm>> -> memref<1x10240x128xf32, #tpu.memory_space<hbm>>
      %dma_wait3A_106 = tpu.memref_squeeze %dma_wait3A_105 : memref<1x10240x128xf32, #tpu.memory_space<hbm>> -> memref<10240x128xf32, #tpu.memory_space<hbm>>
      %dma_wait3A_107 = arith.constant 0 : i32
      %dma_wait3A_108 = arith.constant 0 : i32
      %dma_wait3A_109 = tpu.memref_slice %dma_wait3A_106[%dma_wait3A_107, %dma_wait3A_108] : memref<10240x128xf32, #tpu.memory_space<hbm>> -> memref<10240x128xf32, #tpu.memory_space<hbm>>
      tpu.wait_indirect_dma semaphore(%arg13 : memref<!tpu.dma_semaphore, #tpu.memory_space<semaphore_mem>>) src(%dma_wait3A_109 : memref<10240x128xf32, #tpu.memory_space<hbm>>) dst(%dma_wait3A_102 : memref<125x128xf32, #tpu.memory_space<vmem>>)
      "tpu.region"() ({
        %run_scoped3A = tpu.sem_alloc : memref<!tpu.dma_semaphore, #tpu.memory_space<semaphore_mem>>
        %dma_start3A_117 = arith.constant 0 : i32
        %dma_start3A_118 = arith.constant 0 : i32
        %dma_start3A_119 = tpu.memref_slice %arg12[%dma_start3A_117, %dma_start3A_118] : memref<128x128xf32, #tpu.memory_space<vmem>> -> memref<125x128xf32, #tpu.memory_space<vmem>>
        %dma_start3A_120 = arith.constant 0 : i32
        %dma_start3A_121 = tpu.memref_slice %arg7[%add3A_99, %dma_start3A_120] : memref<80x125xi32, #tpu.memory_space<vmem>> -> memref<1x125xi32, #tpu.memory_space<vmem>>
        %dma_start3A_122 = tpu.memref_squeeze %dma_start3A_121 : memref<1x125xi32, #tpu.memory_space<vmem>> -> memref<125xi32, #tpu.memory_space<vmem>>
        %dma_start3A_123 = arith.constant 0 : i32
        %dma_start3A_124 = arith.constant 0 : i32
        %dma_start3A_125 = tpu.memref_slice %arg6[%dma_start3A_123, %dma_start3A_124] : memref<10240x128xf32, #tpu.memory_space<vmem_shared>> -> memref<10240x128xf32, #tpu.memory_space<vmem_shared>>
        tpu.enqueue_indirect_dma source(%dma_start3A_119 : memref<125x128xf32, #tpu.memory_space<vmem>>) target(%dma_start3A_125 : memref<10240x128xf32, #tpu.memory_space<vmem_shared>>) offsets(%dma_start3A_122 : memref<125xi32, #tpu.memory_space<vmem>>) semaphore(%run_scoped3A : memref<!tpu.dma_semaphore, #tpu.memory_space<semaphore_mem>>) {add = true}
        %dma_wait3A_126 = arith.constant 0 : i32
        %dma_wait3A_127 = arith.constant 0 : i32
        %dma_wait3A_128 = tpu.memref_slice %arg12[%dma_wait3A_126, %dma_wait3A_127] : memref<128x128xf32, #tpu.memory_space<vmem>> -> memref<125x128xf32, #tpu.memory_space<vmem>>
        %dma_wait3A_129 = arith.constant 0 : i32
        %dma_wait3A_130 = tpu.memref_slice %arg7[%add3A_99, %dma_wait3A_129] : memref<80x125xi32, #tpu.memory_space<vmem>> -> memref<1x125xi32, #tpu.memory_space<vmem>>
        %dma_wait3A_131 = tpu.memref_squeeze %dma_wait3A_130 : memref<1x125xi32, #tpu.memory_space<vmem>> -> memref<125xi32, #tpu.memory_space<vmem>>
        %dma_wait3A_132 = arith.constant 0 : i32
        %dma_wait3A_133 = arith.constant 0 : i32
        %dma_wait3A_134 = tpu.memref_slice %arg6[%dma_wait3A_132, %dma_wait3A_133] : memref<10240x128xf32, #tpu.memory_space<vmem_shared>> -> memref<10240x128xf32, #tpu.memory_space<vmem_shared>>
        tpu.wait_indirect_dma semaphore(%run_scoped3A : memref<!tpu.dma_semaphore, #tpu.memory_space<semaphore_mem>>) src(%dma_wait3A_128 : memref<125x128xf32, #tpu.memory_space<vmem>>) dst(%dma_wait3A_134 : memref<10240x128xf32, #tpu.memory_space<vmem_shared>>)
        tpu.yield
      }) : () -> ()
      %add3A_110 = arith.constant 2 : i32
      %add3A_111 = arith.addi %add3A_99, %add3A_110 : i32
      %lt3A_112 = arith.constant 80 : i32
      %lt3A_113 = arith.cmpi slt, %add3A_111, %lt3A_112 : i32
      %convert_element_type3A_114 = arith.extui %lt3A_113 : i1 to i32
      %cond3A_115 = arith.constant 0 : i32
      %cond3A_116 = arith.cmpi ne, %convert_element_type3A_114, %cond3A_115 : i32
      scf.if %cond3A_116 {
        %add3A_117 = arith.constant 2 : i32
        %add3A_118 = arith.addi %add3A_99, %add3A_117 : i32
        %mul3A_119 = arith.constant 80 : i32
        %mul3A_120 = arith.muli %arg1, %mul3A_119 : i32
        %add3A_121 = arith.addi %mul3A_120, %add3A_118 : i32
        "tpu.region"() ({
          %run_scoped3A = tpu.sem_alloc : memref<!tpu.dma_semaphore, #tpu.memory_space<semaphore_mem>>
          %dma_start3A_132 = arith.constant 0 : i32
          %dma_start3A_133 = tpu.memref_slice %arg3[%add3A_121, %dma_start3A_132] : memref<1280x125xi32, #tpu.memory_space<hbm>> -> memref<1x125xi32, #tpu.memory_space<hbm>>
          %dma_start3A_134 = tpu.memref_squeeze %dma_start3A_133 : memref<1x125xi32, #tpu.memory_space<hbm>> -> memref<125xi32, #tpu.memory_space<hbm>>
          %dma_start3A_135 = arith.constant 0 : i32
          %dma_start3A_136 = tpu.memref_slice %arg3[%add3A_121, %dma_start3A_135] : memref<1280x125xi32, #tpu.memory_space<hbm>> -> memref<1x125xi32, #tpu.memory_space<hbm>>
          %dma_start3A_137 = tpu.memref_squeeze %dma_start3A_136 : memref<1x125xi32, #tpu.memory_space<hbm>> -> memref<125xi32, #tpu.memory_space<hbm>>
          tpu.enqueue_dma source(%dma_start3A_137 : memref<125xi32, #tpu.memory_space<hbm>>) target(%arg11 : memref<125xi32, #tpu.memory_space<vmem>>) target_semaphore(%run_scoped3A : memref<!tpu.dma_semaphore, #tpu.memory_space<semaphore_mem>>)
          %dma_wait3A_138 = arith.constant 0 : i32
          %dma_wait3A_139 = tpu.memref_slice %arg3[%add3A_121, %dma_wait3A_138] : memref<1280x125xi32, #tpu.memory_space<hbm>> -> memref<1x125xi32, #tpu.memory_space<hbm>>
          %dma_wait3A_140 = tpu.memref_squeeze %dma_wait3A_139 : memref<1x125xi32, #tpu.memory_space<hbm>> -> memref<125xi32, #tpu.memory_space<hbm>>
          %dma_wait3A_141 = arith.constant 0 : i32
          %dma_wait3A_142 = tpu.memref_slice %arg3[%add3A_121, %dma_wait3A_141] : memref<1280x125xi32, #tpu.memory_space<hbm>> -> memref<1x125xi32, #tpu.memory_space<hbm>>
          %dma_wait3A_143 = tpu.memref_squeeze %dma_wait3A_142 : memref<1x125xi32, #tpu.memory_space<hbm>> -> memref<125xi32, #tpu.memory_space<hbm>>
          tpu.wait_dma2 semaphore(%run_scoped3A : memref<!tpu.dma_semaphore, #tpu.memory_space<semaphore_mem>>) src(%dma_wait3A_143 : memref<125xi32, #tpu.memory_space<hbm>>) dst(%arg11 : memref<125xi32, #tpu.memory_space<vmem>>)
          tpu.yield
        }) : () -> ()
        %dma_start3A_122 = arith.constant 0 : i32
        %dma_start3A_123 = arith.constant 0 : i32
        %dma_start3A_124 = tpu.memref_slice %arg12[%dma_start3A_122, %dma_start3A_123] : memref<128x128xf32, #tpu.memory_space<vmem>> -> memref<125x128xf32, #tpu.memory_space<vmem>>
        %dma_start3A_125 = arith.constant 0 : i32
        %dma_start3A_126 = arith.constant 0 : i32
        %dma_start3A_127 = tpu.memref_slice %arg2[%add3A_42, %dma_start3A_125, %dma_start3A_126] : memref<4x10240x128xf32, #tpu.memory_space<hbm>> -> memref<1x10240x128xf32, #tpu.memory_space<hbm>>
        %dma_start3A_128 = tpu.memref_squeeze %dma_start3A_127 : memref<1x10240x128xf32, #tpu.memory_space<hbm>> -> memref<10240x128xf32, #tpu.memory_space<hbm>>
        %dma_start3A_129 = arith.constant 0 : i32
        %dma_start3A_130 = arith.constant 0 : i32
        %dma_start3A_131 = tpu.memref_slice %dma_start3A_128[%dma_start3A_129, %dma_start3A_130] : memref<10240x128xf32, #tpu.memory_space<hbm>> -> memref<10240x128xf32, #tpu.memory_space<hbm>>
        tpu.enqueue_indirect_dma source(%dma_start3A_131 : memref<10240x128xf32, #tpu.memory_space<hbm>>) target(%dma_start3A_124 : memref<125x128xf32, #tpu.memory_space<vmem>>) offsets(%arg11 : memref<125xi32, #tpu.memory_space<vmem>>) semaphore(%arg13 : memref<!tpu.dma_semaphore, #tpu.memory_space<semaphore_mem>>)
      } else {
      }
    }
    %scan3A_76 = arith.constant 40 : i32
    %barrier3A_77 = arith.constant 0 : index
    tpu.barrier barrier_id(%barrier3A_77)
    "tpu.region"() ({
      %run_scoped3A = tpu.sem_alloc : memref<!tpu.dma_semaphore, #tpu.memory_space<semaphore_mem>>
      %dma_start3A_78 = arith.constant 0 : i32
      %dma_start3A_79 = tpu.memref_slice %arg5[%add3A_42, %mul3A_0, %dma_start3A_78] : memref<4x10240x128xf32, #tpu.memory_space<hbm>> -> memref<1x640x128xf32, #tpu.memory_space<hbm>>
      %dma_start3A_80 = tpu.memref_squeeze %dma_start3A_79 : memref<1x640x128xf32, #tpu.memory_space<hbm>> -> memref<640x128xf32, #tpu.memory_space<hbm>>
      %dma_start3A_81 = arith.constant 0 : i32
      %dma_start3A_82 = tpu.memref_slice %arg6[%mul3A_0, %dma_start3A_81] : memref<10240x128xf32, #tpu.memory_space<vmem_shared>> -> memref<640x128xf32, #tpu.memory_space<vmem_shared>>
      tpu.enqueue_dma source(%dma_start3A_82 : memref<640x128xf32, #tpu.memory_space<vmem_shared>>) target(%dma_start3A_80 : memref<640x128xf32, #tpu.memory_space<hbm>>) target_semaphore(%run_scoped3A : memref<!tpu.dma_semaphore, #tpu.memory_space<semaphore_mem>>)
      %dma_wait3A = arith.constant 0 : i32
      %dma_wait3A_83 = tpu.memref_slice %arg5[%add3A_42, %mul3A_0, %dma_wait3A] : memref<4x10240x128xf32, #tpu.memory_space<hbm>> -> memref<1x640x128xf32, #tpu.memory_space<hbm>>
      %dma_wait3A_84 = tpu.memref_squeeze %dma_wait3A_83 : memref<1x640x128xf32, #tpu.memory_space<hbm>> -> memref<640x128xf32, #tpu.memory_space<hbm>>
      %dma_wait3A_85 = arith.constant 0 : i32
      %dma_wait3A_86 = tpu.memref_slice %arg6[%mul3A_0, %dma_wait3A_85] : memref<10240x128xf32, #tpu.memory_space<vmem_shared>> -> memref<640x128xf32, #tpu.memory_space<vmem_shared>>
      tpu.wait_dma2 semaphore(%run_scoped3A : memref<!tpu.dma_semaphore, #tpu.memory_space<semaphore_mem>>) src(%dma_wait3A_86 : memref<640x128xf32, #tpu.memory_space<vmem_shared>>) dst(%dma_wait3A_84 : memref<640x128xf32, #tpu.memory_space<hbm>>)
      tpu.yield
    }) : () -> ()
    return
  }
}

module attributes {stable_mosaic.version = 14 : i64} {
  func.func @_p1c_body(%arg0: i32, %arg1: memref<4x1000x128xf32, #tpu.memory_space<vmem>>, %arg2: memref<512x1024xf32, #tpu.memory_space<vmem>>, %arg3: memref<1x1024xf32, #tpu.memory_space<vmem>>, %arg4: memref<1000x1024xf32, #tpu.memory_space<vmem>>) attributes {dimension_semantics = [#tpu.dimension_semantics<arbitrary>], iteration_bounds = array<i64: 10>, scalar_prefetch = 0 : i64, scratch_operands = 0 : i64, tpu.core_type = #tpu.core_type<tc>, window_params = [{transform_indices = @transform_0, window_bounds = array<i64: 4, 1000, 128>}, {pipeline_mode = #tpu.pipeline_mode<synchronous>, transform_indices = @transform_1, window_bounds = array<i64: 512, 1024>}, {pipeline_mode = #tpu.pipeline_mode<synchronous>, transform_indices = @transform_2, window_bounds = array<i64: 1, 1024>}, {transform_indices = @transform_3, window_bounds = array<i64: 1000, 1024>}]} {
    %get3A = arith.constant 0 : index
    %get3A_0 = arith.constant 0 : index
    %get3A_1 = arith.constant 0 : index
    %get3A_2 = vector.load %arg1[%get3A, %get3A_0, %get3A_1] : memref<4x1000x128xf32, #tpu.memory_space<vmem>>, vector<1x1000x128xf32>
    %get3A_3 = vector.shape_cast %get3A_2 : vector<1x1000x128xf32> to vector<1000x128xf32>
    %get3A_4 = arith.constant 1 : index
    %get3A_5 = arith.constant 0 : index
    %get3A_6 = arith.constant 0 : index
    %get3A_7 = vector.load %arg1[%get3A_4, %get3A_5, %get3A_6] : memref<4x1000x128xf32, #tpu.memory_space<vmem>>, vector<1x1000x128xf32>
    %get3A_8 = vector.shape_cast %get3A_7 : vector<1x1000x128xf32> to vector<1000x128xf32>
    %get3A_9 = arith.constant 2 : index
    %get3A_10 = arith.constant 0 : index
    %get3A_11 = arith.constant 0 : index
    %get3A_12 = vector.load %arg1[%get3A_9, %get3A_10, %get3A_11] : memref<4x1000x128xf32, #tpu.memory_space<vmem>>, vector<1x1000x128xf32>
    %get3A_13 = vector.shape_cast %get3A_12 : vector<1x1000x128xf32> to vector<1000x128xf32>
    %get3A_14 = arith.constant 3 : index
    %get3A_15 = arith.constant 0 : index
    %get3A_16 = arith.constant 0 : index
    %get3A_17 = vector.load %arg1[%get3A_14, %get3A_15, %get3A_16] : memref<4x1000x128xf32, #tpu.memory_space<vmem>>, vector<1x1000x128xf32>
    %get3A_18 = vector.shape_cast %get3A_17 : vector<1x1000x128xf32> to vector<1000x128xf32>
    %concatenate3A = tpu.concatenate %get3A_3, %get3A_8, %get3A_13, %get3A_18 in 1 : vector<1000x128xf32>, vector<1000x128xf32>, vector<1000x128xf32>, vector<1000x128xf32> -> vector<1000x512xf32>
    %convert_element_type3A = arith.truncf %concatenate3A : vector<1000x512xf32> to vector<1000x512xbf16>
    %get3A_19 = arith.constant 0 : index
    %get3A_20 = arith.constant 0 : index
    %get3A_21 = vector.load %arg2[%get3A_19, %get3A_20] : memref<512x1024xf32, #tpu.memory_space<vmem>>, vector<512x1024xf32>
    %convert_element_type3A_22 = arith.truncf %get3A_21 : vector<512x1024xf32> to vector<512x1024xbf16>
    %dot_general3A = arith.constant dense<0.000000e+00> : vector<1000x1024xf32>
    %dot_general3A_23 = tpu.matmul %convert_element_type3A, %convert_element_type3A_22, %dot_general3A {dimension_numbers = #tpu.dot_dimension_numbers<[1], [0], [0], [1], [0, 0, 1, 1], [], []>, transpose_lhs_hint = false} : vector<1000x512xbf16>, vector<512x1024xbf16>, vector<1000x1024xf32> -> vector<1000x1024xf32>
    %get3A_24 = arith.constant 0 : index
    %get3A_25 = arith.constant 0 : index
    %get3A_26 = vector.load %arg3[%get3A_24, %get3A_25] : memref<1x1024xf32, #tpu.memory_space<vmem>>, vector<1x1024xf32>
    %add3A = vector.broadcast %get3A_26 : vector<1x1024xf32> to vector<1000x1024xf32>
    %add3A_27 = arith.addf %dot_general3A_23, %add3A : vector<1000x1024xf32>
    %swap3A = arith.constant 0 : index
    %swap3A_28 = arith.constant 0 : index
    %swap3A_29 = vector.load %arg4[%swap3A, %swap3A_28] : memref<1000x1024xf32, #tpu.memory_space<vmem>>, vector<1000x1024xf32>
    tpu.vector_store %arg4[%swap3A, %swap3A_28], %add3A_27 {strides = array<i32>} : memref<1000x1024xf32, #tpu.memory_space<vmem>>, vector<1000x1024xf32>,
    return
  }
  func.func @transform_0(%arg0: i32) -> (i32, i32, i32) {
    %c0_i32 = arith.constant 0 : i32
    %c0_i32_0 = arith.constant 0 : i32
    %c0_i32_1 = arith.constant 0 : i32
    return %c0_i32, %arg0, %c0_i32_0 : i32, i32, i32
  }
  func.func @transform_1(%arg0: i32) -> (i32, i32) {
    %c0_i32 = arith.constant 0 : i32
    %c0_i32_0 = arith.constant 0 : i32
    %c0_i32_1 = arith.constant 0 : i32
    return %c0_i32, %c0_i32_0 : i32, i32
  }
  func.func @transform_2(%arg0: i32) -> (i32, i32) {
    %c0_i32 = arith.constant 0 : i32
    %c0_i32_0 = arith.constant 0 : i32
    %c0_i32_1 = arith.constant 0 : i32
    return %c0_i32, %c0_i32_0 : i32, i32
  }
  func.func @transform_3(%arg0: i32) -> (i32, i32) {
    %c0_i32 = arith.constant 0 : i32
    %c0_i32_0 = arith.constant 0 : i32
    return %arg0, %c0_i32 : i32, i32
  }
}

module attributes {stable_mosaic.version = 14 : i64} {
  func.func @_p2_body(%arg0: i32, %arg1: memref<1000x1024xf32, #tpu.memory_space<vmem>>, %arg2: memref<1x1024xf32, #tpu.memory_space<vmem>>, %arg3: memref<1x1024xf32, #tpu.memory_space<vmem>>, %arg4: memref<1x1024xf32, #tpu.memory_space<vmem>>, %arg5: memref<1x1024xf32, #tpu.memory_space<vmem>>, %arg6: memref<1024x512xf32, #tpu.memory_space<vmem>>, %arg7: memref<1x512xf32, #tpu.memory_space<vmem>>, %arg8: memref<1000x512xf32, #tpu.memory_space<vmem>>) attributes {dimension_semantics = [#tpu.dimension_semantics<arbitrary>], iteration_bounds = array<i64: 10>, scalar_prefetch = 0 : i64, scratch_operands = 0 : i64, tpu.core_type = #tpu.core_type<tc>, window_params = [{transform_indices = @transform_0, window_bounds = array<i64: 1000, 1024>}, {pipeline_mode = #tpu.pipeline_mode<synchronous>, transform_indices = @transform_1, window_bounds = array<i64: 1, 1024>}, {pipeline_mode = #tpu.pipeline_mode<synchronous>, transform_indices = @transform_2, window_bounds = array<i64: 1, 1024>}, {pipeline_mode = #tpu.pipeline_mode<synchronous>, transform_indices = @transform_3, window_bounds = array<i64: 1, 1024>}, {pipeline_mode = #tpu.pipeline_mode<synchronous>, transform_indices = @transform_4, window_bounds = array<i64: 1, 1024>}, {pipeline_mode = #tpu.pipeline_mode<synchronous>, transform_indices = @transform_5, window_bounds = array<i64: 1024, 512>}, {pipeline_mode = #tpu.pipeline_mode<synchronous>, transform_indices = @transform_6, window_bounds = array<i64: 1, 512>}, {transform_indices = @transform_7, window_bounds = array<i64: 1000, 512>}]} {
    %get3A = arith.constant 0 : index
    %get3A_0 = arith.constant 0 : index
    %get3A_1 = vector.load %arg1[%get3A, %get3A_0] : memref<1000x1024xf32, #tpu.memory_space<vmem>>, vector<1000x1024xf32>
    %get3A_2 = arith.constant 0 : index
    %get3A_3 = arith.constant 0 : index
    %get3A_4 = vector.load %arg2[%get3A_2, %get3A_3] : memref<1x1024xf32, #tpu.memory_space<vmem>>, vector<1x1024xf32>
    %sub3A = vector.broadcast %get3A_4 : vector<1x1024xf32> to vector<1000x1024xf32>
    %sub3A_5 = arith.subf %get3A_1, %sub3A : vector<1000x1024xf32>
    %get3A_6 = arith.constant 0 : index
    %get3A_7 = arith.constant 0 : index
    %get3A_8 = vector.load %arg3[%get3A_6, %get3A_7] : memref<1x1024xf32, #tpu.memory_space<vmem>>, vector<1x1024xf32>
    %div3A = vector.broadcast %get3A_8 : vector<1x1024xf32> to vector<1000x1024xf32>
    %div3A_9 = arith.divf %sub3A_5, %div3A : vector<1000x1024xf32>
    %get3A_10 = arith.constant 0 : index
    %get3A_11 = arith.constant 0 : index
    %get3A_12 = vector.load %arg4[%get3A_10, %get3A_11] : memref<1x1024xf32, #tpu.memory_space<vmem>>, vector<1x1024xf32>
    %mul3A = vector.broadcast %get3A_12 : vector<1x1024xf32> to vector<1000x1024xf32>
    %mul3A_13 = arith.mulf %div3A_9, %mul3A : vector<1000x1024xf32>
    %get3A_14 = arith.constant 0 : index
    %get3A_15 = arith.constant 0 : index
    %get3A_16 = vector.load %arg5[%get3A_14, %get3A_15] : memref<1x1024xf32, #tpu.memory_space<vmem>>, vector<1x1024xf32>
    %add3A = vector.broadcast %get3A_16 : vector<1x1024xf32> to vector<1000x1024xf32>
    %add3A_17 = arith.addf %mul3A_13, %add3A : vector<1000x1024xf32>
    %max3A = arith.constant 0.000000e+00 : f32
    %max3A_18 = vector.broadcast %max3A : f32 to vector<1000x1024xf32>
    %max3A_19 = arith.maximumf %add3A_17, %max3A_18 : vector<1000x1024xf32>
    %convert_element_type3A = arith.truncf %max3A_19 : vector<1000x1024xf32> to vector<1000x1024xbf16>
    %get3A_20 = arith.constant 0 : index
    %get3A_21 = arith.constant 0 : index
    %get3A_22 = vector.load %arg6[%get3A_20, %get3A_21] : memref<1024x512xf32, #tpu.memory_space<vmem>>, vector<1024x512xf32>
    %convert_element_type3A_23 = arith.truncf %get3A_22 : vector<1024x512xf32> to vector<1024x512xbf16>
    %dot_general3A = arith.constant dense<0.000000e+00> : vector<1000x512xf32>
    %dot_general3A_24 = tpu.matmul %convert_element_type3A, %convert_element_type3A_23, %dot_general3A {dimension_numbers = #tpu.dot_dimension_numbers<[1], [0], [0], [1], [0, 0, 1, 1], [], []>, transpose_lhs_hint = false} : vector<1000x1024xbf16>, vector<1024x512xbf16>, vector<1000x512xf32> -> vector<1000x512xf32>
    %get3A_25 = arith.constant 0 : index
    %get3A_26 = arith.constant 0 : index
    %get3A_27 = vector.load %arg7[%get3A_25, %get3A_26] : memref<1x512xf32, #tpu.memory_space<vmem>>, vector<1x512xf32>
    %add3A_28 = vector.broadcast %get3A_27 : vector<1x512xf32> to vector<1000x512xf32>
    %add3A_29 = arith.addf %dot_general3A_24, %add3A_28 : vector<1000x512xf32>
    %swap3A = arith.constant 0 : index
    %swap3A_30 = arith.constant 0 : index
    %swap3A_31 = vector.load %arg8[%swap3A, %swap3A_30] : memref<1000x512xf32, #tpu.memory_space<vmem>>, vector<1000x512xf32>
    tpu.vector_store %arg8[%swap3A, %swap3A_30], %add3A_29 {strides = array<i32>} : memref<1000x512xf32, #tpu.memory_space<vmem>>, vector<1000x512xf32>,
    return
  }
  func.func @transform_0(%arg0: i32) -> (i32, i32) {
    %c0_i32 = arith.constant 0 : i32
    %c0_i32_0 = arith.constant 0 : i32
    return %arg0, %c0_i32 : i32, i32
  }
  func.func @transform_1(%arg0: i32) -> (i32, i32) {
    %c0_i32 = arith.constant 0 : i32
    %c0_i32_0 = arith.constant 0 : i32
    %c0_i32_1 = arith.constant 0 : i32
    return %c0_i32, %c0_i32_0 : i32, i32
  }
  func.func @transform_2(%arg0: i32) -> (i32, i32) {
    %c0_i32 = arith.constant 0 : i32
    %c0_i32_0 = arith.constant 0 : i32
    %c0_i32_1 = arith.constant 0 : i32
    return %c0_i32, %c0_i32_0 : i32, i32
  }
  func.func @transform_3(%arg0: i32) -> (i32, i32) {
    %c0_i32 = arith.constant 0 : i32
    %c0_i32_0 = arith.constant 0 : i32
    %c0_i32_1 = arith.constant 0 : i32
    return %c0_i32, %c0_i32_0 : i32, i32
  }
  func.func @transform_4(%arg0: i32) -> (i32, i32) {
    %c0_i32 = arith.constant 0 : i32
    %c0_i32_0 = arith.constant 0 : i32
    %c0_i32_1 = arith.constant 0 : i32
    return %c0_i32, %c0_i32_0 : i32, i32
  }
  func.func @transform_5(%arg0: i32) -> (i32, i32) {
    %c0_i32 = arith.constant 0 : i32
    %c0_i32_0 = arith.constant 0 : i32
    %c0_i32_1 = arith.constant 0 : i32
    return %c0_i32, %c0_i32_0 : i32, i32
  }
  func.func @transform_6(%arg0: i32) -> (i32, i32) {
    %c0_i32 = arith.constant 0 : i32
    %c0_i32_0 = arith.constant 0 : i32
    %c0_i32_1 = arith.constant 0 : i32
    return %c0_i32, %c0_i32_0 : i32, i32
  }
  func.func @transform_7(%arg0: i32) -> (i32, i32) {
    %c0_i32 = arith.constant 0 : i32
    %c0_i32_0 = arith.constant 0 : i32
    return %arg0, %c0_i32 : i32, i32
  }
}

module attributes {stable_mosaic.version = 14 : i64} {
  func.func @_p3c_body(%arg0: i32, %arg1: memref<1000x512xf32, #tpu.memory_space<vmem>>, %arg2: memref<1x512xf32, #tpu.memory_space<vmem>>, %arg3: memref<1x512xf32, #tpu.memory_space<vmem>>, %arg4: memref<1x512xf32, #tpu.memory_space<vmem>>, %arg5: memref<1x512xf32, #tpu.memory_space<vmem>>, %arg6: memref<4x1000x128xf32, #tpu.memory_space<vmem>>) attributes {dimension_semantics = [#tpu.dimension_semantics<arbitrary>], iteration_bounds = array<i64: 10>, scalar_prefetch = 0 : i64, scratch_operands = 0 : i64, tpu.core_type = #tpu.core_type<tc>, window_params = [{transform_indices = @transform_0, window_bounds = array<i64: 1000, 512>}, {pipeline_mode = #tpu.pipeline_mode<synchronous>, transform_indices = @transform_1, window_bounds = array<i64: 1, 512>}, {pipeline_mode = #tpu.pipeline_mode<synchronous>, transform_indices = @transform_2, window_bounds = array<i64: 1, 512>}, {pipeline_mode = #tpu.pipeline_mode<synchronous>, transform_indices = @transform_3, window_bounds = array<i64: 1, 512>}, {pipeline_mode = #tpu.pipeline_mode<synchronous>, transform_indices = @transform_4, window_bounds = array<i64: 1, 512>}, {transform_indices = @transform_5, window_bounds = array<i64: 4, 1000, 128>}]} {
    %get3A = arith.constant 0 : index
    %get3A_0 = arith.constant 0 : index
    %get3A_1 = vector.load %arg1[%get3A, %get3A_0] : memref<1000x512xf32, #tpu.memory_space<vmem>>, vector<1000x512xf32>
    %get3A_2 = arith.constant 0 : index
    %get3A_3 = arith.constant 0 : index
    %get3A_4 = vector.load %arg2[%get3A_2, %get3A_3] : memref<1x512xf32, #tpu.memory_space<vmem>>, vector<1x512xf32>
    %sub3A = vector.broadcast %get3A_4 : vector<1x512xf32> to vector<1000x512xf32>
    %sub3A_5 = arith.subf %get3A_1, %sub3A : vector<1000x512xf32>
    %get3A_6 = arith.constant 0 : index
    %get3A_7 = arith.constant 0 : index
    %get3A_8 = vector.load %arg3[%get3A_6, %get3A_7] : memref<1x512xf32, #tpu.memory_space<vmem>>, vector<1x512xf32>
    %div3A = vector.broadcast %get3A_8 : vector<1x512xf32> to vector<1000x512xf32>
    %div3A_9 = arith.divf %sub3A_5, %div3A : vector<1000x512xf32>
    %get3A_10 = arith.constant 0 : index
    %get3A_11 = arith.constant 0 : index
    %get3A_12 = vector.load %arg4[%get3A_10, %get3A_11] : memref<1x512xf32, #tpu.memory_space<vmem>>, vector<1x512xf32>
    %mul3A = vector.broadcast %get3A_12 : vector<1x512xf32> to vector<1000x512xf32>
    %mul3A_13 = arith.mulf %div3A_9, %mul3A : vector<1000x512xf32>
    %get3A_14 = arith.constant 0 : index
    %get3A_15 = arith.constant 0 : index
    %get3A_16 = vector.load %arg5[%get3A_14, %get3A_15] : memref<1x512xf32, #tpu.memory_space<vmem>>, vector<1x512xf32>
    %add3A = vector.broadcast %get3A_16 : vector<1x512xf32> to vector<1000x512xf32>
    %add3A_17 = arith.addf %mul3A_13, %add3A : vector<1000x512xf32>
    %max3A = arith.constant 0.000000e+00 : f32
    %max3A_18 = vector.broadcast %max3A : f32 to vector<1000x512xf32>
    %max3A_19 = arith.maximumf %add3A_17, %max3A_18 : vector<1000x512xf32>
    %slice3A = vector.extract_strided_slice %max3A_19 {offsets = [0, 0], sizes = [1000, 128], strides = [1, 1]} : vector<1000x512xf32> to vector<1000x128xf32>
    %swap3A = arith.constant 0 : index
    %swap3A_20 = arith.constant 0 : index
    %swap3A_21 = arith.constant 0 : index
    %swap3A_22 = vector.load %arg6[%swap3A, %swap3A_20, %swap3A_21] : memref<4x1000x128xf32, #tpu.memory_space<vmem>>, vector<1x1000x128xf32>
    %swap3A_23 = vector.shape_cast %swap3A_22 : vector<1x1000x128xf32> to vector<1000x128xf32>
    %swap3A_24 = vector.shape_cast %slice3A : vector<1000x128xf32> to vector<1x1000x128xf32>
    tpu.vector_store %arg6[%swap3A, %swap3A_20, %swap3A_21], %swap3A_24 {strides = array<i32>} : memref<4x1000x128xf32, #tpu.memory_space<vmem>>, vector<1x1000x128xf32>,
    %slice3A_25 = vector.extract_strided_slice %max3A_19 {offsets = [0, 128], sizes = [1000, 128], strides = [1, 1]} : vector<1000x512xf32> to vector<1000x128xf32>
    %swap3A_26 = arith.constant 1 : index
    %swap3A_27 = arith.constant 0 : index
    %swap3A_28 = arith.constant 0 : index
    %swap3A_29 = vector.load %arg6[%swap3A_26, %swap3A_27, %swap3A_28] : memref<4x1000x128xf32, #tpu.memory_space<vmem>>, vector<1x1000x128xf32>
    %swap3A_30 = vector.shape_cast %swap3A_29 : vector<1x1000x128xf32> to vector<1000x128xf32>
    %swap3A_31 = vector.shape_cast %slice3A_25 : vector<1000x128xf32> to vector<1x1000x128xf32>
    tpu.vector_store %arg6[%swap3A_26, %swap3A_27, %swap3A_28], %swap3A_31 {strides = array<i32>} : memref<4x1000x128xf32, #tpu.memory_space<vmem>>, vector<1x1000x128xf32>,
    %slice3A_32 = vector.extract_strided_slice %max3A_19 {offsets = [0, 256], sizes = [1000, 128], strides = [1, 1]} : vector<1000x512xf32> to vector<1000x128xf32>
    %swap3A_33 = arith.constant 2 : index
    %swap3A_34 = arith.constant 0 : index
    %swap3A_35 = arith.constant 0 : index
    %swap3A_36 = vector.load %arg6[%swap3A_33, %swap3A_34, %swap3A_35] : memref<4x1000x128xf32, #tpu.memory_space<vmem>>, vector<1x1000x128xf32>
    %swap3A_37 = vector.shape_cast %swap3A_36 : vector<1x1000x128xf32> to vector<1000x128xf32>
    %swap3A_38 = vector.shape_cast %slice3A_32 : vector<1000x128xf32> to vector<1x1000x128xf32>
    tpu.vector_store %arg6[%swap3A_33, %swap3A_34, %swap3A_35], %swap3A_38 {strides = array<i32>} : memref<4x1000x128xf32, #tpu.memory_space<vmem>>, vector<1x1000x128xf32>,
    %slice3A_39 = vector.extract_strided_slice %max3A_19 {offsets = [0, 384], sizes = [1000, 128], strides = [1, 1]} : vector<1000x512xf32> to vector<1000x128xf32>
    %swap3A_40 = arith.constant 3 : index
    %swap3A_41 = arith.constant 0 : index
    %swap3A_42 = arith.constant 0 : index
    %swap3A_43 = vector.load %arg6[%swap3A_40, %swap3A_41, %swap3A_42] : memref<4x1000x128xf32, #tpu.memory_space<vmem>>, vector<1x1000x128xf32>
    %swap3A_44 = vector.shape_cast %swap3A_43 : vector<1x1000x128xf32> to vector<1000x128xf32>
    %swap3A_45 = vector.shape_cast %slice3A_39 : vector<1000x128xf32> to vector<1x1000x128xf32>
    tpu.vector_store %arg6[%swap3A_40, %swap3A_41, %swap3A_42], %swap3A_45 {strides = array<i32>} : memref<4x1000x128xf32, #tpu.memory_space<vmem>>, vector<1x1000x128xf32>,
    return
  }
  func.func @transform_0(%arg0: i32) -> (i32, i32) {
    %c0_i32 = arith.constant 0 : i32
    %c0_i32_0 = arith.constant 0 : i32
    return %arg0, %c0_i32 : i32, i32
  }
  func.func @transform_1(%arg0: i32) -> (i32, i32) {
    %c0_i32 = arith.constant 0 : i32
    %c0_i32_0 = arith.constant 0 : i32
    %c0_i32_1 = arith.constant 0 : i32
    return %c0_i32, %c0_i32_0 : i32, i32
  }
  func.func @transform_2(%arg0: i32) -> (i32, i32) {
    %c0_i32 = arith.constant 0 : i32
    %c0_i32_0 = arith.constant 0 : i32
    %c0_i32_1 = arith.constant 0 : i32
    return %c0_i32, %c0_i32_0 : i32, i32
  }
  func.func @transform_3(%arg0: i32) -> (i32, i32) {
    %c0_i32 = arith.constant 0 : i32
    %c0_i32_0 = arith.constant 0 : i32
    %c0_i32_1 = arith.constant 0 : i32
    return %c0_i32, %c0_i32_0 : i32, i32
  }
  func.func @transform_4(%arg0: i32) -> (i32, i32) {
    %c0_i32 = arith.constant 0 : i32
    %c0_i32_0 = arith.constant 0 : i32
    %c0_i32_1 = arith.constant 0 : i32
    return %c0_i32, %c0_i32_0 : i32, i32
  }
  func.func @transform_5(%arg0: i32) -> (i32, i32, i32) {
    %c0_i32 = arith.constant 0 : i32
    %c0_i32_0 = arith.constant 0 : i32
    %c0_i32_1 = arith.constant 0 : i32
    return %c0_i32, %arg0, %c0_i32_0 : i32, i32, i32
  }
}

module attributes {stable_mosaic.version = 14 : i64} {
  func.func @_p3_body(%arg0: i32, %arg1: memref<1000x512xf32, #tpu.memory_space<vmem>>, %arg2: memref<1x512xf32, #tpu.memory_space<vmem>>, %arg3: memref<1x512xf32, #tpu.memory_space<vmem>>, %arg4: memref<1x512xf32, #tpu.memory_space<vmem>>, %arg5: memref<1x512xf32, #tpu.memory_space<vmem>>, %arg6: memref<1000x512xf32, #tpu.memory_space<vmem>>) attributes {dimension_semantics = [#tpu.dimension_semantics<arbitrary>], iteration_bounds = array<i64: 10>, scalar_prefetch = 0 : i64, scratch_operands = 0 : i64, tpu.core_type = #tpu.core_type<tc>, window_params = [{transform_indices = @transform_0, window_bounds = array<i64: 1000, 512>}, {pipeline_mode = #tpu.pipeline_mode<synchronous>, transform_indices = @transform_1, window_bounds = array<i64: 1, 512>}, {pipeline_mode = #tpu.pipeline_mode<synchronous>, transform_indices = @transform_2, window_bounds = array<i64: 1, 512>}, {pipeline_mode = #tpu.pipeline_mode<synchronous>, transform_indices = @transform_3, window_bounds = array<i64: 1, 512>}, {pipeline_mode = #tpu.pipeline_mode<synchronous>, transform_indices = @transform_4, window_bounds = array<i64: 1, 512>}, {transform_indices = @transform_5, window_bounds = array<i64: 1000, 512>}]} {
    %get3A = arith.constant 0 : index
    %get3A_0 = arith.constant 0 : index
    %get3A_1 = vector.load %arg1[%get3A, %get3A_0] : memref<1000x512xf32, #tpu.memory_space<vmem>>, vector<1000x512xf32>
    %get3A_2 = arith.constant 0 : index
    %get3A_3 = arith.constant 0 : index
    %get3A_4 = vector.load %arg2[%get3A_2, %get3A_3] : memref<1x512xf32, #tpu.memory_space<vmem>>, vector<1x512xf32>
    %sub3A = vector.broadcast %get3A_4 : vector<1x512xf32> to vector<1000x512xf32>
    %sub3A_5 = arith.subf %get3A_1, %sub3A : vector<1000x512xf32>
    %get3A_6 = arith.constant 0 : index
    %get3A_7 = arith.constant 0 : index
    %get3A_8 = vector.load %arg3[%get3A_6, %get3A_7] : memref<1x512xf32, #tpu.memory_space<vmem>>, vector<1x512xf32>
    %div3A = vector.broadcast %get3A_8 : vector<1x512xf32> to vector<1000x512xf32>
    %div3A_9 = arith.divf %sub3A_5, %div3A : vector<1000x512xf32>
    %get3A_10 = arith.constant 0 : index
    %get3A_11 = arith.constant 0 : index
    %get3A_12 = vector.load %arg4[%get3A_10, %get3A_11] : memref<1x512xf32, #tpu.memory_space<vmem>>, vector<1x512xf32>
    %mul3A = vector.broadcast %get3A_12 : vector<1x512xf32> to vector<1000x512xf32>
    %mul3A_13 = arith.mulf %div3A_9, %mul3A : vector<1000x512xf32>
    %get3A_14 = arith.constant 0 : index
    %get3A_15 = arith.constant 0 : index
    %get3A_16 = vector.load %arg5[%get3A_14, %get3A_15] : memref<1x512xf32, #tpu.memory_space<vmem>>, vector<1x512xf32>
    %add3A = vector.broadcast %get3A_16 : vector<1x512xf32> to vector<1000x512xf32>
    %add3A_17 = arith.addf %mul3A_13, %add3A : vector<1000x512xf32>
    %swap3A = arith.constant 0 : index
    %swap3A_18 = arith.constant 0 : index
    %swap3A_19 = vector.load %arg6[%swap3A, %swap3A_18] : memref<1000x512xf32, #tpu.memory_space<vmem>>, vector<1000x512xf32>
    tpu.vector_store %arg6[%swap3A, %swap3A_18], %add3A_17 {strides = array<i32>} : memref<1000x512xf32, #tpu.memory_space<vmem>>, vector<1000x512xf32>,
    return
  }
  func.func @transform_0(%arg0: i32) -> (i32, i32) {
    %c0_i32 = arith.constant 0 : i32
    %c0_i32_0 = arith.constant 0 : i32
    return %arg0, %c0_i32 : i32, i32
  }
  func.func @transform_1(%arg0: i32) -> (i32, i32) {
    %c0_i32 = arith.constant 0 : i32
    %c0_i32_0 = arith.constant 0 : i32
    %c0_i32_1 = arith.constant 0 : i32
    return %c0_i32, %c0_i32_0 : i32, i32
  }
  func.func @transform_2(%arg0: i32) -> (i32, i32) {
    %c0_i32 = arith.constant 0 : i32
    %c0_i32_0 = arith.constant 0 : i32
    %c0_i32_1 = arith.constant 0 : i32
    return %c0_i32, %c0_i32_0 : i32, i32
  }
  func.func @transform_3(%arg0: i32) -> (i32, i32) {
    %c0_i32 = arith.constant 0 : i32
    %c0_i32_0 = arith.constant 0 : i32
    %c0_i32_1 = arith.constant 0 : i32
    return %c0_i32, %c0_i32_0 : i32, i32
  }
  func.func @transform_4(%arg0: i32) -> (i32, i32) {
    %c0_i32 = arith.constant 0 : i32
    %c0_i32_0 = arith.constant 0 : i32
    %c0_i32_1 = arith.constant 0 : i32
    return %c0_i32, %c0_i32_0 : i32, i32
  }
  func.func @transform_5(%arg0: i32) -> (i32, i32) {
    %c0_i32 = arith.constant 0 : i32
    %c0_i32_0 = arith.constant 0 : i32
    return %arg0, %c0_i32 : i32, i32
  }
}

</mosaic_0001>

<sc_bundles>
// kernel: kernel.14.cloned.1.call-start
scs
__scs_entry_jumppad:
0x0: {  	(pc) =	sbr.rel $0x88, $3  }
0x1: {  	(tag) =	ssettag $0x0;
	lr =	simm.s32 $0x1  }
0x2: {  	[smem:$0x3F77] =	sst lr;
	_ =	strace $0xD0000000  }
0x3: {  	_ = 	snop  }
0x4: {  	_ = 	snop  }
0x5: {  	_ = 	snop  }
0x6: {  	_ = 	snop  }
0x7: {  	_ = 	snop  }
__scs_overlays_trampoline_lowered:
0x8: {  	[smem:$0x3F86] =	sst s0  }
0x9: {  	[smem:$0x3F87] =	sst s1  }
0xa: {  	[smem:$0x3F88] =	sst s2  }
0xb: {  	[smem:$0x3F89] =	sst s3  }
0xc: {  	[smem:$0x3F8A] =	sst s4  }
0xd: {  	[smem:$0x3F8B] =	sst s5  }
0xe: {  	[smem:$0x3F8C] =	sst s6  }
0xf: {  	[smem:$0x3F8D] =	sst s7  }
0x10: {  	[smem:$0x3F8E] =	sst s8  }
0x11: {  	[smem:$0x3F8F] =	sst s9;
	s0 =	simm.s32 @!p0 $0x0  }
0x12: {  	s1 =	sld [smem:$0x3F75];
	s0 =	simm.s32 @p0 $0x1  }
0x13: {  	[smem:$0x3F90] =	sst s0;
	s0 =	simm.s32 @!p1 $0x0  }
0x14: {  	s2 =	sld [smem:$0x3F74];
	s0 =	simm.s32 @p1 $0x1  }
0x15: {  	[smem:$0x3F91] =	sst s0;
	s0 =	simm.s32 @!p2 $0x0  }
0x16: {  	s3 =	sld [smem:$0x3FDB];
	s0 =	simm.s32 @p2 $0x1  }
0x17: {  	s4 =	simm.s32 $0x1BF5;
	[smem:$0x3F93] =	sst s0  }
0x18: {  	s0 =	sld [smem:$0x3F76];
	_ =	swait.ge [sflag:s4], $0x0  }
0x19: {  	s7 =	sld [smem:$0x3F77]  }
0x1a: {  	s8 =	sadd.s32 $0xFFFFE003, lr  }
0x1b: {  	s9 =	sadd.s32 $0xFFFFFEF7, lr;
	s5 =	simm.s32 $0xFFFFFFFF;
	p2 =	slt.u32 s8, $0xFFFFF086  }
0x1c: {  	p1 =	slt.u32 s9, $0xF7A;
	s5 =	simm.s32 @!p2 $0x0  }
0x1d: {  	s5 =	simm.s32 @p1 $0x1;
	p0 =	seq.s32 s7, s2  }
0x1e: {  	s7 =	smul.u32 @!p0 $0xF7A, s2;
	p2 =	seq.s32 @!p0 s5, $0x0  }
0x1f: {  	s9 =	smul.u32 $0xF7A, s1;
	s8 =	simm.s32 @!p0 $0x1BF5;
	p2 =	por !p2, p0  }
0x20: {  	[sflag:s8] =	ssyncset.s32 @!p0 $0xFFFFF086;
	s6 =	sadd.s32 @!p0 s3, s7;
	s7 =	simm.s32 @!p0 $0x108  }
0x21: {  	s3 =	sadd.s32 s3, s9;
	s6 =	sadd.s32 @!p0 $0x88, s6;
	s7 =	simm.s32 @p2 $0x1082  }
0x22: {  	[simem:s7], [sflag:s8] =	dma.local @!p0 [hbm:s6], $0xF7A  }
0x23: {  	s9 =	sor.u32 $0xD0000000, s2;
	s6 =	simm.s32 $0x108;
	_ =	swait.ge @!p0 [sflag:s8], $0x0  }
0x24: {  	s3 =	sadd.s32 $0x88, s3;
	s6 =	simm.s32 @!p1 $0x1082;
	[sflag:s4] =	ssyncset.s32 $0xFFFFF086  }
0x25: {  	[simem:s6], [sflag:s4] =	dma.local [hbm:s3], $0xF7A  }
0x26: {  	[smem:$0x3F77] =	sst s1;
	(tag) =	ssettag s2;
	_ =	strace s9  }
0x27: {  	s1 =	sld [smem:$0x3F87]  }
0x28: {  	s2 =	sld [smem:$0x3F88]  }
0x29: {  	s4 =	sld [smem:$0x3F8A]  }
0x2a: {  	p0 =	seq.s32 s5, $0x0;
	s5 =	sld [smem:$0x3F8B]  }
0x2b: {  	s6 =	sld [smem:$0x3F8C]  }
0x2c: {  	s7 =	sld [smem:$0x3F8D]  }
0x2d: {  	s3 =	simm.s32 $0x108;
	s8 =	sld [smem:$0x3F8E]  }
0x2e: {  	s3 =	simm.s32 @!p0 $0x1082;
	s9 =	sld [smem:$0x3F8F]  }
0x2f: {  	lr =	sadd.s32 s0, s3;
	s0 =	sld [smem:$0x3F86]  }
0x30: {  	s3 =	sld [smem:$0x3F89]  }
0x31: {  	[smem:$0x3F92] =	sst s10  }
0x32: {  	s10 =	sld [smem:$0x3F90];
	_ =	sdelay $0x3  }
0x33: {  	p0 =	seq.s32 s10, $0x1;
	s10 =	sld [smem:$0x3F92];
	_ =	sdelay $0x3  }
0x34: {  	[smem:$0x3F92] =	sst s10  }
0x35: {  	s10 =	sld [smem:$0x3F91];
	_ =	sdelay $0x3  }
0x36: {  	p1 =	seq.s32 s10, $0x1;
	s10 =	sld [smem:$0x3F92];
	_ =	sdelay $0x3  }
0x37: {  	[smem:$0x3F92] =	sst s10  }
0x38: {  	s10 =	sld [smem:$0x3F93]  }
0x39: {  	_ = 	snop;
	(pc) =	sbr.ind lr, $3  }
0x3a: {  	_ = 	snop  }
0x3b: {  	_ = 	snop  }
0x3c: {  	p2 =	seq.s32 s10, $0x1;
	s10 =	sld [smem:$0x3F92]  }
0x3d: {  	_ =	shalt  }
0x3e: {  	_ =	shalt  }
0x3f: {  	_ =	shalt  }
0x40: {  	_ =	shalt  }
0x41: {  	_ =	shalt  }
0x42: {  	_ =	shalt  }
0x43: {  	_ =	shalt  }
0x44: {  	_ =	shalt  }
0x45: {  	_ =	shalt  }
0x46: {  	_ =	shalt  }
0x47: {  	_ =	shalt  }
0x48: {  	_ =	shalt  }
0x49: {  	_ =	shalt  }
0x4a: {  	_ =	shalt  }
0x4b: {  	_ =	shalt  }
0x4c: {  	_ =	shalt  }
0x4d: {  	_ =	shalt  }
0x4e: {  	_ =	shalt  }
0x4f: {  	_ =	shalt  }
0x50: {  	_ =	shalt  }
0x51: {  	_ =	shalt  }
0x52: {  	_ =	shalt  }
0x53: {  	_ =	shalt  }
0x54: {  	_ =	shalt  }
0x55: {  	_ =	shalt  }
0x56: {  	_ =	shalt  }
0x57: {  	_ =	shalt  }
0x58: {  	_ =	shalt  }
0x59: {  	_ =	shalt  }
0x5a: {  	_ =	shalt  }
0x5b: {  	_ =	shalt  }
0x5c: {  	_ =	shalt  }
0x5d: {  	_ =	shalt  }
0x5e: {  	_ =	shalt  }
0x5f: {  	_ =	shalt  }
0x60: {  	_ =	shalt  }
0x61: {  	_ =	shalt  }
0x62: {  	_ =	shalt  }
0x63: {  	_ =	shalt  }
0x64: {  	_ =	shalt  }
0x65: {  	_ =	shalt  }
0x66: {  	_ =	shalt  }
0x67: {  	_ =	shalt  }
0x68: {  	_ =	shalt  }
0x69: {  	_ =	shalt  }
0x6a: {  	_ =	shalt  }
0x6b: {  	_ =	shalt  }
0x6c: {  	_ =	shalt  }
0x6d: {  	_ =	shalt  }
0x6e: {  	_ =	shalt  }
0x6f: {  	_ =	shalt  }
0x70: {  	_ =	shalt  }
0x71: {  	_ =	shalt  }
0x72: {  	_ =	shalt  }
0x73: {  	_ =	shalt  }
0x74: {  	_ =	shalt  }
0x75: {  	_ =	shalt  }
0x76: {  	_ =	shalt  }
0x77: {  	_ =	shalt  }
0x78: {  	_ =	shalt  }
0x79: {  	_ =	shalt  }
0x7a: {  	_ =	shalt  }
0x7b: {  	_ =	shalt  }
0x7c: {  	_ =	shalt  }
0x7d: {  	_ =	shalt  }
0x7e: {  	_ =	shalt  }
0x7f: {  	_ =	shalt  }
0x80: {  	_ =	shalt  }
0x81: {  	_ =	shalt  }
0x82: {  	_ =	shalt  }
0x83: {  	_ =	shalt  }
0x84: {  	_ =	shalt  }
0x85: {  	_ =	shalt  }
0x86: {  	_ =	shalt  }
0x87: {  	_ =	shalt  }
.Lfunc_end0:
.L_simem_size_0:
called_computation.2_lowered:
.L_overlay_start_0:
0x88: {  	s2 =	sld [smem:$0x3FD9]  }
0x89: {  	s3 =	sld [smem:$0x3FFE];
	_ =	sdelay $0x1  }
0x8a: {  	s1 =	srdreg.scid  }
0x8b: {  	s0 =	sand.u32 $0x1, s1  }
0x8c: {  	s16 =	sshll.u32 s0, $0xA;
	s2 =	sadd.s32 s3, s2  }
0x8d: {  	s2 =	sadd.s32 s2, s16  }
0x8e: {  	[smem:$0x3F9E] =	sst s2  }
0x8f: {  	_ = 	snop  }
0x90: {  	(tm) =	ssettm $0x1  }
0x91: {  	s17 =	sld [smem:$0x3FFB];
	_ =	sdelay $0x3  }
0x92: {  	_ =	strace s17  }
0x93: {  	s2 =	sld [smem:$0x3FFC];
	_ =	sdelay $0x3  }
0x94: {  	_ =	strace s2  }
0x95: {  	s2 =	sld [smem:$0x3FFD];
	_ =	sdelay $0x3  }
0x96: {  	_ =	strace s2  }
0x97: {  	_ =	strace $0x8FFFFFFF  }
0x98: {  	s18 =	sld [smem:$0x3FDB];
	_ =	sdelay $0x1  }
0x99: {  	s19 =	simm.s32 $_scs_section_size  }
0x9a: {  	s4 =	simm.s32 $_size__tile_overlayer_lowered;
	s5 =	simm.s32 $_tile_overlayer_lowered  }
0x9b: {  	s22 =	simm.s32 $0x1BFF;
	s21 =	sshll.u32 s5, $0x1;
	s2 =	sadd.s32 s19, s18  }
0x9c: {  	s6 =	simm.s32 $0x0;
	s20 =	sshll.u32 s4, $0x1;
	s4 =	sadd.s32 s21, s2  }
0x9d: {  	[timem:s6], [sflag:s22] =	dma.local [hbm:s4], s20  }
0x9e: {  	_ =	swait.ge [sflag:s22], s20  }
0x9f: {  	s3 =	ssub.s32 $0x0, s20;
	[sflag:s22] =	ssyncset.done $0x0  }
0xa0: {  	[sflag:s22] =	ssyncadd.s32 s3;
	_ =	sdelay $0x1  }
0xa1: {  	s23 =	simm.s32 $0x1B8B  }
0xa2: {  	_ =	swait.ge [sflag:s23], $0x1  }
0xa3: {  	[sflag:s23] =	ssyncset.done $0x0  }
0xa4: {  	s25 =	simm.s32 $0x1B8E;
	s24 =	sld [smem:$0x3FFE];
	[sflag:s23] =	ssyncadd.s32 $0xFFFFFFFF  }
0xa5: {  	s26 =	simm.s32 $execute0_lowered;
	[smem:$0x3FD2] =	sst s25  }
0xa6: {  	s4 =	sshll.u32 s26, $0x1;
	_ =	strace $0x8000004C;
	[dreg:$0x1] =	wrdreg $0xFFFFFFFF  }
0xa7: {  	s28 =	simm.s32 $_size_execute0_lowered;
	s2 =	sadd.s32 s2, s4;
	[dreg:$0x0] =	wrdreg $0x0  }
0xa8: {  	s4 =	sshll.u32 s28, $0x1;
	[dreg:$0x2] =	wrdreg s2  }
0xa9: {  	[dreg:$0x3] =	wrdreg s4  }
0xaa: {  	[dreg:$0x4] =	wrdreg $0xC0  }
0xab: {  	_ =	task [dreg:s6], $0x5FFFF  }
0xac: {  	[dreg:$0x1] =	wrdreg $0xFFFFFFFF  }
0xad: {  	[dreg:$0x0] =	wrdreg $0x60  }
0xae: {  	[dreg:$0x2] =	wrdreg s24  }
0xaf: {  	[dreg:$0x3] =	wrdreg $0x0  }
0xb0: {  	[dreg:$0x4] =	wrdreg $0x9  }
0xb1: {  	_ =	task.clear_ibuf [dreg:s6], $0x5FFFF;
	_ =	strace $0x9000004C  }
0xb2: {  	s29 =	simm.s32 $0x9;
	_ =	strace $0x8000004E  }
0xb3: {  	_ =	swait.ge [sflag:s29], $0x1  }
0xb4: {  	[sflag:s29] =	ssyncadd.s32 $0xFFFFFFFF  }
0xb5: {  	_ =	strace $0x9000004E  }
0xb6: {  	_ =	sfence  }
0xb7: {  	s30 =	sld [smem:$0x0];
	_ =	sdelay $0x2  }
0xb8: {  	s31 =	sshll.u32 s1, $0xD;
	s1 =	sshrl.u32 s1, $0x2  }
0xb9: {  	s3 =	sand.u32 $0x4000, s31;
	s1 =	sadd.s32 s1, s30  }
0xba: {  	s0 =	sor.u32 s3, s0;
	s1 =	sshll.u32 s1, $0x11  }
0xbb: {  	s0 =	sor.u32 s1, s0  }
0xbc: {  	s0 =	sadd.s32 $0x8F2B, s0  }
0xbd: {  	[sflag:s0] =	ssyncadd.remote.s32 $0x1  }
0xbe: {  	_ =	sfence.sel $0xFFFF  }
0xbf: {  	[dreg:$0x0] =	wrdreg $0xFFFFFFFF;
	(pc) =	sbr.abs _section_cstart, $3  }
0xc0: {  	[dreg:$0x1] =	wrdreg $0xFFFFFFFF  }
0xc1: {  	_ =	task.clear_ibuf [dreg:s6], $0x2FFFF;
	_ =	strace $0x9FFFFFFF  }
0xc2: {  	(tm) =	ssettm $0x7FFFFFFF  }
0xc3: {  	_ =	shalt  }
tec
execute0_lowered:
.L_overlay_start_1:
0x0: {  	(tag) =	ssettag $0x1  }
0x1: {  	s0 =	rddreg [dreg:$0x0]  }
0x2: {  	s2 =	rddreg [dreg:$0x1];
	s3 =	simm.s32 $0x0  }
0x3: {  	s1 =	stileid.u32;
	s5 =	srdreg.scid;
	s17 =	simm.s32 $0x3  }
0x4: {  	s20 =	simm.s32 $0x16800;
	s21 =	simm.s32 $0x7D;
	s28 =	simm.s32 $0x16700  }
0x5: {  	s29 =	simm.s32 $0x16780;
	s30 =	simm.s32 $0x0;
	s4 =	smul.u32 $0x500, s1  }
0x6: {  	[smem:$0x7FF] =	sst s3;
	s6 =	sand.u32 $0x1, s5;
	s10 =	smul.u32 $0x14000, s1  }
0x7: {  	s13 =	sadd.s32 $0xA000, s0;
	s5 =	sadd.s32 $0x9DD000, s0;
	s11 =	smul.u32 $0x50000, s1  }
0x8: {  	s31 =	sshll.u32 s1, $0x6;
	_ =	strace $0x8000004D;
	s9 =	smul.u32 $0x280000, s6  }
0x9: {  	s6 =	ssub.s32 $0x2, s6;
	s18 =	sor.u32 $0x1C03, s31;
	s7 =	sadd.s32 s4, s0  }
0xa: {  	s8 =	sshrl.u32 s6, $0x1;
	s0 =	sadd.s32 $0xAA000, s0;
	s24 =	sshrl.u32 s11, $0x2  }
0xb: {  	s15 =	ssub.s32 s6, s8;
	s22 =	sadd.s32 s10, s9;
	s23 =	sadd.s32 $0x5000, s7  }
0xc: {  	s19 =	sadd.s32 s24, s2;
	s14 =	sadd.s32 $0x140000, s9;
	s8 =	sadd.s32 s5, s4  }
0xd: {  	s9 =	sshrl.u32 s9, $0x3;
	s24 =	simm.s32 $0x1A900;
	[dreg:$0x3] =	wrdreg s23  }
0xe: {  	s25 =	sshrl.u32 s22, $0x3;
	s12 =	sadd.s32 s10, s14;
	s9 =	sadd.s32 s13, s9  }
0xf: {  	s10 =	sadd.s32 $0x10, s8;
	s14 =	sshrl.u32 s14, $0x3;
	s15 =	smax.u32 s15, $0x1  }
0x10: {  	s19 =	sshrl.u32 s19, $0x3;
	s22 =	simm.s32 $0x16880;
	s23 =	simm.s32 $0x1A880  }
0x11: {  	s26 =	sadd.s32 s13, s25;
	s16 =	sshrl.u32 s12, $0x3;
	s11 =	sadd.s32 s0, s25  }
0x12: {  	s25 =	simm.s32 $0x1;
	[dreg:$0x4] =	wrdreg s26;
	s12 =	sadd.s32 s13, s16  }
0x13: {  	s13 =	sadd.s32 s13, s14;
	s14 =	sadd.s32 s0, s16;
	s26 =	simm.s32 $0x2  }
.LBB2_1:
0x14: {  	s0 =	rddreg [dreg:$0x3];
	s1 =	simm.s32 $0x14000  }
0x15: {  	[tilespmem:s1], [sflag:$0x3] =	stream.linear.gather [hbm4b:s0+s3], $0x2800, $0x38;
	[tilespmem:$0x1E900] =	vst v63  }
0x16: {  	_ =	swait.ge [sflag:s17], $0x2800  }
0x17: {  	[sflag:s17] =	ssyncset.done $0x0  }
0x18: {  	s7 =	rddreg [dreg:$0x4];
	[sflag:s17] =	ssyncadd.s32 $0xFFFFD800  }
0x19: {  	[spmem:s19], [sflag:s18] =	dma.local [hbm:s7], $0x2800  }
0x1a: {  	_ =	swait.ge [sflag:s17], $0x2800  }
0x1b: {  	[sflag:s17] =	ssyncset.done $0x0  }
0x1c: {  	[sflag:s17] =	ssyncadd.s32 $0xFFFFD800  }
0x1d: {  	[bflag:$0x0] =	sbarrier.arrive $0xFFFF  }
0x1e: {  	[tilespmem:s20], [sflag:$0x3] =	stream.linear.gather [hbm4b:s8+s3], $0x80, $0x38;
	[tilespmem:$0x1E900] =	vst v63  }
0x1f: {  	_ =	swait.ge [sflag:s17], $0x80  }
0x20: {  	[sflag:s17] =	ssyncset.done $0x0  }
0x21: {  	[sflag:s17] =	ssyncadd.s32 $0xFFFFFF80  }
0x22: {  	[tilespmem:s22], [sflag:$0x1] =	stream.indirect.gather [hbm4b:s9+s21], $0x80, s20, s21, $0xb8;
	[tilespmem:$0x1E900] =	vst v63  }
0x23: {  	_ = 	snop  }
0x24: {  	[tilespmem:s23], [sflag:$0x3] =	stream.linear.gather [hbm4b:s10+s3], $0x80, $0x38;
	[tilespmem:$0x1E900] =	vst v63  }
0x25: {  	_ =	swait.ge [sflag:s17], $0x80  }
0x26: {  	[sflag:s17] =	ssyncset.done $0x0  }
0x27: {  	[sflag:s17] =	ssyncadd.s32 $0xFFFFFF80  }
0x28: {  	[tilespmem:s24], [sflag:$0x2] =	stream.indirect.gather [hbm4b:s9+s21], $0x80, s23, s21, $0xb8;
	[tilespmem:$0x1E900] =	vst v63  }
0x29: {  	_ =	swait.ge [sflag:s25], $0x3E80  }
0x2a: {  	s31 =	simm.s32 $0x20;
	[sflag:s25] =	ssyncset.done $0x0  }
0x2b: {  	s16 =	simm.s32 $0x14000;
	s0 =	sadd.s32 $0xFFFFFB20, s4;
	[sflag:s25] =	ssyncadd.s32 $0xFFFFC180  }
0x2c: {  	[spmem:s2] =	stream.indirect.scatter.add.f32 [tilespmem:s22], [sflag:$0x3], $0x80, s16, s21, $0xb8;
	[tilespmem:$0x1E900] =	vst v63  }
0x2d: {  	s6 =	sand.u32 $0x60, s31;
	s31 =	sadd.s32 $0x500, s0;
	_ =	swait.ge [sflag:s17], $0x3E80  }
0x2e: {  	s1 =	sadd.s32 s5, s6;
	s31 =	sand.u32 $0xFF80, s31;
	[sflag:s17] =	ssyncset.done $0x0  }
0x2f: {  	s1 =	sadd.s32 s31, s1;
	[sflag:s17] =	ssyncadd.s32 $0xFFFFC180  }
0x30: {  	[tilespmem:s20], [sflag:$0x3] =	stream.linear.gather [hbm4b:s1+s3], $0x80, $0x38;
	[tilespmem:$0x1E900] =	vst v63  }
0x31: {  	_ =	swait.ge [sflag:s17], $0x80  }
0x32: {  	[sflag:s17] =	ssyncset.done $0x0  }
0x33: {  	[sflag:s17] =	ssyncadd.s32 $0xFFFFFF80  }
0x34: {  	[tilespmem:s22], [sflag:$0x1] =	stream.indirect.gather [hbm4b:s9+s21], $0x80, s20, s21, $0xb8;
	[tilespmem:$0x1E900] =	vst v63  }
0x35: {  	_ =	swait.ge [sflag:s26], $0x3E80  }
0x36: {  	[sflag:s26] =	ssyncset.done $0x0  }
0x37: {  	s31 =	simm.s32 $0x30;
	s7 =	simm.s32 $0x14080;
	[sflag:s26] =	ssyncadd.s32 $0xFFFFC180  }
0x38: {  	[spmem:s2] =	stream.indirect.scatter.add.f32 [tilespmem:s24], [sflag:$0x3], $0x80, s7, s21, $0xb8;
	[tilespmem:$0x1E900] =	vst v63  }
0x39: {  	s0 =	sadd.s32 $0x510, s0;
	s16 =	sand.u32 $0x70, s31;
	_ =	swait.ge [sflag:s17], $0x3E80  }
0x3a: {  	s0 =	sand.u32 $0xFF80, s0;
	s1 =	sadd.s32 s5, s16;
	[sflag:s17] =	ssyncset.done $0x0  }
0x3b: {  	s0 =	sadd.s32 s0, s1;
	[sflag:s17] =	ssyncadd.s32 $0xFFFFC180  }
0x3c: {  	[tilespmem:s23], [sflag:$0x3] =	stream.linear.gather [hbm4b:s0+s3], $0x80, $0x38;
	[tilespmem:$0x1E900] =	vst v63  }
0x3d: {  	_ =	swait.ge [sflag:s17], $0x80  }
0x3e: {  	[sflag:s17] =	ssyncset.done $0x0  }
0x3f: {  	s31 =	simm.s32 $0xFFFFFB40;
	s0 =	simm.s32 $0x14180;
	[sflag:s17] =	ssyncadd.s32 $0xFFFFFF80  }
.LBB2_2:
0x40: {  	[tilespmem:s24], [sflag:$0x2] =	stream.indirect.gather [hbm4b:s9+s21], $0x80, s23, s21, $0xb8;
	[tilespmem:$0x1E900] =	vst v63  }
0x41: {  	s1 =	smov.u32 s31  }
0x42: {  	p0 =	sne.s32 s31, $0xFFFFFFE0;
	s31 =	sadd.s32 $0x20, s31;
	_ =	swait.ge [sflag:s25], $0x3E80  }
0x43: {  	s16 =	sadd.s32 s1, s4;
	s6 =	sadd.s32 $0x500, s1;
	[sflag:s25] =	ssyncset.done $0x0  }
0x44: {  	s7 =	sadd.s32 $0xFFFFFF80, s0;
	s6 =	sand.u32 $0x60, s6;
	[sflag:s25] =	ssyncadd.s32 $0xFFFFC180  }
0x45: {  	[spmem:s2] =	stream.indirect.scatter.add.f32 [tilespmem:s22], [sflag:$0x3], $0x80, s7, s21, $0xb8;
	[tilespmem:$0x1E900] =	vst v63  }
0x46: {  	s7 =	sadd.s32 $0x500, s16;
	s16 =	sadd.s32 $0x510, s16;
	_ =	swait.ge [sflag:s17], $0x3E80  }
0x47: {  	s6 =	sadd.s32 s5, s6;
	s7 =	sand.u32 $0xFF80, s7;
	[sflag:s17] =	ssyncset.done $0x0  }
0x48: {  	s6 =	sadd.s32 s7, s6;
	s7 =	sand.u32 $0xFF80, s16;
	[sflag:s17] =	ssyncadd.s32 $0xFFFFC180  }
0x49: {  	[tilespmem:s20], [sflag:$0x3] =	stream.linear.gather [hbm4b:s6+s3], $0x80, $0x38;
	[tilespmem:$0x1E900] =	vst v63  }
0x4a: {  	_ =	swait.ge [sflag:s17], $0x80  }
0x4b: {  	[sflag:s17] =	ssyncset.done $0x0  }
0x4c: {  	[sflag:s17] =	ssyncadd.s32 $0xFFFFFF80  }
0x4d: {  	[tilespmem:s22], [sflag:$0x1] =	stream.indirect.gather [hbm4b:s9+s21], $0x80, s20, s21, $0xb8;
	[tilespmem:$0x1E900] =	vst v63  }
0x4e: {  	_ =	swait.ge [sflag:s26], $0x3E80  }
0x4f: {  	[sflag:s26] =	ssyncset.done $0x0  }
0x50: {  	s1 =	sadd.s32 $0x510, s1;
	[sflag:s26] =	ssyncadd.s32 $0xFFFFC180  }
0x51: {  	[spmem:s2] =	stream.indirect.scatter.add.f32 [tilespmem:s24], [sflag:$0x3], $0x80, s0, s21, $0xb8;
	[tilespmem:$0x1E900] =	vst v63  }
0x52: {  	s1 =	sand.u32 $0x70, s1;
	_ =	swait.ge [sflag:s17], $0x3E80  }
0x53: {  	s1 =	sadd.s32 s5, s1;
	[sflag:s17] =	ssyncset.done $0x0  }
.Ltmp0:
0x54: {  	s1 =	sadd.s32 s7, s1;
	[sflag:s17] =	ssyncadd.s32 $0xFFFFC180;
	(pc) =	sbr.rel @p0 .LBB2_2-.Ltmp0, $4  }
0x55: {  	[tilespmem:s23], [sflag:$0x3] =	stream.linear.gather [hbm4b:s1+s3], $0x80, $0x38;
	[tilespmem:$0x1E900] =	vst v63  }
0x56: {  	_ =	swait.ge [sflag:s17], $0x80  }
0x57: {  	[sflag:s17] =	ssyncset.done $0x0  }
0x58: {  	s0 =	sadd.s32 $0x100, s0;
	[sflag:s17] =	ssyncadd.s32 $0xFFFFFF80  }
0x59: {  	[tilespmem:s24], [sflag:$0x2] =	stream.indirect.gather [hbm4b:s9+s21], $0x80, s23, s21, $0xb8;
	[tilespmem:$0x1E900] =	vst v63  }
0x5a: {  	_ =	swait.ge [sflag:s25], $0x3E80  }
0x5b: {  	[sflag:s25] =	ssyncset.done $0x0  }
0x5c: {  	[sflag:s25] =	ssyncadd.s32 $0xFFFFC180  }
0x5d: {  	[spmem:s2] =	stream.indirect.scatter.add.f32 [tilespmem:s22], [sflag:$0x3], $0x80, s28, s21, $0xb8;
	[tilespmem:$0x1E900] =	vst v63  }
0x5e: {  	_ =	swait.ge [sflag:s17], $0x3E80  }
0x5f: {  	[sflag:s17] =	ssyncset.done $0x0  }
0x60: {  	[sflag:s17] =	ssyncadd.s32 $0xFFFFC180  }
0x61: {  	_ =	swait.ge [sflag:s26], $0x3E80  }
0x62: {  	[sflag:s26] =	ssyncset.done $0x0  }
0x63: {  	[sflag:s26] =	ssyncadd.s32 $0xFFFFC180  }
0x64: {  	[spmem:s2] =	stream.indirect.scatter.add.f32 [tilespmem:s24], [sflag:$0x3], $0x80, s29, s21, $0xb8;
	[tilespmem:$0x1E900] =	vst v63  }
0x65: {  	_ =	swait.ge [sflag:s17], $0x3E80  }
0x66: {  	[sflag:s17] =	ssyncset.done $0x0  }
0x67: {  	[sflag:s17] =	ssyncadd.s32 $0xFFFFC180  }
0x68: {  	[bflag:$0x0] =	sbarrier.arrive $0xFFFF  }
0x69: {  	[hbm:s11], [sflag:s18] =	dma.local [spmem:s19], $0x2800  }
0x6a: {  	_ =	swait.ge [sflag:s17], $0x2800  }
0x6b: {  	[sflag:s17] =	ssyncset.done $0x0  }
0x6c: {  	[sflag:s17] =	ssyncadd.s32 $0xFFFFD800  }
0x6d: {  	[bflag:$0x0] =	sbarrier.arrive $0xFFFF  }
0x6e: {  	[spmem:s19], [sflag:s18] =	dma.local [hbm:s12], $0x2800  }
0x6f: {  	_ =	swait.ge [sflag:s17], $0x2800  }
0x70: {  	[sflag:s17] =	ssyncset.done $0x0  }
0x71: {  	[sflag:s17] =	ssyncadd.s32 $0xFFFFD800  }
0x72: {  	[bflag:$0x0] =	sbarrier.arrive $0xFFFF  }
0x73: {  	[tilespmem:s20], [sflag:$0x3] =	stream.linear.gather [hbm4b:s8+s3], $0x80, $0x38;
	[tilespmem:$0x1E900] =	vst v63  }
0x74: {  	_ =	swait.ge [sflag:s17], $0x80  }
0x75: {  	[sflag:s17] =	ssyncset.done $0x0  }
0x76: {  	[sflag:s17] =	ssyncadd.s32 $0xFFFFFF80  }
0x77: {  	[tilespmem:s22], [sflag:$0x1] =	stream.indirect.gather [hbm4b:s13+s21], $0x80, s20, s21, $0xb8;
	[tilespmem:$0x1E900] =	vst v63  }
0x78: {  	_ = 	snop  }
0x79: {  	[tilespmem:s23], [sflag:$0x3] =	stream.linear.gather [hbm4b:s10+s3], $0x80, $0x38;
	[tilespmem:$0x1E900] =	vst v63  }
0x7a: {  	_ =	swait.ge [sflag:s17], $0x80  }
0x7b: {  	[sflag:s17] =	ssyncset.done $0x0  }
0x7c: {  	[sflag:s17] =	ssyncadd.s32 $0xFFFFFF80  }
0x7d: {  	[tilespmem:s24], [sflag:$0x2] =	stream.indirect.gather [hbm4b:s13+s21], $0x80, s23, s21, $0xb8;
	[tilespmem:$0x1E900] =	vst v63  }
0x7e: {  	_ =	swait.ge [sflag:s25], $0x3E80  }
0x7f: {  	s0 =	sadd.s32 $0xFFFFFB20, s4;
	[sflag:s25] =	ssyncset.done $0x0  }
0x80: {  	s1 =	simm.s32 $0x20;
	s6 =	simm.s32 $0x14000;
	[sflag:s25] =	ssyncadd.s32 $0xFFFFC180  }
0x81: {  	[spmem:s2] =	stream.indirect.scatter.add.f32 [tilespmem:s22], [sflag:$0x3], $0x80, s6, s21, $0xb8;
	[tilespmem:$0x1E900] =	vst v63  }
0x82: {  	s1 =	sand.u32 $0x60, s1;
	s16 =	sadd.s32 $0x500, s0;
	_ =	swait.ge [sflag:s17], $0x3E80  }
0x83: {  	s1 =	sadd.s32 s5, s1;
	s6 =	sand.u32 $0xFF80, s16;
	[sflag:s17] =	ssyncset.done $0x0  }
0x84: {  	s1 =	sadd.s32 s6, s1;
	[sflag:s17] =	ssyncadd.s32 $0xFFFFC180  }
0x85: {  	[tilespmem:s20], [sflag:$0x3] =	stream.linear.gather [hbm4b:s1+s3], $0x80, $0x38;
	[tilespmem:$0x1E900] =	vst v63  }
0x86: {  	_ =	swait.ge [sflag:s17], $0x80  }
0x87: {  	[sflag:s17] =	ssyncset.done $0x0  }
0x88: {  	[sflag:s17] =	ssyncadd.s32 $0xFFFFFF80  }
0x89: {  	[tilespmem:s22], [sflag:$0x1] =	stream.indirect.gather [hbm4b:s13+s21], $0x80, s20, s21, $0xb8;
	[tilespmem:$0x1E900] =	vst v63  }
0x8a: {  	_ =	swait.ge [sflag:s26], $0x3E80  }
0x8b: {  	[sflag:s26] =	ssyncset.done $0x0  }
0x8c: {  	s7 =	simm.s32 $0x14080;
	s16 =	simm.s32 $0x30;
	[sflag:s26] =	ssyncadd.s32 $0xFFFFC180  }
0x8d: {  	[spmem:s2] =	stream.indirect.scatter.add.f32 [tilespmem:s24], [sflag:$0x3], $0x80, s7, s21, $0xb8;
	[tilespmem:$0x1E900] =	vst v63  }
0x8e: {  	s0 =	sadd.s32 $0x510, s0;
	s1 =	sand.u32 $0x70, s16;
	_ =	swait.ge [sflag:s17], $0x3E80  }
0x8f: {  	s0 =	sand.u32 $0xFF80, s0;
	s1 =	sadd.s32 s5, s1;
	[sflag:s17] =	ssyncset.done $0x0  }
0x90: {  	s0 =	sadd.s32 s0, s1;
	[sflag:s17] =	ssyncadd.s32 $0xFFFFC180  }
0x91: {  	[tilespmem:s23], [sflag:$0x3] =	stream.linear.gather [hbm4b:s0+s3], $0x80, $0x38;
	[tilespmem:$0x1E900] =	vst v63  }
0x92: {  	_ =	swait.ge [sflag:s17], $0x80  }
0x93: {  	[sflag:s17] =	ssyncset.done $0x0  }
0x94: {  	s31 =	simm.s32 $0xFFFFFB40;
	s0 =	simm.s32 $0x14180;
	[sflag:s17] =	ssyncadd.s32 $0xFFFFFF80  }
.LBB2_4:
0x95: {  	[tilespmem:s24], [sflag:$0x2] =	stream.indirect.gather [hbm4b:s13+s21], $0x80, s23, s21, $0xb8;
	[tilespmem:$0x1E900] =	vst v63  }
0x96: {  	s1 =	smov.u32 s31  }
0x97: {  	p0 =	sne.s32 s31, $0xFFFFFFE0;
	s31 =	sadd.s32 $0x20, s31;
	_ =	swait.ge [sflag:s25], $0x3E80  }
0x98: {  	s6 =	sadd.s32 s1, s4;
	s7 =	sadd.s32 $0x500, s1;
	[sflag:s25] =	ssyncset.done $0x0  }
0x99: {  	s16 =	sadd.s32 $0xFFFFFF80, s0;
	s7 =	sand.u32 $0x60, s7;
	[sflag:s25] =	ssyncadd.s32 $0xFFFFC180  }
0x9a: {  	[spmem:s2] =	stream.indirect.scatter.add.f32 [tilespmem:s22], [sflag:$0x3], $0x80, s16, s21, $0xb8;
	[tilespmem:$0x1E900] =	vst v63  }
0x9b: {  	s16 =	sadd.s32 $0x500, s6;
	s6 =	sadd.s32 $0x510, s6;
	_ =	swait.ge [sflag:s17], $0x3E80  }
0x9c: {  	s7 =	sadd.s32 s5, s7;
	s16 =	sand.u32 $0xFF80, s16;
	[sflag:s17] =	ssyncset.done $0x0  }
0x9d: {  	s6 =	sand.u32 $0xFF80, s6;
	s7 =	sadd.s32 s16, s7;
	[sflag:s17] =	ssyncadd.s32 $0xFFFFC180  }
0x9e: {  	[tilespmem:s20], [sflag:$0x3] =	stream.linear.gather [hbm4b:s7+s3], $0x80, $0x38;
	[tilespmem:$0x1E900] =	vst v63  }
0x9f: {  	_ =	swait.ge [sflag:s17], $0x80  }
0xa0: {  	[sflag:s17] =	ssyncset.done $0x0  }
0xa1: {  	[sflag:s17] =	ssyncadd.s32 $0xFFFFFF80  }
0xa2: {  	[tilespmem:s22], [sflag:$0x1] =	stream.indirect.gather [hbm4b:s13+s21], $0x80, s20, s21, $0xb8;
	[tilespmem:$0x1E900] =	vst v63  }
0xa3: {  	_ =	swait.ge [sflag:s26], $0x3E80  }
0xa4: {  	[sflag:s26] =	ssyncset.done $0x0  }
0xa5: {  	s1 =	sadd.s32 $0x510, s1;
	[sflag:s26] =	ssyncadd.s32 $0xFFFFC180  }
0xa6: {  	[spmem:s2] =	stream.indirect.scatter.add.f32 [tilespmem:s24], [sflag:$0x3], $0x80, s0, s21, $0xb8;
	[tilespmem:$0x1E900] =	vst v63  }
0xa7: {  	s1 =	sand.u32 $0x70, s1;
	_ =	swait.ge [sflag:s17], $0x3E80  }
0xa8: {  	s1 =	sadd.s32 s5, s1;
	[sflag:s17] =	ssyncset.done $0x0  }
.Ltmp1:
0xa9: {  	s1 =	sadd.s32 s6, s1;
	[sflag:s17] =	ssyncadd.s32 $0xFFFFC180;
	(pc) =	sbr.rel @p0 .LBB2_4-.Ltmp1, $4  }
0xaa: {  	[tilespmem:s23], [sflag:$0x3] =	stream.linear.gather [hbm4b:s1+s3], $0x80, $0x38;
	[tilespmem:$0x1E900] =	vst v63  }
0xab: {  	_ =	swait.ge [sflag:s17], $0x80  }
0xac: {  	[sflag:s17] =	ssyncset.done $0x0  }
0xad: {  	s0 =	sadd.s32 $0x100, s0;
	[sflag:s17] =	ssyncadd.s32 $0xFFFFFF80  }
0xae: {  	[tilespmem:s24], [sflag:$0x2] =	stream.indirect.gather [hbm4b:s13+s21], $0x80, s23, s21, $0xb8;
	[tilespmem:$0x1E900] =	vst v63  }
0xaf: {  	_ =	swait.ge [sflag:s25], $0x3E80  }
0xb0: {  	[sflag:s25] =	ssyncset.done $0x0  }
0xb1: {  	[sflag:s25] =	ssyncadd.s32 $0xFFFFC180  }
0xb2: {  	[spmem:s2] =	stream.indirect.scatter.add.f32 [tilespmem:s22], [sflag:$0x3], $0x80, s28, s21, $0xb8;
	[tilespmem:$0x1E900] =	vst v63  }
0xb3: {  	_ =	swait.ge [sflag:s17], $0x3E80  }
0xb4: {  	[sflag:s17] =	ssyncset.done $0x0  }
0xb5: {  	[sflag:s17] =	ssyncadd.s32 $0xFFFFC180  }
0xb6: {  	_ =	swait.ge [sflag:s26], $0x3E80  }
0xb7: {  	[sflag:s26] =	ssyncset.done $0x0  }
0xb8: {  	[sflag:s26] =	ssyncadd.s32 $0xFFFFC180  }
0xb9: {  	[spmem:s2] =	stream.indirect.scatter.add.f32 [tilespmem:s24], [sflag:$0x3], $0x80, s29, s21, $0xb8;
	[tilespmem:$0x1E900] =	vst v63  }
0xba: {  	_ =	swait.ge [sflag:s17], $0x3E80  }
0xbb: {  	s30 =	sadd.s32 $0x1, s30;
	[sflag:s17] =	ssyncset.done $0x0  }
0xbc: {  	p0 =	sne.s32 s30, s15;
	[sflag:s17] =	ssyncadd.s32 $0xFFFFC180  }
.Ltmp2:
0xbd: {  	[bflag:$0x0] =	sbarrier.arrive $0xFFFF;
	(pc) =	sbr.rel @p0 .LBB2_1-.Ltmp2, $4  }
0xbe: {  	[hbm:s14], [sflag:s18] =	dma.local [spmem:s19], $0x2800  }
0xbf: {  	_ =	swait.ge [sflag:s17], $0x2800  }
0xc0: {  	[sflag:s17] =	ssyncset.done $0x0  }
0xc1: {  	[sflag:s17] =	ssyncadd.s32 $0xFFFFD800  }
0xc2: {  	_ =	sfence.sel $0x180000  }
0xc3: {  	[bflag:$0x0] =	sbarrier.arrive $0xFFFF  }
0xc4: {  	_ =	strace $0x9000004D  }
0xc5: {  	s0 =	stileid.u32;
	[bflag:$0x2] =	sbarrier.arrive $0xFFFF  }
0xc6: {  	p0 =	sne.s32 s0, $0x0;
	s0 =	rddreg [dreg:$0x2]  }
0xc7: {  	s0 =	sadd.s32 @!p0 $0x100000, s0  }
0xc8: {  	[sflag:s0] =	ssyncadd.tile.s32 @!p0 $0x1;
	_ =	shalt  }
.Lfunc_end2:
_tile_overlayer_lowered:
.L_overlay_start_2:
0xc9: {  	(tag) =	ssettag $0x2  }
0xca: {  	s0 =	rddreg [dreg:$0x0];
	s2 =	stileid.u32  }
0xcb: {  	s1 =	rddreg [dreg:$0x1];
	p0 =	sne.s32 s2, $0x0  }
0xcc: {  	s3 =	rddreg [dreg:$0x2];
	[bflag:$0x3] =	sbarrier.arrive $0xFFFF;
	s2 =	simm.s32 @!p0 $0x1C03  }
0xcd: {  	[timem:s3], [sflag:s2] =	dma.local @!p0 [hbm:s0], s1  }
0xce: {  	s0 =	simm.s32 @!p0 $0x3  }
0xcf: {  	_ =	swait.ge @!p0 [sflag:s0], s1  }
0xd0: {  	s1 =	ssub.s32 @!p0 $0x0, s1;
	[sflag:s0] =	ssyncset.done @!p0 $0x0  }
0xd1: {  	[sflag:s0] =	ssyncadd.s32 @!p0 s1  }
0xd2: {  	[bflag:$0x3] =	sbarrier.arrive $0xFFFF  }
0xd3: {  	_ =	shalt  }

// kernel: kernel.17.cloned.1.call-start
scs
__scs_entry_jumppad:
0x0: {  	(pc) =	sbr.rel $0x88, $3  }
0x1: {  	(tag) =	ssettag $0x0;
	lr =	simm.s32 $0x1  }
0x2: {  	[smem:$0x3F77] =	sst lr;
	_ =	strace $0xD0000000  }
0x3: {  	_ = 	snop  }
0x4: {  	_ = 	snop  }
0x5: {  	_ = 	snop  }
0x6: {  	_ = 	snop  }
0x7: {  	_ = 	snop  }
__scs_overlays_trampoline_lowered:
0x8: {  	[smem:$0x3F86] =	sst s0  }
0x9: {  	[smem:$0x3F87] =	sst s1  }
0xa: {  	[smem:$0x3F88] =	sst s2  }
0xb: {  	[smem:$0x3F89] =	sst s3  }
0xc: {  	[smem:$0x3F8A] =	sst s4  }
0xd: {  	[smem:$0x3F8B] =	sst s5  }
0xe: {  	[smem:$0x3F8C] =	sst s6  }
0xf: {  	[smem:$0x3F8D] =	sst s7  }
0x10: {  	[smem:$0x3F8E] =	sst s8  }
0x11: {  	[smem:$0x3F8F] =	sst s9;
	s0 =	simm.s32 @!p0 $0x0  }
0x12: {  	s1 =	sld [smem:$0x3F75];
	s0 =	simm.s32 @p0 $0x1  }
0x13: {  	[smem:$0x3F90] =	sst s0;
	s0 =	simm.s32 @!p1 $0x0  }
0x14: {  	s2 =	sld [smem:$0x3F74];
	s0 =	simm.s32 @p1 $0x1  }
0x15: {  	[smem:$0x3F91] =	sst s0;
	s0 =	simm.s32 @!p2 $0x0  }
0x16: {  	s3 =	sld [smem:$0x3FDB];
	s0 =	simm.s32 @p2 $0x1  }
0x17: {  	s4 =	simm.s32 $0x1BF5;
	[smem:$0x3F93] =	sst s0  }
0x18: {  	s0 =	sld [smem:$0x3F76];
	_ =	swait.ge [sflag:s4], $0x0  }
0x19: {  	s7 =	sld [smem:$0x3F77]  }
0x1a: {  	s8 =	sadd.s32 $0xFFFFE003, lr  }
0x1b: {  	s9 =	sadd.s32 $0xFFFFFEF7, lr;
	s5 =	simm.s32 $0xFFFFFFFF;
	p2 =	slt.u32 s8, $0xFFFFF086  }
0x1c: {  	p1 =	slt.u32 s9, $0xF7A;
	s5 =	simm.s32 @!p2 $0x0  }
0x1d: {  	s5 =	simm.s32 @p1 $0x1;
	p0 =	seq.s32 s7, s2  }
0x1e: {  	s7 =	smul.u32 @!p0 $0xF7A, s2;
	p2 =	seq.s32 @!p0 s5, $0x0  }
0x1f: {  	s9 =	smul.u32 $0xF7A, s1;
	s8 =	simm.s32 @!p0 $0x1BF5;
	p2 =	por !p2, p0  }
0x20: {  	[sflag:s8] =	ssyncset.s32 @!p0 $0xFFFFF086;
	s6 =	sadd.s32 @!p0 s3, s7;
	s7 =	simm.s32 @!p0 $0x108  }
0x21: {  	s3 =	sadd.s32 s3, s9;
	s6 =	sadd.s32 @!p0 $0x88, s6;
	s7 =	simm.s32 @p2 $0x1082  }
0x22: {  	[simem:s7], [sflag:s8] =	dma.local @!p0 [hbm:s6], $0xF7A  }
0x23: {  	s9 =	sor.u32 $0xD0000000, s2;
	s6 =	simm.s32 $0x108;
	_ =	swait.ge @!p0 [sflag:s8], $0x0  }
0x24: {  	s3 =	sadd.s32 $0x88, s3;
	s6 =	simm.s32 @!p1 $0x1082;
	[sflag:s4] =	ssyncset.s32 $0xFFFFF086  }
0x25: {  	[simem:s6], [sflag:s4] =	dma.local [hbm:s3], $0xF7A  }
0x26: {  	[smem:$0x3F77] =	sst s1;
	(tag) =	ssettag s2;
	_ =	strace s9  }
0x27: {  	s1 =	sld [smem:$0x3F87]  }
0x28: {  	s2 =	sld [smem:$0x3F88]  }
0x29: {  	s4 =	sld [smem:$0x3F8A]  }
0x2a: {  	p0 =	seq.s32 s5, $0x0;
	s5 =	sld [smem:$0x3F8B]  }
0x2b: {  	s6 =	sld [smem:$0x3F8C]  }
0x2c: {  	s7 =	sld [smem:$0x3F8D]  }
0x2d: {  	s3 =	simm.s32 $0x108;
	s8 =	sld [smem:$0x3F8E]  }
0x2e: {  	s3 =	simm.s32 @!p0 $0x1082;
	s9 =	sld [smem:$0x3F8F]  }
0x2f: {  	lr =	sadd.s32 s0, s3;
	s0 =	sld [smem:$0x3F86]  }
0x30: {  	s3 =	sld [smem:$0x3F89]  }
0x31: {  	[smem:$0x3F92] =	sst s10  }
0x32: {  	s10 =	sld [smem:$0x3F90];
	_ =	sdelay $0x3  }
0x33: {  	p0 =	seq.s32 s10, $0x1;
	s10 =	sld [smem:$0x3F92];
	_ =	sdelay $0x3  }
0x34: {  	[smem:$0x3F92] =	sst s10  }
0x35: {  	s10 =	sld [smem:$0x3F91];
	_ =	sdelay $0x3  }
0x36: {  	p1 =	seq.s32 s10, $0x1;
	s10 =	sld [smem:$0x3F92];
	_ =	sdelay $0x3  }
0x37: {  	[smem:$0x3F92] =	sst s10  }
0x38: {  	s10 =	sld [smem:$0x3F93]  }
0x39: {  	_ = 	snop;
	(pc) =	sbr.ind lr, $3  }
0x3a: {  	_ = 	snop  }
0x3b: {  	_ = 	snop  }
0x3c: {  	p2 =	seq.s32 s10, $0x1;
	s10 =	sld [smem:$0x3F92]  }
0x3d: {  	_ =	shalt  }
0x3e: {  	_ =	shalt  }
0x3f: {  	_ =	shalt  }
0x40: {  	_ =	shalt  }
0x41: {  	_ =	shalt  }
0x42: {  	_ =	shalt  }
0x43: {  	_ =	shalt  }
0x44: {  	_ =	shalt  }
0x45: {  	_ =	shalt  }
0x46: {  	_ =	shalt  }
0x47: {  	_ =	shalt  }
0x48: {  	_ =	shalt  }
0x49: {  	_ =	shalt  }
0x4a: {  	_ =	shalt  }
0x4b: {  	_ =	shalt  }
0x4c: {  	_ =	shalt  }
0x4d: {  	_ =	shalt  }
0x4e: {  	_ =	shalt  }
0x4f: {  	_ =	shalt  }
0x50: {  	_ =	shalt  }
0x51: {  	_ =	shalt  }
0x52: {  	_ =	shalt  }
0x53: {  	_ =	shalt  }
0x54: {  	_ =	shalt  }
0x55: {  	_ =	shalt  }
0x56: {  	_ =	shalt  }
0x57: {  	_ =	shalt  }
0x58: {  	_ =	shalt  }
0x59: {  	_ =	shalt  }
0x5a: {  	_ =	shalt  }
0x5b: {  	_ =	shalt  }
0x5c: {  	_ =	shalt  }
0x5d: {  	_ =	shalt  }
0x5e: {  	_ =	shalt  }
0x5f: {  	_ =	shalt  }
0x60: {  	_ =	shalt  }
0x61: {  	_ =	shalt  }
0x62: {  	_ =	shalt  }
0x63: {  	_ =	shalt  }
0x64: {  	_ =	shalt  }
0x65: {  	_ =	shalt  }
0x66: {  	_ =	shalt  }
0x67: {  	_ =	shalt  }
0x68: {  	_ =	shalt  }
0x69: {  	_ =	shalt  }
0x6a: {  	_ =	shalt  }
0x6b: {  	_ =	shalt  }
0x6c: {  	_ =	shalt  }
0x6d: {  	_ =	shalt  }
0x6e: {  	_ =	shalt  }
0x6f: {  	_ =	shalt  }
0x70: {  	_ =	shalt  }
0x71: {  	_ =	shalt  }
0x72: {  	_ =	shalt  }
0x73: {  	_ =	shalt  }
0x74: {  	_ =	shalt  }
0x75: {  	_ =	shalt  }
0x76: {  	_ =	shalt  }
0x77: {  	_ =	shalt  }
0x78: {  	_ =	shalt  }
0x79: {  	_ =	shalt  }
0x7a: {  	_ =	shalt  }
0x7b: {  	_ =	shalt  }
0x7c: {  	_ =	shalt  }
0x7d: {  	_ =	shalt  }
0x7e: {  	_ =	shalt  }
0x7f: {  	_ =	shalt  }
0x80: {  	_ =	shalt  }
0x81: {  	_ =	shalt  }
0x82: {  	_ =	shalt  }
0x83: {  	_ =	shalt  }
0x84: {  	_ =	shalt  }
0x85: {  	_ =	shalt  }
0x86: {  	_ =	shalt  }
0x87: {  	_ =	shalt  }
.Lfunc_end0:
.L_simem_size_0:
called_computation.3_lowered:
.L_overlay_start_0:
0x88: {  	s2 =	sld [smem:$0x3FD9]  }
0x89: {  	s3 =	sld [smem:$0x3FFE];
	_ =	sdelay $0x1  }
0x8a: {  	s1 =	srdreg.scid  }
0x8b: {  	s0 =	sand.u32 $0x1, s1  }
0x8c: {  	s16 =	sshll.u32 s0, $0xA;
	s2 =	sadd.s32 s3, s2  }
0x8d: {  	s2 =	sadd.s32 s2, s16  }
0x8e: {  	[smem:$0x3F9E] =	sst s2  }
0x8f: {  	_ = 	snop  }
0x90: {  	(tm) =	ssettm $0x1  }
0x91: {  	s17 =	sld [smem:$0x3FFB];
	_ =	sdelay $0x3  }
0x92: {  	_ =	strace s17  }
0x93: {  	s2 =	sld [smem:$0x3FFC];
	_ =	sdelay $0x3  }
0x94: {  	_ =	strace s2  }
0x95: {  	s2 =	sld [smem:$0x3FFD];
	_ =	sdelay $0x3  }
0x96: {  	_ =	strace s2  }
0x97: {  	_ =	strace $0x8FFFFFFF  }
0x98: {  	s18 =	sld [smem:$0x3FDB];
	_ =	sdelay $0x1  }
0x99: {  	s19 =	simm.s32 $_scs_section_size  }
0x9a: {  	s4 =	simm.s32 $_size__tile_overlayer_lowered;
	s5 =	simm.s32 $_tile_overlayer_lowered  }
0x9b: {  	s22 =	simm.s32 $0x1BFF;
	s21 =	sshll.u32 s5, $0x1;
	s2 =	sadd.s32 s19, s18  }
0x9c: {  	s6 =	simm.s32 $0x0;
	s20 =	sshll.u32 s4, $0x1;
	s4 =	sadd.s32 s21, s2  }
0x9d: {  	[timem:s6], [sflag:s22] =	dma.local [hbm:s4], s20  }
0x9e: {  	_ =	swait.ge [sflag:s22], s20  }
0x9f: {  	s3 =	ssub.s32 $0x0, s20;
	[sflag:s22] =	ssyncset.done $0x0  }
0xa0: {  	[sflag:s22] =	ssyncadd.s32 s3;
	_ =	sdelay $0x1  }
0xa1: {  	s23 =	simm.s32 $0x1B8B  }
0xa2: {  	_ =	swait.ge [sflag:s23], $0x1  }
0xa3: {  	[sflag:s23] =	ssyncset.done $0x0  }
0xa4: {  	s25 =	simm.s32 $0x1B8E;
	s24 =	sld [smem:$0x3FFE];
	[sflag:s23] =	ssyncadd.s32 $0xFFFFFFFF  }
0xa5: {  	s26 =	simm.s32 $execute0_lowered;
	[smem:$0x3FD2] =	sst s25  }
0xa6: {  	s4 =	sshll.u32 s26, $0x1;
	_ =	strace $0x8000004F;
	[dreg:$0x1] =	wrdreg $0xFFFFFFFF  }
0xa7: {  	s28 =	simm.s32 $_size_execute0_lowered;
	s2 =	sadd.s32 s2, s4;
	[dreg:$0x0] =	wrdreg $0x0  }
0xa8: {  	s4 =	sshll.u32 s28, $0x1;
	[dreg:$0x2] =	wrdreg s2  }
0xa9: {  	[dreg:$0x3] =	wrdreg s4  }
0xaa: {  	[dreg:$0x4] =	wrdreg $0xC0  }
0xab: {  	_ =	task [dreg:s6], $0x5FFFF  }
0xac: {  	[dreg:$0x1] =	wrdreg $0xFFFFFFFF  }
0xad: {  	[dreg:$0x0] =	wrdreg $0x60  }
0xae: {  	[dreg:$0x2] =	wrdreg s24  }
0xaf: {  	[dreg:$0x3] =	wrdreg $0x0  }
0xb0: {  	[dreg:$0x4] =	wrdreg $0x9  }
0xb1: {  	_ =	task.clear_ibuf [dreg:s6], $0x5FFFF;
	_ =	strace $0x9000004F  }
0xb2: {  	s29 =	simm.s32 $0x9;
	_ =	strace $0x80000051  }
0xb3: {  	_ =	swait.ge [sflag:s29], $0x1  }
0xb4: {  	[sflag:s29] =	ssyncadd.s32 $0xFFFFFFFF  }
0xb5: {  	_ =	strace $0x90000051  }
0xb6: {  	_ =	sfence  }
0xb7: {  	s30 =	sld [smem:$0x0];
	_ =	sdelay $0x2  }
0xb8: {  	s31 =	sshll.u32 s1, $0xD;
	s1 =	sshrl.u32 s1, $0x2  }
0xb9: {  	s3 =	sand.u32 $0x4000, s31;
	s1 =	sadd.s32 s1, s30  }
0xba: {  	s0 =	sor.u32 s3, s0;
	s1 =	sshll.u32 s1, $0x11  }
0xbb: {  	s0 =	sor.u32 s1, s0  }
0xbc: {  	s0 =	sadd.s32 $0x8F2B, s0  }
0xbd: {  	[sflag:s0] =	ssyncadd.remote.s32 $0x1  }
0xbe: {  	_ =	sfence.sel $0xFFFF  }
0xbf: {  	[dreg:$0x0] =	wrdreg $0xFFFFFFFF;
	(pc) =	sbr.abs _section_cstart, $3  }
0xc0: {  	[dreg:$0x1] =	wrdreg $0xFFFFFFFF  }
0xc1: {  	_ =	task.clear_ibuf [dreg:s6], $0x2FFFF;
	_ =	strace $0x9FFFFFFF  }
0xc2: {  	(tm) =	ssettm $0x7FFFFFFF  }
0xc3: {  	_ =	shalt  }
tec
execute0_lowered:
.L_overlay_start_1:
0x0: {  	(tag) =	ssettag $0x1  }
0x1: {  	s0 =	rddreg [dreg:$0x0]  }
0x2: {  	s2 =	rddreg [dreg:$0x1];
	s3 =	simm.s32 $0x0  }
0x3: {  	s1 =	stileid.u32;
	s5 =	srdreg.scid;
	s17 =	simm.s32 $0x3  }
0x4: {  	s20 =	simm.s32 $0x16800;
	s21 =	simm.s32 $0x7D;
	s28 =	simm.s32 $0x16700  }
0x5: {  	s29 =	simm.s32 $0x16780;
	s30 =	simm.s32 $0x0;
	s4 =	smul.u32 $0x500, s1  }
0x6: {  	[smem:$0x7FF] =	sst s3;
	s6 =	sand.u32 $0x1, s5;
	s10 =	smul.u32 $0x14000, s1  }
0x7: {  	s13 =	sadd.s32 $0xA000, s0;
	s5 =	sadd.s32 $0x9DD000, s0;
	s11 =	smul.u32 $0x50000, s1  }
0x8: {  	s31 =	sshll.u32 s1, $0x6;
	_ =	strace $0x80000050;
	s9 =	smul.u32 $0x280000, s6  }
0x9: {  	s6 =	ssub.s32 $0x2, s6;
	s18 =	sor.u32 $0x1C03, s31;
	s7 =	sadd.s32 s4, s0  }
0xa: {  	s8 =	sshrl.u32 s6, $0x1;
	s0 =	sadd.s32 $0xAA000, s0;
	s24 =	sshrl.u32 s11, $0x2  }
0xb: {  	s15 =	ssub.s32 s6, s8;
	s22 =	sadd.s32 s10, s9;
	s23 =	sadd.s32 $0x5000, s7  }
0xc: {  	s19 =	sadd.s32 s24, s2;
	s14 =	sadd.s32 $0x140000, s9;
	s8 =	sadd.s32 s5, s4  }
0xd: {  	s9 =	sshrl.u32 s9, $0x3;
	s24 =	simm.s32 $0x1A900;
	[dreg:$0x3] =	wrdreg s23  }
0xe: {  	s25 =	sshrl.u32 s22, $0x3;
	s12 =	sadd.s32 s10, s14;
	s9 =	sadd.s32 s13, s9  }
0xf: {  	s10 =	sadd.s32 $0x10, s8;
	s14 =	sshrl.u32 s14, $0x3;
	s15 =	smax.u32 s15, $0x1  }
0x10: {  	s19 =	sshrl.u32 s19, $0x3;
	s22 =	simm.s32 $0x16880;
	s23 =	simm.s32 $0x1A880  }
0x11: {  	s26 =	sadd.s32 s13, s25;
	s16 =	sshrl.u32 s12, $0x3;
	s11 =	sadd.s32 s0, s25  }
0x12: {  	s25 =	simm.s32 $0x1;
	[dreg:$0x4] =	wrdreg s26;
	s12 =	sadd.s32 s13, s16  }
0x13: {  	s13 =	sadd.s32 s13, s14;
	s14 =	sadd.s32 s0, s16;
	s26 =	simm.s32 $0x2  }
.LBB2_1:
0x14: {  	s0 =	rddreg [dreg:$0x3];
	s1 =	simm.s32 $0x14000  }
0x15: {  	[tilespmem:s1], [sflag:$0x3] =	stream.linear.gather [hbm4b:s0+s3], $0x2800, $0x38;
	[tilespmem:$0x1E900] =	vst v63  }
0x16: {  	_ =	swait.ge [sflag:s17], $0x2800  }
0x17: {  	[sflag:s17] =	ssyncset.done $0x0  }
0x18: {  	s7 =	rddreg [dreg:$0x4];
	[sflag:s17] =	ssyncadd.s32 $0xFFFFD800  }
0x19: {  	[spmem:s19], [sflag:s18] =	dma.local [hbm:s7], $0x2800  }
0x1a: {  	_ =	swait.ge [sflag:s17], $0x2800  }
0x1b: {  	[sflag:s17] =	ssyncset.done $0x0  }
0x1c: {  	[sflag:s17] =	ssyncadd.s32 $0xFFFFD800  }
0x1d: {  	[bflag:$0x0] =	sbarrier.arrive $0xFFFF  }
0x1e: {  	[tilespmem:s20], [sflag:$0x3] =	stream.linear.gather [hbm4b:s8+s3], $0x80, $0x38;
	[tilespmem:$0x1E900] =	vst v63  }
0x1f: {  	_ =	swait.ge [sflag:s17], $0x80  }
0x20: {  	[sflag:s17] =	ssyncset.done $0x0  }
0x21: {  	[sflag:s17] =	ssyncadd.s32 $0xFFFFFF80  }
0x22: {  	[tilespmem:s22], [sflag:$0x1] =	stream.indirect.gather [hbm4b:s9+s21], $0x80, s20, s21, $0xb8;
	[tilespmem:$0x1E900] =	vst v63  }
0x23: {  	_ = 	snop  }
0x24: {  	[tilespmem:s23], [sflag:$0x3] =	stream.linear.gather [hbm4b:s10+s3], $0x80, $0x38;
	[tilespmem:$0x1E900] =	vst v63  }
0x25: {  	_ =	swait.ge [sflag:s17], $0x80  }
0x26: {  	[sflag:s17] =	ssyncset.done $0x0  }
0x27: {  	[sflag:s17] =	ssyncadd.s32 $0xFFFFFF80  }
0x28: {  	[tilespmem:s24], [sflag:$0x2] =	stream.indirect.gather [hbm4b:s9+s21], $0x80, s23, s21, $0xb8;
	[tilespmem:$0x1E900] =	vst v63  }
0x29: {  	_ =	swait.ge [sflag:s25], $0x3E80  }
0x2a: {  	s31 =	simm.s32 $0x20;
	[sflag:s25] =	ssyncset.done $0x0  }
0x2b: {  	s16 =	simm.s32 $0x14000;
	s0 =	sadd.s32 $0xFFFFFB20, s4;
	[sflag:s25] =	ssyncadd.s32 $0xFFFFC180  }
0x2c: {  	[spmem:s2] =	stream.indirect.scatter.add.f32 [tilespmem:s22], [sflag:$0x3], $0x80, s16, s21, $0xb8;
	[tilespmem:$0x1E900] =	vst v63  }
0x2d: {  	s6 =	sand.u32 $0x60, s31;
	s31 =	sadd.s32 $0x500, s0;
	_ =	swait.ge [sflag:s17], $0x3E80  }
0x2e: {  	s1 =	sadd.s32 s5, s6;
	s31 =	sand.u32 $0xFF80, s31;
	[sflag:s17] =	ssyncset.done $0x0  }
0x2f: {  	s1 =	sadd.s32 s31, s1;
	[sflag:s17] =	ssyncadd.s32 $0xFFFFC180  }
0x30: {  	[tilespmem:s20], [sflag:$0x3] =	stream.linear.gather [hbm4b:s1+s3], $0x80, $0x38;
	[tilespmem:$0x1E900] =	vst v63  }
0x31: {  	_ =	swait.ge [sflag:s17], $0x80  }
0x32: {  	[sflag:s17] =	ssyncset.done $0x0  }
0x33: {  	[sflag:s17] =	ssyncadd.s32 $0xFFFFFF80  }
0x34: {  	[tilespmem:s22], [sflag:$0x1] =	stream.indirect.gather [hbm4b:s9+s21], $0x80, s20, s21, $0xb8;
	[tilespmem:$0x1E900] =	vst v63  }
0x35: {  	_ =	swait.ge [sflag:s26], $0x3E80  }
0x36: {  	[sflag:s26] =	ssyncset.done $0x0  }
0x37: {  	s31 =	simm.s32 $0x30;
	s7 =	simm.s32 $0x14080;
	[sflag:s26] =	ssyncadd.s32 $0xFFFFC180  }
0x38: {  	[spmem:s2] =	stream.indirect.scatter.add.f32 [tilespmem:s24], [sflag:$0x3], $0x80, s7, s21, $0xb8;
	[tilespmem:$0x1E900] =	vst v63  }
0x39: {  	s0 =	sadd.s32 $0x510, s0;
	s16 =	sand.u32 $0x70, s31;
	_ =	swait.ge [sflag:s17], $0x3E80  }
0x3a: {  	s0 =	sand.u32 $0xFF80, s0;
	s1 =	sadd.s32 s5, s16;
	[sflag:s17] =	ssyncset.done $0x0  }
0x3b: {  	s0 =	sadd.s32 s0, s1;
	[sflag:s17] =	ssyncadd.s32 $0xFFFFC180  }
0x3c: {  	[tilespmem:s23], [sflag:$0x3] =	stream.linear.gather [hbm4b:s0+s3], $0x80, $0x38;
	[tilespmem:$0x1E900] =	vst v63  }
0x3d: {  	_ =	swait.ge [sflag:s17], $0x80  }
0x3e: {  	[sflag:s17] =	ssyncset.done $0x0  }
0x3f: {  	s31 =	simm.s32 $0xFFFFFB40;
	s0 =	simm.s32 $0x14180;
	[sflag:s17] =	ssyncadd.s32 $0xFFFFFF80  }
.LBB2_2:
0x40: {  	[tilespmem:s24], [sflag:$0x2] =	stream.indirect.gather [hbm4b:s9+s21], $0x80, s23, s21, $0xb8;
	[tilespmem:$0x1E900] =	vst v63  }
0x41: {  	s1 =	smov.u32 s31  }
0x42: {  	p0 =	sne.s32 s31, $0xFFFFFFE0;
	s31 =	sadd.s32 $0x20, s31;
	_ =	swait.ge [sflag:s25], $0x3E80  }
0x43: {  	s16 =	sadd.s32 s1, s4;
	s6 =	sadd.s32 $0x500, s1;
	[sflag:s25] =	ssyncset.done $0x0  }
0x44: {  	s7 =	sadd.s32 $0xFFFFFF80, s0;
	s6 =	sand.u32 $0x60, s6;
	[sflag:s25] =	ssyncadd.s32 $0xFFFFC180  }
0x45: {  	[spmem:s2] =	stream.indirect.scatter.add.f32 [tilespmem:s22], [sflag:$0x3], $0x80, s7, s21, $0xb8;
	[tilespmem:$0x1E900] =	vst v63  }
0x46: {  	s7 =	sadd.s32 $0x500, s16;
	s16 =	sadd.s32 $0x510, s16;
	_ =	swait.ge [sflag:s17], $0x3E80  }
0x47: {  	s6 =	sadd.s32 s5, s6;
	s7 =	sand.u32 $0xFF80, s7;
	[sflag:s17] =	ssyncset.done $0x0  }
0x48: {  	s6 =	sadd.s32 s7, s6;
	s7 =	sand.u32 $0xFF80, s16;
	[sflag:s17] =	ssyncadd.s32 $0xFFFFC180  }
0x49: {  	[tilespmem:s20], [sflag:$0x3] =	stream.linear.gather [hbm4b:s6+s3], $0x80, $0x38;
	[tilespmem:$0x1E900] =	vst v63  }
0x4a: {  	_ =	swait.ge [sflag:s17], $0x80  }
0x4b: {  	[sflag:s17] =	ssyncset.done $0x0  }
0x4c: {  	[sflag:s17] =	ssyncadd.s32 $0xFFFFFF80  }
0x4d: {  	[tilespmem:s22], [sflag:$0x1] =	stream.indirect.gather [hbm4b:s9+s21], $0x80, s20, s21, $0xb8;
	[tilespmem:$0x1E900] =	vst v63  }
0x4e: {  	_ =	swait.ge [sflag:s26], $0x3E80  }
0x4f: {  	[sflag:s26] =	ssyncset.done $0x0  }
0x50: {  	s1 =	sadd.s32 $0x510, s1;
	[sflag:s26] =	ssyncadd.s32 $0xFFFFC180  }
0x51: {  	[spmem:s2] =	stream.indirect.scatter.add.f32 [tilespmem:s24], [sflag:$0x3], $0x80, s0, s21, $0xb8;
	[tilespmem:$0x1E900] =	vst v63  }
0x52: {  	s1 =	sand.u32 $0x70, s1;
	_ =	swait.ge [sflag:s17], $0x3E80  }
0x53: {  	s1 =	sadd.s32 s5, s1;
	[sflag:s17] =	ssyncset.done $0x0  }
.Ltmp0:
0x54: {  	s1 =	sadd.s32 s7, s1;
	[sflag:s17] =	ssyncadd.s32 $0xFFFFC180;
	(pc) =	sbr.rel @p0 .LBB2_2-.Ltmp0, $4  }
0x55: {  	[tilespmem:s23], [sflag:$0x3] =	stream.linear.gather [hbm4b:s1+s3], $0x80, $0x38;
	[tilespmem:$0x1E900] =	vst v63  }
0x56: {  	_ =	swait.ge [sflag:s17], $0x80  }
0x57: {  	[sflag:s17] =	ssyncset.done $0x0  }
0x58: {  	s0 =	sadd.s32 $0x100, s0;
	[sflag:s17] =	ssyncadd.s32 $0xFFFFFF80  }
0x59: {  	[tilespmem:s24], [sflag:$0x2] =	stream.indirect.gather [hbm4b:s9+s21], $0x80, s23, s21, $0xb8;
	[tilespmem:$0x1E900] =	vst v63  }
0x5a: {  	_ =	swait.ge [sflag:s25], $0x3E80  }
0x5b: {  	[sflag:s25] =	ssyncset.done $0x0  }
0x5c: {  	[sflag:s25] =	ssyncadd.s32 $0xFFFFC180  }
0x5d: {  	[spmem:s2] =	stream.indirect.scatter.add.f32 [tilespmem:s22], [sflag:$0x3], $0x80, s28, s21, $0xb8;
	[tilespmem:$0x1E900] =	vst v63  }
0x5e: {  	_ =	swait.ge [sflag:s17], $0x3E80  }
0x5f: {  	[sflag:s17] =	ssyncset.done $0x0  }
0x60: {  	[sflag:s17] =	ssyncadd.s32 $0xFFFFC180  }
0x61: {  	_ =	swait.ge [sflag:s26], $0x3E80  }
0x62: {  	[sflag:s26] =	ssyncset.done $0x0  }
0x63: {  	[sflag:s26] =	ssyncadd.s32 $0xFFFFC180  }
0x64: {  	[spmem:s2] =	stream.indirect.scatter.add.f32 [tilespmem:s24], [sflag:$0x3], $0x80, s29, s21, $0xb8;
	[tilespmem:$0x1E900] =	vst v63  }
0x65: {  	_ =	swait.ge [sflag:s17], $0x3E80  }
0x66: {  	[sflag:s17] =	ssyncset.done $0x0  }
0x67: {  	[sflag:s17] =	ssyncadd.s32 $0xFFFFC180  }
0x68: {  	[bflag:$0x0] =	sbarrier.arrive $0xFFFF  }
0x69: {  	[hbm:s11], [sflag:s18] =	dma.local [spmem:s19], $0x2800  }
0x6a: {  	_ =	swait.ge [sflag:s17], $0x2800  }
0x6b: {  	[sflag:s17] =	ssyncset.done $0x0  }
0x6c: {  	[sflag:s17] =	ssyncadd.s32 $0xFFFFD800  }
0x6d: {  	[bflag:$0x0] =	sbarrier.arrive $0xFFFF  }
0x6e: {  	[spmem:s19], [sflag:s18] =	dma.local [hbm:s12], $0x2800  }
0x6f: {  	_ =	swait.ge [sflag:s17], $0x2800  }
0x70: {  	[sflag:s17] =	ssyncset.done $0x0  }
0x71: {  	[sflag:s17] =	ssyncadd.s32 $0xFFFFD800  }
0x72: {  	[bflag:$0x0] =	sbarrier.arrive $0xFFFF  }
0x73: {  	[tilespmem:s20], [sflag:$0x3] =	stream.linear.gather [hbm4b:s8+s3], $0x80, $0x38;
	[tilespmem:$0x1E900] =	vst v63  }
0x74: {  	_ =	swait.ge [sflag:s17], $0x80  }
0x75: {  	[sflag:s17] =	ssyncset.done $0x0  }
0x76: {  	[sflag:s17] =	ssyncadd.s32 $0xFFFFFF80  }
0x77: {  	[tilespmem:s22], [sflag:$0x1] =	stream.indirect.gather [hbm4b:s13+s21], $0x80, s20, s21, $0xb8;
	[tilespmem:$0x1E900] =	vst v63  }
0x78: {  	_ = 	snop  }
0x79: {  	[tilespmem:s23], [sflag:$0x3] =	stream.linear.gather [hbm4b:s10+s3], $0x80, $0x38;
	[tilespmem:$0x1E900] =	vst v63  }
0x7a: {  	_ =	swait.ge [sflag:s17], $0x80  }
0x7b: {  	[sflag:s17] =	ssyncset.done $0x0  }
0x7c: {  	[sflag:s17] =	ssyncadd.s32 $0xFFFFFF80  }
0x7d: {  	[tilespmem:s24], [sflag:$0x2] =	stream.indirect.gather [hbm4b:s13+s21], $0x80, s23, s21, $0xb8;
	[tilespmem:$0x1E900] =	vst v63  }
0x7e: {  	_ =	swait.ge [sflag:s25], $0x3E80  }
0x7f: {  	s0 =	sadd.s32 $0xFFFFFB20, s4;
	[sflag:s25] =	ssyncset.done $0x0  }
0x80: {  	s1 =	simm.s32 $0x20;
	s6 =	simm.s32 $0x14000;
	[sflag:s25] =	ssyncadd.s32 $0xFFFFC180  }
0x81: {  	[spmem:s2] =	stream.indirect.scatter.add.f32 [tilespmem:s22], [sflag:$0x3], $0x80, s6, s21, $0xb8;
	[tilespmem:$0x1E900] =	vst v63  }
0x82: {  	s1 =	sand.u32 $0x60, s1;
	s16 =	sadd.s32 $0x500, s0;
	_ =	swait.ge [sflag:s17], $0x3E80  }
0x83: {  	s1 =	sadd.s32 s5, s1;
	s6 =	sand.u32 $0xFF80, s16;
	[sflag:s17] =	ssyncset.done $0x0  }
0x84: {  	s1 =	sadd.s32 s6, s1;
	[sflag:s17] =	ssyncadd.s32 $0xFFFFC180  }
0x85: {  	[tilespmem:s20], [sflag:$0x3] =	stream.linear.gather [hbm4b:s1+s3], $0x80, $0x38;
	[tilespmem:$0x1E900] =	vst v63  }
0x86: {  	_ =	swait.ge [sflag:s17], $0x80  }
0x87: {  	[sflag:s17] =	ssyncset.done $0x0  }
0x88: {  	[sflag:s17] =	ssyncadd.s32 $0xFFFFFF80  }
0x89: {  	[tilespmem:s22], [sflag:$0x1] =	stream.indirect.gather [hbm4b:s13+s21], $0x80, s20, s21, $0xb8;
	[tilespmem:$0x1E900] =	vst v63  }
0x8a: {  	_ =	swait.ge [sflag:s26], $0x3E80  }
0x8b: {  	[sflag:s26] =	ssyncset.done $0x0  }
0x8c: {  	s7 =	simm.s32 $0x14080;
	s16 =	simm.s32 $0x30;
	[sflag:s26] =	ssyncadd.s32 $0xFFFFC180  }
0x8d: {  	[spmem:s2] =	stream.indirect.scatter.add.f32 [tilespmem:s24], [sflag:$0x3], $0x80, s7, s21, $0xb8;
	[tilespmem:$0x1E900] =	vst v63  }
0x8e: {  	s0 =	sadd.s32 $0x510, s0;
	s1 =	sand.u32 $0x70, s16;
	_ =	swait.ge [sflag:s17], $0x3E80  }
0x8f: {  	s0 =	sand.u32 $0xFF80, s0;
	s1 =	sadd.s32 s5, s1;
	[sflag:s17] =	ssyncset.done $0x0  }
0x90: {  	s0 =	sadd.s32 s0, s1;
	[sflag:s17] =	ssyncadd.s32 $0xFFFFC180  }
0x91: {  	[tilespmem:s23], [sflag:$0x3] =	stream.linear.gather [hbm4b:s0+s3], $0x80, $0x38;
	[tilespmem:$0x1E900] =	vst v63  }
0x92: {  	_ =	swait.ge [sflag:s17], $0x80  }
0x93: {  	[sflag:s17] =	ssyncset.done $0x0  }
0x94: {  	s31 =	simm.s32 $0xFFFFFB40;
	s0 =	simm.s32 $0x14180;
	[sflag:s17] =	ssyncadd.s32 $0xFFFFFF80  }
.LBB2_4:
0x95: {  	[tilespmem:s24], [sflag:$0x2] =	stream.indirect.gather [hbm4b:s13+s21], $0x80, s23, s21, $0xb8;
	[tilespmem:$0x1E900] =	vst v63  }
0x96: {  	s1 =	smov.u32 s31  }
0x97: {  	p0 =	sne.s32 s31, $0xFFFFFFE0;
	s31 =	sadd.s32 $0x20, s31;
	_ =	swait.ge [sflag:s25], $0x3E80  }
0x98: {  	s6 =	sadd.s32 s1, s4;
	s7 =	sadd.s32 $0x500, s1;
	[sflag:s25] =	ssyncset.done $0x0  }
0x99: {  	s16 =	sadd.s32 $0xFFFFFF80, s0;
	s7 =	sand.u32 $0x60, s7;
	[sflag:s25] =	ssyncadd.s32 $0xFFFFC180  }
0x9a: {  	[spmem:s2] =	stream.indirect.scatter.add.f32 [tilespmem:s22], [sflag:$0x3], $0x80, s16, s21, $0xb8;
	[tilespmem:$0x1E900] =	vst v63  }
0x9b: {  	s16 =	sadd.s32 $0x500, s6;
	s6 =	sadd.s32 $0x510, s6;
	_ =	swait.ge [sflag:s17], $0x3E80  }
0x9c: {  	s7 =	sadd.s32 s5, s7;
	s16 =	sand.u32 $0xFF80, s16;
	[sflag:s17] =	ssyncset.done $0x0  }
0x9d: {  	s6 =	sand.u32 $0xFF80, s6;
	s7 =	sadd.s32 s16, s7;
	[sflag:s17] =	ssyncadd.s32 $0xFFFFC180  }
0x9e: {  	[tilespmem:s20], [sflag:$0x3] =	stream.linear.gather [hbm4b:s7+s3], $0x80, $0x38;
	[tilespmem:$0x1E900] =	vst v63  }
0x9f: {  	_ =	swait.ge [sflag:s17], $0x80  }
0xa0: {  	[sflag:s17] =	ssyncset.done $0x0  }
0xa1: {  	[sflag:s17] =	ssyncadd.s32 $0xFFFFFF80  }
0xa2: {  	[tilespmem:s22], [sflag:$0x1] =	stream.indirect.gather [hbm4b:s13+s21], $0x80, s20, s21, $0xb8;
	[tilespmem:$0x1E900] =	vst v63  }
0xa3: {  	_ =	swait.ge [sflag:s26], $0x3E80  }
0xa4: {  	[sflag:s26] =	ssyncset.done $0x0  }
0xa5: {  	s1 =	sadd.s32 $0x510, s1;
	[sflag:s26] =	ssyncadd.s32 $0xFFFFC180  }
0xa6: {  	[spmem:s2] =	stream.indirect.scatter.add.f32 [tilespmem:s24], [sflag:$0x3], $0x80, s0, s21, $0xb8;
	[tilespmem:$0x1E900] =	vst v63  }
0xa7: {  	s1 =	sand.u32 $0x70, s1;
	_ =	swait.ge [sflag:s17], $0x3E80  }
0xa8: {  	s1 =	sadd.s32 s5, s1;
	[sflag:s17] =	ssyncset.done $0x0  }
.Ltmp1:
0xa9: {  	s1 =	sadd.s32 s6, s1;
	[sflag:s17] =	ssyncadd.s32 $0xFFFFC180;
	(pc) =	sbr.rel @p0 .LBB2_4-.Ltmp1, $4  }
0xaa: {  	[tilespmem:s23], [sflag:$0x3] =	stream.linear.gather [hbm4b:s1+s3], $0x80, $0x38;
	[tilespmem:$0x1E900] =	vst v63  }
0xab: {  	_ =	swait.ge [sflag:s17], $0x80  }
0xac: {  	[sflag:s17] =	ssyncset.done $0x0  }
0xad: {  	s0 =	sadd.s32 $0x100, s0;
	[sflag:s17] =	ssyncadd.s32 $0xFFFFFF80  }
0xae: {  	[tilespmem:s24], [sflag:$0x2] =	stream.indirect.gather [hbm4b:s13+s21], $0x80, s23, s21, $0xb8;
	[tilespmem:$0x1E900] =	vst v63  }
0xaf: {  	_ =	swait.ge [sflag:s25], $0x3E80  }
0xb0: {  	[sflag:s25] =	ssyncset.done $0x0  }
0xb1: {  	[sflag:s25] =	ssyncadd.s32 $0xFFFFC180  }
0xb2: {  	[spmem:s2] =	stream.indirect.scatter.add.f32 [tilespmem:s22], [sflag:$0x3], $0x80, s28, s21, $0xb8;
	[tilespmem:$0x1E900] =	vst v63  }
0xb3: {  	_ =	swait.ge [sflag:s17], $0x3E80  }
0xb4: {  	[sflag:s17] =	ssyncset.done $0x0  }
0xb5: {  	[sflag:s17] =	ssyncadd.s32 $0xFFFFC180  }
0xb6: {  	_ =	swait.ge [sflag:s26], $0x3E80  }
0xb7: {  	[sflag:s26] =	ssyncset.done $0x0  }
0xb8: {  	[sflag:s26] =	ssyncadd.s32 $0xFFFFC180  }
0xb9: {  	[spmem:s2] =	stream.indirect.scatter.add.f32 [tilespmem:s24], [sflag:$0x3], $0x80, s29, s21, $0xb8;
	[tilespmem:$0x1E900] =	vst v63  }
0xba: {  	_ =	swait.ge [sflag:s17], $0x3E80  }
0xbb: {  	s30 =	sadd.s32 $0x1, s30;
	[sflag:s17] =	ssyncset.done $0x0  }
0xbc: {  	p0 =	sne.s32 s30, s15;
	[sflag:s17] =	ssyncadd.s32 $0xFFFFC180  }
.Ltmp2:
0xbd: {  	[bflag:$0x0] =	sbarrier.arrive $0xFFFF;
	(pc) =	sbr.rel @p0 .LBB2_1-.Ltmp2, $4  }
0xbe: {  	[hbm:s14], [sflag:s18] =	dma.local [spmem:s19], $0x2800  }
0xbf: {  	_ =	swait.ge [sflag:s17], $0x2800  }
0xc0: {  	[sflag:s17] =	ssyncset.done $0x0  }
0xc1: {  	[sflag:s17] =	ssyncadd.s32 $0xFFFFD800  }
0xc2: {  	_ =	sfence.sel $0x180000  }
0xc3: {  	[bflag:$0x0] =	sbarrier.arrive $0xFFFF  }
0xc4: {  	_ =	strace $0x90000050  }
0xc5: {  	s0 =	stileid.u32;
	[bflag:$0x2] =	sbarrier.arrive $0xFFFF  }
0xc6: {  	p0 =	sne.s32 s0, $0x0;
	s0 =	rddreg [dreg:$0x2]  }
0xc7: {  	s0 =	sadd.s32 @!p0 $0x100000, s0  }
0xc8: {  	[sflag:s0] =	ssyncadd.tile.s32 @!p0 $0x1;
	_ =	shalt  }
.Lfunc_end2:
_tile_overlayer_lowered:
.L_overlay_start_2:
0xc9: {  	(tag) =	ssettag $0x2  }
0xca: {  	s0 =	rddreg [dreg:$0x0];
	s2 =	stileid.u32  }
0xcb: {  	s1 =	rddreg [dreg:$0x1];
	p0 =	sne.s32 s2, $0x0  }
0xcc: {  	s3 =	rddreg [dreg:$0x2];
	[bflag:$0x3] =	sbarrier.arrive $0xFFFF;
	s2 =	simm.s32 @!p0 $0x1C03  }
0xcd: {  	[timem:s3], [sflag:s2] =	dma.local @!p0 [hbm:s0], s1  }
0xce: {  	s0 =	simm.s32 @!p0 $0x3  }
0xcf: {  	_ =	swait.ge @!p0 [sflag:s0], s1  }
0xd0: {  	s1 =	ssub.s32 @!p0 $0x0, s1;
	[sflag:s0] =	ssyncset.done @!p0 $0x0  }
0xd1: {  	[sflag:s0] =	ssyncadd.s32 @!p0 s1  }
0xd2: {  	[bflag:$0x3] =	sbarrier.arrive $0xFFFF  }
0xd3: {  	_ =	shalt  }

// kernel: kernel.20.cloned.1.call-start
scs
__scs_entry_jumppad:
0x0: {  	(pc) =	sbr.rel $0x88, $3  }
0x1: {  	(tag) =	ssettag $0x0;
	lr =	simm.s32 $0x1  }
0x2: {  	[smem:$0x3F77] =	sst lr;
	_ =	strace $0xD0000000  }
0x3: {  	_ = 	snop  }
0x4: {  	_ = 	snop  }
0x5: {  	_ = 	snop  }
0x6: {  	_ = 	snop  }
0x7: {  	_ = 	snop  }
__scs_overlays_trampoline_lowered:
0x8: {  	[smem:$0x3F86] =	sst s0  }
0x9: {  	[smem:$0x3F87] =	sst s1  }
0xa: {  	[smem:$0x3F88] =	sst s2  }
0xb: {  	[smem:$0x3F89] =	sst s3  }
0xc: {  	[smem:$0x3F8A] =	sst s4  }
0xd: {  	[smem:$0x3F8B] =	sst s5  }
0xe: {  	[smem:$0x3F8C] =	sst s6  }
0xf: {  	[smem:$0x3F8D] =	sst s7  }
0x10: {  	[smem:$0x3F8E] =	sst s8  }
0x11: {  	[smem:$0x3F8F] =	sst s9;
	s0 =	simm.s32 @!p0 $0x0  }
0x12: {  	s1 =	sld [smem:$0x3F75];
	s0 =	simm.s32 @p0 $0x1  }
0x13: {  	[smem:$0x3F90] =	sst s0;
	s0 =	simm.s32 @!p1 $0x0  }
0x14: {  	s2 =	sld [smem:$0x3F74];
	s0 =	simm.s32 @p1 $0x1  }
0x15: {  	[smem:$0x3F91] =	sst s0;
	s0 =	simm.s32 @!p2 $0x0  }
0x16: {  	s3 =	sld [smem:$0x3FDB];
	s0 =	simm.s32 @p2 $0x1  }
0x17: {  	s4 =	simm.s32 $0x1BF5;
	[smem:$0x3F93] =	sst s0  }
0x18: {  	s0 =	sld [smem:$0x3F76];
	_ =	swait.ge [sflag:s4], $0x0  }
0x19: {  	s7 =	sld [smem:$0x3F77]  }
0x1a: {  	s8 =	sadd.s32 $0xFFFFE003, lr  }
0x1b: {  	s9 =	sadd.s32 $0xFFFFFEF7, lr;
	s5 =	simm.s32 $0xFFFFFFFF;
	p2 =	slt.u32 s8, $0xFFFFF086  }
0x1c: {  	p1 =	slt.u32 s9, $0xF7A;
	s5 =	simm.s32 @!p2 $0x0  }
0x1d: {  	s5 =	simm.s32 @p1 $0x1;
	p0 =	seq.s32 s7, s2  }
0x1e: {  	s7 =	smul.u32 @!p0 $0xF7A, s2;
	p2 =	seq.s32 @!p0 s5, $0x0  }
0x1f: {  	s9 =	smul.u32 $0xF7A, s1;
	s8 =	simm.s32 @!p0 $0x1BF5;
	p2 =	por !p2, p0  }
0x20: {  	[sflag:s8] =	ssyncset.s32 @!p0 $0xFFFFF086;
	s6 =	sadd.s32 @!p0 s3, s7;
	s7 =	simm.s32 @!p0 $0x108  }
0x21: {  	s3 =	sadd.s32 s3, s9;
	s6 =	sadd.s32 @!p0 $0x88, s6;
	s7 =	simm.s32 @p2 $0x1082  }
0x22: {  	[simem:s7], [sflag:s8] =	dma.local @!p0 [hbm:s6], $0xF7A  }
0x23: {  	s9 =	sor.u32 $0xD0000000, s2;
	s6 =	simm.s32 $0x108;
	_ =	swait.ge @!p0 [sflag:s8], $0x0  }
0x24: {  	s3 =	sadd.s32 $0x88, s3;
	s6 =	simm.s32 @!p1 $0x1082;
	[sflag:s4] =	ssyncset.s32 $0xFFFFF086  }
0x25: {  	[simem:s6], [sflag:s4] =	dma.local [hbm:s3], $0xF7A  }
0x26: {  	[smem:$0x3F77] =	sst s1;
	(tag) =	ssettag s2;
	_ =	strace s9  }
0x27: {  	s1 =	sld [smem:$0x3F87]  }
0x28: {  	s2 =	sld [smem:$0x3F88]  }
0x29: {  	s4 =	sld [smem:$0x3F8A]  }
0x2a: {  	p0 =	seq.s32 s5, $0x0;
	s5 =	sld [smem:$0x3F8B]  }
0x2b: {  	s6 =	sld [smem:$0x3F8C]  }
0x2c: {  	s7 =	sld [smem:$0x3F8D]  }
0x2d: {  	s3 =	simm.s32 $0x108;
	s8 =	sld [smem:$0x3F8E]  }
0x2e: {  	s3 =	simm.s32 @!p0 $0x1082;
	s9 =	sld [smem:$0x3F8F]  }
0x2f: {  	lr =	sadd.s32 s0, s3;
	s0 =	sld [smem:$0x3F86]  }
0x30: {  	s3 =	sld [smem:$0x3F89]  }
0x31: {  	[smem:$0x3F92] =	sst s10  }
0x32: {  	s10 =	sld [smem:$0x3F90];
	_ =	sdelay $0x3  }
0x33: {  	p0 =	seq.s32 s10, $0x1;
	s10 =	sld [smem:$0x3F92];
	_ =	sdelay $0x3  }
0x34: {  	[smem:$0x3F92] =	sst s10  }
0x35: {  	s10 =	sld [smem:$0x3F91];
	_ =	sdelay $0x3  }
0x36: {  	p1 =	seq.s32 s10, $0x1;
	s10 =	sld [smem:$0x3F92];
	_ =	sdelay $0x3  }
0x37: {  	[smem:$0x3F92] =	sst s10  }
0x38: {  	s10 =	sld [smem:$0x3F93]  }
0x39: {  	_ = 	snop;
	(pc) =	sbr.ind lr, $3  }
0x3a: {  	_ = 	snop  }
0x3b: {  	_ = 	snop  }
0x3c: {  	p2 =	seq.s32 s10, $0x1;
	s10 =	sld [smem:$0x3F92]  }
0x3d: {  	_ =	shalt  }
0x3e: {  	_ =	shalt  }
0x3f: {  	_ =	shalt  }
0x40: {  	_ =	shalt  }
0x41: {  	_ =	shalt  }
0x42: {  	_ =	shalt  }
0x43: {  	_ =	shalt  }
0x44: {  	_ =	shalt  }
0x45: {  	_ =	shalt  }
0x46: {  	_ =	shalt  }
0x47: {  	_ =	shalt  }
0x48: {  	_ =	shalt  }
0x49: {  	_ =	shalt  }
0x4a: {  	_ =	shalt  }
0x4b: {  	_ =	shalt  }
0x4c: {  	_ =	shalt  }
0x4d: {  	_ =	shalt  }
0x4e: {  	_ =	shalt  }
0x4f: {  	_ =	shalt  }
0x50: {  	_ =	shalt  }
0x51: {  	_ =	shalt  }
0x52: {  	_ =	shalt  }
0x53: {  	_ =	shalt  }
0x54: {  	_ =	shalt  }
0x55: {  	_ =	shalt  }
0x56: {  	_ =	shalt  }
0x57: {  	_ =	shalt  }
0x58: {  	_ =	shalt  }
0x59: {  	_ =	shalt  }
0x5a: {  	_ =	shalt  }
0x5b: {  	_ =	shalt  }
0x5c: {  	_ =	shalt  }
0x5d: {  	_ =	shalt  }
0x5e: {  	_ =	shalt  }
0x5f: {  	_ =	shalt  }
0x60: {  	_ =	shalt  }
0x61: {  	_ =	shalt  }
0x62: {  	_ =	shalt  }
0x63: {  	_ =	shalt  }
0x64: {  	_ =	shalt  }
0x65: {  	_ =	shalt  }
0x66: {  	_ =	shalt  }
0x67: {  	_ =	shalt  }
0x68: {  	_ =	shalt  }
0x69: {  	_ =	shalt  }
0x6a: {  	_ =	shalt  }
0x6b: {  	_ =	shalt  }
0x6c: {  	_ =	shalt  }
0x6d: {  	_ =	shalt  }
0x6e: {  	_ =	shalt  }
0x6f: {  	_ =	shalt  }
0x70: {  	_ =	shalt  }
0x71: {  	_ =	shalt  }
0x72: {  	_ =	shalt  }
0x73: {  	_ =	shalt  }
0x74: {  	_ =	shalt  }
0x75: {  	_ =	shalt  }
0x76: {  	_ =	shalt  }
0x77: {  	_ =	shalt  }
0x78: {  	_ =	shalt  }
0x79: {  	_ =	shalt  }
0x7a: {  	_ =	shalt  }
0x7b: {  	_ =	shalt  }
0x7c: {  	_ =	shalt  }
0x7d: {  	_ =	shalt  }
0x7e: {  	_ =	shalt  }
0x7f: {  	_ =	shalt  }
0x80: {  	_ =	shalt  }
0x81: {  	_ =	shalt  }
0x82: {  	_ =	shalt  }
0x83: {  	_ =	shalt  }
0x84: {  	_ =	shalt  }
0x85: {  	_ =	shalt  }
0x86: {  	_ =	shalt  }
0x87: {  	_ =	shalt  }
.Lfunc_end0:
.L_simem_size_0:
called_computation.4_lowered:
.L_overlay_start_0:
0x88: {  	s2 =	sld [smem:$0x3FD9]  }
0x89: {  	s3 =	sld [smem:$0x3FFE];
	_ =	sdelay $0x1  }
0x8a: {  	s1 =	srdreg.scid  }
0x8b: {  	s0 =	sand.u32 $0x1, s1  }
0x8c: {  	s16 =	sshll.u32 s0, $0xA;
	s2 =	sadd.s32 s3, s2  }
0x8d: {  	s2 =	sadd.s32 s2, s16  }
0x8e: {  	[smem:$0x3F9E] =	sst s2  }
0x8f: {  	_ = 	snop  }
0x90: {  	(tm) =	ssettm $0x1  }
0x91: {  	s17 =	sld [smem:$0x3FFB];
	_ =	sdelay $0x3  }
0x92: {  	_ =	strace s17  }
0x93: {  	s2 =	sld [smem:$0x3FFC];
	_ =	sdelay $0x3  }
0x94: {  	_ =	strace s2  }
0x95: {  	s2 =	sld [smem:$0x3FFD];
	_ =	sdelay $0x3  }
0x96: {  	_ =	strace s2  }
0x97: {  	_ =	strace $0x8FFFFFFF  }
0x98: {  	s18 =	sld [smem:$0x3FDB];
	_ =	sdelay $0x1  }
0x99: {  	s19 =	simm.s32 $_scs_section_size  }
0x9a: {  	s4 =	simm.s32 $_size__tile_overlayer_lowered;
	s5 =	simm.s32 $_tile_overlayer_lowered  }
0x9b: {  	s22 =	simm.s32 $0x1BFF;
	s21 =	sshll.u32 s5, $0x1;
	s2 =	sadd.s32 s19, s18  }
0x9c: {  	s6 =	simm.s32 $0x0;
	s20 =	sshll.u32 s4, $0x1;
	s4 =	sadd.s32 s21, s2  }
0x9d: {  	[timem:s6], [sflag:s22] =	dma.local [hbm:s4], s20  }
0x9e: {  	_ =	swait.ge [sflag:s22], s20  }
0x9f: {  	s3 =	ssub.s32 $0x0, s20;
	[sflag:s22] =	ssyncset.done $0x0  }
0xa0: {  	[sflag:s22] =	ssyncadd.s32 s3;
	_ =	sdelay $0x1  }
0xa1: {  	s23 =	simm.s32 $0x1B8B  }
0xa2: {  	_ =	swait.ge [sflag:s23], $0x1  }
0xa3: {  	[sflag:s23] =	ssyncset.done $0x0  }
0xa4: {  	s25 =	simm.s32 $0x1B8E;
	s24 =	sld [smem:$0x3FFE];
	[sflag:s23] =	ssyncadd.s32 $0xFFFFFFFF  }
0xa5: {  	s26 =	simm.s32 $execute0_lowered;
	[smem:$0x3FD2] =	sst s25  }
0xa6: {  	s4 =	sshll.u32 s26, $0x1;
	_ =	strace $0x80000052;
	[dreg:$0x1] =	wrdreg $0xFFFFFFFF  }
0xa7: {  	s28 =	simm.s32 $_size_execute0_lowered;
	s2 =	sadd.s32 s2, s4;
	[dreg:$0x0] =	wrdreg $0x0  }
0xa8: {  	s4 =	sshll.u32 s28, $0x1;
	[dreg:$0x2] =	wrdreg s2  }
0xa9: {  	[dreg:$0x3] =	wrdreg s4  }
0xaa: {  	[dreg:$0x4] =	wrdreg $0xC0  }
0xab: {  	_ =	task [dreg:s6], $0x5FFFF  }
0xac: {  	[dreg:$0x1] =	wrdreg $0xFFFFFFFF  }
0xad: {  	[dreg:$0x0] =	wrdreg $0x60  }
0xae: {  	[dreg:$0x2] =	wrdreg s24  }
0xaf: {  	[dreg:$0x3] =	wrdreg $0x0  }
0xb0: {  	[dreg:$0x4] =	wrdreg $0x9  }
0xb1: {  	_ =	task.clear_ibuf [dreg:s6], $0x5FFFF;
	_ =	strace $0x90000052  }
0xb2: {  	s29 =	simm.s32 $0x9;
	_ =	strace $0x80000054  }
0xb3: {  	_ =	swait.ge [sflag:s29], $0x1  }
0xb4: {  	[sflag:s29] =	ssyncadd.s32 $0xFFFFFFFF  }
0xb5: {  	_ =	strace $0x90000054  }
0xb6: {  	_ =	sfence  }
0xb7: {  	s30 =	sld [smem:$0x0];
	_ =	sdelay $0x2  }
0xb8: {  	s31 =	sshll.u32 s1, $0xD;
	s1 =	sshrl.u32 s1, $0x2  }
0xb9: {  	s3 =	sand.u32 $0x4000, s31;
	s1 =	sadd.s32 s1, s30  }
0xba: {  	s0 =	sor.u32 s3, s0;
	s1 =	sshll.u32 s1, $0x11  }
0xbb: {  	s0 =	sor.u32 s1, s0  }
0xbc: {  	s0 =	sadd.s32 $0x8F2B, s0  }
0xbd: {  	[sflag:s0] =	ssyncadd.remote.s32 $0x1  }
0xbe: {  	_ =	sfence.sel $0xFFFF  }
0xbf: {  	[dreg:$0x0] =	wrdreg $0xFFFFFFFF;
	(pc) =	sbr.abs _section_cstart, $3  }
0xc0: {  	[dreg:$0x1] =	wrdreg $0xFFFFFFFF  }
0xc1: {  	_ =	task.clear_ibuf [dreg:s6], $0x2FFFF;
	_ =	strace $0x9FFFFFFF  }
0xc2: {  	(tm) =	ssettm $0x7FFFFFFF  }
0xc3: {  	_ =	shalt  }
tec
execute0_lowered:
.L_overlay_start_1:
0x0: {  	(tag) =	ssettag $0x1  }
0x1: {  	s0 =	rddreg [dreg:$0x0]  }
0x2: {  	s2 =	rddreg [dreg:$0x1];
	s3 =	simm.s32 $0x0  }
0x3: {  	s1 =	stileid.u32;
	s5 =	srdreg.scid;
	s17 =	simm.s32 $0x3  }
0x4: {  	s20 =	simm.s32 $0x16800;
	s21 =	simm.s32 $0x7D;
	s28 =	simm.s32 $0x16700  }
0x5: {  	s29 =	simm.s32 $0x16780;
	s30 =	simm.s32 $0x0;
	s4 =	smul.u32 $0x500, s1  }
0x6: {  	[smem:$0x7FF] =	sst s3;
	s6 =	sand.u32 $0x1, s5;
	s10 =	smul.u32 $0x14000, s1  }
0x7: {  	s13 =	sadd.s32 $0xA000, s0;
	s5 =	sadd.s32 $0x9DD000, s0;
	s11 =	smul.u32 $0x50000, s1  }
0x8: {  	s31 =	sshll.u32 s1, $0x6;
	_ =	strace $0x80000053;
	s9 =	smul.u32 $0x280000, s6  }
0x9: {  	s6 =	ssub.s32 $0x2, s6;
	s18 =	sor.u32 $0x1C03, s31;
	s7 =	sadd.s32 s4, s0  }
0xa: {  	s8 =	sshrl.u32 s6, $0x1;
	s0 =	sadd.s32 $0xAA000, s0;
	s24 =	sshrl.u32 s11, $0x2  }
0xb: {  	s15 =	ssub.s32 s6, s8;
	s22 =	sadd.s32 s10, s9;
	s23 =	sadd.s32 $0x5000, s7  }
0xc: {  	s19 =	sadd.s32 s24, s2;
	s14 =	sadd.s32 $0x140000, s9;
	s8 =	sadd.s32 s5, s4  }
0xd: {  	s9 =	sshrl.u32 s9, $0x3;
	s24 =	simm.s32 $0x1A900;
	[dreg:$0x3] =	wrdreg s23  }
0xe: {  	s25 =	sshrl.u32 s22, $0x3;
	s12 =	sadd.s32 s10, s14;
	s9 =	sadd.s32 s13, s9  }
0xf: {  	s10 =	sadd.s32 $0x10, s8;
	s14 =	sshrl.u32 s14, $0x3;
	s15 =	smax.u32 s15, $0x1  }
0x10: {  	s19 =	sshrl.u32 s19, $0x3;
	s22 =	simm.s32 $0x16880;
	s23 =	simm.s32 $0x1A880  }
0x11: {  	s26 =	sadd.s32 s13, s25;
	s16 =	sshrl.u32 s12, $0x3;
	s11 =	sadd.s32 s0, s25  }
0x12: {  	s25 =	simm.s32 $0x1;
	[dreg:$0x4] =	wrdreg s26;
	s12 =	sadd.s32 s13, s16  }
0x13: {  	s13 =	sadd.s32 s13, s14;
	s14 =	sadd.s32 s0, s16;
	s26 =	simm.s32 $0x2  }
.LBB2_1:
0x14: {  	s0 =	rddreg [dreg:$0x3];
	s1 =	simm.s32 $0x14000  }
0x15: {  	[tilespmem:s1], [sflag:$0x3] =	stream.linear.gather [hbm4b:s0+s3], $0x2800, $0x38;
	[tilespmem:$0x1E900] =	vst v63  }
0x16: {  	_ =	swait.ge [sflag:s17], $0x2800  }
0x17: {  	[sflag:s17] =	ssyncset.done $0x0  }
0x18: {  	s7 =	rddreg [dreg:$0x4];
	[sflag:s17] =	ssyncadd.s32 $0xFFFFD800  }
0x19: {  	[spmem:s19], [sflag:s18] =	dma.local [hbm:s7], $0x2800  }
0x1a: {  	_ =	swait.ge [sflag:s17], $0x2800  }
0x1b: {  	[sflag:s17] =	ssyncset.done $0x0  }
0x1c: {  	[sflag:s17] =	ssyncadd.s32 $0xFFFFD800  }
0x1d: {  	[bflag:$0x0] =	sbarrier.arrive $0xFFFF  }
0x1e: {  	[tilespmem:s20], [sflag:$0x3] =	stream.linear.gather [hbm4b:s8+s3], $0x80, $0x38;
	[tilespmem:$0x1E900] =	vst v63  }
0x1f: {  	_ =	swait.ge [sflag:s17], $0x80  }
0x20: {  	[sflag:s17] =	ssyncset.done $0x0  }
0x21: {  	[sflag:s17] =	ssyncadd.s32 $0xFFFFFF80  }
0x22: {  	[tilespmem:s22], [sflag:$0x1] =	stream.indirect.gather [hbm4b:s9+s21], $0x80, s20, s21, $0xb8;
	[tilespmem:$0x1E900] =	vst v63  }
0x23: {  	_ = 	snop  }
0x24: {  	[tilespmem:s23], [sflag:$0x3] =	stream.linear.gather [hbm4b:s10+s3], $0x80, $0x38;
	[tilespmem:$0x1E900] =	vst v63  }
0x25: {  	_ =	swait.ge [sflag:s17], $0x80  }
0x26: {  	[sflag:s17] =	ssyncset.done $0x0  }
0x27: {  	[sflag:s17] =	ssyncadd.s32 $0xFFFFFF80  }
0x28: {  	[tilespmem:s24], [sflag:$0x2] =	stream.indirect.gather [hbm4b:s9+s21], $0x80, s23, s21, $0xb8;
	[tilespmem:$0x1E900] =	vst v63  }
0x29: {  	_ =	swait.ge [sflag:s25], $0x3E80  }
0x2a: {  	s31 =	simm.s32 $0x20;
	[sflag:s25] =	ssyncset.done $0x0  }
0x2b: {  	s16 =	simm.s32 $0x14000;
	s0 =	sadd.s32 $0xFFFFFB20, s4;
	[sflag:s25] =	ssyncadd.s32 $0xFFFFC180  }
0x2c: {  	[spmem:s2] =	stream.indirect.scatter.add.f32 [tilespmem:s22], [sflag:$0x3], $0x80, s16, s21, $0xb8;
	[tilespmem:$0x1E900] =	vst v63  }
0x2d: {  	s6 =	sand.u32 $0x60, s31;
	s31 =	sadd.s32 $0x500, s0;
	_ =	swait.ge [sflag:s17], $0x3E80  }
0x2e: {  	s1 =	sadd.s32 s5, s6;
	s31 =	sand.u32 $0xFF80, s31;
	[sflag:s17] =	ssyncset.done $0x0  }
0x2f: {  	s1 =	sadd.s32 s31, s1;
	[sflag:s17] =	ssyncadd.s32 $0xFFFFC180  }
0x30: {  	[tilespmem:s20], [sflag:$0x3] =	stream.linear.gather [hbm4b:s1+s3], $0x80, $0x38;
	[tilespmem:$0x1E900] =	vst v63  }
0x31: {  	_ =	swait.ge [sflag:s17], $0x80  }
0x32: {  	[sflag:s17] =	ssyncset.done $0x0  }
0x33: {  	[sflag:s17] =	ssyncadd.s32 $0xFFFFFF80  }
0x34: {  	[tilespmem:s22], [sflag:$0x1] =	stream.indirect.gather [hbm4b:s9+s21], $0x80, s20, s21, $0xb8;
	[tilespmem:$0x1E900] =	vst v63  }
0x35: {  	_ =	swait.ge [sflag:s26], $0x3E80  }
0x36: {  	[sflag:s26] =	ssyncset.done $0x0  }
0x37: {  	s31 =	simm.s32 $0x30;
	s7 =	simm.s32 $0x14080;
	[sflag:s26] =	ssyncadd.s32 $0xFFFFC180  }
0x38: {  	[spmem:s2] =	stream.indirect.scatter.add.f32 [tilespmem:s24], [sflag:$0x3], $0x80, s7, s21, $0xb8;
	[tilespmem:$0x1E900] =	vst v63  }
0x39: {  	s0 =	sadd.s32 $0x510, s0;
	s16 =	sand.u32 $0x70, s31;
	_ =	swait.ge [sflag:s17], $0x3E80  }
0x3a: {  	s0 =	sand.u32 $0xFF80, s0;
	s1 =	sadd.s32 s5, s16;
	[sflag:s17] =	ssyncset.done $0x0  }
0x3b: {  	s0 =	sadd.s32 s0, s1;
	[sflag:s17] =	ssyncadd.s32 $0xFFFFC180  }
0x3c: {  	[tilespmem:s23], [sflag:$0x3] =	stream.linear.gather [hbm4b:s0+s3], $0x80, $0x38;
	[tilespmem:$0x1E900] =	vst v63  }
0x3d: {  	_ =	swait.ge [sflag:s17], $0x80  }
0x3e: {  	[sflag:s17] =	ssyncset.done $0x0  }
0x3f: {  	s31 =	simm.s32 $0xFFFFFB40;
	s0 =	simm.s32 $0x14180;
	[sflag:s17] =	ssyncadd.s32 $0xFFFFFF80  }
.LBB2_2:
0x40: {  	[tilespmem:s24], [sflag:$0x2] =	stream.indirect.gather [hbm4b:s9+s21], $0x80, s23, s21, $0xb8;
	[tilespmem:$0x1E900] =	vst v63  }
0x41: {  	s1 =	smov.u32 s31  }
0x42: {  	p0 =	sne.s32 s31, $0xFFFFFFE0;
	s31 =	sadd.s32 $0x20, s31;
	_ =	swait.ge [sflag:s25], $0x3E80  }
0x43: {  	s16 =	sadd.s32 s1, s4;
	s6 =	sadd.s32 $0x500, s1;
	[sflag:s25] =	ssyncset.done $0x0  }
0x44: {  	s7 =	sadd.s32 $0xFFFFFF80, s0;
	s6 =	sand.u32 $0x60, s6;
	[sflag:s25] =	ssyncadd.s32 $0xFFFFC180  }
0x45: {  	[spmem:s2] =	stream.indirect.scatter.add.f32 [tilespmem:s22], [sflag:$0x3], $0x80, s7, s21, $0xb8;
	[tilespmem:$0x1E900] =	vst v63  }
0x46: {  	s7 =	sadd.s32 $0x500, s16;
	s16 =	sadd.s32 $0x510, s16;
	_ =	swait.ge [sflag:s17], $0x3E80  }
0x47: {  	s6 =	sadd.s32 s5, s6;
	s7 =	sand.u32 $0xFF80, s7;
	[sflag:s17] =	ssyncset.done $0x0  }
0x48: {  	s6 =	sadd.s32 s7, s6;
	s7 =	sand.u32 $0xFF80, s16;
	[sflag:s17] =	ssyncadd.s32 $0xFFFFC180  }
0x49: {  	[tilespmem:s20], [sflag:$0x3] =	stream.linear.gather [hbm4b:s6+s3], $0x80, $0x38;
	[tilespmem:$0x1E900] =	vst v63  }
0x4a: {  	_ =	swait.ge [sflag:s17], $0x80  }
0x4b: {  	[sflag:s17] =	ssyncset.done $0x0  }
0x4c: {  	[sflag:s17] =	ssyncadd.s32 $0xFFFFFF80  }
0x4d: {  	[tilespmem:s22], [sflag:$0x1] =	stream.indirect.gather [hbm4b:s9+s21], $0x80, s20, s21, $0xb8;
	[tilespmem:$0x1E900] =	vst v63  }
0x4e: {  	_ =	swait.ge [sflag:s26], $0x3E80  }
0x4f: {  	[sflag:s26] =	ssyncset.done $0x0  }
0x50: {  	s1 =	sadd.s32 $0x510, s1;
	[sflag:s26] =	ssyncadd.s32 $0xFFFFC180  }
0x51: {  	[spmem:s2] =	stream.indirect.scatter.add.f32 [tilespmem:s24], [sflag:$0x3], $0x80, s0, s21, $0xb8;
	[tilespmem:$0x1E900] =	vst v63  }
0x52: {  	s1 =	sand.u32 $0x70, s1;
	_ =	swait.ge [sflag:s17], $0x3E80  }
0x53: {  	s1 =	sadd.s32 s5, s1;
	[sflag:s17] =	ssyncset.done $0x0  }
.Ltmp0:
0x54: {  	s1 =	sadd.s32 s7, s1;
	[sflag:s17] =	ssyncadd.s32 $0xFFFFC180;
	(pc) =	sbr.rel @p0 .LBB2_2-.Ltmp0, $4  }
0x55: {  	[tilespmem:s23], [sflag:$0x3] =	stream.linear.gather [hbm4b:s1+s3], $0x80, $0x38;
	[tilespmem:$0x1E900] =	vst v63  }
0x56: {  	_ =	swait.ge [sflag:s17], $0x80  }
0x57: {  	[sflag:s17] =	ssyncset.done $0x0  }
0x58: {  	s0 =	sadd.s32 $0x100, s0;
	[sflag:s17] =	ssyncadd.s32 $0xFFFFFF80  }
0x59: {  	[tilespmem:s24], [sflag:$0x2] =	stream.indirect.gather [hbm4b:s9+s21], $0x80, s23, s21, $0xb8;
	[tilespmem:$0x1E900] =	vst v63  }
0x5a: {  	_ =	swait.ge [sflag:s25], $0x3E80  }
0x5b: {  	[sflag:s25] =	ssyncset.done $0x0  }
0x5c: {  	[sflag:s25] =	ssyncadd.s32 $0xFFFFC180  }
0x5d: {  	[spmem:s2] =	stream.indirect.scatter.add.f32 [tilespmem:s22], [sflag:$0x3], $0x80, s28, s21, $0xb8;
	[tilespmem:$0x1E900] =	vst v63  }
0x5e: {  	_ =	swait.ge [sflag:s17], $0x3E80  }
0x5f: {  	[sflag:s17] =	ssyncset.done $0x0  }
0x60: {  	[sflag:s17] =	ssyncadd.s32 $0xFFFFC180  }
0x61: {  	_ =	swait.ge [sflag:s26], $0x3E80  }
0x62: {  	[sflag:s26] =	ssyncset.done $0x0  }
0x63: {  	[sflag:s26] =	ssyncadd.s32 $0xFFFFC180  }
0x64: {  	[spmem:s2] =	stream.indirect.scatter.add.f32 [tilespmem:s24], [sflag:$0x3], $0x80, s29, s21, $0xb8;
	[tilespmem:$0x1E900] =	vst v63  }
0x65: {  	_ =	swait.ge [sflag:s17], $0x3E80  }
0x66: {  	[sflag:s17] =	ssyncset.done $0x0  }
0x67: {  	[sflag:s17] =	ssyncadd.s32 $0xFFFFC180  }
0x68: {  	[bflag:$0x0] =	sbarrier.arrive $0xFFFF  }
0x69: {  	[hbm:s11], [sflag:s18] =	dma.local [spmem:s19], $0x2800  }
0x6a: {  	_ =	swait.ge [sflag:s17], $0x2800  }
0x6b: {  	[sflag:s17] =	ssyncset.done $0x0  }
0x6c: {  	[sflag:s17] =	ssyncadd.s32 $0xFFFFD800  }
0x6d: {  	[bflag:$0x0] =	sbarrier.arrive $0xFFFF  }
0x6e: {  	[spmem:s19], [sflag:s18] =	dma.local [hbm:s12], $0x2800  }
0x6f: {  	_ =	swait.ge [sflag:s17], $0x2800  }
0x70: {  	[sflag:s17] =	ssyncset.done $0x0  }
0x71: {  	[sflag:s17] =	ssyncadd.s32 $0xFFFFD800  }
0x72: {  	[bflag:$0x0] =	sbarrier.arrive $0xFFFF  }
0x73: {  	[tilespmem:s20], [sflag:$0x3] =	stream.linear.gather [hbm4b:s8+s3], $0x80, $0x38;
	[tilespmem:$0x1E900] =	vst v63  }
0x74: {  	_ =	swait.ge [sflag:s17], $0x80  }
0x75: {  	[sflag:s17] =	ssyncset.done $0x0  }
0x76: {  	[sflag:s17] =	ssyncadd.s32 $0xFFFFFF80  }
0x77: {  	[tilespmem:s22], [sflag:$0x1] =	stream.indirect.gather [hbm4b:s13+s21], $0x80, s20, s21, $0xb8;
	[tilespmem:$0x1E900] =	vst v63  }
0x78: {  	_ = 	snop  }
0x79: {  	[tilespmem:s23], [sflag:$0x3] =	stream.linear.gather [hbm4b:s10+s3], $0x80, $0x38;
	[tilespmem:$0x1E900] =	vst v63  }
0x7a: {  	_ =	swait.ge [sflag:s17], $0x80  }
0x7b: {  	[sflag:s17] =	ssyncset.done $0x0  }
0x7c: {  	[sflag:s17] =	ssyncadd.s32 $0xFFFFFF80  }
0x7d: {  	[tilespmem:s24], [sflag:$0x2] =	stream.indirect.gather [hbm4b:s13+s21], $0x80, s23, s21, $0xb8;
	[tilespmem:$0x1E900] =	vst v63  }
0x7e: {  	_ =	swait.ge [sflag:s25], $0x3E80  }
0x7f: {  	s0 =	sadd.s32 $0xFFFFFB20, s4;
	[sflag:s25] =	ssyncset.done $0x0  }
0x80: {  	s1 =	simm.s32 $0x20;
	s6 =	simm.s32 $0x14000;
	[sflag:s25] =	ssyncadd.s32 $0xFFFFC180  }
0x81: {  	[spmem:s2] =	stream.indirect.scatter.add.f32 [tilespmem:s22], [sflag:$0x3], $0x80, s6, s21, $0xb8;
	[tilespmem:$0x1E900] =	vst v63  }
0x82: {  	s1 =	sand.u32 $0x60, s1;
	s16 =	sadd.s32 $0x500, s0;
	_ =	swait.ge [sflag:s17], $0x3E80  }
0x83: {  	s1 =	sadd.s32 s5, s1;
	s6 =	sand.u32 $0xFF80, s16;
	[sflag:s17] =	ssyncset.done $0x0  }
0x84: {  	s1 =	sadd.s32 s6, s1;
	[sflag:s17] =	ssyncadd.s32 $0xFFFFC180  }
0x85: {  	[tilespmem:s20], [sflag:$0x3] =	stream.linear.gather [hbm4b:s1+s3], $0x80, $0x38;
	[tilespmem:$0x1E900] =	vst v63  }
0x86: {  	_ =	swait.ge [sflag:s17], $0x80  }
0x87: {  	[sflag:s17] =	ssyncset.done $0x0  }
0x88: {  	[sflag:s17] =	ssyncadd.s32 $0xFFFFFF80  }
0x89: {  	[tilespmem:s22], [sflag:$0x1] =	stream.indirect.gather [hbm4b:s13+s21], $0x80, s20, s21, $0xb8;
	[tilespmem:$0x1E900] =	vst v63  }
0x8a: {  	_ =	swait.ge [sflag:s26], $0x3E80  }
0x8b: {  	[sflag:s26] =	ssyncset.done $0x0  }
0x8c: {  	s7 =	simm.s32 $0x14080;
	s16 =	simm.s32 $0x30;
	[sflag:s26] =	ssyncadd.s32 $0xFFFFC180  }
0x8d: {  	[spmem:s2] =	stream.indirect.scatter.add.f32 [tilespmem:s24], [sflag:$0x3], $0x80, s7, s21, $0xb8;
	[tilespmem:$0x1E900] =	vst v63  }
0x8e: {  	s0 =	sadd.s32 $0x510, s0;
	s1 =	sand.u32 $0x70, s16;
	_ =	swait.ge [sflag:s17], $0x3E80  }
0x8f: {  	s0 =	sand.u32 $0xFF80, s0;
	s1 =	sadd.s32 s5, s1;
	[sflag:s17] =	ssyncset.done $0x0  }
0x90: {  	s0 =	sadd.s32 s0, s1;
	[sflag:s17] =	ssyncadd.s32 $0xFFFFC180  }
0x91: {  	[tilespmem:s23], [sflag:$0x3] =	stream.linear.gather [hbm4b:s0+s3], $0x80, $0x38;
	[tilespmem:$0x1E900] =	vst v63  }
0x92: {  	_ =	swait.ge [sflag:s17], $0x80  }
0x93: {  	[sflag:s17] =	ssyncset.done $0x0  }
0x94: {  	s31 =	simm.s32 $0xFFFFFB40;
	s0 =	simm.s32 $0x14180;
	[sflag:s17] =	ssyncadd.s32 $0xFFFFFF80  }
.LBB2_4:
0x95: {  	[tilespmem:s24], [sflag:$0x2] =	stream.indirect.gather [hbm4b:s13+s21], $0x80, s23, s21, $0xb8;
	[tilespmem:$0x1E900] =	vst v63  }
0x96: {  	s1 =	smov.u32 s31  }
0x97: {  	p0 =	sne.s32 s31, $0xFFFFFFE0;
	s31 =	sadd.s32 $0x20, s31;
	_ =	swait.ge [sflag:s25], $0x3E80  }
0x98: {  	s6 =	sadd.s32 s1, s4;
	s7 =	sadd.s32 $0x500, s1;
	[sflag:s25] =	ssyncset.done $0x0  }
0x99: {  	s16 =	sadd.s32 $0xFFFFFF80, s0;
	s7 =	sand.u32 $0x60, s7;
	[sflag:s25] =	ssyncadd.s32 $0xFFFFC180  }
0x9a: {  	[spmem:s2] =	stream.indirect.scatter.add.f32 [tilespmem:s22], [sflag:$0x3], $0x80, s16, s21, $0xb8;
	[tilespmem:$0x1E900] =	vst v63  }
0x9b: {  	s16 =	sadd.s32 $0x500, s6;
	s6 =	sadd.s32 $0x510, s6;
	_ =	swait.ge [sflag:s17], $0x3E80  }
0x9c: {  	s7 =	sadd.s32 s5, s7;
	s16 =	sand.u32 $0xFF80, s16;
	[sflag:s17] =	ssyncset.done $0x0  }
0x9d: {  	s6 =	sand.u32 $0xFF80, s6;
	s7 =	sadd.s32 s16, s7;
	[sflag:s17] =	ssyncadd.s32 $0xFFFFC180  }
0x9e: {  	[tilespmem:s20], [sflag:$0x3] =	stream.linear.gather [hbm4b:s7+s3], $0x80, $0x38;
	[tilespmem:$0x1E900] =	vst v63  }
0x9f: {  	_ =	swait.ge [sflag:s17], $0x80  }
0xa0: {  	[sflag:s17] =	ssyncset.done $0x0  }
0xa1: {  	[sflag:s17] =	ssyncadd.s32 $0xFFFFFF80  }
0xa2: {  	[tilespmem:s22], [sflag:$0x1] =	stream.indirect.gather [hbm4b:s13+s21], $0x80, s20, s21, $0xb8;
	[tilespmem:$0x1E900] =	vst v63  }
0xa3: {  	_ =	swait.ge [sflag:s26], $0x3E80  }
0xa4: {  	[sflag:s26] =	ssyncset.done $0x0  }
0xa5: {  	s1 =	sadd.s32 $0x510, s1;
	[sflag:s26] =	ssyncadd.s32 $0xFFFFC180  }
0xa6: {  	[spmem:s2] =	stream.indirect.scatter.add.f32 [tilespmem:s24], [sflag:$0x3], $0x80, s0, s21, $0xb8;
	[tilespmem:$0x1E900] =	vst v63  }
0xa7: {  	s1 =	sand.u32 $0x70, s1;
	_ =	swait.ge [sflag:s17], $0x3E80  }
0xa8: {  	s1 =	sadd.s32 s5, s1;
	[sflag:s17] =	ssyncset.done $0x0  }
.Ltmp1:
0xa9: {  	s1 =	sadd.s32 s6, s1;
	[sflag:s17] =	ssyncadd.s32 $0xFFFFC180;
	(pc) =	sbr.rel @p0 .LBB2_4-.Ltmp1, $4  }
0xaa: {  	[tilespmem:s23], [sflag:$0x3] =	stream.linear.gather [hbm4b:s1+s3], $0x80, $0x38;
	[tilespmem:$0x1E900] =	vst v63  }
0xab: {  	_ =	swait.ge [sflag:s17], $0x80  }
0xac: {  	[sflag:s17] =	ssyncset.done $0x0  }
0xad: {  	s0 =	sadd.s32 $0x100, s0;
	[sflag:s17] =	ssyncadd.s32 $0xFFFFFF80  }
0xae: {  	[tilespmem:s24], [sflag:$0x2] =	stream.indirect.gather [hbm4b:s13+s21], $0x80, s23, s21, $0xb8;
	[tilespmem:$0x1E900] =	vst v63  }
0xaf: {  	_ =	swait.ge [sflag:s25], $0x3E80  }
0xb0: {  	[sflag:s25] =	ssyncset.done $0x0  }
0xb1: {  	[sflag:s25] =	ssyncadd.s32 $0xFFFFC180  }
0xb2: {  	[spmem:s2] =	stream.indirect.scatter.add.f32 [tilespmem:s22], [sflag:$0x3], $0x80, s28, s21, $0xb8;
	[tilespmem:$0x1E900] =	vst v63  }
0xb3: {  	_ =	swait.ge [sflag:s17], $0x3E80  }
0xb4: {  	[sflag:s17] =	ssyncset.done $0x0  }
0xb5: {  	[sflag:s17] =	ssyncadd.s32 $0xFFFFC180  }
0xb6: {  	_ =	swait.ge [sflag:s26], $0x3E80  }
0xb7: {  	[sflag:s26] =	ssyncset.done $0x0  }
0xb8: {  	[sflag:s26] =	ssyncadd.s32 $0xFFFFC180  }
0xb9: {  	[spmem:s2] =	stream.indirect.scatter.add.f32 [tilespmem:s24], [sflag:$0x3], $0x80, s29, s21, $0xb8;
	[tilespmem:$0x1E900] =	vst v63  }
0xba: {  	_ =	swait.ge [sflag:s17], $0x3E80  }
0xbb: {  	s30 =	sadd.s32 $0x1, s30;
	[sflag:s17] =	ssyncset.done $0x0  }
0xbc: {  	p0 =	sne.s32 s30, s15;
	[sflag:s17] =	ssyncadd.s32 $0xFFFFC180  }
.Ltmp2:
0xbd: {  	[bflag:$0x0] =	sbarrier.arrive $0xFFFF;
	(pc) =	sbr.rel @p0 .LBB2_1-.Ltmp2, $4  }
0xbe: {  	[hbm:s14], [sflag:s18] =	dma.local [spmem:s19], $0x2800  }
0xbf: {  	_ =	swait.ge [sflag:s17], $0x2800  }
0xc0: {  	[sflag:s17] =	ssyncset.done $0x0  }
0xc1: {  	[sflag:s17] =	ssyncadd.s32 $0xFFFFD800  }
0xc2: {  	_ =	sfence.sel $0x180000  }
0xc3: {  	[bflag:$0x0] =	sbarrier.arrive $0xFFFF  }
0xc4: {  	_ =	strace $0x90000053  }
0xc5: {  	s0 =	stileid.u32;
	[bflag:$0x2] =	sbarrier.arrive $0xFFFF  }
0xc6: {  	p0 =	sne.s32 s0, $0x0;
	s0 =	rddreg [dreg:$0x2]  }
0xc7: {  	s0 =	sadd.s32 @!p0 $0x100000, s0  }
0xc8: {  	[sflag:s0] =	ssyncadd.tile.s32 @!p0 $0x1;
	_ =	shalt  }
.Lfunc_end2:
_tile_overlayer_lowered:
.L_overlay_start_2:
0xc9: {  	(tag) =	ssettag $0x2  }
0xca: {  	s0 =	rddreg [dreg:$0x0];
	s2 =	stileid.u32  }
0xcb: {  	s1 =	rddreg [dreg:$0x1];
	p0 =	sne.s32 s2, $0x0  }
0xcc: {  	s3 =	rddreg [dreg:$0x2];
	[bflag:$0x3] =	sbarrier.arrive $0xFFFF;
	s2 =	simm.s32 @!p0 $0x1C03  }
0xcd: {  	[timem:s3], [sflag:s2] =	dma.local @!p0 [hbm:s0], s1  }
0xce: {  	s0 =	simm.s32 @!p0 $0x3  }
0xcf: {  	_ =	swait.ge @!p0 [sflag:s0], s1  }
0xd0: {  	s1 =	ssub.s32 @!p0 $0x0, s1;
	[sflag:s0] =	ssyncset.done @!p0 $0x0  }
0xd1: {  	[sflag:s0] =	ssyncadd.s32 @!p0 s1  }
0xd2: {  	[bflag:$0x3] =	sbarrier.arrive $0xFFFF  }
0xd3: {  	_ =	shalt  }

// kernel: scatter_offload_async_start.1
scs
__scs_entry_jumppad:
0x0: {  	(pc) =	sbr.rel $0x88, $3  }
0x1: {  	(tag) =	ssettag $0x0;
	lr =	simm.s32 $0x1  }
0x2: {  	[smem:$0x3F77] =	sst lr;
	_ =	strace $0xD0000000  }
0x3: {  	_ = 	snop  }
0x4: {  	_ = 	snop  }
0x5: {  	_ = 	snop  }
0x6: {  	_ = 	snop  }
0x7: {  	_ = 	snop  }
__scs_overlays_trampoline_lowered:
0x8: {  	[smem:$0x3F86] =	sst s0  }
0x9: {  	[smem:$0x3F87] =	sst s1  }
0xa: {  	[smem:$0x3F88] =	sst s2  }
0xb: {  	[smem:$0x3F89] =	sst s3  }
0xc: {  	[smem:$0x3F8A] =	sst s4  }
0xd: {  	[smem:$0x3F8B] =	sst s5  }
0xe: {  	[smem:$0x3F8C] =	sst s6  }
0xf: {  	[smem:$0x3F8D] =	sst s7  }
0x10: {  	[smem:$0x3F8E] =	sst s8  }
0x11: {  	[smem:$0x3F8F] =	sst s9;
	s0 =	simm.s32 @!p0 $0x0  }
0x12: {  	s1 =	sld [smem:$0x3F75];
	s0 =	simm.s32 @p0 $0x1  }
0x13: {  	[smem:$0x3F90] =	sst s0;
	s0 =	simm.s32 @!p1 $0x0  }
0x14: {  	s2 =	sld [smem:$0x3F74];
	s0 =	simm.s32 @p1 $0x1  }
0x15: {  	[smem:$0x3F91] =	sst s0;
	s0 =	simm.s32 @!p2 $0x0  }
0x16: {  	s3 =	sld [smem:$0x3FDB];
	s0 =	simm.s32 @p2 $0x1  }
0x17: {  	s4 =	simm.s32 $0x1BF5;
	[smem:$0x3F93] =	sst s0  }
0x18: {  	s0 =	sld [smem:$0x3F76];
	_ =	swait.ge [sflag:s4], $0x0  }
0x19: {  	s7 =	sld [smem:$0x3F77]  }
0x1a: {  	s8 =	sadd.s32 $0xFFFFE003, lr  }
0x1b: {  	s9 =	sadd.s32 $0xFFFFFEF7, lr;
	s5 =	simm.s32 $0xFFFFFFFF;
	p2 =	slt.u32 s8, $0xFFFFF086  }
0x1c: {  	p1 =	slt.u32 s9, $0xF7A;
	s5 =	simm.s32 @!p2 $0x0  }
0x1d: {  	s5 =	simm.s32 @p1 $0x1;
	p0 =	seq.s32 s7, s2  }
0x1e: {  	s7 =	smul.u32 @!p0 $0xF7A, s2;
	p2 =	seq.s32 @!p0 s5, $0x0  }
0x1f: {  	s9 =	smul.u32 $0xF7A, s1;
	s8 =	simm.s32 @!p0 $0x1BF5;
	p2 =	por !p2, p0  }
0x20: {  	[sflag:s8] =	ssyncset.s32 @!p0 $0xFFFFF086;
	s6 =	sadd.s32 @!p0 s3, s7;
	s7 =	simm.s32 @!p0 $0x108  }
0x21: {  	s3 =	sadd.s32 s3, s9;
	s6 =	sadd.s32 @!p0 $0x88, s6;
	s7 =	simm.s32 @p2 $0x1082  }
0x22: {  	[simem:s7], [sflag:s8] =	dma.local @!p0 [hbm:s6], $0xF7A  }
0x23: {  	s9 =	sor.u32 $0xD0000000, s2;
	s6 =	simm.s32 $0x108;
	_ =	swait.ge @!p0 [sflag:s8], $0x0  }
0x24: {  	s3 =	sadd.s32 $0x88, s3;
	s6 =	simm.s32 @!p1 $0x1082;
	[sflag:s4] =	ssyncset.s32 $0xFFFFF086  }
0x25: {  	[simem:s6], [sflag:s4] =	dma.local [hbm:s3], $0xF7A  }
0x26: {  	[smem:$0x3F77] =	sst s1;
	(tag) =	ssettag s2;
	_ =	strace s9  }
0x27: {  	s1 =	sld [smem:$0x3F87]  }
0x28: {  	s2 =	sld [smem:$0x3F88]  }
0x29: {  	s4 =	sld [smem:$0x3F8A]  }
0x2a: {  	p0 =	seq.s32 s5, $0x0;
	s5 =	sld [smem:$0x3F8B]  }
0x2b: {  	s6 =	sld [smem:$0x3F8C]  }
0x2c: {  	s7 =	sld [smem:$0x3F8D]  }
0x2d: {  	s3 =	simm.s32 $0x108;
	s8 =	sld [smem:$0x3F8E]  }
0x2e: {  	s3 =	simm.s32 @!p0 $0x1082;
	s9 =	sld [smem:$0x3F8F]  }
0x2f: {  	lr =	sadd.s32 s0, s3;
	s0 =	sld [smem:$0x3F86]  }
0x30: {  	s3 =	sld [smem:$0x3F89]  }
0x31: {  	[smem:$0x3F92] =	sst s10  }
0x32: {  	s10 =	sld [smem:$0x3F90];
	_ =	sdelay $0x3  }
0x33: {  	p0 =	seq.s32 s10, $0x1;
	s10 =	sld [smem:$0x3F92];
	_ =	sdelay $0x3  }
0x34: {  	[smem:$0x3F92] =	sst s10  }
0x35: {  	s10 =	sld [smem:$0x3F91];
	_ =	sdelay $0x3  }
0x36: {  	p1 =	seq.s32 s10, $0x1;
	s10 =	sld [smem:$0x3F92];
	_ =	sdelay $0x3  }
0x37: {  	[smem:$0x3F92] =	sst s10  }
0x38: {  	s10 =	sld [smem:$0x3F93]  }
0x39: {  	_ = 	snop;
	(pc) =	sbr.ind lr, $3  }
0x3a: {  	_ = 	snop  }
0x3b: {  	_ = 	snop  }
0x3c: {  	p2 =	seq.s32 s10, $0x1;
	s10 =	sld [smem:$0x3F92]  }
0x3d: {  	_ =	shalt  }
0x3e: {  	_ =	shalt  }
0x3f: {  	_ =	shalt  }
0x40: {  	_ =	shalt  }
0x41: {  	_ =	shalt  }
0x42: {  	_ =	shalt  }
0x43: {  	_ =	shalt  }
0x44: {  	_ =	shalt  }
0x45: {  	_ =	shalt  }
0x46: {  	_ =	shalt  }
0x47: {  	_ =	shalt  }
0x48: {  	_ =	shalt  }
0x49: {  	_ =	shalt  }
0x4a: {  	_ =	shalt  }
0x4b: {  	_ =	shalt  }
0x4c: {  	_ =	shalt  }
0x4d: {  	_ =	shalt  }
0x4e: {  	_ =	shalt  }
0x4f: {  	_ =	shalt  }
0x50: {  	_ =	shalt  }
0x51: {  	_ =	shalt  }
0x52: {  	_ =	shalt  }
0x53: {  	_ =	shalt  }
0x54: {  	_ =	shalt  }
0x55: {  	_ =	shalt  }
0x56: {  	_ =	shalt  }
0x57: {  	_ =	shalt  }
0x58: {  	_ =	shalt  }
0x59: {  	_ =	shalt  }
0x5a: {  	_ =	shalt  }
0x5b: {  	_ =	shalt  }
0x5c: {  	_ =	shalt  }
0x5d: {  	_ =	shalt  }
0x5e: {  	_ =	shalt  }
0x5f: {  	_ =	shalt  }
0x60: {  	_ =	shalt  }
0x61: {  	_ =	shalt  }
0x62: {  	_ =	shalt  }
0x63: {  	_ =	shalt  }
0x64: {  	_ =	shalt  }
0x65: {  	_ =	shalt  }
0x66: {  	_ =	shalt  }
0x67: {  	_ =	shalt  }
0x68: {  	_ =	shalt  }
0x69: {  	_ =	shalt  }
0x6a: {  	_ =	shalt  }
0x6b: {  	_ =	shalt  }
0x6c: {  	_ =	shalt  }
0x6d: {  	_ =	shalt  }
0x6e: {  	_ =	shalt  }
0x6f: {  	_ =	shalt  }
0x70: {  	_ =	shalt  }
0x71: {  	_ =	shalt  }
0x72: {  	_ =	shalt  }
0x73: {  	_ =	shalt  }
0x74: {  	_ =	shalt  }
0x75: {  	_ =	shalt  }
0x76: {  	_ =	shalt  }
0x77: {  	_ =	shalt  }
0x78: {  	_ =	shalt  }
0x79: {  	_ =	shalt  }
0x7a: {  	_ =	shalt  }
0x7b: {  	_ =	shalt  }
0x7c: {  	_ =	shalt  }
0x7d: {  	_ =	shalt  }
0x7e: {  	_ =	shalt  }
0x7f: {  	_ =	shalt  }
0x80: {  	_ =	shalt  }
0x81: {  	_ =	shalt  }
0x82: {  	_ =	shalt  }
0x83: {  	_ =	shalt  }
0x84: {  	_ =	shalt  }
0x85: {  	_ =	shalt  }
0x86: {  	_ =	shalt  }
0x87: {  	_ =	shalt  }
.Lfunc_end0:
.L_simem_size_0:
called_computation.1_lowered:
.L_overlay_start_0:
0x88: {  	s2 =	sld [smem:$0x3FD9]  }
0x89: {  	s3 =	sld [smem:$0x3FFE];
	_ =	sdelay $0x1  }
0x8a: {  	s1 =	srdreg.scid  }
0x8b: {  	s0 =	sand.u32 $0x1, s1  }
0x8c: {  	s16 =	sshll.u32 s0, $0xA;
	s2 =	sadd.s32 s3, s2  }
0x8d: {  	s2 =	sadd.s32 s2, s16  }
0x8e: {  	[smem:$0x3F9E] =	sst s2  }
0x8f: {  	_ = 	snop  }
0x90: {  	s2 =	sld [smem:$0x3FD0];
	(tm) =	ssettm $0x1  }
0x91: {  	s17 =	sld [smem:$0x3FFB];
	_ =	sdelay $0x3  }
0x92: {  	_ =	strace s17  }
0x93: {  	s3 =	sld [smem:$0x3FFC];
	_ =	sdelay $0x3  }
0x94: {  	_ =	strace s3  }
0x95: {  	s3 =	sld [smem:$0x3FFD];
	_ =	sdelay $0x3  }
0x96: {  	_ =	strace s3  }
0x97: {  	_ =	strace $0x8FFFFFFF  }
0x98: {  	s18 =	sld [smem:$0x3FDB];
	_ =	sdelay $0x1  }
0x99: {  	s4 =	simm.s32 $_scs_section_size  }
0x9a: {  	s5 =	simm.s32 $_size__tile_overlayer_lowered;
	s6 =	simm.s32 $_tile_overlayer_lowered  }
0x9b: {  	s21 =	simm.s32 $0x1BFF;
	s20 =	sshll.u32 s6, $0x1;
	s3 =	sadd.s32 s4, s18  }
0x9c: {  	s7 =	simm.s32 $0x0;
	s19 =	sshll.u32 s5, $0x1;
	s5 =	sadd.s32 s20, s3  }
0x9d: {  	[timem:s7], [sflag:s21] =	dma.local [hbm:s5], s19  }
0x9e: {  	_ =	swait.ge [sflag:s21], s19  }
0x9f: {  	s4 =	ssub.s32 $0x0, s19;
	[sflag:s21] =	ssyncset.done $0x0  }
0xa0: {  	[sflag:s21] =	ssyncadd.s32 s4;
	_ =	sdelay $0x1  }
0xa1: {  	s22 =	simm.s32 $0x1B8B  }
0xa2: {  	_ =	swait.ge [sflag:s22], $0x1  }
0xa3: {  	[sflag:s22] =	ssyncset.done $0x0  }
0xa4: {  	s23 =	sld [smem:$0x3FFE];
	[sflag:s22] =	ssyncadd.s32 $0xFFFFFFFF  }
0xa5: {  	s25 =	simm.s32 $0x1B8E;
	s24 =	sld [smem:$0x0]  }
0xa6: {  	s26 =	simm.s32 $execute0_lowered;
	[smem:$0x3FD2] =	sst s25  }
0xa7: {  	s6 =	sshll.u32 s26, $0x1;
	_ =	strace $0x80000049;
	[dreg:$0x1] =	wrdreg $0xFFFFFFFF  }
0xa8: {  	s28 =	simm.s32 $_size_execute0_lowered;
	s3 =	sadd.s32 s3, s6;
	[dreg:$0x0] =	wrdreg $0x0  }
0xa9: {  	s6 =	sshll.u32 s28, $0x1;
	[dreg:$0x2] =	wrdreg s3  }
0xaa: {  	[dreg:$0x3] =	wrdreg s6  }
0xab: {  	[dreg:$0x4] =	wrdreg $0xC0  }
0xac: {  	_ =	task [dreg:s7], $0x5FFFF  }
0xad: {  	[dreg:$0x1] =	wrdreg $0xFFFFFFFF  }
0xae: {  	[dreg:$0x0] =	wrdreg $0x60  }
0xaf: {  	[dreg:$0x2] =	wrdreg s2  }
0xb0: {  	[dreg:$0x3] =	wrdreg s23  }
0xb1: {  	[dreg:$0x4] =	wrdreg s1  }
0xb2: {  	[dreg:$0x5] =	wrdreg s24  }
0xb3: {  	[dreg:$0x6] =	wrdreg $0x9  }
0xb4: {  	_ =	task.clear_ibuf [dreg:s7], $0x7FFFF;
	_ =	strace $0x90000049  }
0xb5: {  	s29 =	simm.s32 $0x9;
	_ =	strace $0x8000004B  }
0xb6: {  	_ =	swait.ge [sflag:s29], $0x1  }
0xb7: {  	[sflag:s29] =	ssyncadd.s32 $0xFFFFFFFF  }
0xb8: {  	_ =	strace $0x9000004B  }
0xb9: {  	_ =	sfence  }
0xba: {  	s30 =	sld [smem:$0x0];
	_ =	sdelay $0x2  }
0xbb: {  	s31 =	sshll.u32 s1, $0xD;
	s1 =	sshrl.u32 s1, $0x2  }
0xbc: {  	s3 =	sand.u32 $0x4000, s31;
	s1 =	sadd.s32 s1, s30  }
0xbd: {  	s0 =	sor.u32 s3, s0;
	s1 =	sshll.u32 s1, $0x11  }
0xbe: {  	s0 =	sor.u32 s1, s0  }
0xbf: {  	s0 =	sadd.s32 $0x8F2B, s0  }
0xc0: {  	[sflag:s0] =	ssyncadd.remote.s32 $0x1  }
0xc1: {  	_ =	sfence.sel $0xFFFF  }
0xc2: {  	[dreg:$0x0] =	wrdreg $0xFFFFFFFF;
	(pc) =	sbr.abs _section_cstart, $3  }
0xc3: {  	[dreg:$0x1] =	wrdreg $0xFFFFFFFF  }
0xc4: {  	_ =	task.clear_ibuf [dreg:s7], $0x2FFFF;
	_ =	strace $0x9FFFFFFF  }
0xc5: {  	(tm) =	ssettm $0x7FFFFFFF  }
tec
execute0_lowered:
.L_overlay_start_1:
0x0: {  	(tag) =	ssettag $0x1  }
0x1: {  	s1 =	rddreg [dreg:$0x0]  }
0x2: {  	s2 =	rddreg [dreg:$0x1]  }
0x3: {  	s3 =	rddreg [dreg:$0x2];
	_ =	strace $0x8000004A;
	s0 =	simm.s32 $0x1  }
0x4: {  	s4 =	simm.s32 $0x408;
	v0 =	vimm.s32 $0x0;
	[sflag:s0] =	ssyncpa.u1 $0x0  }
0x5: {  	[tilespmem:s4+$0x70] =	vst v0  }
0x6: {  	[tilespmem:s4+$0x60] =	vst v0  }
0x7: {  	[tilespmem:s4+$0x50] =	vst v0  }
0x8: {  	[tilespmem:s4+$0x40] =	vst v0  }
0x9: {  	[tilespmem:s4+$0x30] =	vst v0  }
0xa: {  	s0 =	sadd.s32 $0xF000, s2;
	s6 =	sadd.s32 $0x19000, s2;
	[tilespmem:s4+$0x20] =	vst v0  }
0xb: {  	s2 =	sadd.s32 $0x14000, s2;
	s7 =	sand.u32 $0x1, s3;
	s3 =	simm.s32 $0x40;
	[tilespmem:s4+$0x10] =	vst v0  }
.LBB2_1:
0xc: {  	s3 =	sadd.s32 $0x40, s3;
	[tilespmem:s4+$0x0] =	vst v0;
	s4 =	sadd.s32 $0x80, s4  }
0xd: {  	p0 =	slt.u32 s3, $0x3100;
	[tilespmem:s4+$0x70] =	vst v0  }
0xe: {  	[tilespmem:s4+$0x60] =	vst v0  }
.Ltmp0:
0xf: {  	[tilespmem:s4+$0x50] =	vst v0;
	(pc) =	sbr.rel @p0 .LBB2_1-.Ltmp0, $4  }
0x10: {  	[tilespmem:s4+$0x40] =	vst v0  }
0x11: {  	[tilespmem:s4+$0x30] =	vst v0  }
0x12: {  	[tilespmem:s4+$0x20] =	vst v0  }
0x13: {  	[tilespmem:s4+$0x10] =	vst v0  }
0x14: {  	s10 =	stileid.u32  }
0x15: {  	s3 =	smul.u32 $0x68, s10  }
0x16: {  	s5 =	smin.u32 s10, $0x3  }
0x17: {  	s3 =	sor.u32 s5, s3  }
0x18: {  	p0 =	slt.u32 s10, $0x3;
	s11 =	smul.u32 $0x30, s3;
	s3 =	simm.s32 $0x13B0  }
0x19: {  	s3 =	simm.s32 @!p0 $0x1380  }
0x1a: {  	s3 =	sadd.s32 s3, s11  }
0x1b: {  	s8 =	smin.u32 s3, $0x13880  }
0x1c: {  	s26 =	simm.s32 $0x2;
	s9 =	simm.s32 $0x9;
	s3 =	ssub.s32 s8, s11  }
0x1d: {  	s29 =	simm.s32 $0xA;
	s30 =	simm.s32 $0xB;
	p0 =	sgt.s32 s3, $0x0  }
0x1e: {  	[dreg:$0x5] =	wrdreg s7;
	s31 =	smul.u32 $0x2710, s7;
	s3 =	simm.s32 @!p0 $0x0  }
0x1f: {  	s12 =	simm.s32 $0x1;
	s24 =	simm.s32 $0x0;
	s25 =	smulhi.u32 $0x2AAAAAAB, s3  }
0x20: {  	p1 =	por $0x0, $0x0;
	s18 =	simm.s32 $0x80;
	s19 =	simm.s32 $0x400  }
0x21: {  	s20 =	simm.s32 $0xC;
	s21 =	simm.s32 $0x0;
	s28 =	sshrl.u32 s25, $0x3  }
0x22: {  	[tilespmem:s4+$0x0] =	vst v0;
	v0 =	vimm.s32 $0xFFFFFFFF;
	s23 =	simm.s32 $0x0;
	[sflag:s26] =	ssyncpa.u1 $0x0;
	s5 =	smul.u32 $0x30, s28  }
0x23: {  	s16 =	sshll.u32 s10, $0xA;
	[tilespmem:$0xC808] =	vst v0;
	[sflag:s9] =	ssyncpa.u1 $0x0;
	s14 =	sadd.s32 s31, s2  }
.Ltmp1:
0x24: {  	p0 =	sne.s32 s3, s5;
	s3 =	simm.s32 $0x1;
	(pc) =	sbr.rel .LBB2_3-.Ltmp1, $4  }
0x25: {  	s15 =	sadd.s32 s31, s0;
	[dreg:$0x7] =	wrdreg s14;
	s3 =	simm.s32 @!p0 $0x0  }
0x26: {  	[sflag:s29] =	ssyncpa.u1 $0x0;
	[dreg:$0x8] =	wrdreg s15;
	s13 =	sadd.s32 s3, s28  }
0x27: {  	[sflag:s30] =	ssyncpa.u1 $0x0;
	s17 =	sadd.s32 $0x1, s13;
	[dreg:$0x6] =	wrdreg s13  }
0x28: {  	v0 =	vlaneseq.u32;
	s22 =	smov.u32 s11;
	p0 =	por $0x1, $0x1;
	[dreg:$0x9] =	wrdreg s17  }
.LBB2_30:
0x29: {  	s0 =	sshrl.u32 s0, $0x2  }
.LBB2_32:
0x2a: {  	_ =	swait.ge [sflag:s20], s0  }
0x2b: {  	s30 =	ssub.s32 $0x0, s0;
	v1 =	vmov s26;
	vm0 =	veq.s32 v0, $0x0;
	[sflag:s20] =	ssyncset.done $0x0  }
0x2c: {  	vm15 =	veq.s32 v0, $0x2;
	v1 =	vsel vm0, s31, v1;
	[sflag:s20] =	ssyncadd.s32 s30  }
0x2d: {  	v1 =	vsel vm15, s24, v1;
	[sflag:s20] =	ssyncpa.u1 $0x1  }
0x2e: {  	[tilespmem:$0xC808] =	vst v1  }
.LBB2_33:
0x2f: {  	s0 =	sadd.s32 $0x30, s22  }
0x30: {  	s2 =	smov.u32 s11;
	p2 =	slt.s32 s0, s8  }
0x31: {  	s2 =	smov.u32 @p2 s0;
	p2 =	sne.s32 s23, s17  }
.Ltmp2:
0x32: {  	_ = 	snop;
	(pc) =	sbr.rel @!p2 .LBB2_34-.Ltmp2, $4  }
0x33: {  	_ = 	snop  }
0x34: {  	s24 =	smov.u32 s21  }
0x35: {  	s31 =	sadd.s32 $0x1, s23;
	s21 =	smov.u32 s22;
	p0 =	por !p0, !p0  }
0x36: {  	p1 =	por !p1, !p1;
	s23 =	smov.u32 s31;
	s22 =	smov.u32 s2  }
.LBB2_3:
0x37: {  	p2 =	sge.u32 s23, s13  }
0x38: {  	s0 =	smulhi.u32 @!p2 $0xAAAAAAAB, s23  }
0x39: {  	s2 =	smov.u32 s22;
	p3 =	sgt.s32 @!p2 s22, $0x13850  }
0x3a: {  	s3 =	sshra.s32 @!p2 s22, $0x1F;
	p3 =	por !p3, p2;
	s0 =	sshrl.u32 @!p2 s0, $0x1  }
0x3b: {  	s3 =	sand.u32 @!p2 s3, s22;
	s2 =	simm.s32 @p3 $0x13850;
	s0 =	smul.u32 @!p2 $0x3, s0  }
0x3c: {  	s2 =	ssub.s32 @!p2 s2, s3  }
0x3d: {  	s2 =	sadd.s32 @!p2 $0xFFFEC7B0, s2;
	s0 =	ssub.s32 @!p2 s23, s0  }
0x3e: {  	s3 =	sshll.u32 @!p2 s2, $0x2;
	p3 =	sgt.s32 @!p2 s2, $0x2F;
	s0 =	smul.u32 @!p2 $0xC0, s0  }
0x3f: {  	s4 =	sand.u32 @!p2 $0x7, s22;
	s2 =	ssub.s32 @!p2 $0xC0, s3;
	p3 =	por !p3, p2  }
0x40: {  	s3 =	sshrl.u32 @!p2 s22, $0x3;
	s2 =	sshrl.u32 @!p2 s2, $0x2;
	s0 =	sshrl.u32 @!p2 s0, $0x2  }
0x41: {  	s3 =	sadd.s32 @!p2 s3, s14;
	s2 =	simm.s32 @!p3 $0x0;
	s0 =	sadd.s32 @!p2 $0x10848, s0  }
0x42: {  	[tilespmem:s0], [sflag:$0xA] =	stream.linear.gather @!p2 [hbm4b:s3+s4], s2, $0x38;
	[tilespmem:$0x1C938] =	vst v63  }
0x43: {  	s2 =	sadd.s32 $0xFFFFFFFF, s23  }
0x44: {  	p2 =	sge.u32 s2, s13  }
0x45: {  	p3 =	sgt.s32 @!p2 s21, $0x13850  }
0x46: {  	s0 =	smov.u32 s21;
	s3 =	sshra.s32 @!p2 s21, $0x1F;
	p3 =	por !p3, p2  }
0x47: {  	s3 =	sand.u32 @!p2 s3, s21;
	s0 =	simm.s32 @p3 $0x13850  }
0x48: {  	s0 =	ssub.s32 @!p2 s0, s3  }
0x49: {  	s0 =	sadd.s32 @!p2 $0xFFFEC7B0, s0  }
0x4a: {  	s3 =	sshll.u32 @!p2 s0, $0x2  }
0x4b: {  	p3 =	sgt.s32 @!p2 s0, $0x2F;
	s0 =	ssub.s32 @!p2 $0xC0, s3  }
0x4c: {  	p3 =	por !p3, p2;
	s0 =	sshrl.u32 @!p2 s0, $0x2  }
0x4d: {  	s4 =	simm.s32 @!p2 $0xA;
	s3 =	sand.u32 @!p2 $0x1, s2;
	s0 =	simm.s32 @!p3 $0x0  }
0x4e: {  	s3 =	smul.u32 @!p2 $0xC0, s3;
	_ =	swait.ge @!p2 [sflag:s4], s0  }
0x4f: {  	s5 =	ssub.s32 @!p2 $0x0, s0;
	[sflag:s4] =	ssyncset.done @!p2 $0x0  }
0x50: {  	s3 =	sshrl.u32 @!p2 s3, $0x2;
	[sflag:s4] =	ssyncadd.s32 @!p2 s5;
	s4 =	sshrl.u32 @!p2 s21, $0x3  }
0x51: {  	s3 =	sadd.s32 @!p2 $0x108D8, s3;
	s5 =	sand.u32 @!p2 $0x7, s21;
	s4 =	sadd.s32 @!p2 s4, s15  }
0x52: {  	[tilespmem:s3], [sflag:$0xB] =	stream.linear.gather @!p2 [hbm4b:s4+s5], s0, $0x38;
	[tilespmem:$0x1C938] =	vst v63  }
0x53: {  	s0 =	ssub.s32 @!p2 $0x13880, s21  }
0x54: {  	p3 =	slt.s32 @!p2 s0, $0x1  }
0x55: {  	p3 =	por p2, p3  }
.Ltmp3:
0x56: {  	_ = 	snop;
	(pc) =	sbr.rel @p3 .LBB2_9-.Ltmp3, $1  }
0x57: {  	_ =	sdelay $0x3  }
0x58: {  	s3 =	smulhi.u32 $0xAAAAAAAB, s2;
	_ =	sdelay $0x1  }
0x59: {  	s3 =	sshrl.u32 s3, $0x1  }
0x5a: {  	s3 =	smul.u32 $0x3, s3;
	_ =	sdelay $0x1  }
0x5b: {  	s29 =	ssub.s32 s2, s3  }
0x5c: {  	s4 =	simm.s32 $0x1;
	s2 =	smul.u32 $0xC0, s29  }
.Ltmp4:
0x5d: {  	s4 =	simm.s32 @!p0 $0x0;
	(pc) =	sbr.rel .LBB2_6-.Ltmp4, $4  }
0x5e: {  	s30 =	smul.u32 $0x18000, s4  }
0x5f: {  	p3 =	slt.s32 @!p2 s0, $0x30;
	s2 =	sshrl.u32 s2, $0x2  }
0x60: {  	p2 =	por !p3, p2;
	s3 =	sshrl.u32 s30, $0x2;
	s31 =	sadd.s32 $0x10848, s2  }
0x61: {  	s0 =	simm.s32 @p2 $0x30;
	s2 =	sor.u32 $0x10938, s3;
	s3 =	simm.s32 $0x0;
	v1 =	vmov s31  }
.LBB2_5:
0x62: {  	p2 =	sge.s32 s3, s0  }
.Ltmp5:
0x63: {  	_ = 	snop;
	(pc) =	sbr.rel @p2 .LBB2_9-.Ltmp5, $2  }
0x64: {  	_ =	sdelay $0x2  }
0x65: {  	s2 =	sadd.s32 $0x2000, s2  }
.LBB2_6:
0x66: {  	p2 =	sle.s32 s0, s3  }
.Ltmp6:
0x67: {  	_ = 	snop;
	(pc) =	sbr.rel @p2 .LBB2_5-.Ltmp6, $2  }
0x68: {  	_ =	sdelay $0x2  }
0x69: {  	s4 =	smov.u32 s3;
	s3 =	sadd.s32 $0x10, s3  }
0x6a: {  	s5 =	ssub.s32 s0, s4  }
0x6b: {  	p2 =	slt.s32 s5, $0x10  }
0x6c: {  	s5 =	simm.s32 @!p2 $0x10  }
0x6d: {  	v2 =	vmov s5  }
0x6e: {  	vm0 =	vgt.s32 v2, v0;
	_ =	sdelay $0x5  }
0x6f: {  	v2 =	vld.idx.msk [tilespmem:v1+s4+$0x0 ss:$0x1], vm0;
	_ =	sdelay $0x2  }
0x70: {  	p2 =	slt.s32 s3, s0;
	s5 =	smov.u32 s0  }
0x71: {  	s9 =	smov.u32 s2;
	s25 =	simm.s32 $0x0;
	s5 =	smov.u32 @p2 s3  }
.LBB2_8:
0x72: {  	(v2sf) =	vpush v2, s25;
	_ =	sdelay $0xe  }
0x73: {  	s25 =	sadd.s32 $0x1, s25;
	s10 =	spop (v2sf)  }
0x74: {  	s31 =	sadd.s32 s25, s4;
	s26 =	sshll.u32 s10, $0x9;
	s10 =	sshll.u32 s10, $0x7  }
0x75: {  	p2 =	slt.s32 s31, s5;
	s26 =	sand.u32 $0xFFFFF000, s26;
	s10 =	sand.u32 $0x380, s10  }
.Ltmp7:
0x76: {  	s10 =	sor.u32 s10, s26;
	(pc) =	sbr.rel @p2 .LBB2_8-.Ltmp7, $4  }
0x77: {  	s10 =	sshrl.u32 s10, $0x3  }
0x78: {  	s10 =	sadd.s32 s6, s10  }
0x79: {  	[tilespmem:s9], [sflag:$0x9] =	stream.strided.gather [hbm4b:s10+s18], $0x200, s19, s18, $0x38;
	[tilespmem:$0x1C938] =	vst v63  }
0x7a: {  	s9 =	sadd.s32 $0x200, s9  }
.Ltmp8:
0x7b: {  	_ = 	snop;
	(pc) =	sbr.rel .LBB2_5-.Ltmp8, $1  }
0x7c: {  	_ =	sdelay $0x3  }
.LBB2_9:
0x7d: {  	p2 =	slt.u32 s23, $0x2  }
.Ltmp9:
0x7e: {  	_ = 	snop;
	(pc) =	sbr.rel @p2 .LBB2_33-.Ltmp9, $1  }
0x7f: {  	_ =	sdelay $0x3  }
0x80: {  	p2 =	sgt.s32 s24, $0x13850  }
0x81: {  	s0 =	smov.u32 s24;
	s2 =	sshra.s32 s24, $0x1F;
	s3 =	ssub.s32 $0x13880, s24  }
0x82: {  	s0 =	simm.s32 @!p2 $0x13850;
	s2 =	sand.u32 s2, s24;
	p2 =	slt.s32 s3, $0x30  }
0x83: {  	s0 =	ssub.s32 s0, s2;
	s3 =	simm.s32 @!p2 $0x30  }
0x84: {  	s0 =	sadd.s32 $0xFFFEC7B0, s0;
	s25 =	sshll.u32 s3, $0x9  }
0x85: {  	s29 =	simm.s32 $0x9;
	s26 =	sshll.u32 s0, $0x2;
	s2 =	sand.u32 $0x3FFFFE00, s25  }
0x86: {  	p2 =	sgt.s32 s0, $0x2F;
	s28 =	ssub.s32 $0xC0, s26;
	_ =	swait.ge [sflag:s29], s2  }
0x87: {  	s2 =	ssub.s32 $0x0, s2;
	[sflag:s29] =	ssyncset.done $0x0;
	s0 =	sshrl.u32 s28, $0x2  }
0x88: {  	s30 =	simm.s32 $0xB;
	[sflag:s29] =	ssyncadd.s32 s2;
	s0 =	simm.s32 @p2 $0x0  }
0x89: {  	_ =	swait.ge [sflag:s30], s0  }
0x8a: {  	s0 =	ssub.s32 $0x0, s0;
	[sflag:s30] =	ssyncset.done $0x0  }
0x8b: {  	[sflag:s30] =	ssyncadd.s32 s0  }
0x8c: {  	v1 =	vld [tilespmem:$0xC808];
	_ =	sdelay $0x4  }
0x8d: {  	(v2sf) =	vpush v1, $0x0  }
0x8e: {  	(v2sf) =	vpush v1, $0x1  }
0x8f: {  	(v2sf) =	vpush v1, $0x2;
	_ =	sdelay $0x3  }
0x90: {  	s2 =	sadd.s32 $0x30, s24  }
0x91: {  	s3 =	ssub.s32 $0x27100, s24;
	p2 =	slt.s32 s8, s2  }
0x92: {  	s2 =	smov.u32 @p2 s8;
	p2 =	sgt.s32 s3, $0x0  }
0x93: {  	s25 =	ssub.s32 s2, s24;
	s3 =	simm.s32 @!p2 $0x0  }
0x94: {  	p2 =	slt.s32 s3, s25  }
0x95: {  	s25 =	smov.u32 @p2 s3  }
0x96: {  	s0 =	simm.s32 $0x1;
	p2 =	slt.s32 s25, $0x1  }
.Ltmp10:
0x97: {  	s0 =	simm.s32 @!p1 $0x0;
	(pc) =	sbr.rel @p2 .LBB2_14-.Ltmp10, $4  }
0x98: {  	s4 =	smul.u32 $0xC0, s0  }
0x99: {  	s2 =	spop (v2sf)  }
0x9a: {  	s31 =	sshrl.u32 s4, $0x2;
	s5 =	spop (v2sf)  }
0x9b: {  	s4 =	sadd.s32 $0x108D8, s31;
	s24 =	spop (v2sf)  }
0x9c: {  	s3 =	smin.u32 s25, $0x10  }
0x9d: {  	v1 =	vmov s3  }
0x9e: {  	vm1 =	vgt.u32 v1, v0  }
0x9f: {  	p3 =	sgt.s32 s25, $0x10  }
.Ltmp11:
0xa0: {  	_ = 	snop;
	(pc) =	sbr.rel @!p3 .LBB2_13-.Ltmp11, $2  }
0xa1: {  	_ =	sdelay $0x2  }
0xa2: {  	s9 =	simm.s32 $0x10;
	s26 =	sadd.s32 $0xFFFFFFF0, s25;
	s3 =	smov.u32 s4;
	vm0 =	vmmov vm1;
	v1 =	vld.msk [tilespmem:s4+$0x0 ss:$0x1], vm1  }
.LBB2_12:
0xa3: {  	s10 =	smin.u32 s26, $0x10;
	s9 =	sadd.s32 $0x10, s9  }
0xa4: {  	v2 =	vmov s10;
	p3 =	slt.s32 s9, s25  }
0xa5: {  	vm1 =	vgt.u32 v2, v0;
	_ =	sdelay $0x1  }
0xa6: {  	v2 =	vshll.u32 v1, $0x6;
	v1 =	vshll.u32 v1, $0x4  }
.Ltmp12:
0xa7: {  	v2 =	vand.u32 $0xFFFFFE00, v2;
	v1 =	vand.u32 $0x70, v1;
	(pc) =	sbr.rel @p3 .LBB2_12-.Ltmp12, $4  }
0xa8: {  	v1 =	vor.u32 v1, v2  }
0xa9: {  	[tilespmem:s3+$0x0] =	vst.msk vm0, v1;
	s3 =	sadd.s32 $0x10, s3;
	vm0 =	vmmov vm1  }
0xaa: {  	v1 =	vld.msk [tilespmem:s3+$0x0 ss:$0x1], vm1  }
0xab: {  	s26 =	sadd.s32 $0xFFFFFFF0, s26  }
.LBB2_13:
0xac: {  	_ =	sdelay $0x3  }
0xad: {  	v2 =	vshll.u32 v1, $0x6;
	v1 =	vshll.u32 v1, $0x4  }
0xae: {  	v2 =	vand.u32 $0xFFFFFE00, v2;
	v1 =	vand.u32 $0x70, v1  }
0xaf: {  	v1 =	vor.u32 v1, v2  }
0xb0: {  	[tilespmem:s3+$0x0] =	vst.msk vm0, v1  }
.LBB2_14:
0xb1: {  	s3 =	sand.u32 $0x1, s23  }
0xb2: {  	s3 =	smul.u32 $0x30, s3  }
0xb3: {  	p3 =	sne.s32 s5, $0xFFFFFFFF  }
0xb4: {  	v1 =	vld.msk @!p3 [tilespmem:s3+$0x108D8], $0x1;
	_ =	sdelay $0x4  }
0xb5: {  	(v2sf) =	vpush @!p3 v1, $0x0;
	_ =	sdelay $0xc  }
.Ltmp13:
0xb6: {  	_ = 	snop;
	(pc) =	sbr.rel @p2 .LBB2_31-.Ltmp13, $4  }
0xb7: {  	_ = 	snop  }
0xb8: {  	s30 =	spop @!p3 (v2sf)  }
0xb9: {  	s24 =	simm.s32 @!p3 $0x0;
	s26 =	smov.u32 s30  }
0xba: {  	[sflag:s20] =	ssyncpa.u1 $0x0;
	s30 =	smov.u32 @p3 s2;
	s26 =	smov.u32 @p3 s5  }
0xbb: {  	v1 =	vld.msk [tilespmem:s4+$0x0], $0x1;
	_ =	sdelay $0x4  }
0xbc: {  	(v2sf) =	vpush v1, $0x0;
	_ =	sdelay $0xd  }
0xbd: {  	s0 =	smul.u32 $0x18000, s0  }
0xbe: {  	s13 =	smov.u32 s8;
	s8 =	smov.u32 s11;
	s5 =	spop (v2sf)  }
0xbf: {  	s2 =	ssub.s32 $0x0, s25;
	s0 =	sshrl.u32 s0, $0x2;
	p2 =	seq.s32 s30, s5  }
0xc0: {  	s29 =	simm.s32 $0x0;
	s28 =	sor.u32 $0x10938, s0;
	p3 =	sgt.s32 @!p2 s30, $0x0  }
0xc1: {  	s0 =	sadd.s32 $0x108D8, s3;
	s3 =	smov.u32 s30;
	p3 =	por !p3, p2  }
0xc2: {  	s4 =	sadd.s32 $0x1, s4;
	s31 =	sadd.s32 $0x1, s2;
	s3 =	simm.s32 @p3 $0x0  }
0xc3: {  	s2 =	simm.s32 @!p2 $0x1;
	s9 =	simm.s32 @!p2 $0x6608;
	s10 =	smin.u32 @!p2 s3, $0x9C270  }
0xc4: {  	p3 =	seq.s32 s31, $0x0;
	s3 =	sand.u32 @!p2 $0xFFFF8, s10;
	s11 =	sadd.s32 @!p2 $0x80, s10  }
0xc5: {  	s14 =	sadd.s32 @!p2 $0x100, s10;
	s15 =	sadd.s32 @!p2 s1, s3;
	s3 =	sand.u32 @!p2 $0x7, s10  }
0xc6: {  	s11 =	sand.u32 @!p2 $0x1FFFF8, s11;
	s14 =	sand.u32 @!p2 $0x1FFFF8, s14;
	s10 =	sadd.s32 @!p2 $0x180, s10  }
0xc7: {  	[tilespmem:s9], [sflag:$0x2] =	stream.linear.gather @!p2 [hbm4b:s15+s3], $0x80, $0x38;
	[tilespmem:$0x1C938] =	vst v63  }
.Ltmp14:
0xc8: {  	s9 =	simm.s32 @!p2 $0x6688;
	s11 =	sadd.s32 @!p2 s1, s11;
	(pc) =	sbr.rel @p3 .LBB2_17-.Ltmp14, $4  }
0xc9: {  	[tilespmem:s9], [sflag:$0x2] =	stream.linear.gather @!p2 [hbm4b:s11+s3], $0x80, $0x38;
	[tilespmem:$0x1C938] =	vst v63  }
0xca: {  	s10 =	sand.u32 @!p2 $0x1FFFF8, s10;
	s9 =	simm.s32 @!p2 $0x6708;
	s11 =	sadd.s32 @!p2 s1, s14  }
0xcb: {  	[tilespmem:s9], [sflag:$0x2] =	stream.linear.gather @!p2 [hbm4b:s11+s3], $0x80, $0x38;
	[tilespmem:$0x1C938] =	vst v63  }
0xcc: {  	s2 =	smov.u32 @p2 s29;
	s10 =	sadd.s32 @!p2 s1, s10;
	s9 =	simm.s32 @!p2 $0x6788  }
.LBB2_16:
0xcd: {  	s11 =	smov.u32 s2  }
0xce: {  	[tilespmem:s9], [sflag:$0x2] =	stream.linear.gather @!p2 [hbm4b:s10+s3], $0x80, $0x38;
	[tilespmem:$0x1C938] =	vst v63  }
0xcf: {  	s31 =	sadd.s32 $0x1, s31;
	s3 =	smov.u32 s5  }
0xd0: {  	p3 =	seq.s32 s31, $0x0;
	v1 =	vld.msk [tilespmem:s4+$0x0], $0x1;
	_ =	sdelay $0x4  }
0xd1: {  	(v2sf) =	vpush v1, $0x0;
	_ =	sdelay $0xe  }
0xd2: {  	s5 =	spop (v2sf)  }
0xd3: {  	p2 =	seq.s32 s3, s5  }
0xd4: {  	p4 =	sgt.s32 @!p2 s3, $0x0  }
0xd5: {  	s9 =	sshll.u32 @!p2 s2, $0xB;
	s2 =	sadd.s32 @!p2 $0x1, s2;
	p4 =	por !p4, p2  }
0xd6: {  	s9 =	sshra.s32 @!p2 s9, $0x2;
	s2 =	smov.u32 @p2 s11;
	s3 =	simm.s32 @p4 $0x0  }
0xd7: {  	s10 =	sadd.s32 @!p2 $0x6608, s9;
	s11 =	sadd.s32 @!p2 $0x6688, s9;
	s14 =	smin.u32 @!p2 s3, $0x9C270  }
0xd8: {  	s15 =	sadd.s32 @!p2 $0x6708, s9;
	s9 =	sadd.s32 @!p2 $0x6788, s9;
	s3 =	sand.u32 @!p2 $0xFFFF8, s14  }
0xd9: {  	s17 =	sadd.s32 @!p2 $0x80, s14;
	s7 =	sadd.s32 @!p2 $0x100, s14;
	s20 =	sadd.s32 @!p2 s1, s3  }
0xda: {  	s3 =	sand.u32 @!p2 $0x7, s14;
	s17 =	sand.u32 @!p2 $0x1FFFF8, s17;
	s7 =	sand.u32 @!p2 $0x1FFFF8, s7  }
0xdb: {  	[tilespmem:s10], [sflag:$0x2] =	stream.linear.gather @!p2 [hbm4b:s20+s3], $0x80, $0x38;
	[tilespmem:$0x1C938] =	vst v63  }
.Ltmp15:
0xdc: {  	s14 =	sadd.s32 @!p2 $0x180, s14;
	s10 =	sadd.s32 @!p2 s1, s17;
	(pc) =	sbr.rel @!p3 .LBB2_16-.Ltmp15, $4  }
0xdd: {  	[tilespmem:s11], [sflag:$0x2] =	stream.linear.gather @!p2 [hbm4b:s10+s3], $0x80, $0x38;
	[tilespmem:$0x1C938] =	vst v63  }
0xde: {  	s7 =	sadd.s32 @!p2 s1, s7;
	s10 =	sand.u32 @!p2 $0x1FFFF8, s14  }
0xdf: {  	[tilespmem:s15], [sflag:$0x2] =	stream.linear.gather @!p2 [hbm4b:s7+s3], $0x80, $0x38;
	[tilespmem:$0x1C938] =	vst v63  }
0xe0: {  	s4 =	sadd.s32 $0x1, s4;
	s10 =	sadd.s32 @!p2 s1, s10  }
.LBB2_17:
0xe1: {  	[tilespmem:s9], [sflag:$0x2] =	stream.linear.gather @!p2 [hbm4b:s10+s3], $0x80, $0x38;
	[tilespmem:$0x1C938] =	vst v63  }
0xe2: {  	s2 =	sshll.u32 s2, $0x9  }
0xe3: {  	s31 =	simm.s32 $0x2;
	s2 =	sand.u32 $0x3FFFFE00, s2  }
.Ltmp16:
0xe4: {  	_ =	swait.ge [sflag:s31], s2;
	(pc) =	sbr.rel .LBB2_18-.Ltmp16, $4  }
0xe5: {  	s11 =	smov.u32 s8;
	s8 =	smov.u32 s13;
	s13 =	rddreg [dreg:$0x6]  }
0xe6: {  	v1 =	vmov s0;
	s0 =	simm.s32 $0x0;
	s4 =	simm.s32 $0x0;
	s14 =	rddreg [dreg:$0x7]  }
0xe7: {  	s2 =	ssub.s32 $0x0, s2;
	[sflag:s31] =	ssyncset.done $0x0;
	s15 =	rddreg [dreg:$0x8]  }
0xe8: {  	s20 =	simm.s32 $0xC;
	s17 =	rddreg [dreg:$0x9];
	[sflag:s31] =	ssyncadd.s32 s2  }
.LBB2_28:
0xe9: {  	[tilespmem:s2+$0x0] =	vst v2;
	s29 =	sadd.s32 $0x1, s29  }
.LBB2_29:
0xea: {  	s4 =	sadd.s32 $0x1, s4  }
0xeb: {  	p2 =	sne.s32 s4, s25  }
.Ltmp17:
0xec: {  	_ = 	snop;
	(pc) =	sbr.rel @!p2 .LBB2_30-.Ltmp17, $2  }
0xed: {  	_ =	sdelay $0x2  }
0xee: {  	s28 =	sadd.s32 $0x200, s28;
	s30 =	smov.u32 s31  }
.LBB2_18:
0xef: {  	_ =	sdelay $0x3  }
0xf0: {  	v2 =	vld.idx.msk [tilespmem:v1+s4+$0x0 ss:$0x1], $0x1;
	_ =	sdelay $0x4  }
0xf1: {  	(v2sf) =	vpush v2, $0x0;
	_ =	sdelay $0xe  }
0xf2: {  	s31 =	spop (v2sf)  }
0xf3: {  	p2 =	sne.s32 s30, s31  }
.Ltmp18:
0xf4: {  	_ = 	snop;
	(pc) =	sbr.rel @p2 .LBB2_22-.Ltmp18, $3  }
0xf5: {  	_ =	sdelay $0x1  }
0xf6: {  	s2 =	sshll.u32 s24, $0xB  }
0xf7: {  	s2 =	sshra.s32 s2, $0x2  }
0xf8: {  	s2 =	sadd.s32 $0x408, s2;
	s3 =	simm.s32 $0x0;
	v2 =	vld [tilespmem:s28+$0x0];
	s5 =	smov.u32 s28  }
.LBB2_20:
0xf9: {  	s3 =	sadd.s32 $0x10, s3  }
0xfa: {  	p2 =	slt.u32 s3, $0x1F0  }
.Ltmp19:
0xfb: {  	_ = 	snop;
	(pc) =	sbr.rel @p2 .LBB2_20-.Ltmp19, $3  }
0xfc: {  	_ =	sdelay $0x1  }
0xfd: {  	s5 =	sadd.s32 $0x10, s5;
	[tilespmem:s2+$0x0] =	vst.add.f32.msk $0xffff, v2;
	s2 =	sadd.s32 $0x10, s2  }
0xfe: {  	v2 =	vld [tilespmem:s5+$0x0]  }
.Ltmp20:
0xff: {  	_ = 	snop;
	(pc) =	sbr.rel .LBB2_29-.Ltmp20, $2  }
0x100: {  	_ =	sdelay $0x2  }
0x101: {  	[tilespmem:s2+$0x0] =	vst.add.f32.msk $0xffff, v2  }
.LBB2_22:
0x102: {  	p2 =	seq.s32 s30, s26  }
.Ltmp21:
0x103: {  	_ = 	snop;
	(pc) =	sbr.rel @!p2 .LBB2_23-.Ltmp21, $1  }
0x104: {  	_ =	sdelay $0x3  }
.Ltmp22:
0x105: {  	s2 =	sadd.s32 $0x408, s2;
	(pc) =	sbr.rel .LBB2_26-.Ltmp22, $4  }
0x106: {  	[spmem:s16] =	stream.linear.scatter [tilespmem:s2], [sflag:$0x1], $0x200, $0x38;
	[tilespmem:$0x1C938] =	vst v63  }
0x107: {  	_ =	swait.ge [sflag:s12], $0x200  }
0x108: {  	[sflag:s12] =	ssyncset.done $0x0  }
0x109: {  	[sflag:s12] =	ssyncadd.s32 $0xFFFFFE00  }
.LBB2_23:
0x10a: {  	s3 =	sshll.u32 s29, $0xB  }
0x10b: {  	s3 =	sshra.s32 s3, $0x2  }
0x10c: {  	s5 =	sadd.s32 $0x6608, s3;
	s3 =	sadd.s32 $0x408, s2  }
0x10d: {  	s10 =	simm.s32 $0x0;
	v2 =	vld [tilespmem:s5+$0x0];
	s9 =	smov.u32 s3  }
.LBB2_24:
0x10e: {  	s10 =	sadd.s32 $0x10, s10  }
0x10f: {  	p2 =	slt.u32 s10, $0x1F0  }
.Ltmp23:
0x110: {  	_ = 	snop;
	(pc) =	sbr.rel @p2 .LBB2_24-.Ltmp23, $3  }
0x111: {  	_ =	sdelay $0x1  }
0x112: {  	s5 =	sadd.s32 $0x10, s5;
	[tilespmem:s9+$0x0] =	vst.add.f32.msk $0xffff, v2;
	s9 =	sadd.s32 $0x10, s9  }
0x113: {  	v2 =	vld [tilespmem:s5+$0x0]  }
0x114: {  	_ =	sdelay $0x1  }
0x115: {  	p2 =	sgt.u32 s30, $0x9C270  }
0x116: {  	s5 =	sand.u32 @!p2 $0xFFFF8, s30  }
0x117: {  	s7 =	sand.u32 @!p2 $0x7, s30;
	s5 =	sadd.s32 @!p2 s1, s5;
	[tilespmem:s9+$0x0] =	vst.add.f32.msk $0xffff, v2  }
0x118: {  	[hbm4b:s5+s7] =	stream.linear.scatter @!p2 [tilespmem:s3], [sflag:$0xC], $0x80, $0x38;
	[tilespmem:$0x1C938] =	vst v63  }
0x119: {  	s3 =	sadd.s32 @!p2 $0x80, s30  }
0x11a: {  	s3 =	sand.u32 @!p2 $0x1FFFF8, s3  }
0x11b: {  	s5 =	sadd.s32 @!p2 $0x488, s2;
	s3 =	sadd.s32 @!p2 s1, s3  }
0x11c: {  	[hbm4b:s3+s7] =	stream.linear.scatter @!p2 [tilespmem:s5], [sflag:$0xC], $0x80, $0x38;
	[tilespmem:$0x1C938] =	vst v63  }
0x11d: {  	s3 =	sadd.s32 @!p2 $0x100, s30  }
0x11e: {  	s3 =	sand.u32 @!p2 $0x1FFFF8, s3  }
0x11f: {  	s5 =	sadd.s32 @!p2 $0x508, s2;
	s3 =	sadd.s32 @!p2 s1, s3  }
0x120: {  	[hbm4b:s3+s7] =	stream.linear.scatter @!p2 [tilespmem:s5], [sflag:$0xC], $0x80, $0x38;
	[tilespmem:$0x1C938] =	vst v63  }
0x121: {  	s3 =	sadd.s32 @!p2 $0x180, s30;
	s5 =	simm.s32 $0x0  }
0x122: {  	s3 =	sand.u32 @!p2 $0x1FFFF8, s3;
	s5 =	simm.s32 @!p2 $0x800  }
0x123: {  	s2 =	sadd.s32 @!p2 $0x588, s2;
	s3 =	sadd.s32 @!p2 s1, s3;
	s0 =	sadd.s32 s5, s0  }
0x124: {  	[hbm4b:s3+s7] =	stream.linear.scatter @!p2 [tilespmem:s2], [sflag:$0xC], $0x80, $0x38;
	[tilespmem:$0x1C938] =	vst v63  }
.LBB2_26:
0x125: {  	s2 =	sadd.s32 $0x1, s24  }
0x126: {  	s3 =	smulhi.u32 $0xAAAAAAAB, s2;
	_ =	sdelay $0x1  }
0x127: {  	s3 =	sshrl.u32 s3, $0x5  }
0x128: {  	s3 =	smul.u32 $0x30, s3;
	_ =	sdelay $0x1  }
0x129: {  	s24 =	ssub.s32 s2, s3  }
0x12a: {  	s2 =	sshll.u32 s24, $0x9  }
0x12b: {  	v2 =	vld [tilespmem:s28+$0x0];
	s5 =	smov.u32 s28;
	s3 =	simm.s32 $0x0;
	s2 =	sadd.s32 $0x408, s2  }
.LBB2_27:
0x12c: {  	s3 =	sadd.s32 $0x10, s3  }
0x12d: {  	p2 =	slt.u32 s3, $0x1F0  }
.Ltmp24:
0x12e: {  	_ = 	snop;
	(pc) =	sbr.rel @p2 .LBB2_27-.Ltmp24, $3  }
0x12f: {  	_ =	sdelay $0x1  }
0x130: {  	[tilespmem:s2+$0x0] =	vst v2;
	s2 =	sadd.s32 $0x10, s2;
	s5 =	sadd.s32 $0x10, s5  }
0x131: {  	v2 =	vld [tilespmem:s5+$0x0]  }
.Ltmp25:
0x132: {  	_ = 	snop;
	(pc) =	sbr.rel .LBB2_28-.Ltmp25, $1  }
0x133: {  	_ =	sdelay $0x3  }
.LBB2_31:
.Ltmp26:
0x134: {  	(pc) =	sbr.rel .LBB2_32-.Ltmp26, $4  }
0x135: {  	_ = 	snop  }
0x136: {  	s0 =	simm.s32 $0x2  }
0x137: {  	_ =	swait.ge [sflag:s0], $0x0  }
0x138: {  	s31 =	smov.u32 s30;
	[sflag:s0] =	ssyncset.done $0x0;
	s0 =	simm.s32 $0x0  }
.LBB2_34:
0x139: {  	_ =	sfence.sel $0x180000  }
0x13a: {  	s0 =	simm.s32 $0x9;
	[bflag:$0x0] =	sbarrier.arrive $0xFFFF  }
0x13b: {  	s24 =	simm.s32 $0xA;
	[sflag:s0] =	ssyncpa.u1 $0x1  }
0x13c: {  	s25 =	simm.s32 $0xB;
	[sflag:s24] =	ssyncpa.u1 $0x1  }
0x13d: {  	s26 =	simm.s32 $0x2;
	[sflag:s25] =	ssyncpa.u1 $0x1  }
0x13e: {  	[sflag:s26] =	ssyncpa.u1 $0x1  }
0x13f: {  	v0 =	vld [tilespmem:$0xC808];
	_ =	sdelay $0x4  }
0x140: {  	(v2sf) =	vpush v0, $0x0  }
0x141: {  	(v2sf) =	vpush v0, $0x1;
	_ =	sdelay $0x1  }
0x142: {  	(v2sf) =	vpush v0, $0x2;
	_ =	sdelay $0xb  }
0x143: {  	s0 =	spop (v2sf)  }
0x144: {  	s2 =	spop (v2sf)  }
0x145: {  	s3 =	smov.u32 s0;
	p0 =	sne.s32 s0, s2  }
0x146: {  	s4 =	spop (v2sf);
	s3 =	simm.s32 @!p0 $0xFFFFFFFF  }
0x147: {  	v2 =	vimm.s32 $0x1;
	v3 =	vlaneseq.u32;
	p0 =	seq.s32 s4, $0xFFFFFFFF;
	v1 =	vmov s3  }
0x148: {  	s17 =	stileid.u32;
	v0 =	vperm.xlane v0, v2;
	p1 =	sne.s32 @!p0 s0, s2;
	v1 =	vperm.xlane v1, v3  }
0x149: {  	vm0 =	vcmask $0x3F04;
	s6 =	simm.s32 $0xC808;
	s0 =	simm.s32 @!p0 $0x1;
	p1 =	por !p1, p0  }
0x14a: {  	s3 =	sshll.u32 s17, $0x1;
	s2 =	sshll.u32 @!p0 s4, $0xB;
	s0 =	simm.s32 @p1 $0x0;
	v0 =	vsel vm0, v1, v0  }
0x14b: {  	s5 =	sor.u32 $0x4000, s3;
	s2 =	sshra.s32 @!p0 s2, $0x2;
	s0 =	sor.u32 @!p0 s0, s3;
	[tilespmem:$0xC808] =	vst v0  }
0x14c: {  	[spmem:s5] =	stream.linear.scatter [tilespmem:s6], [sflag:$0x1], $0x2, $0x38;
	[tilespmem:$0x1C938] =	vst v63  }
0x14d: {  	s2 =	sadd.s32 @!p0 $0x408, s2;
	s0 =	sshll.u32 @!p0 s0, $0x9  }
0x14e: {  	[spmem:s0] =	stream.linear.scatter @!p0 [tilespmem:s2], [sflag:$0x1], $0x200, $0x38;
	[tilespmem:$0x1C938] =	vst v63  }
0x14f: {  	s0 =	simm.s32 @!p0 $0x202  }
0x150: {  	s28 =	simm.s32 $0x1;
	s0 =	simm.s32 @p0 $0x2  }
0x151: {  	_ =	swait.ge [sflag:s28], s0  }
0x152: {  	s0 =	ssub.s32 $0x0, s0;
	[sflag:s28] =	ssyncset.done $0x0  }
0x153: {  	p0 =	sne.s32 s17, $0x0;
	[sflag:s28] =	ssyncadd.s32 s0  }
.Ltmp27:
0x154: {  	_ =	sfence.stream.spmem;
	(pc) =	sbr.rel @p0 .LBB2_59-.Ltmp27, $4  }
0x155: {  	s29 =	simm.s32 $0x3;
	[bflag:$0x0] =	sbarrier.arrive $0xFFFF  }
0x156: {  	s30 =	simm.s32 $0x4;
	[sflag:s29] =	ssyncpa.u1 $0x1  }
0x157: {  	s31 =	simm.s32 $0x3C;
	[sflag:s30] =	ssyncpa.u1 $0x1  }
0x158: {  	s16 =	rddreg [dreg:$0x5];
	[sflag:s31] =	ssyncpa.u1 $0x1  }
0x159: {  	_ =	sfence.stream.spmem;
	s0 =	simm.s32 $0x5  }
0x15a: {  	s2 =	simm.s32 $0x4000;
	s3 =	simm.s32 $0xC818;
	[sflag:s0] =	ssyncpa.u1 $0x0  }
0x15b: {  	[tilespmem:s3], [sflag:$0x5] =	stream.linear.gather [spmem:s2], $0x20, $0x38;
	[tilespmem:$0x1C938] =	vst v63  }
0x15c: {  	s26 =	simm.s32 $0x0;
	s28 =	simm.s32 $0xC838  }
0x15d: {  	[tilespmem:s28], [sflag:$0x5] =	stream.linear.gather [spmem:s26], $0x4000, $0x38;
	[tilespmem:$0x1C938] =	vst v63  }
0x15e: {  	_ =	swait.ge [sflag:s0], $0x4020  }
0x15f: {  	[sflag:s0] =	ssyncset.done $0x0  }
0x160: {  	s29 =	simm.s32 $0x0;
	[sflag:s0] =	ssyncadd.s32 $0xFFFFBFE0  }
0x161: {  	v0 =	vld.msk [tilespmem:s29+$0xC818], $0x1;
	_ =	sdelay $0x1  }
0x162: {  	s30 =	simm.s32 $0x1  }
0x163: {  	v1 =	vld.msk [tilespmem:s30+$0xC818], $0x1;
	_ =	sdelay $0x1  }
0x164: {  	(v2sf) =	vpush v0, $0x0;
	_ =	sdelay $0x2  }
0x165: {  	(v2sf) =	vpush v1, $0x0;
	_ =	sdelay $0x2  }
0x166: {  	s31 =	simm.s32 $0x2  }
0x167: {  	v0 =	vld.msk [tilespmem:s31+$0xC818], $0x1;
	_ =	sdelay $0x2  }
0x168: {  	s2 =	simm.s32 $0xFFFFFFFF;
	s3 =	simm.s32 $0xFFFFFFFF;
	s0 =	simm.s32 $0xC  }
.LBB2_36:
0x169: {  	s4 =	smov.u32 s3;
	s5 =	smov.u32 s2  }
0x16a: {  	s2 =	sshra.s32 s0, $0x2;
	p1 =	sne.s32 s0, $0x7C;
	s0 =	sadd.s32 $0x4, s0;
	(v2sf) =	vpush v0, $0x0  }
0x16b: {  	v0 =	vld.msk [tilespmem:s2+$0xC818], $0x1  }
.Ltmp28:
0x16c: {  	(pc) =	sbr.rel @p1 .LBB2_36-.Ltmp28, $4  }
0x16d: {  	s3 =	spop (v2sf)  }
0x16e: {  	p2 =	sne.s32 s5, $0xFFFFFFFF;
	s2 =	smov.u32 s3  }
0x16f: {  	p3 =	seq.s32 s3, $0xFFFFFFFF;
	s2 =	smov.u32 @p2 s5  }
0x170: {  	s3 =	smov.u32 @p3 s4;
	s2 =	smov.u32 @p3 s5  }
0x171: {  	(v2sf) =	vpush v0, $0x0;
	_ =	sdelay $0x8  }
0x172: {  	s0 =	spop (v2sf);
	p1 =	sne.s32 s2, $0xFFFFFFFF;
	s9 =	simm.s32 $0x6  }
0x173: {  	s6 =	simm.s32 $0x0;
	s10 =	simm.s32 $0xC838;
	s4 =	smov.u32 s0  }
0x174: {  	s11 =	simm.s32 $0xC688;
	p2 =	seq.s32 s0, $0xFFFFFFFF;
	s4 =	smov.u32 @p1 s2  }
0x175: {  	s12 =	simm.s32 $0xC708;
	s4 =	smov.u32 @p2 s2;
	s2 =	spop (v2sf)  }
0x176: {  	s0 =	smov.u32 @p2 s3;
	p1 =	sne.s32 s4, $0xFFFFFFFF;
	s5 =	smov.u32 s2  }
.Ltmp29:
0x177: {  	p2 =	seq.s32 s2, $0xFFFFFFFF;
	s5 =	smov.u32 @p1 s4;
	(pc) =	sbr.rel .LBB2_38-.Ltmp29, $4  }
0x178: {  	s13 =	simm.s32 $0xC788;
	s5 =	smov.u32 @p2 s4;
	s7 =	spop (v2sf)  }
0x179: {  	s14 =	simm.s32 $0x0;
	p1 =	sne.s32 s5, $0xFFFFFFFF;
	s8 =	smov.u32 s7  }
0x17a: {  	s2 =	smov.u32 @p2 s0;
	p2 =	seq.s32 s7, $0xFFFFFFFF;
	s8 =	smov.u32 @p1 s5  }
0x17b: {  	[sflag:s9] =	ssyncpa.u1 $0x0;
	s7 =	smov.u32 @p2 s2;
	s8 =	smov.u32 @p2 s5  }
.LBB2_53:
0x17c: {  	s14 =	sadd.s32 $0x1, s14  }
0x17d: {  	p1 =	sne.s32 s14, $0x20  }
.Ltmp30:
0x17e: {  	_ = 	snop;
	(pc) =	sbr.rel @!p1 .LBB2_54-.Ltmp30, $2  }
0x17f: {  	_ =	sdelay $0x2  }
0x180: {  	s10 =	sadd.s32 $0x200, s10  }
.LBB2_38:
0x181: {  	v0 =	vld.msk [tilespmem:s14+$0xC818], $0x1;
	_ =	sdelay $0x4  }
0x182: {  	(v2sf) =	vpush v0, $0x0;
	_ =	sdelay $0xe  }
0x183: {  	s0 =	spop (v2sf)  }
0x184: {  	p1 =	seq.s32 s0, $0xFFFFFFFF  }
.Ltmp31:
0x185: {  	_ = 	snop;
	(pc) =	sbr.rel @p1 .LBB2_53-.Ltmp31, $1  }
0x186: {  	_ =	sdelay $0x3  }
0x187: {  	p1 =	slt.s32 s6, $0x1  }
.Ltmp32:
0x188: {  	_ = 	snop;
	(pc) =	sbr.rel @p1 .LBB2_46-.Ltmp32, $1  }
0x189: {  	_ =	sdelay $0x3  }
0x18a: {  	s2 =	simm.s32 $0xC818;
	p1 =	por $0x0, $0x0  }
0x18b: {  	v1 =	vld.msk @!p1 [tilespmem:s2+$0x0], $0x1;
	_ =	sdelay $0x4  }
0x18c: {  	(v2sf) =	vpush @!p1 v1, $0x0;
	_ =	sdelay $0xd  }
0x18d: {  	p3 =	sne.s32 s6, $0x1  }
.Ltmp33:
0x18e: {  	s3 =	spop @!p1 (v2sf);
	(pc) =	sbr.rel @!p3 .LBB2_42-.Ltmp33, $4  }
0x18f: {  	p2 =	seq.s32 @!p1 s0, s3  }
0x190: {  	s4 =	simm.s32 $0x0;
	p2 =	por !p2, p1  }
0x191: {  	s3 =	simm.s32 $0xFFFFFFFF;
	s4 =	simm.s32 @p2 $0xFFFFFFFF  }
0x192: {  	s5 =	simm.s32 $0x1;
	s4 =	smov.u32 @p1 s3  }
.LBB2_41:
0x193: {  	s3 =	smov.u32 s4;
	p1 =	sne.s32 s4, $0xFFFFFFFF  }
0x194: {  	s2 =	sadd.s32 $0x1, s2;
	s4 =	smov.u32 s5;
	s5 =	sadd.s32 $0x1, s5  }
0x195: {  	p2 =	sne.s32 s6, s5;
	v1 =	vld.msk @!p1 [tilespmem:s2+$0x0], $0x1;
	_ =	sdelay $0x4  }
0x196: {  	(v2sf) =	vpush @!p1 v1, $0x0;
	_ =	sdelay $0xe  }
.Ltmp34:
0x197: {  	s15 =	spop @!p1 (v2sf);
	(pc) =	sbr.rel @p2 .LBB2_41-.Ltmp34, $4  }
0x198: {  	p3 =	seq.s32 @!p1 s0, s15  }
0x199: {  	p3 =	por !p3, p1  }
0x19a: {  	s4 =	simm.s32 @p3 $0xFFFFFFFF  }
0x19b: {  	s4 =	smov.u32 @p1 s3  }
.LBB2_42:
0x19c: {  	p1 =	seq.s32 s4, $0xFFFFFFFF  }
.Ltmp35:
0x19d: {  	_ = 	snop;
	(pc) =	sbr.rel @p1 .LBB2_46-.Ltmp35, $1  }
0x19e: {  	_ =	sdelay $0x3  }
0x19f: {  	s0 =	sshll.u32 s4, $0xB  }
0x1a0: {  	s0 =	sshra.s32 s0, $0x2  }
0x1a1: {  	s2 =	simm.s32 $0x0;
	v0 =	vld [tilespmem:s10+$0x0];
	s3 =	smov.u32 s10;
	s0 =	sadd.s32 $0xC838, s0  }
.LBB2_44:
0x1a2: {  	s2 =	sadd.s32 $0x10, s2  }
0x1a3: {  	p1 =	slt.u32 s2, $0x1F0  }
.Ltmp36:
0x1a4: {  	_ = 	snop;
	(pc) =	sbr.rel @p1 .LBB2_44-.Ltmp36, $3  }
0x1a5: {  	_ =	sdelay $0x1  }
0x1a6: {  	s3 =	sadd.s32 $0x10, s3;
	[tilespmem:s0+$0x0] =	vst.add.f32.msk $0xffff, v0;
	s0 =	sadd.s32 $0x10, s0  }
0x1a7: {  	v0 =	vld [tilespmem:s3+$0x0]  }
.Ltmp37:
0x1a8: {  	_ = 	snop;
	(pc) =	sbr.rel .LBB2_53-.Ltmp37, $2  }
0x1a9: {  	_ =	sdelay $0x2  }
0x1aa: {  	[tilespmem:s0+$0x0] =	vst.add.f32.msk $0xffff, v0  }
.LBB2_46:
0x1ab: {  	p1 =	sgt.u32 s0, $0x9C270  }
0x1ac: {  	p2 =	seq.s32 @!p1 s0, s8  }
0x1ad: {  	p1 =	por p1, p2  }
0x1ae: {  	p2 =	seq.s32 @!p1 s0, s7  }
0x1af: {  	p1 =	por p1, p2  }
.Ltmp38:
0x1b0: {  	_ = 	snop;
	(pc) =	sbr.rel @p1 .LBB2_50-.Ltmp38, $1  }
0x1b1: {  	_ =	sdelay $0x3  }
0x1b2: {  	s2 =	sand.u32 $0xFFFF8, s0;
	s4 =	sand.u32 $0x7, s0  }
0x1b3: {  	s29 =	sadd.s32 $0x80, s0;
	s3 =	sadd.s32 s1, s2;
	s2 =	simm.s32 $0xC608  }
0x1b4: {  	[tilespmem:s2], [sflag:$0x6] =	stream.linear.gather [hbm4b:s3+s4], $0x80, $0x38;
	[tilespmem:$0x1C938] =	vst v63  }
0x1b5: {  	s3 =	sand.u32 $0x1FFFF8, s29  }
0x1b6: {  	s30 =	sadd.s32 $0x100, s0;
	s3 =	sadd.s32 s1, s3  }
0x1b7: {  	[tilespmem:s11], [sflag:$0x6] =	stream.linear.gather [hbm4b:s3+s4], $0x80, $0x38;
	[tilespmem:$0x1C938] =	vst v63  }
0x1b8: {  	s31 =	sadd.s32 $0x180, s0;
	s3 =	sand.u32 $0x1FFFF8, s30  }
0x1b9: {  	s0 =	sand.u32 $0x1FFFF8, s31;
	s3 =	sadd.s32 s1, s3  }
0x1ba: {  	[tilespmem:s12], [sflag:$0x6] =	stream.linear.gather [hbm4b:s3+s4], $0x80, $0x38;
	[tilespmem:$0x1C938] =	vst v63  }
0x1bb: {  	s0 =	sadd.s32 s1, s0  }
0x1bc: {  	[tilespmem:s13], [sflag:$0x6] =	stream.linear.gather [hbm4b:s0+s4], $0x80, $0x38;
	[tilespmem:$0x1C938] =	vst v63  }
0x1bd: {  	_ =	swait.ge [sflag:s9], $0x200  }
0x1be: {  	[sflag:s9] =	ssyncset.done $0x0  }
0x1bf: {  	[sflag:s9] =	ssyncadd.s32 $0xFFFFFE00  }
0x1c0: {  	s3 =	smov.u32 s10;
	s0 =	simm.s32 $0x0;
	v1 =	vld [tilespmem:s2+$0x0]  }
.LBB2_48:
0x1c1: {  	s0 =	sadd.s32 $0x10, s0  }
0x1c2: {  	p1 =	slt.u32 s0, $0x1F0  }
.Ltmp39:
0x1c3: {  	_ = 	snop;
	(pc) =	sbr.rel @p1 .LBB2_48-.Ltmp39, $3  }
0x1c4: {  	_ =	sdelay $0x1  }
0x1c5: {  	s2 =	sadd.s32 $0x10, s2;
	[tilespmem:s3+$0x0] =	vst.add.f32.msk $0xffff, v1;
	s3 =	sadd.s32 $0x10, s3  }
0x1c6: {  	v1 =	vld [tilespmem:s2+$0x0]  }
0x1c7: {  	_ =	sdelay $0x3  }
0x1c8: {  	[tilespmem:s3+$0x0] =	vst.add.f32.msk $0xffff, v1  }
.LBB2_50:
0x1c9: {  	s0 =	sshll.u32 s6, $0xB  }
0x1ca: {  	[tilespmem:s6+$0xC818] =	vst.msk $0x1, v0;
	s0 =	sshra.s32 s0, $0x2  }
0x1cb: {  	s2 =	simm.s32 $0x0;
	s3 =	smov.u32 s10;
	v0 =	vld [tilespmem:s10+$0x0];
	s0 =	sadd.s32 $0xC838, s0  }
.LBB2_51:
0x1cc: {  	s2 =	sadd.s32 $0x10, s2  }
0x1cd: {  	p1 =	slt.u32 s2, $0x1F0  }
.Ltmp40:
0x1ce: {  	_ = 	snop;
	(pc) =	sbr.rel @p1 .LBB2_51-.Ltmp40, $3  }
0x1cf: {  	_ =	sdelay $0x1  }
0x1d0: {  	s3 =	sadd.s32 $0x10, s3;
	[tilespmem:s0+$0x0] =	vst v0;
	s0 =	sadd.s32 $0x10, s0  }
0x1d1: {  	v0 =	vld [tilespmem:s3+$0x0]  }
.Ltmp41:
0x1d2: {  	_ = 	snop;
	(pc) =	sbr.rel .LBB2_53-.Ltmp41, $2  }
0x1d3: {  	_ =	sdelay $0x2  }
0x1d4: {  	s6 =	sadd.s32 $0x1, s6;
	[tilespmem:s0+$0x0] =	vst v0  }
.LBB2_54:
0x1d5: {  	s0 =	simm.s32 $0x6;
	p1 =	seq.s32 s6, $0x0  }
0x1d6: {  	[sflag:s0] =	ssyncpa.u1 $0x1;
	v0 =	vimm.s32 @p1 $0xFFFFFFFF  }
0x1d7: {  	s0 =	sadd.s32 $0xFFFFFFFF, s6;
	[tilespmem:$0x10838] =	vst @p1 v0  }
0x1d8: {  	v0 =	vld.msk @!p1 [tilespmem:s0+$0xC818], $0x1;
	_ =	sdelay $0x1  }
0x1d9: {  	v1 =	vld.msk @!p1 [tilespmem:$0xC818], $0x1;
	_ =	sdelay $0x2  }
0x1da: {  	p2 =	seq.s32 @!p1 s0, $0x0;
	v0 =	vbroadcast @!p1 v0, $0x0  }
0x1db: {  	vm0 =	vmmov @!p1 $0x1;
	p2 =	por !p2, p1  }
0x1dc: {  	v1 =	vnsel @!p1 vm0, $0xFFFFFFFF, v1;
	vm0 =	vcmask @!p1 $0x308;
	v0 =	vpsel !p2, $0xFFFFFFFF, v0  }
0x1dd: {  	p2 =	sne.s32 @!p1 s8, s7;
	v0 =	vsel @!p1 vm0, v1, v0  }
0x1de: {  	s2 =	simm.s32 @!p1 $0xC838;
	s3 =	simm.s32 @!p1 $0x0;
	p3 =	por !p2, p1;
	[tilespmem:$0x10838] =	vst @!p1 v0  }
0x1df: {  	[spmem:s3] =	stream.linear.scatter @!p1 [tilespmem:s2], [sflag:$0x1], $0x200, $0x38;
	[tilespmem:$0x1C938] =	vst v63  }
0x1e0: {  	s2 =	sshll.u32 @!p3 s0, $0xB  }
0x1e1: {  	s2 =	sshra.s32 @!p3 s2, $0x2  }
0x1e2: {  	s3 =	simm.s32 @!p3 $0x200;
	s2 =	sadd.s32 @!p3 $0xC838, s2  }
0x1e3: {  	[spmem:s3] =	stream.linear.scatter @!p3 [tilespmem:s2], [sflag:$0x1], $0x200, $0x38;
	[tilespmem:$0x1C938] =	vst v63  }
0x1e4: {  	s2 =	simm.s32 @!p3 $0x1  }
0x1e5: {  	_ =	swait.ge @!p3 [sflag:s2], $0x400  }
0x1e6: {  	p1 =	por p2, p1;
	[sflag:s2] =	ssyncset.done @!p3 $0x0  }
0x1e7: {  	[sflag:s2] =	ssyncadd.s32 @!p3 $0xFFFFFC00;
	s2 =	simm.s32 @!p1 $0x1  }
0x1e8: {  	_ =	swait.ge @!p1 [sflag:s2], $0x200  }
0x1e9: {  	s29 =	simm.s32 $0x10838;
	[sflag:s2] =	ssyncset.done @!p1 $0x0  }
0x1ea: {  	s30 =	simm.s32 $0x4000;
	s31 =	simm.s32 $0x1;
	[sflag:s2] =	ssyncadd.s32 @!p1 $0xFFFFFE00  }
0x1eb: {  	[spmem:s30] =	stream.linear.scatter [tilespmem:s29], [sflag:$0x1], $0x10, $0x38;
	[tilespmem:$0x1C938] =	vst v63  }
0x1ec: {  	_ =	swait.ge [sflag:s31], $0x10  }
0x1ed: {  	[sflag:s31] =	ssyncset.done $0x0  }
0x1ee: {  	p1 =	seq.s32 s16, $0x0;
	s9 =	rddreg [dreg:$0x2];
	[sflag:s31] =	ssyncadd.s32 $0xFFFFFFF0  }
0x1ef: {  	s3 =	sshll.u32 @p1 s9, $0xE;
	s8 =	rddreg [dreg:$0x3]  }
0x1f0: {  	s2 =	sadd.s32 @p1 $0x15C3C, s3;
	s3 =	sshll.u32 @p1 s8, $0x11  }
0x1f1: {  	_ =	sfence.stream.spmem;
	s2 =	sor.u32 @p1 s3, s2  }
0x1f2: {  	[sflag:s2] =	ssyncadd.remote.s32 @p1 $0x1;
	s2 =	simm.s32 @p1 $0x4  }
0x1f3: {  	s4 =	simm.s32 @!p1 $0x3C;
	s3 =	sand.u32 $0xFFFFFFFE, s9;
	_ =	swait.ge @p1 [sflag:s2], $0x82  }
0x1f4: {  	s5 =	simm.s32 @!p1 $0x0;
	s3 =	sadd.s32 @!p1 $0x4, s3;
	[sflag:s2] =	ssyncset.done @p1 $0x0  }
0x1f5: {  	s7 =	simm.s32 @!p1 $0x400;
	[sflag:s2] =	ssyncadd.s32 @p1 $0xFFFFFF7E;
	s2 =	sshll.u32 @!p1 s3, $0x1A  }
0x1f6: {  	s3 =	sshll.u32 @!p1 s3, $0xD;
	s2 =	sor.u32 @!p1 s2, s8;
	_ =	swait.eq @!p1 [sflag:s4], $0x1  }
0x1f7: {  	s3 =	sor.u32 @!p1 $0x1C04, s3;
	s4 =	simm.s32 @!p1 $0x1C03;
	s2 =	sor.u32 @!p1 $0x80004000, s2  }
0x1f8: {  	[spmem:s7], [sflag:s3] =	dma.general @!p1 [spmem:s5], [sflag:s4], length:$0x80, [dreg:$0x0], stride_count:$0x0, ici_dest:s2, dma_misc:DstOpCode:WRITE  }
0x1f9: {  	p2 =	slt.s32 s0, $0x2;
	s5 =	simm.s32 @!p1 $0x800;
	s7 =	simm.s32 @!p1 $0x802  }
0x1fa: {  	[spmem:s7], [sflag:s3] =	dma.general @!p1 [spmem:s5], [sflag:s4], length:$0x2, [dreg:$0x0], stride_count:$0x0, ici_dest:s2, dma_misc:DstOpCode:WRITE  }
.Ltmp42:
0x1fb: {  	s2 =	simm.s32 @!p1 $0x3;
	(pc) =	sbr.rel @p2 .LBB2_58-.Ltmp42, $4  }
0x1fc: {  	s3 =	sshll.u32 @!p1 s9, $0xE;
	_ =	swait.ge @!p1 [sflag:s2], $0x82  }
0x1fd: {  	s4 =	sshll.u32 @!p1 s8, $0x11;
	s3 =	sadd.s32 @!p1 $0x11C3C, s3;
	[sflag:s2] =	ssyncset.done @!p1 $0x0  }
0x1fe: {  	[sflag:s2] =	ssyncadd.s32 @!p1 $0xFFFFFF7E;
	s2 =	sor.u32 @!p1 s4, s3  }
0x1ff: {  	s0 =	simm.s32 $0x0;
	[sflag:s2] =	ssyncadd.remote.s32 @!p1 $0xFFFFFFFF  }
0x200: {  	s0 =	simm.s32 $0xC819  }
0x201: {  	v0 =	vld.msk [tilespmem:s0+$0x0], $0x1;
	_ =	sdelay $0x4  }
0x202: {  	(v2sf) =	vpush v0, $0x0;
	_ =	sdelay $0xe  }
0x203: {  	s2 =	sadd.s32 $0xFFFFFFFE, s6;
	s3 =	spop (v2sf)  }
0x204: {  	s5 =	simm.s32 $0xCA38;
	s4 =	sadd.s32 $0xFFFFFFFF, s2;
	p1 =	sgt.u32 s3, $0x9C270  }
0x205: {  	s0 =	simm.s32 $0x0;
	p2 =	sne.s32 s4, $0x0;
	s2 =	sand.u32 @!p1 $0xFFFF8, s3  }
0x206: {  	s6 =	sadd.s32 @!p1 $0x80, s3;
	s7 =	sadd.s32 @!p1 $0x100, s3;
	s8 =	sadd.s32 @!p1 s1, s2  }
0x207: {  	s2 =	sand.u32 @!p1 $0x7, s3;
	s6 =	sand.u32 @!p1 $0x1FFFF8, s6;
	s7 =	sand.u32 @!p1 $0x1FFFF8, s7  }
0x208: {  	[hbm4b:s8+s2] =	stream.linear.scatter @!p1 [tilespmem:s5], [sflag:$0x5], $0x80, $0x38;
	[tilespmem:$0x1C938] =	vst v63  }
0x209: {  	s5 =	simm.s32 @!p1 $0xCAB8;
	s6 =	sadd.s32 @!p1 s1, s6;
	s7 =	sadd.s32 @!p1 s1, s7  }
.Ltmp43:
0x20a: {  	s8 =	sadd.s32 @!p1 $0x180, s3;
	s3 =	simm.s32 $0x0;
	(pc) =	sbr.rel @!p2 .LBB2_57-.Ltmp43, $4  }
0x20b: {  	[hbm4b:s6+s2] =	stream.linear.scatter @!p1 [tilespmem:s5], [sflag:$0x5], $0x80, $0x38;
	[tilespmem:$0x1C938] =	vst v63  }
0x20c: {  	s3 =	simm.s32 @!p1 $0x800;
	s8 =	sand.u32 @!p1 $0x1FFFF8, s8;
	s6 =	simm.s32 @!p1 $0xCB38  }
0x20d: {  	[hbm4b:s7+s2] =	stream.linear.scatter @!p1 [tilespmem:s6], [sflag:$0x5], $0x80, $0x38;
	[tilespmem:$0x1C938] =	vst v63  }
0x20e: {  	s5 =	simm.s32 $0xC81A;
	s6 =	simm.s32 $0xCC38;
	s7 =	simm.s32 @!p1 $0xCBB8  }
.LBB2_56:
0x20f: {  	s4 =	sadd.s32 $0xFFFFFFFF, s4;
	s8 =	sadd.s32 @!p1 s1, s8;
	s0 =	sadd.s32 s0, s3  }
0x210: {  	[hbm4b:s8+s2] =	stream.linear.scatter @!p1 [tilespmem:s7], [sflag:$0x5], $0x80, $0x38;
	[tilespmem:$0x1C938] =	vst v63  }
0x211: {  	p2 =	sne.s32 s4, $0x0;
	s7 =	smov.u32 s6;
	v0 =	vld.msk [tilespmem:s5+$0x0], $0x1;
	_ =	sdelay $0x4  }
0x212: {  	(v2sf) =	vpush v0, $0x0;
	_ =	sdelay $0xe  }
0x213: {  	s3 =	spop (v2sf)  }
0x214: {  	s6 =	sadd.s32 $0x200, s6;
	s5 =	sadd.s32 $0x1, s5;
	p1 =	sgt.u32 s3, $0x9C270  }
0x215: {  	s2 =	sand.u32 @!p1 $0xFFFF8, s3;
	s8 =	sadd.s32 @!p1 $0x80, s3;
	s9 =	sadd.s32 @!p1 $0x100, s3  }
0x216: {  	s10 =	sadd.s32 @!p1 s1, s2;
	s2 =	sand.u32 @!p1 $0x7, s3;
	s8 =	sand.u32 @!p1 $0x1FFFF8, s8  }
0x217: {  	[hbm4b:s10+s2] =	stream.linear.scatter @!p1 [tilespmem:s7], [sflag:$0x5], $0x80, $0x38;
	[tilespmem:$0x1C938] =	vst v63  }
0x218: {  	s9 =	sand.u32 @!p1 $0x1FFFF8, s9;
	s10 =	sadd.s32 @!p1 $0x80, s7  }
.Ltmp44:
0x219: {  	s8 =	sadd.s32 @!p1 s1, s8;
	s9 =	sadd.s32 @!p1 s1, s9;
	(pc) =	sbr.rel @p2 .LBB2_56-.Ltmp44, $4  }
0x21a: {  	[hbm4b:s8+s2] =	stream.linear.scatter @!p1 [tilespmem:s10], [sflag:$0x5], $0x80, $0x38;
	[tilespmem:$0x1C938] =	vst v63  }
0x21b: {  	s8 =	sadd.s32 @!p1 $0x100, s7;
	s10 =	sadd.s32 @!p1 $0x180, s3;
	s3 =	simm.s32 $0x0  }
0x21c: {  	[hbm4b:s9+s2] =	stream.linear.scatter @!p1 [tilespmem:s8], [sflag:$0x5], $0x80, $0x38;
	[tilespmem:$0x1C938] =	vst v63  }
0x21d: {  	s7 =	sadd.s32 @!p1 $0x180, s7;
	s3 =	simm.s32 @!p1 $0x800;
	s8 =	sand.u32 @!p1 $0x1FFFF8, s10  }
.LBB2_57:
0x21e: {  	s4 =	sadd.s32 @!p1 s1, s8;
	s0 =	sadd.s32 s0, s3  }
0x21f: {  	[hbm4b:s4+s2] =	stream.linear.scatter @!p1 [tilespmem:s7], [sflag:$0x5], $0x80, $0x38;
	[tilespmem:$0x1C938] =	vst v63  }
0x220: {  	s0 =	sshrl.u32 s0, $0x2  }
.LBB2_58:
0x221: {  	s2 =	simm.s32 $0x5  }
0x222: {  	_ =	swait.ge [sflag:s2], s0  }
0x223: {  	s31 =	ssub.s32 $0x0, s0;
	[sflag:s2] =	ssyncset.done $0x0  }
0x224: {  	[sflag:s2] =	ssyncadd.s32 s31  }
0x225: {  	[sflag:s2] =	ssyncpa.u1 $0x1  }
.LBB2_59:
0x226: {  	s0 =	sor.u32 s16, s17  }
0x227: {  	p1 =	sne.s32 s0, $0x0  }
.Ltmp45:
0x228: {  	_ = 	snop;
	(pc) =	sbr.rel @p1 .LBB2_82-.Ltmp45, $3  }
0x229: {  	_ =	sdelay $0x1  }
0x22a: {  	[bflag:$0x0] =	sbarrier.arrive $0xFFFF  }
0x22b: {  	_ =	sfence  }
0x22c: {  	s0 =	simm.s32 $0x7  }
0x22d: {  	s2 =	simm.s32 $0x4000;
	s3 =	simm.s32 $0xC818;
	[sflag:s0] =	ssyncpa.u1 $0x0  }
0x22e: {  	[tilespmem:s3], [sflag:$0x7] =	stream.linear.gather [spmem:s2], $0x20, $0x38;
	[tilespmem:$0x1C938] =	vst v63  }
0x22f: {  	s2 =	simm.s32 $0x0;
	s3 =	simm.s32 $0xC838  }
0x230: {  	[tilespmem:s3], [sflag:$0x7] =	stream.linear.gather [spmem:s2], $0x4000, $0x38;
	[tilespmem:$0x1C938] =	vst v63  }
.Ltmp46:
0x231: {  	_ = 	snop;
	(pc) =	sbr.rel .LBB2_61-.Ltmp46, $4  }
0x232: {  	_ =	swait.ge [sflag:s0], $0x4020  }
0x233: {  	s4 =	simm.s32 $0x8;
	[sflag:s0] =	ssyncset.done $0x0  }
0x234: {  	s5 =	simm.s32 $0xC688;
	s6 =	simm.s32 $0xC708;
	[sflag:s0] =	ssyncadd.s32 $0xFFFFBFE0  }
0x235: {  	s7 =	simm.s32 $0xC788;
	s8 =	simm.s32 $0x0;
	[sflag:s4] =	ssyncpa.u1 $0x0  }
.LBB2_76:
0x236: {  	s8 =	sadd.s32 $0x1, s8  }
0x237: {  	p1 =	sne.s32 s8, $0x20  }
.Ltmp47:
0x238: {  	_ = 	snop;
	(pc) =	sbr.rel @!p1 .LBB2_77-.Ltmp47, $2  }
0x239: {  	_ =	sdelay $0x2  }
0x23a: {  	s3 =	sadd.s32 $0x200, s3  }
.LBB2_61:
0x23b: {  	v0 =	vld.msk [tilespmem:s8+$0xC818], $0x1;
	_ =	sdelay $0x4  }
0x23c: {  	(v2sf) =	vpush v0, $0x0;
	_ =	sdelay $0xe  }
0x23d: {  	s0 =	spop (v2sf)  }
0x23e: {  	p1 =	seq.s32 s0, $0xFFFFFFFF  }
.Ltmp48:
0x23f: {  	_ = 	snop;
	(pc) =	sbr.rel @p1 .LBB2_76-.Ltmp48, $1  }
0x240: {  	_ =	sdelay $0x3  }
0x241: {  	p1 =	slt.s32 s2, $0x1  }
.Ltmp49:
0x242: {  	_ = 	snop;
	(pc) =	sbr.rel @p1 .LBB2_69-.Ltmp49, $1  }
0x243: {  	_ =	sdelay $0x3  }
0x244: {  	s9 =	simm.s32 $0xC818;
	p1 =	por $0x0, $0x0  }
0x245: {  	v1 =	vld.msk @!p1 [tilespmem:s9+$0x0], $0x1;
	_ =	sdelay $0x4  }
0x246: {  	(v2sf) =	vpush @!p1 v1, $0x0;
	_ =	sdelay $0xd  }
0x247: {  	p3 =	sne.s32 s2, $0x1  }
.Ltmp50:
0x248: {  	s10 =	spop @!p1 (v2sf);
	(pc) =	sbr.rel @!p3 .LBB2_65-.Ltmp50, $4  }
0x249: {  	p2 =	seq.s32 @!p1 s0, s10  }
0x24a: {  	s10 =	simm.s32 $0x0;
	p2 =	por !p2, p1  }
0x24b: {  	s12 =	simm.s32 $0xFFFFFFFF;
	s10 =	simm.s32 @p2 $0xFFFFFFFF  }
0x24c: {  	s11 =	simm.s32 $0x1;
	s10 =	smov.u32 @p1 s12  }
.LBB2_64:
0x24d: {  	s12 =	smov.u32 s10;
	p1 =	sne.s32 s10, $0xFFFFFFFF  }
0x24e: {  	s9 =	sadd.s32 $0x1, s9;
	s10 =	smov.u32 s11;
	s11 =	sadd.s32 $0x1, s11  }
0x24f: {  	p2 =	sne.s32 s2, s11;
	v1 =	vld.msk @!p1 [tilespmem:s9+$0x0], $0x1;
	_ =	sdelay $0x4  }
0x250: {  	(v2sf) =	vpush @!p1 v1, $0x0;
	_ =	sdelay $0xe  }
.Ltmp51:
0x251: {  	s13 =	spop @!p1 (v2sf);
	(pc) =	sbr.rel @p2 .LBB2_64-.Ltmp51, $4  }
0x252: {  	p3 =	seq.s32 @!p1 s0, s13  }
0x253: {  	p3 =	por !p3, p1  }
0x254: {  	s10 =	simm.s32 @p3 $0xFFFFFFFF  }
0x255: {  	s10 =	smov.u32 @p1 s12  }
.LBB2_65:
0x256: {  	p1 =	seq.s32 s10, $0xFFFFFFFF  }
.Ltmp52:
0x257: {  	_ = 	snop;
	(pc) =	sbr.rel @p1 .LBB2_69-.Ltmp52, $1  }
0x258: {  	_ =	sdelay $0x3  }
0x259: {  	s0 =	sshll.u32 s10, $0xB  }
0x25a: {  	s0 =	sshra.s32 s0, $0x2  }
0x25b: {  	s9 =	simm.s32 $0x0;
	v0 =	vld [tilespmem:s3+$0x0];
	s10 =	smov.u32 s3;
	s0 =	sadd.s32 $0xC838, s0  }
.LBB2_67:
0x25c: {  	s9 =	sadd.s32 $0x10, s9  }
0x25d: {  	p1 =	slt.u32 s9, $0x1F0  }
.Ltmp53:
0x25e: {  	_ = 	snop;
	(pc) =	sbr.rel @p1 .LBB2_67-.Ltmp53, $3  }
0x25f: {  	_ =	sdelay $0x1  }
0x260: {  	s10 =	sadd.s32 $0x10, s10;
	[tilespmem:s0+$0x0] =	vst.add.f32.msk $0xffff, v0;
	s0 =	sadd.s32 $0x10, s0  }
0x261: {  	v0 =	vld [tilespmem:s10+$0x0]  }
.Ltmp54:
0x262: {  	_ = 	snop;
	(pc) =	sbr.rel .LBB2_76-.Ltmp54, $2  }
0x263: {  	_ =	sdelay $0x2  }
0x264: {  	[tilespmem:s0+$0x0] =	vst.add.f32.msk $0xffff, v0  }
.LBB2_69:
0x265: {  	p1 =	sgt.u32 s0, $0x9C270  }
.Ltmp55:
0x266: {  	_ = 	snop;
	(pc) =	sbr.rel @p1 .LBB2_73-.Ltmp55, $1  }
0x267: {  	_ =	sdelay $0x3  }
0x268: {  	s9 =	sand.u32 $0xFFFF8, s0;
	s11 =	sand.u32 $0x7, s0  }
0x269: {  	s29 =	sadd.s32 $0x80, s0;
	s10 =	sadd.s32 s1, s9;
	s9 =	simm.s32 $0xC608  }
0x26a: {  	[tilespmem:s9], [sflag:$0x8] =	stream.linear.gather [hbm4b:s10+s11], $0x80, $0x38;
	[tilespmem:$0x1C938] =	vst v63  }
0x26b: {  	s10 =	sand.u32 $0x1FFFF8, s29  }
0x26c: {  	s30 =	sadd.s32 $0x100, s0;
	s10 =	sadd.s32 s1, s10  }
0x26d: {  	[tilespmem:s5], [sflag:$0x8] =	stream.linear.gather [hbm4b:s10+s11], $0x80, $0x38;
	[tilespmem:$0x1C938] =	vst v63  }
0x26e: {  	s31 =	sadd.s32 $0x180, s0;
	s10 =	sand.u32 $0x1FFFF8, s30  }
0x26f: {  	s0 =	sand.u32 $0x1FFFF8, s31;
	s10 =	sadd.s32 s1, s10  }
0x270: {  	[tilespmem:s6], [sflag:$0x8] =	stream.linear.gather [hbm4b:s10+s11], $0x80, $0x38;
	[tilespmem:$0x1C938] =	vst v63  }
0x271: {  	s0 =	sadd.s32 s1, s0  }
0x272: {  	[tilespmem:s7], [sflag:$0x8] =	stream.linear.gather [hbm4b:s0+s11], $0x80, $0x38;
	[tilespmem:$0x1C938] =	vst v63  }
0x273: {  	_ =	swait.ge [sflag:s4], $0x200  }
0x274: {  	[sflag:s4] =	ssyncset.done $0x0  }
0x275: {  	[sflag:s4] =	ssyncadd.s32 $0xFFFFFE00  }
0x276: {  	s10 =	smov.u32 s3;
	s0 =	simm.s32 $0x0;
	v1 =	vld [tilespmem:s9+$0x0]  }
.LBB2_71:
0x277: {  	s0 =	sadd.s32 $0x10, s0  }
0x278: {  	p1 =	slt.u32 s0, $0x1F0  }
.Ltmp56:
0x279: {  	_ = 	snop;
	(pc) =	sbr.rel @p1 .LBB2_71-.Ltmp56, $3  }
0x27a: {  	_ =	sdelay $0x1  }
0x27b: {  	s9 =	sadd.s32 $0x10, s9;
	[tilespmem:s10+$0x0] =	vst.add.f32.msk $0xffff, v1;
	s10 =	sadd.s32 $0x10, s10  }
0x27c: {  	v1 =	vld [tilespmem:s9+$0x0]  }
0x27d: {  	_ =	sdelay $0x3  }
0x27e: {  	[tilespmem:s10+$0x0] =	vst.add.f32.msk $0xffff, v1  }
.LBB2_73:
0x27f: {  	s0 =	sshll.u32 s2, $0xB  }
0x280: {  	[tilespmem:s2+$0xC818] =	vst.msk $0x1, v0;
	s0 =	sshra.s32 s0, $0x2  }
0x281: {  	s9 =	simm.s32 $0x0;
	s10 =	smov.u32 s3;
	v0 =	vld [tilespmem:s3+$0x0];
	s0 =	sadd.s32 $0xC838, s0  }
.LBB2_74:
0x282: {  	s9 =	sadd.s32 $0x10, s9  }
0x283: {  	p1 =	slt.u32 s9, $0x1F0  }
.Ltmp57:
0x284: {  	_ = 	snop;
	(pc) =	sbr.rel @p1 .LBB2_74-.Ltmp57, $3  }
0x285: {  	_ =	sdelay $0x1  }
0x286: {  	s10 =	sadd.s32 $0x10, s10;
	[tilespmem:s0+$0x0] =	vst v0;
	s0 =	sadd.s32 $0x10, s0  }
0x287: {  	v0 =	vld [tilespmem:s10+$0x0]  }
.Ltmp58:
0x288: {  	_ = 	snop;
	(pc) =	sbr.rel .LBB2_76-.Ltmp58, $2  }
0x289: {  	_ =	sdelay $0x2  }
0x28a: {  	s2 =	sadd.s32 $0x1, s2;
	[tilespmem:s0+$0x0] =	vst v0  }
.LBB2_77:
0x28b: {  	p1 =	slt.s32 s2, $0x1  }
.Ltmp59:
0x28c: {  	_ = 	snop;
	(pc) =	sbr.rel @p1 .LBB2_81-.Ltmp59, $3  }
0x28d: {  	_ =	sdelay $0x1  }
0x28e: {  	s0 =	simm.s32 $0x8  }
0x28f: {  	[sflag:s0] =	ssyncpa.u1 $0x1;
	s0 =	simm.s32 $0x0  }
0x290: {  	s3 =	simm.s32 $0xC818  }
0x291: {  	v0 =	vld.msk [tilespmem:s3+$0x0], $0x1;
	_ =	sdelay $0x4  }
0x292: {  	(v2sf) =	vpush v0, $0x0;
	_ =	sdelay $0xe  }
0x293: {  	s7 =	spop (v2sf)  }
0x294: {  	s2 =	sadd.s32 $0xFFFFFFFF, s2;
	p1 =	sgt.u32 s7, $0x9C270  }
0x295: {  	s3 =	simm.s32 $0xC838;
	s4 =	sand.u32 @!p1 $0xFFFF8, s7;
	s8 =	sadd.s32 @!p1 $0x80, s7  }
0x296: {  	s5 =	sand.u32 @!p1 $0x7, s7;
	s4 =	sadd.s32 @!p1 s1, s4;
	s8 =	sand.u32 @!p1 $0x1FFFF8, s8  }
0x297: {  	[hbm4b:s4+s5] =	stream.linear.scatter @!p1 [tilespmem:s3], [sflag:$0x7], $0x80, $0x38;
	[tilespmem:$0x1C938] =	vst v63  }
0x298: {  	p2 =	sne.s32 s2, $0x0;
	s3 =	simm.s32 @!p1 $0xC8B8;
	s4 =	sadd.s32 @!p1 s1, s8  }
0x299: {  	[hbm4b:s4+s5] =	stream.linear.scatter @!p1 [tilespmem:s3], [sflag:$0x7], $0x80, $0x38;
	[tilespmem:$0x1C938] =	vst v63  }
.Ltmp60:
0x29a: {  	s6 =	simm.s32 $0x0;
	s9 =	sadd.s32 @!p1 $0x100, s7;
	(pc) =	sbr.rel @!p2 .LBB2_80-.Ltmp60, $4  }
0x29b: {  	s6 =	simm.s32 @!p1 $0x800;
	s8 =	sand.u32 @!p1 $0x1FFFF8, s9;
	s3 =	simm.s32 @!p1 $0xC938  }
0x29c: {  	s4 =	sadd.s32 @!p1 s1, s8;
	s8 =	sadd.s32 @!p1 $0x180, s7;
	s7 =	simm.s32 @!p1 $0xC9B8  }
0x29d: {  	[hbm4b:s4+s5] =	stream.linear.scatter @!p1 [tilespmem:s3], [sflag:$0x7], $0x80, $0x38;
	[tilespmem:$0x1C938] =	vst v63  }
0x29e: {  	s8 =	sand.u32 @!p1 $0x1FFFF8, s8;
	s3 =	simm.s32 $0xC819;
	s4 =	simm.s32 $0xCA38  }
.LBB2_79:
0x29f: {  	s2 =	sadd.s32 $0xFFFFFFFF, s2;
	s8 =	sadd.s32 @!p1 s1, s8;
	s0 =	sadd.s32 s0, s6  }
0x2a0: {  	[hbm4b:s8+s5] =	stream.linear.scatter @!p1 [tilespmem:s7], [sflag:$0x7], $0x80, $0x38;
	[tilespmem:$0x1C938] =	vst v63  }
0x2a1: {  	p2 =	sne.s32 s2, $0x0;
	s7 =	smov.u32 s4;
	v0 =	vld.msk [tilespmem:s3+$0x0], $0x1;
	_ =	sdelay $0x4  }
0x2a2: {  	(v2sf) =	vpush v0, $0x0;
	_ =	sdelay $0xe  }
0x2a3: {  	s6 =	spop (v2sf)  }
0x2a4: {  	s4 =	sadd.s32 $0x200, s4;
	s3 =	sadd.s32 $0x1, s3;
	p1 =	sgt.u32 s6, $0x9C270  }
0x2a5: {  	s5 =	sand.u32 @!p1 $0xFFFF8, s6;
	s8 =	sadd.s32 @!p1 $0x80, s6;
	s9 =	sadd.s32 @!p1 $0x100, s6  }
0x2a6: {  	s10 =	sadd.s32 @!p1 s1, s5;
	s5 =	sand.u32 @!p1 $0x7, s6;
	s8 =	sand.u32 @!p1 $0x1FFFF8, s8  }
0x2a7: {  	[hbm4b:s10+s5] =	stream.linear.scatter @!p1 [tilespmem:s7], [sflag:$0x7], $0x80, $0x38;
	[tilespmem:$0x1C938] =	vst v63  }
0x2a8: {  	s9 =	sand.u32 @!p1 $0x1FFFF8, s9;
	s10 =	sadd.s32 @!p1 $0x80, s7  }
.Ltmp61:
0x2a9: {  	s8 =	sadd.s32 @!p1 s1, s8;
	s9 =	sadd.s32 @!p1 s1, s9;
	(pc) =	sbr.rel @p2 .LBB2_79-.Ltmp61, $4  }
0x2aa: {  	[hbm4b:s8+s5] =	stream.linear.scatter @!p1 [tilespmem:s10], [sflag:$0x7], $0x80, $0x38;
	[tilespmem:$0x1C938] =	vst v63  }
0x2ab: {  	s8 =	sadd.s32 @!p1 $0x100, s7;
	s10 =	sadd.s32 @!p1 $0x180, s6;
	s6 =	simm.s32 $0x0  }
0x2ac: {  	[hbm4b:s9+s5] =	stream.linear.scatter @!p1 [tilespmem:s8], [sflag:$0x7], $0x80, $0x38;
	[tilespmem:$0x1C938] =	vst v63  }
0x2ad: {  	s7 =	sadd.s32 @!p1 $0x180, s7;
	s6 =	simm.s32 @!p1 $0x800;
	s8 =	sand.u32 @!p1 $0x1FFFF8, s10  }
.LBB2_80:
0x2ae: {  	s1 =	sadd.s32 @!p1 s1, s8;
	s0 =	sadd.s32 s0, s6  }
0x2af: {  	[hbm4b:s1+s5] =	stream.linear.scatter @!p1 [tilespmem:s7], [sflag:$0x7], $0x80, $0x38;
	[tilespmem:$0x1C938] =	vst v63  }
0x2b0: {  	s0 =	sshrl.u32 s0, $0x2  }
.LBB2_81:
0x2b1: {  	s1 =	simm.s32 $0x7  }
0x2b2: {  	_ =	swait.ge [sflag:s1], s0  }
0x2b3: {  	s31 =	ssub.s32 $0x0, s0;
	[sflag:s1] =	ssyncset.done $0x0  }
0x2b4: {  	[sflag:s1] =	ssyncadd.s32 s31  }
0x2b5: {  	[sflag:s1] =	ssyncpa.u1 $0x1  }
.LBB2_82:
0x2b6: {  	_ =	sfence;
	s0 =	simm.s32 $0x1  }
0x2b7: {  	[sflag:s0] =	ssyncpa.u1 $0x1  }
0x2b8: {  	_ =	strace $0x9000004A  }
0x2b9: {  	[bflag:$0x2] =	sbarrier.arrive $0xFFFF  }
0x2ba: {  	s0 =	rddreg [dreg:$0x4]  }
0x2bb: {  	s0 =	sadd.s32 @!p0 $0x100000, s0  }
0x2bc: {  	[sflag:s0] =	ssyncadd.tile.s32 @!p0 $0x1;
	_ =	shalt  }
.Lfunc_end2:
_tile_overlayer_lowered:
.L_overlay_start_2:
0x2bd: {  	(tag) =	ssettag $0x2  }
0x2be: {  	s0 =	rddreg [dreg:$0x0];
	s2 =	stileid.u32  }
0x2bf: {  	s1 =	rddreg [dreg:$0x1];
	p0 =	sne.s32 s2, $0x0  }
0x2c0: {  	s3 =	rddreg [dreg:$0x2];
	[bflag:$0x3] =	sbarrier.arrive $0xFFFF;
	s2 =	simm.s32 @!p0 $0x1C01  }
0x2c1: {  	[timem:s3], [sflag:s2] =	dma.local @!p0 [hbm:s0], s1  }
0x2c2: {  	s0 =	simm.s32 @!p0 $0x1  }
0x2c3: {  	_ =	swait.ge @!p0 [sflag:s0], s1  }
0x2c4: {  	s1 =	ssub.s32 @!p0 $0x0, s1;
	[sflag:s0] =	ssyncset.done @!p0 $0x0  }
0x2c5: {  	[sflag:s0] =	ssyncadd.s32 @!p0 s1  }
0x2c6: {  	[bflag:$0x3] =	sbarrier.arrive $0xFFFF  }
0x2c7: {  	_ =	shalt  }

// kernel: scatter_offload_async_start
scs
__scs_entry_jumppad:
0x0: {  	(pc) =	sbr.rel $0x88, $3  }
0x1: {  	(tag) =	ssettag $0x0;
	lr =	simm.s32 $0x1  }
0x2: {  	[smem:$0x3F77] =	sst lr;
	_ =	strace $0xD0000000  }
0x3: {  	_ = 	snop  }
0x4: {  	_ = 	snop  }
0x5: {  	_ = 	snop  }
0x6: {  	_ = 	snop  }
0x7: {  	_ = 	snop  }
__scs_overlays_trampoline_lowered:
0x8: {  	[smem:$0x3F86] =	sst s0  }
0x9: {  	[smem:$0x3F87] =	sst s1  }
0xa: {  	[smem:$0x3F88] =	sst s2  }
0xb: {  	[smem:$0x3F89] =	sst s3  }
0xc: {  	[smem:$0x3F8A] =	sst s4  }
0xd: {  	[smem:$0x3F8B] =	sst s5  }
0xe: {  	[smem:$0x3F8C] =	sst s6  }
0xf: {  	[smem:$0x3F8D] =	sst s7  }
0x10: {  	[smem:$0x3F8E] =	sst s8  }
0x11: {  	[smem:$0x3F8F] =	sst s9;
	s0 =	simm.s32 @!p0 $0x0  }
0x12: {  	s1 =	sld [smem:$0x3F75];
	s0 =	simm.s32 @p0 $0x1  }
0x13: {  	[smem:$0x3F90] =	sst s0;
	s0 =	simm.s32 @!p1 $0x0  }
0x14: {  	s2 =	sld [smem:$0x3F74];
	s0 =	simm.s32 @p1 $0x1  }
0x15: {  	[smem:$0x3F91] =	sst s0;
	s0 =	simm.s32 @!p2 $0x0  }
0x16: {  	s3 =	sld [smem:$0x3FDB];
	s0 =	simm.s32 @p2 $0x1  }
0x17: {  	s4 =	simm.s32 $0x1BF5;
	[smem:$0x3F93] =	sst s0  }
0x18: {  	s0 =	sld [smem:$0x3F76];
	_ =	swait.ge [sflag:s4], $0x0  }
0x19: {  	s7 =	sld [smem:$0x3F77]  }
0x1a: {  	s8 =	sadd.s32 $0xFFFFE003, lr  }
0x1b: {  	s9 =	sadd.s32 $0xFFFFFEF7, lr;
	s5 =	simm.s32 $0xFFFFFFFF;
	p2 =	slt.u32 s8, $0xFFFFF086  }
0x1c: {  	p1 =	slt.u32 s9, $0xF7A;
	s5 =	simm.s32 @!p2 $0x0  }
0x1d: {  	s5 =	simm.s32 @p1 $0x1;
	p0 =	seq.s32 s7, s2  }
0x1e: {  	s7 =	smul.u32 @!p0 $0xF7A, s2;
	p2 =	seq.s32 @!p0 s5, $0x0  }
0x1f: {  	s9 =	smul.u32 $0xF7A, s1;
	s8 =	simm.s32 @!p0 $0x1BF5;
	p2 =	por !p2, p0  }
0x20: {  	[sflag:s8] =	ssyncset.s32 @!p0 $0xFFFFF086;
	s6 =	sadd.s32 @!p0 s3, s7;
	s7 =	simm.s32 @!p0 $0x108  }
0x21: {  	s3 =	sadd.s32 s3, s9;
	s6 =	sadd.s32 @!p0 $0x88, s6;
	s7 =	simm.s32 @p2 $0x1082  }
0x22: {  	[simem:s7], [sflag:s8] =	dma.local @!p0 [hbm:s6], $0xF7A  }
0x23: {  	s9 =	sor.u32 $0xD0000000, s2;
	s6 =	simm.s32 $0x108;
	_ =	swait.ge @!p0 [sflag:s8], $0x0  }
0x24: {  	s3 =	sadd.s32 $0x88, s3;
	s6 =	simm.s32 @!p1 $0x1082;
	[sflag:s4] =	ssyncset.s32 $0xFFFFF086  }
0x25: {  	[simem:s6], [sflag:s4] =	dma.local [hbm:s3], $0xF7A  }
0x26: {  	[smem:$0x3F77] =	sst s1;
	(tag) =	ssettag s2;
	_ =	strace s9  }
0x27: {  	s1 =	sld [smem:$0x3F87]  }
0x28: {  	s2 =	sld [smem:$0x3F88]  }
0x29: {  	s4 =	sld [smem:$0x3F8A]  }
0x2a: {  	p0 =	seq.s32 s5, $0x0;
	s5 =	sld [smem:$0x3F8B]  }
0x2b: {  	s6 =	sld [smem:$0x3F8C]  }
0x2c: {  	s7 =	sld [smem:$0x3F8D]  }
0x2d: {  	s3 =	simm.s32 $0x108;
	s8 =	sld [smem:$0x3F8E]  }
0x2e: {  	s3 =	simm.s32 @!p0 $0x1082;
	s9 =	sld [smem:$0x3F8F]  }
0x2f: {  	lr =	sadd.s32 s0, s3;
	s0 =	sld [smem:$0x3F86]  }
0x30: {  	s3 =	sld [smem:$0x3F89]  }
0x31: {  	[smem:$0x3F92] =	sst s10  }
0x32: {  	s10 =	sld [smem:$0x3F90];
	_ =	sdelay $0x3  }
0x33: {  	p0 =	seq.s32 s10, $0x1;
	s10 =	sld [smem:$0x3F92];
	_ =	sdelay $0x3  }
0x34: {  	[smem:$0x3F92] =	sst s10  }
0x35: {  	s10 =	sld [smem:$0x3F91];
	_ =	sdelay $0x3  }
0x36: {  	p1 =	seq.s32 s10, $0x1;
	s10 =	sld [smem:$0x3F92];
	_ =	sdelay $0x3  }
0x37: {  	[smem:$0x3F92] =	sst s10  }
0x38: {  	s10 =	sld [smem:$0x3F93]  }
0x39: {  	_ = 	snop;
	(pc) =	sbr.ind lr, $3  }
0x3a: {  	_ = 	snop  }
0x3b: {  	_ = 	snop  }
0x3c: {  	p2 =	seq.s32 s10, $0x1;
	s10 =	sld [smem:$0x3F92]  }
0x3d: {  	_ =	shalt  }
0x3e: {  	_ =	shalt  }
0x3f: {  	_ =	shalt  }
0x40: {  	_ =	shalt  }
0x41: {  	_ =	shalt  }
0x42: {  	_ =	shalt  }
0x43: {  	_ =	shalt  }
0x44: {  	_ =	shalt  }
0x45: {  	_ =	shalt  }
0x46: {  	_ =	shalt  }
0x47: {  	_ =	shalt  }
0x48: {  	_ =	shalt  }
0x49: {  	_ =	shalt  }
0x4a: {  	_ =	shalt  }
0x4b: {  	_ =	shalt  }
0x4c: {  	_ =	shalt  }
0x4d: {  	_ =	shalt  }
0x4e: {  	_ =	shalt  }
0x4f: {  	_ =	shalt  }
0x50: {  	_ =	shalt  }
0x51: {  	_ =	shalt  }
0x52: {  	_ =	shalt  }
0x53: {  	_ =	shalt  }
0x54: {  	_ =	shalt  }
0x55: {  	_ =	shalt  }
0x56: {  	_ =	shalt  }
0x57: {  	_ =	shalt  }
0x58: {  	_ =	shalt  }
0x59: {  	_ =	shalt  }
0x5a: {  	_ =	shalt  }
0x5b: {  	_ =	shalt  }
0x5c: {  	_ =	shalt  }
0x5d: {  	_ =	shalt  }
0x5e: {  	_ =	shalt  }
0x5f: {  	_ =	shalt  }
0x60: {  	_ =	shalt  }
0x61: {  	_ =	shalt  }
0x62: {  	_ =	shalt  }
0x63: {  	_ =	shalt  }
0x64: {  	_ =	shalt  }
0x65: {  	_ =	shalt  }
0x66: {  	_ =	shalt  }
0x67: {  	_ =	shalt  }
0x68: {  	_ =	shalt  }
0x69: {  	_ =	shalt  }
0x6a: {  	_ =	shalt  }
0x6b: {  	_ =	shalt  }
0x6c: {  	_ =	shalt  }
0x6d: {  	_ =	shalt  }
0x6e: {  	_ =	shalt  }
0x6f: {  	_ =	shalt  }
0x70: {  	_ =	shalt  }
0x71: {  	_ =	shalt  }
0x72: {  	_ =	shalt  }
0x73: {  	_ =	shalt  }
0x74: {  	_ =	shalt  }
0x75: {  	_ =	shalt  }
0x76: {  	_ =	shalt  }
0x77: {  	_ =	shalt  }
0x78: {  	_ =	shalt  }
0x79: {  	_ =	shalt  }
0x7a: {  	_ =	shalt  }
0x7b: {  	_ =	shalt  }
0x7c: {  	_ =	shalt  }
0x7d: {  	_ =	shalt  }
0x7e: {  	_ =	shalt  }
0x7f: {  	_ =	shalt  }
0x80: {  	_ =	shalt  }
0x81: {  	_ =	shalt  }
0x82: {  	_ =	shalt  }
0x83: {  	_ =	shalt  }
0x84: {  	_ =	shalt  }
0x85: {  	_ =	shalt  }
0x86: {  	_ =	shalt  }
0x87: {  	_ =	shalt  }
.Lfunc_end0:
.L_simem_size_0:
called_computation_lowered:
.L_overlay_start_0:
0x88: {  	s2 =	sld [smem:$0x3FD9]  }
0x89: {  	s3 =	sld [smem:$0x3FFE];
	_ =	sdelay $0x1  }
0x8a: {  	s1 =	srdreg.scid  }
0x8b: {  	s0 =	sand.u32 $0x1, s1  }
0x8c: {  	s16 =	sshll.u32 s0, $0xA;
	s2 =	sadd.s32 s3, s2  }
0x8d: {  	s2 =	sadd.s32 s2, s16  }
0x8e: {  	[smem:$0x3F9E] =	sst s2  }
0x8f: {  	_ = 	snop  }
0x90: {  	s2 =	sld [smem:$0x3FD0];
	(tm) =	ssettm $0x1  }
0x91: {  	s17 =	sld [smem:$0x3FFB];
	_ =	sdelay $0x3  }
0x92: {  	_ =	strace s17  }
0x93: {  	s3 =	sld [smem:$0x3FFC];
	_ =	sdelay $0x3  }
0x94: {  	_ =	strace s3  }
0x95: {  	s3 =	sld [smem:$0x3FFD];
	_ =	sdelay $0x3  }
0x96: {  	_ =	strace s3  }
0x97: {  	_ =	strace $0x8FFFFFFF  }
0x98: {  	s18 =	sld [smem:$0x3FDB];
	_ =	sdelay $0x1  }
0x99: {  	s4 =	simm.s32 $_scs_section_size  }
0x9a: {  	s5 =	simm.s32 $_size__tile_overlayer_lowered;
	s6 =	simm.s32 $_tile_overlayer_lowered  }
0x9b: {  	s21 =	simm.s32 $0x1BFF;
	s20 =	sshll.u32 s6, $0x1;
	s3 =	sadd.s32 s4, s18  }
0x9c: {  	s7 =	simm.s32 $0x0;
	s19 =	sshll.u32 s5, $0x1;
	s5 =	sadd.s32 s20, s3  }
0x9d: {  	[timem:s7], [sflag:s21] =	dma.local [hbm:s5], s19  }
0x9e: {  	_ =	swait.ge [sflag:s21], s19  }
0x9f: {  	s4 =	ssub.s32 $0x0, s19;
	[sflag:s21] =	ssyncset.done $0x0  }
0xa0: {  	[sflag:s21] =	ssyncadd.s32 s4;
	_ =	sdelay $0x1  }
0xa1: {  	s22 =	simm.s32 $0x1B8B  }
0xa2: {  	_ =	swait.ge [sflag:s22], $0x1  }
0xa3: {  	[sflag:s22] =	ssyncset.done $0x0  }
0xa4: {  	s23 =	sld [smem:$0x3FFE];
	[sflag:s22] =	ssyncadd.s32 $0xFFFFFFFF  }
0xa5: {  	s25 =	simm.s32 $0x1B8E;
	s24 =	sld [smem:$0x0]  }
0xa6: {  	s26 =	simm.s32 $execute0_lowered;
	[smem:$0x3FD2] =	sst s25  }
0xa7: {  	s6 =	sshll.u32 s26, $0x1;
	_ =	strace $0x80000046;
	[dreg:$0x1] =	wrdreg $0xFFFFFFFF  }
0xa8: {  	s28 =	simm.s32 $_size_execute0_lowered;
	s3 =	sadd.s32 s3, s6;
	[dreg:$0x0] =	wrdreg $0x0  }
0xa9: {  	s6 =	sshll.u32 s28, $0x1;
	[dreg:$0x2] =	wrdreg s3  }
0xaa: {  	[dreg:$0x3] =	wrdreg s6  }
0xab: {  	[dreg:$0x4] =	wrdreg $0xC0  }
0xac: {  	_ =	task [dreg:s7], $0x5FFFF  }
0xad: {  	[dreg:$0x1] =	wrdreg $0xFFFFFFFF  }
0xae: {  	[dreg:$0x0] =	wrdreg $0x60  }
0xaf: {  	[dreg:$0x2] =	wrdreg s2  }
0xb0: {  	[dreg:$0x3] =	wrdreg s23  }
0xb1: {  	[dreg:$0x4] =	wrdreg s1  }
0xb2: {  	[dreg:$0x5] =	wrdreg s24  }
0xb3: {  	[dreg:$0x6] =	wrdreg $0x9  }
0xb4: {  	_ =	task.clear_ibuf [dreg:s7], $0x7FFFF;
	_ =	strace $0x90000046  }
0xb5: {  	s29 =	simm.s32 $0x9;
	_ =	strace $0x80000048  }
0xb6: {  	_ =	swait.ge [sflag:s29], $0x1  }
0xb7: {  	[sflag:s29] =	ssyncadd.s32 $0xFFFFFFFF  }
0xb8: {  	_ =	strace $0x90000048  }
0xb9: {  	_ =	sfence  }
0xba: {  	s30 =	sld [smem:$0x0];
	_ =	sdelay $0x2  }
0xbb: {  	s31 =	sshll.u32 s1, $0xD;
	s1 =	sshrl.u32 s1, $0x2  }
0xbc: {  	s3 =	sand.u32 $0x4000, s31;
	s1 =	sadd.s32 s1, s30  }
0xbd: {  	s0 =	sor.u32 s3, s0;
	s1 =	sshll.u32 s1, $0x11  }
0xbe: {  	s0 =	sor.u32 s1, s0  }
0xbf: {  	s0 =	sadd.s32 $0x8F2B, s0  }
0xc0: {  	[sflag:s0] =	ssyncadd.remote.s32 $0x1  }
0xc1: {  	_ =	sfence.sel $0xFFFF  }
0xc2: {  	[dreg:$0x0] =	wrdreg $0xFFFFFFFF;
	(pc) =	sbr.abs _section_cstart, $3  }
0xc3: {  	[dreg:$0x1] =	wrdreg $0xFFFFFFFF  }
0xc4: {  	_ =	task.clear_ibuf [dreg:s7], $0x2FFFF;
	_ =	strace $0x9FFFFFFF  }
0xc5: {  	(tm) =	ssettm $0x7FFFFFFF  }
tec
execute0_lowered:
.L_overlay_start_1:
0x0: {  	(tag) =	ssettag $0x1  }
0x1: {  	s1 =	rddreg [dreg:$0x0]  }
0x2: {  	s2 =	rddreg [dreg:$0x1]  }
0x3: {  	s3 =	rddreg [dreg:$0x2];
	_ =	strace $0x80000047;
	s0 =	simm.s32 $0x1  }
0x4: {  	s5 =	simm.s32 $0x208;
	v0 =	vimm.s32 $0x0;
	[sflag:s0] =	ssyncpa.u1 $0x0  }
0x5: {  	[tilespmem:s5+$0x70] =	vst v0  }
0x6: {  	[tilespmem:s5+$0x60] =	vst v0  }
0x7: {  	[tilespmem:s5+$0x50] =	vst v0  }
0x8: {  	[tilespmem:s5+$0x40] =	vst v0  }
0x9: {  	[tilespmem:s5+$0x30] =	vst v0  }
0xa: {  	s0 =	sadd.s32 $0xF000, s2;
	s6 =	sadd.s32 $0x19000, s2;
	[tilespmem:s5+$0x20] =	vst v0  }
0xb: {  	s4 =	sadd.s32 $0x14000, s2;
	s10 =	sand.u32 $0x1, s3;
	s2 =	simm.s32 $0x40;
	[tilespmem:s5+$0x10] =	vst v0  }
.LBB2_1:
0xc: {  	s2 =	sadd.s32 $0x40, s2;
	[tilespmem:s5+$0x0] =	vst v0;
	s5 =	sadd.s32 $0x80, s5  }
0xd: {  	p0 =	slt.u32 s2, $0x3880;
	[tilespmem:s5+$0x70] =	vst v0  }
0xe: {  	[tilespmem:s5+$0x60] =	vst v0  }
.Ltmp0:
0xf: {  	[tilespmem:s5+$0x50] =	vst v0;
	(pc) =	sbr.rel @p0 .LBB2_1-.Ltmp0, $4  }
0x10: {  	[tilespmem:s5+$0x40] =	vst v0  }
0x11: {  	[tilespmem:s5+$0x30] =	vst v0  }
0x12: {  	[tilespmem:s5+$0x20] =	vst v0  }
0x13: {  	[tilespmem:s5+$0x10] =	vst v0  }
0x14: {  	s11 =	stileid.u32  }
0x15: {  	s2 =	smul.u32 $0x2C, s11  }
0x16: {  	s3 =	smin.u32 s11, $0xB  }
0x17: {  	s2 =	sadd.s32 s3, s2  }
0x18: {  	p0 =	slt.u32 s11, $0xB;
	s20 =	smul.u32 $0x70, s2;
	s2 =	simm.s32 $0x13B0  }
0x19: {  	s2 =	simm.s32 @!p0 $0x1340  }
0x1a: {  	s2 =	sadd.s32 s2, s20  }
0x1b: {  	s8 =	smin.u32 s2, $0x13880  }
0x1c: {  	s26 =	simm.s32 $0x2;
	s2 =	ssub.s32 s8, s20  }
0x1d: {  	s9 =	simm.s32 $0x9;
	s29 =	simm.s32 $0xA;
	p0 =	sgt.s32 s2, $0x0  }
0x1e: {  	s30 =	simm.s32 $0xB;
	s31 =	smul.u32 $0x2710, s10;
	s2 =	simm.s32 @!p0 $0x0  }
0x1f: {  	[dreg:$0x5] =	wrdreg s10;
	s12 =	simm.s32 $0x1;
	s25 =	smulhi.u32 $0x92492493, s2  }
0x20: {  	s24 =	simm.s32 $0x0;
	p1 =	por $0x0, $0x0;
	s18 =	simm.s32 $0x80  }
0x21: {  	s19 =	simm.s32 $0x400;
	s17 =	simm.s32 $0xC;
	s3 =	sshrl.u32 s25, $0x6  }
0x22: {  	s21 =	simm.s32 $0x0;
	s23 =	simm.s32 $0x0;
	s28 =	smul.u32 $0x70, s3  }
.Ltmp1:
0x23: {  	[tilespmem:s5+$0x0] =	vst v0;
	v0 =	vimm.s32 $0xFFFFFFFF;
	[sflag:s26] =	ssyncpa.u1 $0x0;
	s16 =	sshll.u32 s11, $0x9;
	(pc) =	sbr.rel .LBB2_3-.Ltmp1, $4  }
0x24: {  	[tilespmem:$0xE408] =	vst v0;
	[sflag:s9] =	ssyncpa.u1 $0x0;
	p0 =	sne.s32 s2, s28;
	s2 =	simm.s32 $0x1  }
0x25: {  	s14 =	sadd.s32 s31, s4;
	[sflag:s29] =	ssyncpa.u1 $0x0;
	s2 =	simm.s32 @!p0 $0x0  }
0x26: {  	s15 =	sadd.s32 s31, s0;
	[sflag:s30] =	ssyncpa.u1 $0x0;
	s13 =	sadd.s32 s2, s3  }
0x27: {  	v0 =	vlaneseq.u32;
	s22 =	smov.u32 s20;
	p0 =	por $0x1, $0x1;
	s11 =	sadd.s32 $0x1, s13  }
.LBB2_24:
0x28: {  	s2 =	sshrl.u32 s4, $0x2  }
.LBB2_26:
0x29: {  	_ =	swait.ge [sflag:s17], s2  }
0x2a: {  	s31 =	ssub.s32 $0x0, s2;
	v1 =	vmov s26;
	vm0 =	veq.s32 v0, $0x0;
	[sflag:s17] =	ssyncset.done $0x0  }
0x2b: {  	vm15 =	veq.s32 v0, $0x2;
	v1 =	vsel vm0, s0, v1;
	[sflag:s17] =	ssyncadd.s32 s31  }
0x2c: {  	v1 =	vsel vm15, s24, v1;
	[sflag:s17] =	ssyncpa.u1 $0x1  }
0x2d: {  	[tilespmem:$0xE408] =	vst v1  }
.LBB2_27:
0x2e: {  	s0 =	sadd.s32 $0x70, s22  }
0x2f: {  	s2 =	smov.u32 s20;
	p2 =	slt.s32 s0, s8  }
0x30: {  	s2 =	smov.u32 @p2 s0;
	p2 =	sne.s32 s23, s11  }
.Ltmp2:
0x31: {  	_ = 	snop;
	(pc) =	sbr.rel @!p2 .LBB2_28-.Ltmp2, $4  }
0x32: {  	_ = 	snop  }
0x33: {  	s24 =	smov.u32 s21  }
0x34: {  	s31 =	sadd.s32 $0x1, s23;
	s21 =	smov.u32 s22;
	p0 =	por !p0, !p0  }
0x35: {  	p1 =	por !p1, !p1;
	s23 =	smov.u32 s31;
	s22 =	smov.u32 s2  }
.LBB2_3:
0x36: {  	p2 =	sge.u32 s23, s13  }
0x37: {  	s0 =	smulhi.u32 @!p2 $0xAAAAAAAB, s23  }
0x38: {  	s2 =	smov.u32 s22;
	p3 =	sgt.s32 @!p2 s22, $0x13810  }
0x39: {  	s3 =	sshra.s32 @!p2 s22, $0x1F;
	p3 =	por !p3, p2;
	s0 =	sshrl.u32 @!p2 s0, $0x1  }
0x3a: {  	s3 =	sand.u32 @!p2 s3, s22;
	s2 =	simm.s32 @p3 $0x13810;
	s0 =	smul.u32 @!p2 $0x3, s0  }
0x3b: {  	s2 =	ssub.s32 @!p2 s2, s3  }
0x3c: {  	s2 =	sadd.s32 @!p2 $0xFFFEC7F0, s2;
	s0 =	ssub.s32 @!p2 s23, s0  }
0x3d: {  	s3 =	sshll.u32 @!p2 s2, $0x2;
	p3 =	sgt.s32 @!p2 s2, $0x6F;
	s0 =	smul.u32 @!p2 $0x1C0, s0  }
0x3e: {  	s4 =	sand.u32 @!p2 $0x7, s22;
	s2 =	ssub.s32 @!p2 $0x1C0, s3;
	p3 =	por !p3, p2  }
0x3f: {  	s3 =	sshrl.u32 @!p2 s22, $0x3;
	s2 =	sshrl.u32 @!p2 s2, $0x2;
	s0 =	sshrl.u32 @!p2 s0, $0x2  }
0x40: {  	s3 =	sadd.s32 @!p2 s3, s14;
	s2 =	simm.s32 @!p3 $0x0;
	s0 =	sadd.s32 @!p2 $0x10448, s0  }
0x41: {  	[tilespmem:s0], [sflag:$0xA] =	stream.linear.gather @!p2 [hbm4b:s3+s4], s2, $0x38;
	[tilespmem:$0x1E678] =	vst v63  }
0x42: {  	s2 =	sadd.s32 $0xFFFFFFFF, s23  }
0x43: {  	p2 =	sge.u32 s2, s13  }
0x44: {  	p3 =	sgt.s32 @!p2 s21, $0x13810  }
0x45: {  	s0 =	smov.u32 s21;
	s3 =	sshra.s32 @!p2 s21, $0x1F;
	p3 =	por !p3, p2  }
0x46: {  	s3 =	sand.u32 @!p2 s3, s21;
	s0 =	simm.s32 @p3 $0x13810  }
0x47: {  	s0 =	ssub.s32 @!p2 s0, s3  }
0x48: {  	s0 =	sadd.s32 @!p2 $0xFFFEC7F0, s0  }
0x49: {  	s3 =	sshll.u32 @!p2 s0, $0x2  }
0x4a: {  	p3 =	sgt.s32 @!p2 s0, $0x6F;
	s0 =	ssub.s32 @!p2 $0x1C0, s3  }
0x4b: {  	p3 =	por !p3, p2;
	s0 =	sshrl.u32 @!p2 s0, $0x2  }
0x4c: {  	s4 =	simm.s32 @!p2 $0xA;
	s3 =	sand.u32 @!p2 $0x1, s2;
	s0 =	simm.s32 @!p3 $0x0  }
0x4d: {  	s3 =	smul.u32 @!p2 $0x1C0, s3;
	_ =	swait.ge @!p2 [sflag:s4], s0  }
0x4e: {  	s5 =	ssub.s32 @!p2 $0x0, s0;
	[sflag:s4] =	ssyncset.done @!p2 $0x0  }
0x4f: {  	s3 =	sshrl.u32 @!p2 s3, $0x2;
	[sflag:s4] =	ssyncadd.s32 @!p2 s5;
	s4 =	sshrl.u32 @!p2 s21, $0x3  }
0x50: {  	s3 =	sadd.s32 @!p2 $0x10598, s3;
	s5 =	sand.u32 @!p2 $0x7, s21;
	s4 =	sadd.s32 @!p2 s4, s15  }
0x51: {  	[tilespmem:s3], [sflag:$0xB] =	stream.linear.gather @!p2 [hbm4b:s4+s5], s0, $0x38;
	[tilespmem:$0x1E678] =	vst v63  }
0x52: {  	s0 =	ssub.s32 @!p2 $0x13880, s21  }
0x53: {  	p3 =	slt.s32 @!p2 s0, $0x1  }
0x54: {  	p3 =	por p2, p3  }
.Ltmp3:
0x55: {  	_ = 	snop;
	(pc) =	sbr.rel @p3 .LBB2_9-.Ltmp3, $1  }
0x56: {  	_ =	sdelay $0x3  }
0x57: {  	s3 =	smulhi.u32 $0xAAAAAAAB, s2;
	_ =	sdelay $0x1  }
0x58: {  	s3 =	sshrl.u32 s3, $0x1  }
0x59: {  	s3 =	smul.u32 $0x3, s3;
	_ =	sdelay $0x1  }
0x5a: {  	s30 =	ssub.s32 s2, s3  }
0x5b: {  	s4 =	simm.s32 $0x1;
	s2 =	smul.u32 $0x1C0, s30  }
.Ltmp4:
0x5c: {  	s4 =	simm.s32 @!p0 $0x0;
	(pc) =	sbr.rel .LBB2_6-.Ltmp4, $4  }
0x5d: {  	s31 =	smul.u32 $0x1C000, s4  }
0x5e: {  	p3 =	slt.s32 @!p2 s0, $0x70;
	s2 =	sshrl.u32 s2, $0x2  }
0x5f: {  	p2 =	por !p3, p2;
	s3 =	sshrl.u32 s31, $0x2;
	s5 =	sadd.s32 $0x10448, s2  }
0x60: {  	s0 =	simm.s32 @p2 $0x70;
	s4 =	sor.u32 $0x10678, s3;
	s2 =	simm.s32 $0x0;
	v1 =	vmov s5  }
.LBB2_5:
0x61: {  	p2 =	sge.s32 s2, s0  }
.Ltmp5:
0x62: {  	_ = 	snop;
	(pc) =	sbr.rel @p2 .LBB2_9-.Ltmp5, $2  }
0x63: {  	_ =	sdelay $0x2  }
0x64: {  	s4 =	sadd.s32 $0x1000, s4  }
.LBB2_6:
0x65: {  	p2 =	sle.s32 s0, s2  }
.Ltmp6:
0x66: {  	_ = 	snop;
	(pc) =	sbr.rel @p2 .LBB2_5-.Ltmp6, $2  }
0x67: {  	_ =	sdelay $0x2  }
0x68: {  	s5 =	smov.u32 s2;
	s2 =	sadd.s32 $0x10, s2  }
0x69: {  	s3 =	ssub.s32 s0, s5  }
0x6a: {  	p2 =	slt.s32 s3, $0x10  }
0x6b: {  	s3 =	simm.s32 @!p2 $0x10  }
0x6c: {  	v2 =	vmov s3  }
0x6d: {  	vm0 =	vgt.s32 v2, v0;
	_ =	sdelay $0x5  }
0x6e: {  	v2 =	vld.idx.msk [tilespmem:v1+s5+$0x0 ss:$0x1], vm0;
	_ =	sdelay $0x2  }
0x6f: {  	p2 =	slt.s32 s2, s0;
	s3 =	smov.u32 s0  }
0x70: {  	s9 =	smov.u32 s4;
	s25 =	simm.s32 $0x0;
	s3 =	smov.u32 @p2 s2  }
.LBB2_8:
0x71: {  	(v2sf) =	vpush v2, s25;
	_ =	sdelay $0xe  }
0x72: {  	s25 =	sadd.s32 $0x1, s25;
	s10 =	spop (v2sf)  }
0x73: {  	s31 =	sadd.s32 s25, s5;
	s26 =	sshll.u32 s10, $0x8;
	s10 =	sshll.u32 s10, $0x7  }
0x74: {  	p2 =	slt.s32 s31, s3;
	s26 =	sand.u32 $0xFFFFF800, s26;
	s10 =	sand.u32 $0x380, s10  }
.Ltmp7:
0x75: {  	s10 =	sor.u32 s10, s26;
	(pc) =	sbr.rel @p2 .LBB2_8-.Ltmp7, $4  }
0x76: {  	s10 =	sshrl.u32 s10, $0x3  }
0x77: {  	s10 =	sadd.s32 s6, s10  }
0x78: {  	[tilespmem:s9], [sflag:$0x9] =	stream.strided.gather [hbm4b:s10+s18], $0x100, s19, s18, $0x38;
	[tilespmem:$0x1E678] =	vst v63  }
0x79: {  	s9 =	sadd.s32 $0x100, s9  }
.Ltmp8:
0x7a: {  	_ = 	snop;
	(pc) =	sbr.rel .LBB2_5-.Ltmp8, $1  }
0x7b: {  	_ =	sdelay $0x3  }
.LBB2_9:
0x7c: {  	p2 =	slt.u32 s23, $0x2  }
.Ltmp9:
0x7d: {  	_ = 	snop;
	(pc) =	sbr.rel @p2 .LBB2_27-.Ltmp9, $1  }
0x7e: {  	_ =	sdelay $0x3  }
0x7f: {  	p2 =	sgt.s32 s24, $0x13810  }
0x80: {  	s0 =	smov.u32 s24;
	s2 =	sshra.s32 s24, $0x1F;
	s3 =	ssub.s32 $0x13880, s24  }
0x81: {  	s0 =	simm.s32 @!p2 $0x13810;
	s2 =	sand.u32 s2, s24;
	p2 =	slt.s32 s3, $0x70  }
0x82: {  	s0 =	ssub.s32 s0, s2;
	s3 =	simm.s32 @!p2 $0x70  }
0x83: {  	s0 =	sadd.s32 $0xFFFEC7F0, s0;
	s9 =	sshll.u32 s3, $0x8  }
0x84: {  	s26 =	simm.s32 $0x9;
	s10 =	sshll.u32 s0, $0x2;
	s2 =	sand.u32 $0x3FFFFF00, s9  }
0x85: {  	p2 =	sgt.s32 s0, $0x6F;
	s25 =	ssub.s32 $0x1C0, s10;
	_ =	swait.ge [sflag:s26], s2  }
0x86: {  	s2 =	ssub.s32 $0x0, s2;
	[sflag:s26] =	ssyncset.done $0x0;
	s0 =	sshrl.u32 s25, $0x2  }
0x87: {  	s29 =	simm.s32 $0xB;
	[sflag:s26] =	ssyncadd.s32 s2;
	s0 =	simm.s32 @p2 $0x0  }
0x88: {  	_ =	swait.ge [sflag:s29], s0  }
0x89: {  	s0 =	ssub.s32 $0x0, s0;
	[sflag:s29] =	ssyncset.done $0x0  }
0x8a: {  	[sflag:s29] =	ssyncadd.s32 s0  }
0x8b: {  	v1 =	vld [tilespmem:$0xE408];
	_ =	sdelay $0x4  }
0x8c: {  	(v2sf) =	vpush v1, $0x0  }
0x8d: {  	(v2sf) =	vpush v1, $0x1  }
0x8e: {  	(v2sf) =	vpush v1, $0x2;
	_ =	sdelay $0x3  }
0x8f: {  	s0 =	sadd.s32 $0x70, s24  }
0x90: {  	s2 =	ssub.s32 $0x27100, s24;
	p2 =	slt.s32 s8, s0  }
0x91: {  	s0 =	smov.u32 @p2 s8;
	p2 =	sgt.s32 s2, $0x0  }
0x92: {  	s0 =	ssub.s32 s0, s24;
	s2 =	simm.s32 @!p2 $0x0  }
0x93: {  	p2 =	slt.s32 s2, s0  }
0x94: {  	s0 =	smov.u32 @p2 s2  }
0x95: {  	s4 =	simm.s32 $0x1;
	p2 =	slt.s32 s0, $0x1  }
.Ltmp10:
0x96: {  	s4 =	simm.s32 @!p1 $0x0;
	(pc) =	sbr.rel @p2 .LBB2_14-.Ltmp10, $4  }
0x97: {  	s30 =	smul.u32 $0x1C0, s4  }
0x98: {  	s5 =	spop (v2sf)  }
0x99: {  	s31 =	sshrl.u32 s30, $0x2;
	s28 =	spop (v2sf)  }
0x9a: {  	s25 =	sadd.s32 $0x10598, s31;
	s24 =	spop (v2sf)  }
0x9b: {  	s2 =	smin.u32 s0, $0x10  }
0x9c: {  	v1 =	vmov s2  }
0x9d: {  	vm1 =	vgt.u32 v1, v0  }
0x9e: {  	p3 =	sgt.s32 s0, $0x10  }
.Ltmp11:
0x9f: {  	_ = 	snop;
	(pc) =	sbr.rel @!p3 .LBB2_13-.Ltmp11, $2  }
0xa0: {  	_ =	sdelay $0x2  }
0xa1: {  	s26 =	simm.s32 $0x10;
	s29 =	sadd.s32 $0xFFFFFFF0, s0;
	s2 =	smov.u32 s25;
	vm0 =	vmmov vm1;
	v1 =	vld.msk [tilespmem:s25+$0x0 ss:$0x1], vm1  }
.LBB2_12:
0xa2: {  	s3 =	smin.u32 s29, $0x10;
	s26 =	sadd.s32 $0x10, s26  }
0xa3: {  	v2 =	vmov s3;
	p3 =	slt.s32 s26, s0  }
0xa4: {  	vm1 =	vgt.u32 v2, v0;
	_ =	sdelay $0x1  }
0xa5: {  	v2 =	vshll.u32 v1, $0x5;
	v1 =	vshll.u32 v1, $0x4  }
.Ltmp12:
0xa6: {  	v2 =	vand.u32 $0xFFFFFF00, v2;
	v1 =	vand.u32 $0x70, v1;
	(pc) =	sbr.rel @p3 .LBB2_12-.Ltmp12, $4  }
0xa7: {  	v1 =	vor.u32 v1, v2  }
0xa8: {  	[tilespmem:s2+$0x0] =	vst.msk vm0, v1;
	s2 =	sadd.s32 $0x10, s2;
	vm0 =	vmmov vm1  }
0xa9: {  	v1 =	vld.msk [tilespmem:s2+$0x0 ss:$0x1], vm1  }
0xaa: {  	s29 =	sadd.s32 $0xFFFFFFF0, s29  }
.LBB2_13:
0xab: {  	_ =	sdelay $0x3  }
0xac: {  	v2 =	vshll.u32 v1, $0x5;
	v1 =	vshll.u32 v1, $0x4  }
0xad: {  	v2 =	vand.u32 $0xFFFFFF00, v2;
	v1 =	vand.u32 $0x70, v1  }
0xae: {  	v1 =	vor.u32 v1, v2  }
0xaf: {  	[tilespmem:s2+$0x0] =	vst.msk vm0, v1  }
.LBB2_14:
0xb0: {  	s2 =	sand.u32 $0x1, s23  }
0xb1: {  	s2 =	smul.u32 $0x70, s2  }
0xb2: {  	p3 =	sne.s32 s28, $0xFFFFFFFF  }
0xb3: {  	v1 =	vld.msk @!p3 [tilespmem:s2+$0x10598], $0x1;
	_ =	sdelay $0x4  }
0xb4: {  	(v2sf) =	vpush @!p3 v1, $0x0;
	_ =	sdelay $0xc  }
.Ltmp13:
0xb5: {  	_ = 	snop;
	(pc) =	sbr.rel @p2 .LBB2_25-.Ltmp13, $4  }
0xb6: {  	_ = 	snop  }
0xb7: {  	s31 =	spop @!p3 (v2sf)  }
0xb8: {  	s24 =	simm.s32 @!p3 $0x0;
	s26 =	smov.u32 s31  }
0xb9: {  	[sflag:s17] =	ssyncpa.u1 $0x0;
	s31 =	smov.u32 @p3 s5;
	s26 =	smov.u32 @p3 s28  }
0xba: {  	v1 =	vld.msk [tilespmem:s25+$0x0], $0x1;
	_ =	sdelay $0x4  }
0xbb: {  	(v2sf) =	vpush v1, $0x0;
	_ =	sdelay $0xe  }
0xbc: {  	s7 =	smov.u32 s11;
	s5 =	spop (v2sf)  }
0xbd: {  	s17 =	smov.u32 s15;
	s2 =	smul.u32 $0x1C000, s4;
	p2 =	seq.s32 s31, s5  }
0xbe: {  	s3 =	smov.u32 s31;
	s29 =	ssub.s32 $0x0, s0;
	p3 =	sgt.s32 @!p2 s31, $0x0  }
0xbf: {  	s30 =	simm.s32 $0x0;
	s2 =	sshrl.u32 s2, $0x2;
	p3 =	por !p3, p2  }
0xc0: {  	s0 =	sadd.s32 $0x1, s29;
	s28 =	sor.u32 $0x106F8, s2;
	s3 =	simm.s32 @p3 $0x0  }
0xc1: {  	s2 =	simm.s32 @!p2 $0x1;
	p3 =	seq.s32 s0, $0x0;
	s3 =	smin.u32 @!p2 s3, $0x4E170  }
.Ltmp14:
0xc2: {  	s4 =	simm.s32 @!p2 $0x7308;
	s9 =	sand.u32 @!p2 $0x7FFF8, s3;
	(pc) =	sbr.rel @p3 .LBB2_17-.Ltmp14, $4  }
0xc3: {  	s10 =	sadd.s32 @!p2 $0x80, s3;
	s11 =	sadd.s32 @!p2 s1, s9;
	s9 =	sand.u32 @!p2 $0x7, s3  }
0xc4: {  	[tilespmem:s4], [sflag:$0x2] =	stream.linear.gather @!p2 [hbm4b:s11+s9], $0x80, $0x38;
	[tilespmem:$0x1E678] =	vst v63  }
0xc5: {  	s15 =	smov.u32 s14;
	s2 =	smov.u32 @p2 s30;
	s4 =	sand.u32 @!p2 $0xFFFF8, s10  }
0xc6: {  	s3 =	simm.s32 @!p2 $0x7388;
	s10 =	sadd.s32 @!p2 s1, s4;
	s4 =	sadd.s32 $0x1, s25  }
.LBB2_16:
0xc7: {  	s11 =	smov.u32 s2  }
0xc8: {  	[tilespmem:s3], [sflag:$0x2] =	stream.linear.gather @!p2 [hbm4b:s10+s9], $0x80, $0x38;
	[tilespmem:$0x1E678] =	vst v63  }
0xc9: {  	s0 =	sadd.s32 $0x1, s0;
	s9 =	smov.u32 s5;
	v1 =	vld.msk [tilespmem:s4+$0x0], $0x1  }
0xca: {  	p3 =	seq.s32 s0, $0x0;
	_ =	sdelay $0x3  }
0xcb: {  	(v2sf) =	vpush v1, $0x0;
	_ =	sdelay $0xe  }
0xcc: {  	s5 =	spop (v2sf)  }
0xcd: {  	p2 =	seq.s32 s9, s5  }
0xce: {  	p4 =	sgt.s32 @!p2 s9, $0x0;
	s3 =	sshll.u32 @!p2 s2, $0xA;
	s2 =	sadd.s32 @!p2 $0x1, s2  }
0xcf: {  	p4 =	por !p4, p2;
	s3 =	sshra.s32 @!p2 s3, $0x2;
	s2 =	smov.u32 @p2 s11  }
0xd0: {  	s9 =	simm.s32 @p4 $0x0;
	s10 =	sadd.s32 @!p2 $0x7308, s3;
	s3 =	sadd.s32 @!p2 $0x7388, s3  }
.Ltmp15:
0xd1: {  	s9 =	smin.u32 @!p2 s9, $0x4E170;
	(pc) =	sbr.rel @!p3 .LBB2_16-.Ltmp15, $4  }
0xd2: {  	s11 =	sand.u32 @!p2 $0x7FFF8, s9;
	s14 =	sadd.s32 @!p2 $0x80, s9  }
0xd3: {  	s9 =	sand.u32 @!p2 $0x7, s9;
	s11 =	sadd.s32 @!p2 s1, s11;
	s14 =	sand.u32 @!p2 $0xFFFF8, s14  }
0xd4: {  	[tilespmem:s10], [sflag:$0x2] =	stream.linear.gather @!p2 [hbm4b:s11+s9], $0x80, $0x38;
	[tilespmem:$0x1E678] =	vst v63  }
0xd5: {  	s4 =	sadd.s32 $0x1, s4;
	s10 =	sadd.s32 @!p2 s1, s14  }
.LBB2_17:
0xd6: {  	[tilespmem:s3], [sflag:$0x2] =	stream.linear.gather @!p2 [hbm4b:s10+s9], $0x80, $0x38;
	[tilespmem:$0x1E678] =	vst v63  }
0xd7: {  	s0 =	sshll.u32 s2, $0x8  }
.Ltmp16:
0xd8: {  	s14 =	simm.s32 $0x2;
	s0 =	sand.u32 $0x3FFFFF00, s0;
	(pc) =	sbr.rel .LBB2_18-.Ltmp16, $4  }
0xd9: {  	_ =	swait.ge [sflag:s14], s0  }
0xda: {  	s0 =	ssub.s32 $0x0, s0;
	[sflag:s14] =	ssyncset.done $0x0  }
0xdb: {  	s4 =	simm.s32 $0x0;
	s11 =	smov.u32 s7;
	[sflag:s14] =	ssyncadd.s32 s0  }
0xdc: {  	s14 =	smov.u32 s15;
	s15 =	smov.u32 s17;
	s17 =	simm.s32 $0xC  }
.LBB2_19:
0xdd: {  	v1 =	vld [tilespmem:s28+$0xFFFFFF80];
	_ =	sdelay $0x4  }
0xde: {  	[tilespmem:s5+$0x208] =	vst.add.f32.msk $0xffff, v1  }
0xdf: {  	v1 =	vld [tilespmem:s28+$0xFFFFFF90];
	_ =	sdelay $0x4  }
0xe0: {  	[tilespmem:s5+$0x218] =	vst.add.f32.msk $0xffff, v1  }
0xe1: {  	v1 =	vld [tilespmem:s28+$0xFFFFFFA0];
	_ =	sdelay $0x4  }
0xe2: {  	[tilespmem:s5+$0x228] =	vst.add.f32.msk $0xffff, v1  }
0xe3: {  	v1 =	vld [tilespmem:s28+$0xFFFFFFB0];
	_ =	sdelay $0x4  }
0xe4: {  	[tilespmem:s5+$0x238] =	vst.add.f32.msk $0xffff, v1  }
0xe5: {  	v1 =	vld [tilespmem:s28+$0xFFFFFFC0];
	_ =	sdelay $0x4  }
0xe6: {  	[tilespmem:s5+$0x248] =	vst.add.f32.msk $0xffff, v1  }
0xe7: {  	v1 =	vld [tilespmem:s28+$0xFFFFFFD0];
	_ =	sdelay $0x4  }
0xe8: {  	[tilespmem:s5+$0x258] =	vst.add.f32.msk $0xffff, v1  }
0xe9: {  	v1 =	vld [tilespmem:s28+$0xFFFFFFE0];
	_ =	sdelay $0x4  }
0xea: {  	[tilespmem:s5+$0x268] =	vst.add.f32.msk $0xffff, v1  }
0xeb: {  	v1 =	vld [tilespmem:s28+$0xFFFFFFF0];
	_ =	sdelay $0x4  }
0xec: {  	[tilespmem:s5+$0x278] =	vst.add.f32.msk $0xffff, v1  }
0xed: {  	v1 =	vld [tilespmem:s28+$0x0];
	_ =	sdelay $0x4  }
0xee: {  	[tilespmem:s5+$0x288] =	vst.add.f32.msk $0xffff, v1  }
0xef: {  	v1 =	vld [tilespmem:s28+$0x10];
	_ =	sdelay $0x4  }
0xf0: {  	[tilespmem:s5+$0x298] =	vst.add.f32.msk $0xffff, v1  }
0xf1: {  	v1 =	vld [tilespmem:s28+$0x20];
	_ =	sdelay $0x4  }
0xf2: {  	[tilespmem:s5+$0x2A8] =	vst.add.f32.msk $0xffff, v1  }
0xf3: {  	v1 =	vld [tilespmem:s28+$0x30];
	_ =	sdelay $0x4  }
0xf4: {  	[tilespmem:s5+$0x2B8] =	vst.add.f32.msk $0xffff, v1  }
0xf5: {  	v1 =	vld [tilespmem:s28+$0x40];
	_ =	sdelay $0x4  }
0xf6: {  	[tilespmem:s5+$0x2C8] =	vst.add.f32.msk $0xffff, v1  }
0xf7: {  	v1 =	vld [tilespmem:s28+$0x50];
	_ =	sdelay $0x4  }
0xf8: {  	[tilespmem:s5+$0x2D8] =	vst.add.f32.msk $0xffff, v1  }
0xf9: {  	v1 =	vld [tilespmem:s28+$0x60];
	_ =	sdelay $0x4  }
0xfa: {  	[tilespmem:s5+$0x2E8] =	vst.add.f32.msk $0xffff, v1  }
0xfb: {  	v1 =	vld [tilespmem:s28+$0x70];
	_ =	sdelay $0x4  }
0xfc: {  	[tilespmem:s5+$0x2F8] =	vst.add.f32.msk $0xffff, v1  }
.LBB2_23:
0xfd: {  	s29 =	sadd.s32 $0x1, s29  }
0xfe: {  	p2 =	seq.s32 s29, $0x0  }
.Ltmp17:
0xff: {  	_ = 	snop;
	(pc) =	sbr.rel @p2 .LBB2_24-.Ltmp17, $2  }
0x100: {  	_ =	sdelay $0x2  }
0x101: {  	s25 =	sadd.s32 $0x1, s25;
	s28 =	sadd.s32 $0x100, s28;
	s31 =	smov.u32 s0  }
.LBB2_18:
0x102: {  	v1 =	vld.msk [tilespmem:s25+$0x0], $0x1;
	_ =	sdelay $0x4  }
0x103: {  	(v2sf) =	vpush v1, $0x0;
	_ =	sdelay $0xe  }
0x104: {  	s0 =	spop (v2sf)  }
0x105: {  	p2 =	sne.s32 s31, s0  }
.Ltmp18:
0x106: {  	_ = 	snop;
	(pc) =	sbr.rel @!p2 .LBB2_19-.Ltmp18, $3  }
0x107: {  	_ =	sdelay $0x1  }
0x108: {  	s2 =	sshll.u32 s24, $0xA  }
0x109: {  	s5 =	sshra.s32 s2, $0x2  }
0x10a: {  	p2 =	seq.s32 s31, s26  }
.Ltmp19:
0x10b: {  	_ = 	snop;
	(pc) =	sbr.rel @!p2 .LBB2_21-.Ltmp19, $1  }
0x10c: {  	_ =	sdelay $0x3  }
.Ltmp20:
0x10d: {  	s2 =	sadd.s32 $0x208, s5;
	(pc) =	sbr.rel .LBB2_22-.Ltmp20, $4  }
0x10e: {  	[spmem:s16] =	stream.linear.scatter [tilespmem:s2], [sflag:$0x1], $0x100, $0x38;
	[tilespmem:$0x1E678] =	vst v63  }
0x10f: {  	_ =	swait.ge [sflag:s12], $0x100  }
0x110: {  	[sflag:s12] =	ssyncset.done $0x0  }
0x111: {  	[sflag:s12] =	ssyncadd.s32 $0xFFFFFF00  }
.LBB2_21:
0x112: {  	s2 =	sshll.u32 s30, $0xA  }
0x113: {  	s2 =	sshra.s32 s2, $0x2  }
0x114: {  	v1 =	vld [tilespmem:s2+$0x7308];
	_ =	sdelay $0x4  }
0x115: {  	[tilespmem:s5+$0x208] =	vst.add.f32.msk $0xffff, v1  }
0x116: {  	v1 =	vld [tilespmem:s2+$0x7318];
	_ =	sdelay $0x4  }
0x117: {  	[tilespmem:s5+$0x218] =	vst.add.f32.msk $0xffff, v1  }
0x118: {  	v1 =	vld [tilespmem:s2+$0x7328];
	_ =	sdelay $0x4  }
0x119: {  	[tilespmem:s5+$0x228] =	vst.add.f32.msk $0xffff, v1  }
0x11a: {  	v1 =	vld [tilespmem:s2+$0x7338];
	_ =	sdelay $0x4  }
0x11b: {  	[tilespmem:s5+$0x238] =	vst.add.f32.msk $0xffff, v1  }
0x11c: {  	v1 =	vld [tilespmem:s2+$0x7348];
	_ =	sdelay $0x4  }
0x11d: {  	[tilespmem:s5+$0x248] =	vst.add.f32.msk $0xffff, v1  }
0x11e: {  	v1 =	vld [tilespmem:s2+$0x7358];
	_ =	sdelay $0x4  }
0x11f: {  	[tilespmem:s5+$0x258] =	vst.add.f32.msk $0xffff, v1  }
0x120: {  	v1 =	vld [tilespmem:s2+$0x7368];
	_ =	sdelay $0x4  }
0x121: {  	[tilespmem:s5+$0x268] =	vst.add.f32.msk $0xffff, v1  }
0x122: {  	v1 =	vld [tilespmem:s2+$0x7378];
	_ =	sdelay $0x4  }
0x123: {  	[tilespmem:s5+$0x278] =	vst.add.f32.msk $0xffff, v1  }
0x124: {  	v1 =	vld [tilespmem:s2+$0x7388];
	_ =	sdelay $0x4  }
0x125: {  	[tilespmem:s5+$0x288] =	vst.add.f32.msk $0xffff, v1  }
0x126: {  	v1 =	vld [tilespmem:s2+$0x7398];
	_ =	sdelay $0x4  }
0x127: {  	[tilespmem:s5+$0x298] =	vst.add.f32.msk $0xffff, v1  }
0x128: {  	v1 =	vld [tilespmem:s2+$0x73A8];
	_ =	sdelay $0x4  }
0x129: {  	[tilespmem:s5+$0x2A8] =	vst.add.f32.msk $0xffff, v1  }
0x12a: {  	v1 =	vld [tilespmem:s2+$0x73B8];
	_ =	sdelay $0x4  }
0x12b: {  	[tilespmem:s5+$0x2B8] =	vst.add.f32.msk $0xffff, v1  }
0x12c: {  	v1 =	vld [tilespmem:s2+$0x73C8];
	_ =	sdelay $0x4  }
0x12d: {  	[tilespmem:s5+$0x2C8] =	vst.add.f32.msk $0xffff, v1  }
0x12e: {  	v1 =	vld [tilespmem:s2+$0x73D8];
	_ =	sdelay $0x4  }
0x12f: {  	[tilespmem:s5+$0x2D8] =	vst.add.f32.msk $0xffff, v1  }
0x130: {  	v1 =	vld [tilespmem:s2+$0x73E8];
	_ =	sdelay $0x4  }
0x131: {  	[tilespmem:s5+$0x2E8] =	vst.add.f32.msk $0xffff, v1  }
0x132: {  	v1 =	vld [tilespmem:s2+$0x73F8];
	_ =	sdelay $0x2  }
0x133: {  	p2 =	sgt.u32 s31, $0x4E170  }
0x134: {  	s2 =	sand.u32 @!p2 $0x7FFF8, s31  }
0x135: {  	s3 =	sadd.s32 $0x208, s5;
	s9 =	sand.u32 @!p2 $0x7, s31;
	s2 =	sadd.s32 @!p2 s1, s2;
	[tilespmem:s5+$0x2F8] =	vst.add.f32.msk $0xffff, v1  }
0x136: {  	[hbm4b:s2+s9] =	stream.linear.scatter @!p2 [tilespmem:s3], [sflag:$0xC], $0x80, $0x38;
	[tilespmem:$0x1E678] =	vst v63  }
0x137: {  	s2 =	sadd.s32 @!p2 $0x80, s31  }
0x138: {  	s2 =	sand.u32 @!p2 $0xFFFF8, s2  }
0x139: {  	s3 =	sadd.s32 $0x288, s5;
	s2 =	sadd.s32 @!p2 s1, s2  }
0x13a: {  	[hbm4b:s2+s9] =	stream.linear.scatter @!p2 [tilespmem:s3], [sflag:$0xC], $0x80, $0x38;
	[tilespmem:$0x1E678] =	vst v63  }
0x13b: {  	s2 =	simm.s32 $0x0  }
0x13c: {  	s2 =	simm.s32 @!p2 $0x400  }
0x13d: {  	s4 =	sadd.s32 s2, s4  }
.LBB2_22:
0x13e: {  	s2 =	sadd.s32 $0x1, s24  }
0x13f: {  	s3 =	sshrl.u32 s2, $0x4  }
0x140: {  	s3 =	smulhi.u32 $0x24924925, s3  }
0x141: {  	v1 =	vld [tilespmem:s28+$0xFFFFFF80]  }
0x142: {  	s3 =	smul.u32 $0x70, s3;
	_ =	sdelay $0x1  }
0x143: {  	s24 =	ssub.s32 s2, s3  }
0x144: {  	s2 =	sshll.u32 s24, $0x8  }
0x145: {  	[tilespmem:s2+$0x208] =	vst v1  }
0x146: {  	v1 =	vld [tilespmem:s28+$0xFFFFFF90];
	_ =	sdelay $0x4  }
0x147: {  	[tilespmem:s2+$0x218] =	vst v1  }
0x148: {  	v1 =	vld [tilespmem:s28+$0xFFFFFFA0];
	_ =	sdelay $0x4  }
0x149: {  	[tilespmem:s2+$0x228] =	vst v1  }
0x14a: {  	v1 =	vld [tilespmem:s28+$0xFFFFFFB0];
	_ =	sdelay $0x4  }
0x14b: {  	[tilespmem:s2+$0x238] =	vst v1  }
0x14c: {  	v1 =	vld [tilespmem:s28+$0xFFFFFFC0];
	_ =	sdelay $0x4  }
0x14d: {  	[tilespmem:s2+$0x248] =	vst v1  }
0x14e: {  	v1 =	vld [tilespmem:s28+$0xFFFFFFD0];
	_ =	sdelay $0x4  }
0x14f: {  	[tilespmem:s2+$0x258] =	vst v1  }
0x150: {  	v1 =	vld [tilespmem:s28+$0xFFFFFFE0];
	_ =	sdelay $0x4  }
0x151: {  	[tilespmem:s2+$0x268] =	vst v1  }
0x152: {  	v1 =	vld [tilespmem:s28+$0xFFFFFFF0];
	_ =	sdelay $0x4  }
0x153: {  	[tilespmem:s2+$0x278] =	vst v1  }
0x154: {  	v1 =	vld [tilespmem:s28+$0x0];
	_ =	sdelay $0x4  }
0x155: {  	[tilespmem:s2+$0x288] =	vst v1  }
0x156: {  	v1 =	vld [tilespmem:s28+$0x10];
	_ =	sdelay $0x4  }
0x157: {  	[tilespmem:s2+$0x298] =	vst v1  }
0x158: {  	v1 =	vld [tilespmem:s28+$0x20];
	_ =	sdelay $0x4  }
0x159: {  	[tilespmem:s2+$0x2A8] =	vst v1  }
0x15a: {  	v1 =	vld [tilespmem:s28+$0x30];
	_ =	sdelay $0x4  }
0x15b: {  	[tilespmem:s2+$0x2B8] =	vst v1  }
0x15c: {  	v1 =	vld [tilespmem:s28+$0x40];
	_ =	sdelay $0x4  }
0x15d: {  	[tilespmem:s2+$0x2C8] =	vst v1  }
0x15e: {  	v1 =	vld [tilespmem:s28+$0x50];
	_ =	sdelay $0x4  }
0x15f: {  	[tilespmem:s2+$0x2D8] =	vst v1  }
0x160: {  	v1 =	vld [tilespmem:s28+$0x60];
	_ =	sdelay $0x4  }
0x161: {  	[tilespmem:s2+$0x2E8] =	vst v1  }
0x162: {  	v1 =	vld [tilespmem:s28+$0x70]  }
.Ltmp21:
0x163: {  	_ = 	snop;
	(pc) =	sbr.rel .LBB2_23-.Ltmp21, $2  }
0x164: {  	_ =	sdelay $0x2  }
0x165: {  	s30 =	sadd.s32 $0x1, s30;
	[tilespmem:s2+$0x2F8] =	vst v1  }
.LBB2_25:
.Ltmp22:
0x166: {  	(pc) =	sbr.rel .LBB2_26-.Ltmp22, $4  }
0x167: {  	_ = 	snop  }
0x168: {  	s0 =	simm.s32 $0x2  }
0x169: {  	_ =	swait.ge [sflag:s0], $0x0  }
0x16a: {  	s2 =	simm.s32 $0x0;
	[sflag:s0] =	ssyncset.done $0x0;
	s0 =	smov.u32 s31  }
.LBB2_28:
0x16b: {  	_ =	sfence.sel $0x180000  }
0x16c: {  	s0 =	simm.s32 $0x9;
	[bflag:$0x0] =	sbarrier.arrive $0xFFFF  }
0x16d: {  	s24 =	simm.s32 $0xA;
	[sflag:s0] =	ssyncpa.u1 $0x1  }
0x16e: {  	s25 =	simm.s32 $0xB;
	[sflag:s24] =	ssyncpa.u1 $0x1  }
0x16f: {  	s26 =	simm.s32 $0x2;
	[sflag:s25] =	ssyncpa.u1 $0x1  }
0x170: {  	[sflag:s26] =	ssyncpa.u1 $0x1  }
0x171: {  	v0 =	vld [tilespmem:$0xE408];
	_ =	sdelay $0x4  }
0x172: {  	(v2sf) =	vpush v0, $0x0  }
0x173: {  	(v2sf) =	vpush v0, $0x1;
	_ =	sdelay $0x1  }
0x174: {  	(v2sf) =	vpush v0, $0x2;
	_ =	sdelay $0xb  }
0x175: {  	s0 =	spop (v2sf)  }
0x176: {  	s2 =	spop (v2sf)  }
0x177: {  	s3 =	smov.u32 s0;
	p0 =	sne.s32 s0, s2  }
0x178: {  	s4 =	spop (v2sf);
	s3 =	simm.s32 @!p0 $0xFFFFFFFF  }
0x179: {  	v2 =	vimm.s32 $0x1;
	v3 =	vlaneseq.u32;
	p0 =	seq.s32 s4, $0xFFFFFFFF;
	v1 =	vmov s3  }
0x17a: {  	s15 =	stileid.u32;
	v0 =	vperm.xlane v0, v2;
	p1 =	sne.s32 @!p0 s0, s2;
	v1 =	vperm.xlane v1, v3  }
0x17b: {  	vm0 =	vcmask $0x3F04;
	s6 =	simm.s32 $0xE408;
	s0 =	simm.s32 @!p0 $0x1;
	p1 =	por !p1, p0  }
0x17c: {  	s3 =	sshll.u32 s15, $0x1;
	s2 =	sshll.u32 @!p0 s4, $0xA;
	s0 =	simm.s32 @p1 $0x0;
	v0 =	vsel vm0, v1, v0  }
0x17d: {  	s5 =	sor.u32 $0x2000, s3;
	s2 =	sshra.s32 @!p0 s2, $0x2;
	s0 =	sor.u32 @!p0 s0, s3;
	[tilespmem:$0xE408] =	vst v0  }
0x17e: {  	[spmem:s5] =	stream.linear.scatter [tilespmem:s6], [sflag:$0x1], $0x2, $0x38;
	[tilespmem:$0x1E678] =	vst v63  }
0x17f: {  	s2 =	sadd.s32 @!p0 $0x208, s2;
	s0 =	sshll.u32 @!p0 s0, $0x8  }
0x180: {  	[spmem:s0] =	stream.linear.scatter @!p0 [tilespmem:s2], [sflag:$0x1], $0x100, $0x38;
	[tilespmem:$0x1E678] =	vst v63  }
0x181: {  	s0 =	simm.s32 @!p0 $0x102  }
0x182: {  	s28 =	simm.s32 $0x1;
	s0 =	simm.s32 @p0 $0x2  }
0x183: {  	_ =	swait.ge [sflag:s28], s0  }
0x184: {  	s0 =	ssub.s32 $0x0, s0;
	[sflag:s28] =	ssyncset.done $0x0  }
0x185: {  	p0 =	sne.s32 s15, $0x0;
	[sflag:s28] =	ssyncadd.s32 s0  }
.Ltmp23:
0x186: {  	_ =	sfence.stream.spmem;
	(pc) =	sbr.rel @p0 .LBB2_45-.Ltmp23, $4  }
0x187: {  	s29 =	simm.s32 $0x3;
	[bflag:$0x0] =	sbarrier.arrive $0xFFFF  }
0x188: {  	s30 =	simm.s32 $0x4;
	[sflag:s29] =	ssyncpa.u1 $0x1  }
0x189: {  	s31 =	simm.s32 $0x3C;
	[sflag:s30] =	ssyncpa.u1 $0x1  }
0x18a: {  	s14 =	rddreg [dreg:$0x5];
	[sflag:s31] =	ssyncpa.u1 $0x1  }
0x18b: {  	_ =	sfence.stream.spmem;
	s0 =	simm.s32 $0x5  }
0x18c: {  	s2 =	simm.s32 $0x2000;
	s3 =	simm.s32 $0xE418;
	[sflag:s0] =	ssyncpa.u1 $0x0  }
0x18d: {  	[tilespmem:s3], [sflag:$0x5] =	stream.linear.gather [spmem:s2], $0x20, $0x38;
	[tilespmem:$0x1E678] =	vst v63  }
0x18e: {  	s26 =	simm.s32 $0x0;
	s28 =	simm.s32 $0xE438  }
0x18f: {  	[tilespmem:s28], [sflag:$0x5] =	stream.linear.gather [spmem:s26], $0x2000, $0x38;
	[tilespmem:$0x1E678] =	vst v63  }
0x190: {  	_ =	swait.ge [sflag:s0], $0x2020  }
0x191: {  	[sflag:s0] =	ssyncset.done $0x0  }
0x192: {  	s29 =	simm.s32 $0x0;
	[sflag:s0] =	ssyncadd.s32 $0xFFFFDFE0  }
0x193: {  	v0 =	vld.msk [tilespmem:s29+$0xE418], $0x1;
	_ =	sdelay $0x1  }
0x194: {  	s30 =	simm.s32 $0x1  }
0x195: {  	v1 =	vld.msk [tilespmem:s30+$0xE418], $0x1;
	_ =	sdelay $0x1  }
0x196: {  	(v2sf) =	vpush v0, $0x0;
	_ =	sdelay $0x2  }
0x197: {  	(v2sf) =	vpush v1, $0x0;
	_ =	sdelay $0x2  }
0x198: {  	s31 =	simm.s32 $0x2  }
0x199: {  	v0 =	vld.msk [tilespmem:s31+$0xE418], $0x1;
	_ =	sdelay $0x2  }
0x19a: {  	s2 =	simm.s32 $0xFFFFFFFF;
	s3 =	simm.s32 $0xFFFFFFFF;
	s0 =	simm.s32 $0xC  }
.LBB2_30:
0x19b: {  	s4 =	smov.u32 s3;
	s5 =	smov.u32 s2  }
0x19c: {  	s2 =	sshra.s32 s0, $0x2;
	p1 =	sne.s32 s0, $0x7C;
	s0 =	sadd.s32 $0x4, s0;
	(v2sf) =	vpush v0, $0x0  }
0x19d: {  	v0 =	vld.msk [tilespmem:s2+$0xE418], $0x1  }
.Ltmp24:
0x19e: {  	(pc) =	sbr.rel @p1 .LBB2_30-.Ltmp24, $4  }
0x19f: {  	s3 =	spop (v2sf)  }
0x1a0: {  	p2 =	sne.s32 s5, $0xFFFFFFFF;
	s2 =	smov.u32 s3  }
0x1a1: {  	p3 =	seq.s32 s3, $0xFFFFFFFF;
	s2 =	smov.u32 @p2 s5  }
0x1a2: {  	s3 =	smov.u32 @p3 s4;
	s2 =	smov.u32 @p3 s5  }
0x1a3: {  	(v2sf) =	vpush v0, $0x0;
	_ =	sdelay $0x8  }
0x1a4: {  	s0 =	spop (v2sf)  }
0x1a5: {  	p1 =	sne.s32 s2, $0xFFFFFFFF;
	s9 =	simm.s32 $0x6;
	s4 =	smov.u32 s0  }
0x1a6: {  	s6 =	simm.s32 $0x0;
	p2 =	seq.s32 s0, $0xFFFFFFFF;
	s4 =	smov.u32 @p1 s2  }
0x1a7: {  	s10 =	simm.s32 $0xE308;
	s4 =	smov.u32 @p2 s2;
	s2 =	spop (v2sf)  }
0x1a8: {  	s0 =	smov.u32 @p2 s3;
	p1 =	sne.s32 s4, $0xFFFFFFFF;
	s5 =	smov.u32 s2  }
.Ltmp25:
0x1a9: {  	p2 =	seq.s32 s2, $0xFFFFFFFF;
	s5 =	smov.u32 @p1 s4;
	(pc) =	sbr.rel .LBB2_32-.Ltmp25, $4  }
0x1aa: {  	s11 =	simm.s32 $0xE388;
	s5 =	smov.u32 @p2 s4;
	s7 =	spop (v2sf)  }
0x1ab: {  	s12 =	simm.s32 $0x0;
	p1 =	sne.s32 s5, $0xFFFFFFFF;
	s8 =	smov.u32 s7  }
0x1ac: {  	s2 =	smov.u32 @p2 s0;
	p2 =	seq.s32 s7, $0xFFFFFFFF;
	s8 =	smov.u32 @p1 s5  }
0x1ad: {  	[sflag:s9] =	ssyncpa.u1 $0x0;
	s7 =	smov.u32 @p2 s2;
	s8 =	smov.u32 @p2 s5  }
.LBB2_38:
0x1ae: {  	p1 =	sgt.u32 s0, $0x4E170  }
0x1af: {  	p2 =	seq.s32 @!p1 s0, s8  }
0x1b0: {  	p1 =	por p1, p2  }
0x1b1: {  	p2 =	sne.s32 @!p1 s0, s7  }
0x1b2: {  	p1 =	por p1, !p2  }
0x1b3: {  	s0 =	sshll.u32 @p1 s12, $0xA  }
0x1b4: {  	s2 =	sand.u32 @!p1 $0x7FFF8, s0;
	s3 =	sand.u32 @!p1 $0x7, s0;
	s0 =	sadd.s32 @!p1 $0x80, s0  }
0x1b5: {  	s2 =	sadd.s32 @!p1 s1, s2;
	s0 =	sand.u32 @!p1 $0xFFFF8, s0  }
0x1b6: {  	[tilespmem:s10], [sflag:$0x6] =	stream.linear.gather @!p1 [hbm4b:s2+s3], $0x80, $0x38;
	[tilespmem:$0x1E678] =	vst v63  }
0x1b7: {  	s0 =	sadd.s32 @!p1 s1, s0  }
0x1b8: {  	[tilespmem:s11], [sflag:$0x6] =	stream.linear.gather @!p1 [hbm4b:s0+s3], $0x80, $0x38;
	[tilespmem:$0x1E678] =	vst v63  }
0x1b9: {  	_ =	swait.ge @!p1 [sflag:s9], $0x100  }
0x1ba: {  	[sflag:s9] =	ssyncset.done @!p1 $0x0  }
0x1bb: {  	[sflag:s9] =	ssyncadd.s32 @!p1 $0xFFFFFF00  }
0x1bc: {  	v1 =	vld @!p1 [tilespmem:$0xE308];
	_ =	sdelay $0x2  }
0x1bd: {  	s0 =	sshll.u32 @!p1 s12, $0xA  }
0x1be: {  	s2 =	sshrl.u32 @!p1 s0, $0x2  }
0x1bf: {  	[tilespmem:s2+$0xE438] =	vst.add.f32.msk @!p1 $0xffff, v1  }
0x1c0: {  	v1 =	vld @!p1 [tilespmem:$0xE318];
	_ =	sdelay $0x4  }
0x1c1: {  	[tilespmem:s2+$0xE448] =	vst.add.f32.msk @!p1 $0xffff, v1  }
0x1c2: {  	v1 =	vld @!p1 [tilespmem:$0xE328];
	_ =	sdelay $0x4  }
0x1c3: {  	[tilespmem:s2+$0xE458] =	vst.add.f32.msk @!p1 $0xffff, v1  }
0x1c4: {  	v1 =	vld @!p1 [tilespmem:$0xE338];
	_ =	sdelay $0x4  }
0x1c5: {  	[tilespmem:s2+$0xE468] =	vst.add.f32.msk @!p1 $0xffff, v1  }
0x1c6: {  	v1 =	vld @!p1 [tilespmem:$0xE348];
	_ =	sdelay $0x4  }
0x1c7: {  	[tilespmem:s2+$0xE478] =	vst.add.f32.msk @!p1 $0xffff, v1  }
0x1c8: {  	v1 =	vld @!p1 [tilespmem:$0xE358];
	_ =	sdelay $0x4  }
0x1c9: {  	[tilespmem:s2+$0xE488] =	vst.add.f32.msk @!p1 $0xffff, v1  }
0x1ca: {  	v1 =	vld @!p1 [tilespmem:$0xE368];
	_ =	sdelay $0x4  }
0x1cb: {  	[tilespmem:s2+$0xE498] =	vst.add.f32.msk @!p1 $0xffff, v1  }
0x1cc: {  	v1 =	vld @!p1 [tilespmem:$0xE378];
	_ =	sdelay $0x4  }
0x1cd: {  	[tilespmem:s2+$0xE4A8] =	vst.add.f32.msk @!p1 $0xffff, v1  }
0x1ce: {  	v1 =	vld @!p1 [tilespmem:$0xE388];
	_ =	sdelay $0x4  }
0x1cf: {  	[tilespmem:s2+$0xE4B8] =	vst.add.f32.msk @!p1 $0xffff, v1  }
0x1d0: {  	v1 =	vld @!p1 [tilespmem:$0xE398];
	_ =	sdelay $0x4  }
0x1d1: {  	[tilespmem:s2+$0xE4C8] =	vst.add.f32.msk @!p1 $0xffff, v1  }
0x1d2: {  	v1 =	vld @!p1 [tilespmem:$0xE3A8];
	_ =	sdelay $0x4  }
0x1d3: {  	[tilespmem:s2+$0xE4D8] =	vst.add.f32.msk @!p1 $0xffff, v1  }
0x1d4: {  	v1 =	vld @!p1 [tilespmem:$0xE3B8];
	_ =	sdelay $0x4  }
0x1d5: {  	[tilespmem:s2+$0xE4E8] =	vst.add.f32.msk @!p1 $0xffff, v1  }
0x1d6: {  	v1 =	vld @!p1 [tilespmem:$0xE3C8];
	_ =	sdelay $0x4  }
0x1d7: {  	[tilespmem:s2+$0xE4F8] =	vst.add.f32.msk @!p1 $0xffff, v1  }
0x1d8: {  	v1 =	vld @!p1 [tilespmem:$0xE3D8];
	_ =	sdelay $0x4  }
0x1d9: {  	[tilespmem:s2+$0xE508] =	vst.add.f32.msk @!p1 $0xffff, v1  }
0x1da: {  	v1 =	vld @!p1 [tilespmem:$0xE3E8];
	_ =	sdelay $0x4  }
0x1db: {  	[tilespmem:s2+$0xE518] =	vst.add.f32.msk @!p1 $0xffff, v1  }
0x1dc: {  	v1 =	vld @!p1 [tilespmem:$0xE3F8];
	_ =	sdelay $0x4  }
0x1dd: {  	[tilespmem:s2+$0xE528] =	vst.add.f32.msk @!p1 $0xffff, v1  }
0x1de: {  	s0 =	sshrl.u32 s0, $0x2;
	[tilespmem:s6+$0xE418] =	vst.msk $0x1, v0  }
0x1df: {  	v0 =	vld [tilespmem:s0+$0xE438];
	_ =	sdelay $0x2  }
0x1e0: {  	s31 =	sshll.u32 s6, $0xA  }
0x1e1: {  	s2 =	sshra.s32 s31, $0x2  }
0x1e2: {  	[tilespmem:s2+$0xE438] =	vst v0  }
0x1e3: {  	v0 =	vld [tilespmem:s0+$0xE448];
	_ =	sdelay $0x4  }
0x1e4: {  	[tilespmem:s2+$0xE448] =	vst v0  }
0x1e5: {  	v0 =	vld [tilespmem:s0+$0xE458];
	_ =	sdelay $0x4  }
0x1e6: {  	[tilespmem:s2+$0xE458] =	vst v0  }
0x1e7: {  	v0 =	vld [tilespmem:s0+$0xE468];
	_ =	sdelay $0x4  }
0x1e8: {  	[tilespmem:s2+$0xE468] =	vst v0  }
0x1e9: {  	v0 =	vld [tilespmem:s0+$0xE478];
	_ =	sdelay $0x4  }
0x1ea: {  	[tilespmem:s2+$0xE478] =	vst v0  }
0x1eb: {  	v0 =	vld [tilespmem:s0+$0xE488];
	_ =	sdelay $0x4  }
0x1ec: {  	[tilespmem:s2+$0xE488] =	vst v0  }
0x1ed: {  	v0 =	vld [tilespmem:s0+$0xE498];
	_ =	sdelay $0x4  }
0x1ee: {  	[tilespmem:s2+$0xE498] =	vst v0  }
0x1ef: {  	v0 =	vld [tilespmem:s0+$0xE4A8];
	_ =	sdelay $0x4  }
0x1f0: {  	[tilespmem:s2+$0xE4A8] =	vst v0  }
0x1f1: {  	v0 =	vld [tilespmem:s0+$0xE4B8];
	_ =	sdelay $0x4  }
0x1f2: {  	[tilespmem:s2+$0xE4B8] =	vst v0  }
0x1f3: {  	v0 =	vld [tilespmem:s0+$0xE4C8];
	_ =	sdelay $0x4  }
0x1f4: {  	[tilespmem:s2+$0xE4C8] =	vst v0  }
0x1f5: {  	v0 =	vld [tilespmem:s0+$0xE4D8];
	_ =	sdelay $0x4  }
0x1f6: {  	[tilespmem:s2+$0xE4D8] =	vst v0  }
0x1f7: {  	v0 =	vld [tilespmem:s0+$0xE4E8];
	_ =	sdelay $0x4  }
0x1f8: {  	[tilespmem:s2+$0xE4E8] =	vst v0  }
0x1f9: {  	v0 =	vld [tilespmem:s0+$0xE4F8];
	_ =	sdelay $0x4  }
0x1fa: {  	[tilespmem:s2+$0xE4F8] =	vst v0  }
0x1fb: {  	v0 =	vld [tilespmem:s0+$0xE508];
	_ =	sdelay $0x4  }
0x1fc: {  	[tilespmem:s2+$0xE508] =	vst v0  }
0x1fd: {  	v0 =	vld [tilespmem:s0+$0xE518];
	_ =	sdelay $0x4  }
0x1fe: {  	[tilespmem:s2+$0xE518] =	vst v0  }
0x1ff: {  	v0 =	vld [tilespmem:s0+$0xE528];
	_ =	sdelay $0x4  }
0x200: {  	s6 =	sadd.s32 $0x1, s6;
	[tilespmem:s2+$0xE528] =	vst v0  }
.LBB2_39:
0x201: {  	s12 =	sadd.s32 $0x1, s12  }
0x202: {  	p1 =	sne.s32 s12, $0x20  }
.Ltmp26:
0x203: {  	_ = 	snop;
	(pc) =	sbr.rel @!p1 .LBB2_40-.Ltmp26, $1  }
0x204: {  	_ =	sdelay $0x3  }
.LBB2_32:
0x205: {  	v0 =	vld.msk [tilespmem:s12+$0xE418], $0x1;
	_ =	sdelay $0x4  }
0x206: {  	(v2sf) =	vpush v0, $0x0;
	_ =	sdelay $0xe  }
0x207: {  	s0 =	spop (v2sf)  }
0x208: {  	p1 =	seq.s32 s0, $0xFFFFFFFF  }
.Ltmp27:
0x209: {  	_ = 	snop;
	(pc) =	sbr.rel @p1 .LBB2_39-.Ltmp27, $1  }
0x20a: {  	_ =	sdelay $0x3  }
0x20b: {  	p1 =	slt.s32 s6, $0x1  }
.Ltmp28:
0x20c: {  	_ = 	snop;
	(pc) =	sbr.rel @p1 .LBB2_38-.Ltmp28, $1  }
0x20d: {  	_ =	sdelay $0x3  }
0x20e: {  	s4 =	simm.s32 $0xE418;
	p1 =	por $0x0, $0x0  }
0x20f: {  	v1 =	vld.msk @!p1 [tilespmem:s4+$0x0], $0x1;
	_ =	sdelay $0x4  }
0x210: {  	(v2sf) =	vpush @!p1 v1, $0x0;
	_ =	sdelay $0xd  }
0x211: {  	p3 =	sne.s32 s6, $0x1  }
.Ltmp29:
0x212: {  	s2 =	spop @!p1 (v2sf);
	(pc) =	sbr.rel @!p3 .LBB2_36-.Ltmp29, $4  }
0x213: {  	p2 =	seq.s32 @!p1 s0, s2  }
0x214: {  	s5 =	simm.s32 $0x0;
	p2 =	por !p2, p1  }
0x215: {  	s2 =	simm.s32 $0xFFFFFFFF;
	s5 =	simm.s32 @p2 $0xFFFFFFFF  }
0x216: {  	s13 =	simm.s32 $0x1;
	s5 =	smov.u32 @p1 s2  }
.LBB2_35:
0x217: {  	s2 =	smov.u32 s5;
	p1 =	sne.s32 s5, $0xFFFFFFFF  }
0x218: {  	s4 =	sadd.s32 $0x1, s4;
	s5 =	smov.u32 s13;
	s13 =	sadd.s32 $0x1, s13  }
0x219: {  	p2 =	sne.s32 s6, s13;
	v1 =	vld.msk @!p1 [tilespmem:s4+$0x0], $0x1;
	_ =	sdelay $0x4  }
0x21a: {  	(v2sf) =	vpush @!p1 v1, $0x0;
	_ =	sdelay $0xe  }
.Ltmp30:
0x21b: {  	s3 =	spop @!p1 (v2sf);
	(pc) =	sbr.rel @p2 .LBB2_35-.Ltmp30, $4  }
0x21c: {  	p3 =	seq.s32 @!p1 s0, s3  }
0x21d: {  	p3 =	por !p3, p1  }
0x21e: {  	s5 =	simm.s32 @p3 $0xFFFFFFFF  }
0x21f: {  	s5 =	smov.u32 @p1 s2  }
.LBB2_36:
0x220: {  	p1 =	seq.s32 s5, $0xFFFFFFFF  }
.Ltmp31:
0x221: {  	_ = 	snop;
	(pc) =	sbr.rel @p1 .LBB2_38-.Ltmp31, $1  }
0x222: {  	_ =	sdelay $0x3  }
0x223: {  	s0 =	sshll.u32 s12, $0x8  }
0x224: {  	s0 =	sand.u32 $0x3FFFFF00, s0  }
0x225: {  	v0 =	vld [tilespmem:s0+$0xE438];
	_ =	sdelay $0x2  }
0x226: {  	s2 =	sshll.u32 s5, $0xA  }
0x227: {  	s2 =	sshra.s32 s2, $0x2  }
0x228: {  	[tilespmem:s2+$0xE438] =	vst.add.f32.msk $0xffff, v0  }
0x229: {  	v0 =	vld [tilespmem:s0+$0xE448];
	_ =	sdelay $0x4  }
0x22a: {  	[tilespmem:s2+$0xE448] =	vst.add.f32.msk $0xffff, v0  }
0x22b: {  	v0 =	vld [tilespmem:s0+$0xE458];
	_ =	sdelay $0x4  }
0x22c: {  	[tilespmem:s2+$0xE458] =	vst.add.f32.msk $0xffff, v0  }
0x22d: {  	v0 =	vld [tilespmem:s0+$0xE468];
	_ =	sdelay $0x4  }
0x22e: {  	[tilespmem:s2+$0xE468] =	vst.add.f32.msk $0xffff, v0  }
0x22f: {  	v0 =	vld [tilespmem:s0+$0xE478];
	_ =	sdelay $0x4  }
0x230: {  	[tilespmem:s2+$0xE478] =	vst.add.f32.msk $0xffff, v0  }
0x231: {  	v0 =	vld [tilespmem:s0+$0xE488];
	_ =	sdelay $0x4  }
0x232: {  	[tilespmem:s2+$0xE488] =	vst.add.f32.msk $0xffff, v0  }
0x233: {  	v0 =	vld [tilespmem:s0+$0xE498];
	_ =	sdelay $0x4  }
0x234: {  	[tilespmem:s2+$0xE498] =	vst.add.f32.msk $0xffff, v0  }
0x235: {  	v0 =	vld [tilespmem:s0+$0xE4A8];
	_ =	sdelay $0x4  }
0x236: {  	[tilespmem:s2+$0xE4A8] =	vst.add.f32.msk $0xffff, v0  }
0x237: {  	v0 =	vld [tilespmem:s0+$0xE4B8];
	_ =	sdelay $0x4  }
0x238: {  	[tilespmem:s2+$0xE4B8] =	vst.add.f32.msk $0xffff, v0  }
0x239: {  	v0 =	vld [tilespmem:s0+$0xE4C8];
	_ =	sdelay $0x4  }
0x23a: {  	[tilespmem:s2+$0xE4C8] =	vst.add.f32.msk $0xffff, v0  }
0x23b: {  	v0 =	vld [tilespmem:s0+$0xE4D8];
	_ =	sdelay $0x4  }
0x23c: {  	[tilespmem:s2+$0xE4D8] =	vst.add.f32.msk $0xffff, v0  }
0x23d: {  	v0 =	vld [tilespmem:s0+$0xE4E8];
	_ =	sdelay $0x4  }
0x23e: {  	[tilespmem:s2+$0xE4E8] =	vst.add.f32.msk $0xffff, v0  }
0x23f: {  	v0 =	vld [tilespmem:s0+$0xE4F8];
	_ =	sdelay $0x4  }
0x240: {  	[tilespmem:s2+$0xE4F8] =	vst.add.f32.msk $0xffff, v0  }
0x241: {  	v0 =	vld [tilespmem:s0+$0xE508];
	_ =	sdelay $0x4  }
0x242: {  	[tilespmem:s2+$0xE508] =	vst.add.f32.msk $0xffff, v0  }
0x243: {  	v0 =	vld [tilespmem:s0+$0xE518];
	_ =	sdelay $0x4  }
0x244: {  	[tilespmem:s2+$0xE518] =	vst.add.f32.msk $0xffff, v0  }
0x245: {  	v0 =	vld [tilespmem:s0+$0xE528]  }
.Ltmp32:
0x246: {  	_ = 	snop;
	(pc) =	sbr.rel .LBB2_39-.Ltmp32, $2  }
0x247: {  	_ =	sdelay $0x2  }
0x248: {  	[tilespmem:s2+$0xE528] =	vst.add.f32.msk $0xffff, v0  }
.LBB2_40:
0x249: {  	s0 =	simm.s32 $0x6;
	p1 =	seq.s32 s6, $0x0  }
0x24a: {  	[sflag:s0] =	ssyncpa.u1 $0x1;
	v0 =	vimm.s32 @p1 $0xFFFFFFFF  }
0x24b: {  	s0 =	sadd.s32 $0xFFFFFFFF, s6;
	[tilespmem:$0x10438] =	vst @p1 v0  }
0x24c: {  	v0 =	vld.msk @!p1 [tilespmem:s0+$0xE418], $0x1;
	_ =	sdelay $0x1  }
0x24d: {  	v1 =	vld.msk @!p1 [tilespmem:$0xE418], $0x1;
	_ =	sdelay $0x2  }
0x24e: {  	p2 =	seq.s32 @!p1 s0, $0x0;
	v0 =	vbroadcast @!p1 v0, $0x0  }
0x24f: {  	vm0 =	vmmov @!p1 $0x1;
	p2 =	por !p2, p1  }
0x250: {  	v1 =	vnsel @!p1 vm0, $0xFFFFFFFF, v1;
	vm0 =	vcmask @!p1 $0x308;
	v0 =	vpsel !p2, $0xFFFFFFFF, v0  }
0x251: {  	p2 =	sne.s32 @!p1 s8, s7;
	v0 =	vsel @!p1 vm0, v1, v0  }
0x252: {  	s2 =	simm.s32 @!p1 $0xE438;
	s3 =	simm.s32 @!p1 $0x0;
	p3 =	por !p2, p1;
	[tilespmem:$0x10438] =	vst @!p1 v0  }
0x253: {  	[spmem:s3] =	stream.linear.scatter @!p1 [tilespmem:s2], [sflag:$0x1], $0x100, $0x38;
	[tilespmem:$0x1E678] =	vst v63  }
0x254: {  	s2 =	sshll.u32 @!p3 s0, $0xA  }
0x255: {  	s2 =	sshra.s32 @!p3 s2, $0x2  }
0x256: {  	s3 =	simm.s32 @!p3 $0x100;
	s2 =	sadd.s32 @!p3 $0xE438, s2  }
0x257: {  	[spmem:s3] =	stream.linear.scatter @!p3 [tilespmem:s2], [sflag:$0x1], $0x100, $0x38;
	[tilespmem:$0x1E678] =	vst v63  }
0x258: {  	s2 =	simm.s32 @!p3 $0x1  }
0x259: {  	_ =	swait.ge @!p3 [sflag:s2], $0x200  }
0x25a: {  	p1 =	por p2, p1;
	[sflag:s2] =	ssyncset.done @!p3 $0x0  }
0x25b: {  	[sflag:s2] =	ssyncadd.s32 @!p3 $0xFFFFFE00;
	s2 =	simm.s32 @!p1 $0x1  }
0x25c: {  	_ =	swait.ge @!p1 [sflag:s2], $0x100  }
0x25d: {  	s29 =	simm.s32 $0x10438;
	[sflag:s2] =	ssyncset.done @!p1 $0x0  }
0x25e: {  	s30 =	simm.s32 $0x2000;
	s31 =	simm.s32 $0x1;
	[sflag:s2] =	ssyncadd.s32 @!p1 $0xFFFFFF00  }
0x25f: {  	[spmem:s30] =	stream.linear.scatter [tilespmem:s29], [sflag:$0x1], $0x10, $0x38;
	[tilespmem:$0x1E678] =	vst v63  }
0x260: {  	_ =	swait.ge [sflag:s31], $0x10  }
0x261: {  	[sflag:s31] =	ssyncset.done $0x0  }
0x262: {  	p1 =	seq.s32 s14, $0x0;
	s9 =	rddreg [dreg:$0x2];
	[sflag:s31] =	ssyncadd.s32 $0xFFFFFFF0  }
0x263: {  	s3 =	sshll.u32 @p1 s9, $0xE;
	s8 =	rddreg [dreg:$0x3]  }
0x264: {  	s2 =	sadd.s32 @p1 $0x15C3C, s3;
	s3 =	sshll.u32 @p1 s8, $0x11  }
0x265: {  	_ =	sfence.stream.spmem;
	s2 =	sor.u32 @p1 s3, s2  }
0x266: {  	[sflag:s2] =	ssyncadd.remote.s32 @p1 $0x1;
	s2 =	simm.s32 @p1 $0x4  }
0x267: {  	s4 =	simm.s32 @!p1 $0x3C;
	s3 =	sand.u32 $0xFFFFFFFE, s9;
	_ =	swait.ge @p1 [sflag:s2], $0x42  }
0x268: {  	s5 =	simm.s32 @!p1 $0x0;
	s3 =	sadd.s32 @!p1 $0x4, s3;
	[sflag:s2] =	ssyncset.done @p1 $0x0  }
0x269: {  	s7 =	simm.s32 @!p1 $0x200;
	[sflag:s2] =	ssyncadd.s32 @p1 $0xFFFFFFBE;
	s2 =	sshll.u32 @!p1 s3, $0x1A  }
0x26a: {  	s3 =	sshll.u32 @!p1 s3, $0xD;
	s2 =	sor.u32 @!p1 s2, s8;
	_ =	swait.eq @!p1 [sflag:s4], $0x1  }
0x26b: {  	s3 =	sor.u32 @!p1 $0x1C04, s3;
	s4 =	simm.s32 @!p1 $0x1C03;
	s2 =	sor.u32 @!p1 $0x80004000, s2  }
0x26c: {  	[spmem:s7], [sflag:s3] =	dma.general @!p1 [spmem:s5], [sflag:s4], length:$0x40, [dreg:$0x0], stride_count:$0x0, ici_dest:s2, dma_misc:DstOpCode:WRITE  }
0x26d: {  	p2 =	slt.s32 s0, $0x2;
	s5 =	simm.s32 @!p1 $0x400;
	s7 =	simm.s32 @!p1 $0x402  }
0x26e: {  	[spmem:s7], [sflag:s3] =	dma.general @!p1 [spmem:s5], [sflag:s4], length:$0x2, [dreg:$0x0], stride_count:$0x0, ici_dest:s2, dma_misc:DstOpCode:WRITE  }
.Ltmp33:
0x26f: {  	s2 =	simm.s32 @!p1 $0x3;
	(pc) =	sbr.rel @p2 .LBB2_44-.Ltmp33, $4  }
0x270: {  	s3 =	sshll.u32 @!p1 s9, $0xE;
	_ =	swait.ge @!p1 [sflag:s2], $0x42  }
0x271: {  	s4 =	sshll.u32 @!p1 s8, $0x11;
	s3 =	sadd.s32 @!p1 $0x11C3C, s3;
	[sflag:s2] =	ssyncset.done @!p1 $0x0  }
0x272: {  	[sflag:s2] =	ssyncadd.s32 @!p1 $0xFFFFFFBE;
	s2 =	sor.u32 @!p1 s4, s3  }
0x273: {  	s0 =	simm.s32 $0x0;
	[sflag:s2] =	ssyncadd.remote.s32 @!p1 $0xFFFFFFFF  }
0x274: {  	s0 =	simm.s32 $0xE419  }
0x275: {  	v0 =	vld.msk [tilespmem:s0+$0x0], $0x1;
	_ =	sdelay $0x4  }
0x276: {  	(v2sf) =	vpush v0, $0x0;
	_ =	sdelay $0xd  }
0x277: {  	s31 =	sadd.s32 $0xFFFFFFFE, s6  }
0x278: {  	s6 =	simm.s32 $0x0;
	s0 =	sadd.s32 $0xFFFFFFFF, s31;
	s2 =	spop (v2sf)  }
0x279: {  	s3 =	simm.s32 $0xE538;
	p1 =	sne.s32 s0, $0x0;
	p2 =	sgt.u32 s2, $0x4E170  }
.Ltmp34:
0x27a: {  	s4 =	simm.s32 $0xE638;
	s5 =	sand.u32 @!p2 $0x7FFF8, s2;
	(pc) =	sbr.rel @!p1 .LBB2_43-.Ltmp34, $4  }
0x27b: {  	s7 =	sadd.s32 @!p2 $0x80, s2;
	s2 =	sand.u32 @!p2 $0x7, s2;
	s6 =	simm.s32 @!p2 $0x400  }
0x27c: {  	s5 =	sadd.s32 @!p2 s1, s5;
	s7 =	sand.u32 @!p2 $0xFFFF8, s7;
	s6 =	sadd.s32 $0x0, s6  }
0x27d: {  	[hbm4b:s5+s2] =	stream.linear.scatter @!p2 [tilespmem:s3], [sflag:$0x5], $0x80, $0x38;
	[tilespmem:$0x1E678] =	vst v63  }
0x27e: {  	s5 =	simm.s32 $0xE41A;
	s3 =	simm.s32 @!p2 $0xE5B8;
	s7 =	sadd.s32 @!p2 s1, s7  }
.LBB2_42:
0x27f: {  	[hbm4b:s7+s2] =	stream.linear.scatter @!p2 [tilespmem:s3], [sflag:$0x5], $0x80, $0x38;
	[tilespmem:$0x1E678] =	vst v63  }
0x280: {  	s0 =	sadd.s32 $0xFFFFFFFF, s0;
	s3 =	smov.u32 s4;
	v0 =	vld.msk [tilespmem:s5+$0x0], $0x1  }
0x281: {  	p1 =	sne.s32 s0, $0x0;
	_ =	sdelay $0x3  }
0x282: {  	(v2sf) =	vpush v0, $0x0;
	_ =	sdelay $0xe  }
0x283: {  	s4 =	sadd.s32 $0x100, s4;
	s8 =	simm.s32 $0x0;
	s2 =	spop (v2sf)  }
.Ltmp35:
0x284: {  	s5 =	sadd.s32 $0x1, s5;
	p2 =	sgt.u32 s2, $0x4E170;
	(pc) =	sbr.rel @p1 .LBB2_42-.Ltmp35, $4  }
0x285: {  	s8 =	simm.s32 @!p2 $0x400;
	s7 =	sand.u32 @!p2 $0x7FFF8, s2;
	s9 =	sadd.s32 @!p2 $0x80, s2  }
0x286: {  	s2 =	sand.u32 @!p2 $0x7, s2;
	s7 =	sadd.s32 @!p2 s1, s7;
	s9 =	sand.u32 @!p2 $0xFFFF8, s9  }
0x287: {  	[hbm4b:s7+s2] =	stream.linear.scatter @!p2 [tilespmem:s3], [sflag:$0x5], $0x80, $0x38;
	[tilespmem:$0x1E678] =	vst v63  }
0x288: {  	s6 =	sadd.s32 s6, s8;
	s3 =	sadd.s32 @!p2 $0x80, s3;
	s7 =	sadd.s32 @!p2 s1, s9  }
.LBB2_43:
0x289: {  	[hbm4b:s7+s2] =	stream.linear.scatter @!p2 [tilespmem:s3], [sflag:$0x5], $0x80, $0x38;
	[tilespmem:$0x1E678] =	vst v63  }
0x28a: {  	s0 =	sshrl.u32 s6, $0x2  }
.LBB2_44:
0x28b: {  	s2 =	simm.s32 $0x5  }
0x28c: {  	_ =	swait.ge [sflag:s2], s0  }
0x28d: {  	s31 =	ssub.s32 $0x0, s0;
	[sflag:s2] =	ssyncset.done $0x0  }
0x28e: {  	[sflag:s2] =	ssyncadd.s32 s31  }
0x28f: {  	[sflag:s2] =	ssyncpa.u1 $0x1  }
.LBB2_45:
0x290: {  	s0 =	sor.u32 s14, s15  }
0x291: {  	p1 =	sne.s32 s0, $0x0  }
.Ltmp36:
0x292: {  	_ = 	snop;
	(pc) =	sbr.rel @p1 .LBB2_60-.Ltmp36, $3  }
0x293: {  	_ =	sdelay $0x1  }
0x294: {  	[bflag:$0x0] =	sbarrier.arrive $0xFFFF  }
0x295: {  	_ =	sfence  }
0x296: {  	s0 =	simm.s32 $0x7  }
0x297: {  	s2 =	simm.s32 $0x2000;
	s3 =	simm.s32 $0xE418;
	[sflag:s0] =	ssyncpa.u1 $0x0  }
0x298: {  	[tilespmem:s3], [sflag:$0x7] =	stream.linear.gather [spmem:s2], $0x20, $0x38;
	[tilespmem:$0x1E678] =	vst v63  }
0x299: {  	s30 =	simm.s32 $0xE438;
	s2 =	simm.s32 $0x0  }
0x29a: {  	[tilespmem:s30], [sflag:$0x7] =	stream.linear.gather [spmem:s2], $0x2000, $0x38;
	[tilespmem:$0x1E678] =	vst v63  }
.Ltmp37:
0x29b: {  	_ = 	snop;
	(pc) =	sbr.rel .LBB2_47-.Ltmp37, $4  }
0x29c: {  	_ =	swait.ge [sflag:s0], $0x2020  }
0x29d: {  	[sflag:s0] =	ssyncset.done $0x0  }
0x29e: {  	s31 =	simm.s32 $0x8;
	[sflag:s0] =	ssyncadd.s32 $0xFFFFDFE0  }
0x29f: {  	s3 =	simm.s32 $0x0;
	[sflag:s31] =	ssyncpa.u1 $0x0  }
.LBB2_53:
0x2a0: {  	p1 =	slt.u32 s0, $0x4E171  }
0x2a1: {  	s4 =	sand.u32 @p1 $0x7FFF8, s0;
	s5 =	sand.u32 @p1 $0x7, s0;
	s0 =	sadd.s32 @p1 $0x80, s0  }
0x2a2: {  	s6 =	simm.s32 @p1 $0xE308;
	s4 =	sadd.s32 @p1 s1, s4;
	s0 =	sand.u32 @p1 $0xFFFF8, s0  }
0x2a3: {  	[tilespmem:s6], [sflag:$0x8] =	stream.linear.gather @p1 [hbm4b:s4+s5], $0x80, $0x38;
	[tilespmem:$0x1E678] =	vst v63  }
0x2a4: {  	s0 =	sadd.s32 @p1 s1, s0;
	s4 =	simm.s32 @p1 $0xE388  }
0x2a5: {  	[tilespmem:s4], [sflag:$0x8] =	stream.linear.gather @p1 [hbm4b:s0+s5], $0x80, $0x38;
	[tilespmem:$0x1E678] =	vst v63  }
0x2a6: {  	s0 =	simm.s32 @p1 $0x8  }
0x2a7: {  	_ =	swait.ge @p1 [sflag:s0], $0x100  }
0x2a8: {  	[sflag:s0] =	ssyncset.done @p1 $0x0  }
0x2a9: {  	[sflag:s0] =	ssyncadd.s32 @p1 $0xFFFFFF00  }
0x2aa: {  	v1 =	vld @p1 [tilespmem:$0xE308];
	_ =	sdelay $0x2  }
0x2ab: {  	s0 =	sshll.u32 @p1 s3, $0xA  }
0x2ac: {  	s4 =	sshrl.u32 @p1 s0, $0x2  }
0x2ad: {  	[tilespmem:s4+$0xE438] =	vst.add.f32.msk @p1 $0xffff, v1  }
0x2ae: {  	v1 =	vld @p1 [tilespmem:$0xE318];
	_ =	sdelay $0x4  }
0x2af: {  	[tilespmem:s4+$0xE448] =	vst.add.f32.msk @p1 $0xffff, v1  }
0x2b0: {  	v1 =	vld @p1 [tilespmem:$0xE328];
	_ =	sdelay $0x4  }
0x2b1: {  	[tilespmem:s4+$0xE458] =	vst.add.f32.msk @p1 $0xffff, v1  }
0x2b2: {  	v1 =	vld @p1 [tilespmem:$0xE338];
	_ =	sdelay $0x4  }
0x2b3: {  	[tilespmem:s4+$0xE468] =	vst.add.f32.msk @p1 $0xffff, v1  }
0x2b4: {  	v1 =	vld @p1 [tilespmem:$0xE348];
	_ =	sdelay $0x4  }
0x2b5: {  	[tilespmem:s4+$0xE478] =	vst.add.f32.msk @p1 $0xffff, v1  }
0x2b6: {  	v1 =	vld @p1 [tilespmem:$0xE358];
	_ =	sdelay $0x4  }
0x2b7: {  	[tilespmem:s4+$0xE488] =	vst.add.f32.msk @p1 $0xffff, v1  }
0x2b8: {  	v1 =	vld @p1 [tilespmem:$0xE368];
	_ =	sdelay $0x4  }
0x2b9: {  	[tilespmem:s4+$0xE498] =	vst.add.f32.msk @p1 $0xffff, v1  }
0x2ba: {  	v1 =	vld @p1 [tilespmem:$0xE378];
	_ =	sdelay $0x4  }
0x2bb: {  	[tilespmem:s4+$0xE4A8] =	vst.add.f32.msk @p1 $0xffff, v1  }
0x2bc: {  	v1 =	vld @p1 [tilespmem:$0xE388];
	_ =	sdelay $0x4  }
0x2bd: {  	[tilespmem:s4+$0xE4B8] =	vst.add.f32.msk @p1 $0xffff, v1  }
0x2be: {  	v1 =	vld @p1 [tilespmem:$0xE398];
	_ =	sdelay $0x4  }
0x2bf: {  	[tilespmem:s4+$0xE4C8] =	vst.add.f32.msk @p1 $0xffff, v1  }
0x2c0: {  	v1 =	vld @p1 [tilespmem:$0xE3A8];
	_ =	sdelay $0x4  }
0x2c1: {  	[tilespmem:s4+$0xE4D8] =	vst.add.f32.msk @p1 $0xffff, v1  }
0x2c2: {  	v1 =	vld @p1 [tilespmem:$0xE3B8];
	_ =	sdelay $0x4  }
0x2c3: {  	[tilespmem:s4+$0xE4E8] =	vst.add.f32.msk @p1 $0xffff, v1  }
0x2c4: {  	v1 =	vld @p1 [tilespmem:$0xE3C8];
	_ =	sdelay $0x4  }
0x2c5: {  	[tilespmem:s4+$0xE4F8] =	vst.add.f32.msk @p1 $0xffff, v1  }
0x2c6: {  	v1 =	vld @p1 [tilespmem:$0xE3D8];
	_ =	sdelay $0x4  }
0x2c7: {  	[tilespmem:s4+$0xE508] =	vst.add.f32.msk @p1 $0xffff, v1  }
0x2c8: {  	v1 =	vld @p1 [tilespmem:$0xE3E8];
	_ =	sdelay $0x4  }
0x2c9: {  	[tilespmem:s4+$0xE518] =	vst.add.f32.msk @p1 $0xffff, v1  }
0x2ca: {  	v1 =	vld @p1 [tilespmem:$0xE3F8];
	_ =	sdelay $0x3  }
0x2cb: {  	s5 =	sshll.u32 @!p1 s3, $0xA  }
0x2cc: {  	s5 =	smov.u32 @p1 s0;
	[tilespmem:s4+$0xE528] =	vst.add.f32.msk @p1 $0xffff, v1  }
0x2cd: {  	s0 =	sshrl.u32 s5, $0x2;
	[tilespmem:s2+$0xE418] =	vst.msk $0x1, v0  }
0x2ce: {  	v0 =	vld [tilespmem:s0+$0xE438];
	_ =	sdelay $0x2  }
0x2cf: {  	s31 =	sshll.u32 s2, $0xA  }
0x2d0: {  	s4 =	sshra.s32 s31, $0x2  }
0x2d1: {  	[tilespmem:s4+$0xE438] =	vst v0  }
0x2d2: {  	v0 =	vld [tilespmem:s0+$0xE448];
	_ =	sdelay $0x4  }
0x2d3: {  	[tilespmem:s4+$0xE448] =	vst v0  }
0x2d4: {  	v0 =	vld [tilespmem:s0+$0xE458];
	_ =	sdelay $0x4  }
0x2d5: {  	[tilespmem:s4+$0xE458] =	vst v0  }
0x2d6: {  	v0 =	vld [tilespmem:s0+$0xE468];
	_ =	sdelay $0x4  }
0x2d7: {  	[tilespmem:s4+$0xE468] =	vst v0  }
0x2d8: {  	v0 =	vld [tilespmem:s0+$0xE478];
	_ =	sdelay $0x4  }
0x2d9: {  	[tilespmem:s4+$0xE478] =	vst v0  }
0x2da: {  	v0 =	vld [tilespmem:s0+$0xE488];
	_ =	sdelay $0x4  }
0x2db: {  	[tilespmem:s4+$0xE488] =	vst v0  }
0x2dc: {  	v0 =	vld [tilespmem:s0+$0xE498];
	_ =	sdelay $0x4  }
0x2dd: {  	[tilespmem:s4+$0xE498] =	vst v0  }
0x2de: {  	v0 =	vld [tilespmem:s0+$0xE4A8];
	_ =	sdelay $0x4  }
0x2df: {  	[tilespmem:s4+$0xE4A8] =	vst v0  }
0x2e0: {  	v0 =	vld [tilespmem:s0+$0xE4B8];
	_ =	sdelay $0x4  }
0x2e1: {  	[tilespmem:s4+$0xE4B8] =	vst v0  }
0x2e2: {  	v0 =	vld [tilespmem:s0+$0xE4C8];
	_ =	sdelay $0x4  }
0x2e3: {  	[tilespmem:s4+$0xE4C8] =	vst v0  }
0x2e4: {  	v0 =	vld [tilespmem:s0+$0xE4D8];
	_ =	sdelay $0x4  }
0x2e5: {  	[tilespmem:s4+$0xE4D8] =	vst v0  }
0x2e6: {  	v0 =	vld [tilespmem:s0+$0xE4E8];
	_ =	sdelay $0x4  }
0x2e7: {  	[tilespmem:s4+$0xE4E8] =	vst v0  }
0x2e8: {  	v0 =	vld [tilespmem:s0+$0xE4F8];
	_ =	sdelay $0x4  }
0x2e9: {  	[tilespmem:s4+$0xE4F8] =	vst v0  }
0x2ea: {  	v0 =	vld [tilespmem:s0+$0xE508];
	_ =	sdelay $0x4  }
0x2eb: {  	[tilespmem:s4+$0xE508] =	vst v0  }
0x2ec: {  	v0 =	vld [tilespmem:s0+$0xE518];
	_ =	sdelay $0x4  }
0x2ed: {  	[tilespmem:s4+$0xE518] =	vst v0  }
0x2ee: {  	v0 =	vld [tilespmem:s0+$0xE528];
	_ =	sdelay $0x4  }
0x2ef: {  	s2 =	sadd.s32 $0x1, s2;
	[tilespmem:s4+$0xE528] =	vst v0  }
.LBB2_54:
0x2f0: {  	s3 =	sadd.s32 $0x1, s3  }
0x2f1: {  	p1 =	sne.s32 s3, $0x20  }
.Ltmp38:
0x2f2: {  	_ = 	snop;
	(pc) =	sbr.rel @!p1 .LBB2_55-.Ltmp38, $1  }
0x2f3: {  	_ =	sdelay $0x3  }
.LBB2_47:
0x2f4: {  	v0 =	vld.msk [tilespmem:s3+$0xE418], $0x1;
	_ =	sdelay $0x4  }
0x2f5: {  	(v2sf) =	vpush v0, $0x0;
	_ =	sdelay $0xe  }
0x2f6: {  	s0 =	spop (v2sf)  }
0x2f7: {  	p1 =	seq.s32 s0, $0xFFFFFFFF  }
.Ltmp39:
0x2f8: {  	_ = 	snop;
	(pc) =	sbr.rel @p1 .LBB2_54-.Ltmp39, $1  }
0x2f9: {  	_ =	sdelay $0x3  }
0x2fa: {  	p1 =	slt.s32 s2, $0x1  }
.Ltmp40:
0x2fb: {  	_ = 	snop;
	(pc) =	sbr.rel @p1 .LBB2_53-.Ltmp40, $1  }
0x2fc: {  	_ =	sdelay $0x3  }
0x2fd: {  	s4 =	simm.s32 $0xE418;
	p1 =	por $0x0, $0x0  }
0x2fe: {  	v1 =	vld.msk @!p1 [tilespmem:s4+$0x0], $0x1;
	_ =	sdelay $0x4  }
0x2ff: {  	(v2sf) =	vpush @!p1 v1, $0x0;
	_ =	sdelay $0xd  }
0x300: {  	p3 =	sne.s32 s2, $0x1  }
.Ltmp41:
0x301: {  	s5 =	spop @!p1 (v2sf);
	(pc) =	sbr.rel @!p3 .LBB2_51-.Ltmp41, $4  }
0x302: {  	p2 =	seq.s32 @!p1 s0, s5  }
0x303: {  	s5 =	simm.s32 $0x0;
	p2 =	por !p2, p1  }
0x304: {  	s7 =	simm.s32 $0xFFFFFFFF;
	s5 =	simm.s32 @p2 $0xFFFFFFFF  }
0x305: {  	s6 =	simm.s32 $0x1;
	s5 =	smov.u32 @p1 s7  }
.LBB2_50:
0x306: {  	s7 =	smov.u32 s5;
	p1 =	sne.s32 s5, $0xFFFFFFFF  }
0x307: {  	s4 =	sadd.s32 $0x1, s4;
	s5 =	smov.u32 s6;
	s6 =	sadd.s32 $0x1, s6  }
0x308: {  	p2 =	sne.s32 s2, s6;
	v1 =	vld.msk @!p1 [tilespmem:s4+$0x0], $0x1;
	_ =	sdelay $0x4  }
0x309: {  	(v2sf) =	vpush @!p1 v1, $0x0;
	_ =	sdelay $0xe  }
.Ltmp42:
0x30a: {  	s8 =	spop @!p1 (v2sf);
	(pc) =	sbr.rel @p2 .LBB2_50-.Ltmp42, $4  }
0x30b: {  	p3 =	seq.s32 @!p1 s0, s8  }
0x30c: {  	p3 =	por !p3, p1  }
0x30d: {  	s5 =	simm.s32 @p3 $0xFFFFFFFF  }
0x30e: {  	s5 =	smov.u32 @p1 s7  }
.LBB2_51:
0x30f: {  	p1 =	seq.s32 s5, $0xFFFFFFFF  }
.Ltmp43:
0x310: {  	_ = 	snop;
	(pc) =	sbr.rel @p1 .LBB2_53-.Ltmp43, $1  }
0x311: {  	_ =	sdelay $0x3  }
0x312: {  	s0 =	sshll.u32 s3, $0x8  }
0x313: {  	s0 =	sand.u32 $0x3FFFFF00, s0  }
0x314: {  	v0 =	vld [tilespmem:s0+$0xE438];
	_ =	sdelay $0x2  }
0x315: {  	s4 =	sshll.u32 s5, $0xA  }
0x316: {  	s4 =	sshra.s32 s4, $0x2  }
0x317: {  	[tilespmem:s4+$0xE438] =	vst.add.f32.msk $0xffff, v0  }
0x318: {  	v0 =	vld [tilespmem:s0+$0xE448];
	_ =	sdelay $0x4  }
0x319: {  	[tilespmem:s4+$0xE448] =	vst.add.f32.msk $0xffff, v0  }
0x31a: {  	v0 =	vld [tilespmem:s0+$0xE458];
	_ =	sdelay $0x4  }
0x31b: {  	[tilespmem:s4+$0xE458] =	vst.add.f32.msk $0xffff, v0  }
0x31c: {  	v0 =	vld [tilespmem:s0+$0xE468];
	_ =	sdelay $0x4  }
0x31d: {  	[tilespmem:s4+$0xE468] =	vst.add.f32.msk $0xffff, v0  }
0x31e: {  	v0 =	vld [tilespmem:s0+$0xE478];
	_ =	sdelay $0x4  }
0x31f: {  	[tilespmem:s4+$0xE478] =	vst.add.f32.msk $0xffff, v0  }
0x320: {  	v0 =	vld [tilespmem:s0+$0xE488];
	_ =	sdelay $0x4  }
0x321: {  	[tilespmem:s4+$0xE488] =	vst.add.f32.msk $0xffff, v0  }
0x322: {  	v0 =	vld [tilespmem:s0+$0xE498];
	_ =	sdelay $0x4  }
0x323: {  	[tilespmem:s4+$0xE498] =	vst.add.f32.msk $0xffff, v0  }
0x324: {  	v0 =	vld [tilespmem:s0+$0xE4A8];
	_ =	sdelay $0x4  }
0x325: {  	[tilespmem:s4+$0xE4A8] =	vst.add.f32.msk $0xffff, v0  }
0x326: {  	v0 =	vld [tilespmem:s0+$0xE4B8];
	_ =	sdelay $0x4  }
0x327: {  	[tilespmem:s4+$0xE4B8] =	vst.add.f32.msk $0xffff, v0  }
0x328: {  	v0 =	vld [tilespmem:s0+$0xE4C8];
	_ =	sdelay $0x4  }
0x329: {  	[tilespmem:s4+$0xE4C8] =	vst.add.f32.msk $0xffff, v0  }
0x32a: {  	v0 =	vld [tilespmem:s0+$0xE4D8];
	_ =	sdelay $0x4  }
0x32b: {  	[tilespmem:s4+$0xE4D8] =	vst.add.f32.msk $0xffff, v0  }
0x32c: {  	v0 =	vld [tilespmem:s0+$0xE4E8];
	_ =	sdelay $0x4  }
0x32d: {  	[tilespmem:s4+$0xE4E8] =	vst.add.f32.msk $0xffff, v0  }
0x32e: {  	v0 =	vld [tilespmem:s0+$0xE4F8];
	_ =	sdelay $0x4  }
0x32f: {  	[tilespmem:s4+$0xE4F8] =	vst.add.f32.msk $0xffff, v0  }
0x330: {  	v0 =	vld [tilespmem:s0+$0xE508];
	_ =	sdelay $0x4  }
0x331: {  	[tilespmem:s4+$0xE508] =	vst.add.f32.msk $0xffff, v0  }
0x332: {  	v0 =	vld [tilespmem:s0+$0xE518];
	_ =	sdelay $0x4  }
0x333: {  	[tilespmem:s4+$0xE518] =	vst.add.f32.msk $0xffff, v0  }
0x334: {  	v0 =	vld [tilespmem:s0+$0xE528]  }
.Ltmp44:
0x335: {  	_ = 	snop;
	(pc) =	sbr.rel .LBB2_54-.Ltmp44, $2  }
0x336: {  	_ =	sdelay $0x2  }
0x337: {  	[tilespmem:s4+$0xE528] =	vst.add.f32.msk $0xffff, v0  }
.LBB2_55:
0x338: {  	p1 =	slt.s32 s2, $0x1  }
.Ltmp45:
0x339: {  	_ = 	snop;
	(pc) =	sbr.rel @p1 .LBB2_59-.Ltmp45, $3  }
0x33a: {  	_ =	sdelay $0x1  }
0x33b: {  	s0 =	simm.s32 $0x8  }
0x33c: {  	s4 =	simm.s32 $0x0;
	[sflag:s0] =	ssyncpa.u1 $0x1  }
0x33d: {  	s0 =	simm.s32 $0xE418  }
0x33e: {  	v0 =	vld.msk [tilespmem:s0+$0x0], $0x1;
	_ =	sdelay $0x4  }
0x33f: {  	(v2sf) =	vpush v0, $0x0;
	_ =	sdelay $0xe  }
0x340: {  	s0 =	sadd.s32 $0xFFFFFFFF, s2;
	s3 =	spop (v2sf)  }
0x341: {  	s6 =	simm.s32 $0xE438;
	p1 =	sne.s32 s0, $0x0;
	p2 =	sgt.u32 s3, $0x4E170  }
.Ltmp46:
0x342: {  	s2 =	simm.s32 $0xE538;
	s5 =	sand.u32 @!p2 $0x7FFF8, s3;
	(pc) =	sbr.rel @!p1 .LBB2_58-.Ltmp46, $4  }
0x343: {  	s7 =	sadd.s32 @!p2 $0x80, s3;
	s4 =	simm.s32 @!p2 $0x400;
	s8 =	sadd.s32 @!p2 s1, s5  }
0x344: {  	s5 =	sand.u32 @!p2 $0x7, s3;
	s3 =	simm.s32 $0xE419;
	s7 =	sand.u32 @!p2 $0xFFFF8, s7  }
0x345: {  	[hbm4b:s8+s5] =	stream.linear.scatter @!p2 [tilespmem:s6], [sflag:$0x7], $0x80, $0x38;
	[tilespmem:$0x1E678] =	vst v63  }
0x346: {  	s4 =	sadd.s32 $0x0, s4;
	s6 =	simm.s32 @!p2 $0xE4B8;
	s7 =	sadd.s32 @!p2 s1, s7  }
.LBB2_57:
0x347: {  	[hbm4b:s7+s5] =	stream.linear.scatter @!p2 [tilespmem:s6], [sflag:$0x7], $0x80, $0x38;
	[tilespmem:$0x1E678] =	vst v63  }
0x348: {  	s0 =	sadd.s32 $0xFFFFFFFF, s0;
	s6 =	smov.u32 s2;
	v0 =	vld.msk [tilespmem:s3+$0x0], $0x1  }
0x349: {  	p1 =	sne.s32 s0, $0x0;
	_ =	sdelay $0x3  }
0x34a: {  	(v2sf) =	vpush v0, $0x0;
	_ =	sdelay $0xe  }
0x34b: {  	s2 =	sadd.s32 $0x100, s2;
	s8 =	simm.s32 $0x0;
	s5 =	spop (v2sf)  }
.Ltmp47:
0x34c: {  	s3 =	sadd.s32 $0x1, s3;
	p2 =	sgt.u32 s5, $0x4E170;
	(pc) =	sbr.rel @p1 .LBB2_57-.Ltmp47, $4  }
0x34d: {  	s8 =	simm.s32 @!p2 $0x400;
	s7 =	sand.u32 @!p2 $0x7FFF8, s5;
	s9 =	sadd.s32 @!p2 $0x80, s5  }
0x34e: {  	s5 =	sand.u32 @!p2 $0x7, s5;
	s7 =	sadd.s32 @!p2 s1, s7;
	s9 =	sand.u32 @!p2 $0xFFFF8, s9  }
0x34f: {  	[hbm4b:s7+s5] =	stream.linear.scatter @!p2 [tilespmem:s6], [sflag:$0x7], $0x80, $0x38;
	[tilespmem:$0x1E678] =	vst v63  }
0x350: {  	s4 =	sadd.s32 s4, s8;
	s6 =	sadd.s32 @!p2 $0x80, s6;
	s7 =	sadd.s32 @!p2 s1, s9  }
.LBB2_58:
0x351: {  	[hbm4b:s7+s5] =	stream.linear.scatter @!p2 [tilespmem:s6], [sflag:$0x7], $0x80, $0x38;
	[tilespmem:$0x1E678] =	vst v63  }
0x352: {  	s4 =	sshrl.u32 s4, $0x2  }
.LBB2_59:
0x353: {  	s0 =	simm.s32 $0x7  }
0x354: {  	_ =	swait.ge [sflag:s0], s4  }
0x355: {  	s1 =	ssub.s32 $0x0, s4;
	[sflag:s0] =	ssyncset.done $0x0  }
0x356: {  	[sflag:s0] =	ssyncadd.s32 s1  }
0x357: {  	[sflag:s0] =	ssyncpa.u1 $0x1  }
.LBB2_60:
0x358: {  	_ =	sfence;
	s0 =	simm.s32 $0x1  }
0x359: {  	[sflag:s0] =	ssyncpa.u1 $0x1  }
0x35a: {  	_ =	strace $0x90000047  }
0x35b: {  	[bflag:$0x2] =	sbarrier.arrive $0xFFFF  }
0x35c: {  	s0 =	rddreg [dreg:$0x4]  }
0x35d: {  	s0 =	sadd.s32 @!p0 $0x100000, s0  }
0x35e: {  	[sflag:s0] =	ssyncadd.tile.s32 @!p0 $0x1;
	_ =	shalt  }
.Lfunc_end2:
_tile_overlayer_lowered:
.L_overlay_start_2:
0x35f: {  	(tag) =	ssettag $0x2  }
0x360: {  	s0 =	rddreg [dreg:$0x0];
	s2 =	stileid.u32  }
0x361: {  	s1 =	rddreg [dreg:$0x1];
	p0 =	sne.s32 s2, $0x0  }
0x362: {  	s3 =	rddreg [dreg:$0x2];
	[bflag:$0x3] =	sbarrier.arrive $0xFFFF;
	s2 =	simm.s32 @!p0 $0x1C01  }
0x363: {  	[timem:s3], [sflag:s2] =	dma.local @!p0 [hbm:s0], s1  }
0x364: {  	s0 =	simm.s32 @!p0 $0x1  }
0x365: {  	_ =	swait.ge @!p0 [sflag:s0], s1  }
0x366: {  	s1 =	ssub.s32 @!p0 $0x0, s1;
	[sflag:s0] =	ssyncset.done @!p0 $0x0  }
0x367: {  	[sflag:s0] =	ssyncadd.s32 @!p0 s1  }
0x368: {  	[bflag:$0x3] =	sbarrier.arrive $0xFFFF  }
0x369: {  	_ =	shalt  }

</sc_bundles>
